<compile_context>
chip_gen: v7x
topology: tpu7x:2x2x1
jax: 0.10.2.dev20260603
libtpu: 0.0.44.dev20260713+nightly
codegen_flags: <defaults>
</compile_context>

<pallas_src>
import functools

import jax
import jax.numpy as jnp
from jax import lax
from jax.experimental import pallas as pl
from jax.experimental.pallas import tpu as pltpu
from jax.experimental.pallas import tpu_sc as plsc

N = 8192
M = 32768
C = 64
CS = 64
DOUT = 128
KNN = 3

BM = 1024
BC = 2048

_NC = 2
_NS = 16
_NW = _NC * _NS
_GCHUNK = 128
_ROWS = KNN * M
_ROWS_PER_W = _ROWS // _NW
_NCHUNK = _ROWS_PER_W // _GCHUNK


def _knn_body(q_ref, qn_ref, pt_ref, pn_ref, idx_ref, w_ref):
    qp = jnp.dot(q_ref[...], pt_ref[...], preferred_element_type=jnp.float32)
    qn = qn_ref[...]
    big = jnp.float32(3.0e38)
    m1 = jnp.full((BM, 128), big, jnp.float32)
    m2 = m1
    m3 = m1
    for s in range(N // 128):
        sl = slice(s * 128, (s + 1) * 128)
        d2 = jnp.maximum((qn + pn_ref[:, sl]) + qp[:, sl], 0.0)
        ks = lax.bitcast_convert_type(
            (lax.bitcast_convert_type(d2, jnp.int32) & ~0x3F)
            + (0x00800000 + s), jnp.float32)
        t = jnp.maximum(m1, ks)
        m1 = jnp.minimum(m1, ks)
        u = jnp.maximum(m2, t)
        m2 = jnp.minimum(m2, t)
        m3 = jnp.minimum(m3, u)
    cands = jnp.concatenate([m1, m2, m3], axis=1)
    lane = lax.broadcasted_iota(jnp.int32, (BM, 3 * 128), 1)
    outs, cols = [], []
    work = cands
    for _ in range(KNN):
        mn = jnp.min(work, axis=1, keepdims=True)
        pos = jnp.where(work == mn, lane, jnp.int32(1 << 20))
        pk = jnp.min(pos, axis=1, keepdims=True)
        work = jnp.where(lane == pk, big, work)
        outs.append(mn)
        cols.append(pk & 127)
    wb = (lax.bitcast_convert_type(jnp.concatenate(outs, axis=1), jnp.int32)
          - 0x00800000)
    d2k = lax.bitcast_convert_type(wb & ~0x3F, jnp.float32)
    idx_ref[...] = (wb & 0x3F) * 128 + jnp.concatenate(cols, axis=1)
    w = 1.0 / jnp.maximum(d2k, 1e-16)
    w_ref[...] = w / jnp.sum(w, axis=1, keepdims=True)


_knn_call = pl.pallas_call(
    _knn_body,
    grid=(M // BM,),
    in_specs=[
        pl.BlockSpec((BM, 8), lambda i: (i, 0)),
        pl.BlockSpec((BM, 1), lambda i: (i, 0)),
        pl.BlockSpec((8, N), lambda i: (0, 0)),
        pl.BlockSpec((1, N), lambda i: (0, 0)),
    ],
    out_specs=[
        pl.BlockSpec((BM, KNN), lambda i: (i, 0)),
        pl.BlockSpec((BM, KNN), lambda i: (i, 0)),
    ],
    out_shape=[
        jax.ShapeDtypeStruct((M, KNN), jnp.int32),
        jax.ShapeDtypeStruct((M, KNN), jnp.float32),
    ],
)


_NB = 3


def _sc_gather_body(idx_hbm, tab_hbm, out_hbm, idx_v, rows_v, shared,
                    si0, si1, si2, sg0, sg1, sg2, ss0, ss1, ss2):
    sid = lax.axis_index("s")
    wid = sid * _NC + lax.axis_index("c")
    base = wid * _ROWS_PER_W
    sem_i, sem_g, sem_s = (si0, si1, si2), (sg0, sg1, sg2), (ss0, ss1, ss2)
    ci, cg, cs = {}, {}, {}

    @pl.when(sid == 0)
    def _stage():
        pltpu.sync_copy(tab_hbm, shared)

    plsc.subcore_barrier()

    def start_idx(c):
        b = c % _NB
        ci[c] = pltpu.async_copy(
            idx_hbm.at[pl.ds(base + c * _GCHUNK, _GCHUNK)],
            idx_v.at[b], sem_i[b])

    for c in range(min(_NB, _NCHUNK)):
        start_idx(c)
    for c in range(_NCHUNK):
        b = c % _NB
        ci[c].wait()
        if c >= _NB:
            cs[c - _NB].wait()
        cg[c] = pltpu.async_copy(shared.at[idx_v.at[b]], rows_v.at[b],
                                 sem_g[b])
        if c >= 1:
            bp = (c - 1) % _NB
            cg[c - 1].wait()
            cs[c - 1] = pltpu.async_copy(
                rows_v.at[bp],
                out_hbm.at[pl.ds(base + (c - 1) * _GCHUNK, _GCHUNK)],
                sem_s[bp])
            if c + 2 < _NCHUNK:
                start_idx(c + 2)
    c = _NCHUNK - 1
    cg[c].wait()
    cs[c] = pltpu.async_copy(
        rows_v.at[c % _NB],
        out_hbm.at[pl.ds(base + c * _GCHUNK, _GCHUNK)], sem_s[c % _NB])
    for c in range(max(0, _NCHUNK - _NB), _NCHUNK):
        cs[c].wait()


@functools.lru_cache(maxsize=None)
def _sc_gather():
    return pl.kernel(
        _sc_gather_body,
        out_type=jax.ShapeDtypeStruct((_ROWS, C), jnp.float32),
        mesh=plsc.VectorSubcoreMesh(core_axis_name="c", subcore_axis_name="s",
                                    num_cores=_NC, num_subcores=_NS),
        scratch_types=[
            pltpu.VMEM((_NB, _GCHUNK), jnp.int32),
            pltpu.VMEM((_NB, _GCHUNK, C), jnp.float32),
            pltpu.VMEM_SHARED((N, C), jnp.float32),
        ] + [pltpu.SemaphoreType.DMA] * (3 * _NB),
        compiler_params=pltpu.CompilerParams(use_tc_tiling_on_sc=False),
    )


def _mlp_body(w_ref, g0_ref, g1_ref, g2_ref, xs_ref, w1t_ref, w2t_ref, b_ref,
              y_ref):
    w = w_ref[...]
    xi = (w[:, 0:1] * g0_ref[...] + w[:, 1:2] * g1_ref[...]
          + w[:, 2:3] * g2_ref[...])
    acc = jnp.dot(xi, w1t_ref[...], preferred_element_type=jnp.float32)
    acc = acc + jnp.dot(xs_ref[...], w2t_ref[...],
                        preferred_element_type=jnp.float32)
    y_ref[...] = jnp.maximum(acc + b_ref[...], 0.0)


_mlp_call = pl.pallas_call(
    _mlp_body,
    grid=(M // BC,),
    in_specs=[
        pl.BlockSpec((BC, KNN), lambda i: (i, 0)),
        pl.BlockSpec((BC, C), lambda i: (i, 0)),
        pl.BlockSpec((BC, C), lambda i: (i + M // BC, 0)),
        pl.BlockSpec((BC, C), lambda i: (i + 2 * (M // BC), 0)),
        pl.BlockSpec((BC, CS), lambda i: (i, 0)),
        pl.BlockSpec((C, DOUT), lambda i: (0, 0)),
        pl.BlockSpec((CS, DOUT), lambda i: (0, 0)),
        pl.BlockSpec((1, DOUT), lambda i: (0, 0)),
    ],
    out_specs=pl.BlockSpec((BC, DOUT), lambda i: (i, 0)),
    out_shape=jax.ShapeDtypeStruct((M, DOUT), jnp.float32),
)


def kernel(x, pos, batch, x_skip, pos_skip, batch_skip, W, b):
    qn = jnp.sum(pos_skip * pos_skip, axis=1, keepdims=True)
    pn = jnp.sum(pos * pos, axis=1)[None, :]
    q_pad = jnp.concatenate(
        [pos_skip, jnp.zeros((M, 5), jnp.float32)], axis=1)
    pt_pad = jnp.concatenate(
        [(-2.0 * pos).T, jnp.zeros((5, N), jnp.float32)], axis=0)
    idx, w = _knn_call(q_pad, qn, pt_pad, pn)

    flat_idx = idx.T.reshape(-1)
    g = _sc_gather()(flat_idx, x)

    w1t = W[:, :C].T
    w2t = W[:, C:].T
    y = _mlp_call(w, g, g, g, x_skip, w1t, w2t, b[None, :])
    return (y, pos_skip, batch_skip)

# --- scband reference (transcript-rebuilt; emitter-appended) ---
"""Pipeline reference for scband-fpmodule-80272938762724 (READ-ONLY COPY).

The authoritative reference and input builder live on the scoring server;
editing this copy changes nothing except your own understanding.
"""

import jax, jax.numpy as jnp
import numpy as np

K = 3
CHUNK = 1024


def knn_interpolate(x, pos, pos_skip, batch, batch_skip, k):
    # PyG-style knn_interpolate: for each point in pos_skip find k nearest
    # points in pos (same batch), inverse-squared-distance weighted feature avg.
    M = pos_skip.shape[0]
    pn = jnp.sum(pos * pos, axis=1)

    def body(args):
        q, bq = args
        qn = jnp.sum(q * q, axis=1)
        d2 = qn[:, None] + pn[None, :] - 2.0 * (q @ pos.T)
        d2 = jnp.maximum(d2, 0.0)
        d2 = d2 + jnp.where(bq[:, None] != batch[None, :], 1e10, 0.0)
        neg_vals, idx = jax.lax.top_k(-d2, k)
        d2k = jnp.maximum(-neg_vals, 1e-16)
        w = 1.0 / d2k
        w = w / jnp.sum(w, axis=1, keepdims=True)
        feats = jnp.take(x, idx, axis=0)  # [chunk, k, C] gather
        return jnp.sum(w[:, :, None] * feats, axis=1)

    qs = pos_skip.reshape(-1, CHUNK, pos_skip.shape[1])
    bs = batch_skip.reshape(-1, CHUNK)
    out = jax.lax.map(body, (qs, bs))
    return out.reshape(M, x.shape[1])


def setup_inputs(seed: int = 0):
    key = jax.random.key(seed)
    ks = jax.random.split(key, 8)
    N, M, C, Cs, Dout = 8192, 32768, 64, 64, 128
    x = jax.random.normal(ks[0], (N, C), dtype=jnp.float32)
    pos = jax.random.uniform(ks[1], (N, 3), dtype=jnp.float32)
    batch = jnp.zeros((N,), dtype=jnp.int32)
    x_skip = jax.random.normal(ks[2], (M, Cs), dtype=jnp.float32)
    pos_skip = jax.random.uniform(ks[3], (M, 3), dtype=jnp.float32)
    batch_skip = jnp.zeros((M,), dtype=jnp.int32)
    W = jax.random.normal(ks[4], (Dout, C + Cs), dtype=jnp.float32) / np.sqrt(C + Cs)
    b = jnp.zeros((Dout,), dtype=jnp.float32)
    return {"x": x, "pos": pos, "batch": batch, "x_skip": x_skip,
            "pos_skip": pos_skip, "batch_skip": batch_skip, "W": W, "b": b}


def reference(x, pos, batch, x_skip, pos_skip, batch_skip, W, b):
    xi = knn_interpolate(x, pos, pos_skip, batch, batch_skip, K)
    h = jnp.concatenate([xi, x_skip], axis=1)
    y = jax.nn.relu(h @ W.T + b)
    return (y, pos_skip, batch_skip)

if __name__ == "__main__":
    import jax
    _d = setup_inputs()
    print(jax.jit(kernel)(*tuple(_d.values())))

</pallas_src>

<mosaic_0001>
#map = affine_map<(d0, d1) -> (0)>
#map1 = affine_map<(d0, d1) -> (0, 0)>
module attributes {stable_mosaic.version = 14 : i64} {
  func.func @_sc_gather_body(%arg0: i32, %arg1: i32, %arg2: memref<98304xi32, #tpu.memory_space<hbm>>, %arg3: memref<8192x64xf32, #tpu.memory_space<hbm>>, %arg4: memref<98304x64xf32, #tpu.memory_space<hbm>>, %arg5: memref<3x128xi32, #tpu.memory_space<vmem>>, %arg6: memref<3x128x64xf32, #tpu.memory_space<vmem>>, %arg7: memref<8192x64xf32, #tpu.memory_space<vmem_shared>>, %arg8: memref<!tpu.dma_semaphore, #tpu.memory_space<semaphore_mem>>, %arg9: memref<!tpu.dma_semaphore, #tpu.memory_space<semaphore_mem>>, %arg10: memref<!tpu.dma_semaphore, #tpu.memory_space<semaphore_mem>>, %arg11: memref<!tpu.dma_semaphore, #tpu.memory_space<semaphore_mem>>, %arg12: memref<!tpu.dma_semaphore, #tpu.memory_space<semaphore_mem>>, %arg13: memref<!tpu.dma_semaphore, #tpu.memory_space<semaphore_mem>>, %arg14: memref<!tpu.dma_semaphore, #tpu.memory_space<semaphore_mem>>, %arg15: memref<!tpu.dma_semaphore, #tpu.memory_space<semaphore_mem>>, %arg16: memref<!tpu.dma_semaphore, #tpu.memory_space<semaphore_mem>>) attributes {dimension_semantics = [#tpu.dimension_semantics<core_parallel>, #tpu.dimension_semantics<subcore_parallel>], iteration_bounds = array<i64: 2, 16>, scalar_prefetch = 0 : i64, scratch_operands = 12 : i64, tpu.core_type = #tpu.core_type<sc_vector_subcore>, window_params = [{transform_indices = #map}, {transform_indices = #map1}, {transform_indices = #map1}]} {
    %mul3A = arith.constant 2 : i32
    %mul3A_0 = arith.muli %arg1, %mul3A : i32
    %add3A = arith.addi %mul3A_0, %arg0 : i32
    %mul3A_1 = arith.constant 3072 : i32
    %mul3A_2 = arith.muli %add3A, %mul3A_1 : i32
    %eq3A = arith.constant 0 : i32
    %eq3A_3 = arith.cmpi eq, %arg1, %eq3A : i32
    %convert_element_type3A = arith.extui %eq3A_3 : i1 to i32
    %cond3A = arith.constant 0 : i32
    %cond3A_4 = arith.cmpi ne, %convert_element_type3A, %cond3A : i32
    scf.if %cond3A_4 {
      "tpu.region"() ({
        %run_scoped3A = tpu.sem_alloc : memref<!tpu.dma_semaphore, #tpu.memory_space<semaphore_mem>>
        tpu.enqueue_dma source(%arg3 : memref<8192x64xf32, #tpu.memory_space<hbm>>) target(%arg7 : memref<8192x64xf32, #tpu.memory_space<vmem_shared>>) target_semaphore(%run_scoped3A : memref<!tpu.dma_semaphore, #tpu.memory_space<semaphore_mem>>)
        tpu.wait_dma2 semaphore(%run_scoped3A : memref<!tpu.dma_semaphore, #tpu.memory_space<semaphore_mem>>) src(%arg3 : memref<8192x64xf32, #tpu.memory_space<hbm>>) dst(%arg7 : memref<8192x64xf32, #tpu.memory_space<vmem_shared>>)
        tpu.yield
      }) : () -> ()
    } else {
    }
    %barrier3A = arith.constant 0 : index
    tpu.barrier barrier_id(%barrier3A)
    %add3A_5 = arith.constant 0 : i32
    %add3A_6 = arith.addi %mul3A_2, %add3A_5 : i32
    %dma_start3A = arith.constant 0 : i32
    %dma_start3A_7 = arith.constant 0 : i32
    %dma_start3A_8 = tpu.memref_slice %arg5[%dma_start3A, %dma_start3A_7] : memref<3x128xi32, #tpu.memory_space<vmem>> -> memref<1x128xi32, #tpu.memory_space<vmem>>
    %dma_start3A_9 = tpu.memref_squeeze %dma_start3A_8 : memref<1x128xi32, #tpu.memory_space<vmem>> -> memref<128xi32, #tpu.memory_space<vmem>>
    %dma_start3A_10 = tpu.memref_slice %arg2[%add3A_6] : memref<98304xi32, #tpu.memory_space<hbm>> -> memref<128xi32, #tpu.memory_space<hbm>>
    %dma_start3A_11 = arith.constant 0 : i32
    %dma_start3A_12 = tpu.memref_slice %arg5[%dma_start3A, %dma_start3A_11] : memref<3x128xi32, #tpu.memory_space<vmem>> -> memref<1x128xi32, #tpu.memory_space<vmem>>
    %dma_start3A_13 = tpu.memref_squeeze %dma_start3A_12 : memref<1x128xi32, #tpu.memory_space<vmem>> -> memref<128xi32, #tpu.memory_space<vmem>>
    %dma_start3A_14 = tpu.memref_slice %arg2[%add3A_6] : memref<98304xi32, #tpu.memory_space<hbm>> -> memref<128xi32, #tpu.memory_space<hbm>>
    tpu.enqueue_dma source(%dma_start3A_14 : memref<128xi32, #tpu.memory_space<hbm>>) target(%dma_start3A_13 : memref<128xi32, #tpu.memory_space<vmem>>) target_semaphore(%arg8 : memref<!tpu.dma_semaphore, #tpu.memory_space<semaphore_mem>>)
    %add3A_15 = arith.constant 128 : i32
    %add3A_16 = arith.addi %mul3A_2, %add3A_15 : i32
    %dma_start3A_17 = arith.constant 1 : i32
    %dma_start3A_18 = arith.constant 0 : i32
    %dma_start3A_19 = tpu.memref_slice %arg5[%dma_start3A_17, %dma_start3A_18] : memref<3x128xi32, #tpu.memory_space<vmem>> -> memref<1x128xi32, #tpu.memory_space<vmem>>
    %dma_start3A_20 = tpu.memref_squeeze %dma_start3A_19 : memref<1x128xi32, #tpu.memory_space<vmem>> -> memref<128xi32, #tpu.memory_space<vmem>>
    %dma_start3A_21 = tpu.memref_slice %arg2[%add3A_16] : memref<98304xi32, #tpu.memory_space<hbm>> -> memref<128xi32, #tpu.memory_space<hbm>>
    %dma_start3A_22 = arith.constant 0 : i32
    %dma_start3A_23 = tpu.memref_slice %arg5[%dma_start3A_17, %dma_start3A_22] : memref<3x128xi32, #tpu.memory_space<vmem>> -> memref<1x128xi32, #tpu.memory_space<vmem>>
    %dma_start3A_24 = tpu.memref_squeeze %dma_start3A_23 : memref<1x128xi32, #tpu.memory_space<vmem>> -> memref<128xi32, #tpu.memory_space<vmem>>
    %dma_start3A_25 = tpu.memref_slice %arg2[%add3A_16] : memref<98304xi32, #tpu.memory_space<hbm>> -> memref<128xi32, #tpu.memory_space<hbm>>
    tpu.enqueue_dma source(%dma_start3A_25 : memref<128xi32, #tpu.memory_space<hbm>>) target(%dma_start3A_24 : memref<128xi32, #tpu.memory_space<vmem>>) target_semaphore(%arg9 : memref<!tpu.dma_semaphore, #tpu.memory_space<semaphore_mem>>)
    %add3A_26 = arith.constant 256 : i32
    %add3A_27 = arith.addi %mul3A_2, %add3A_26 : i32
    %dma_start3A_28 = arith.constant 2 : i32
    %dma_start3A_29 = arith.constant 0 : i32
    %dma_start3A_30 = tpu.memref_slice %arg5[%dma_start3A_28, %dma_start3A_29] : memref<3x128xi32, #tpu.memory_space<vmem>> -> memref<1x128xi32, #tpu.memory_space<vmem>>
    %dma_start3A_31 = tpu.memref_squeeze %dma_start3A_30 : memref<1x128xi32, #tpu.memory_space<vmem>> -> memref<128xi32, #tpu.memory_space<vmem>>
    %dma_start3A_32 = tpu.memref_slice %arg2[%add3A_27] : memref<98304xi32, #tpu.memory_space<hbm>> -> memref<128xi32, #tpu.memory_space<hbm>>
    %dma_start3A_33 = arith.constant 0 : i32
    %dma_start3A_34 = tpu.memref_slice %arg5[%dma_start3A_28, %dma_start3A_33] : memref<3x128xi32, #tpu.memory_space<vmem>> -> memref<1x128xi32, #tpu.memory_space<vmem>>
    %dma_start3A_35 = tpu.memref_squeeze %dma_start3A_34 : memref<1x128xi32, #tpu.memory_space<vmem>> -> memref<128xi32, #tpu.memory_space<vmem>>
    %dma_start3A_36 = tpu.memref_slice %arg2[%add3A_27] : memref<98304xi32, #tpu.memory_space<hbm>> -> memref<128xi32, #tpu.memory_space<hbm>>
    tpu.enqueue_dma source(%dma_start3A_36 : memref<128xi32, #tpu.memory_space<hbm>>) target(%dma_start3A_35 : memref<128xi32, #tpu.memory_space<vmem>>) target_semaphore(%arg10 : memref<!tpu.dma_semaphore, #tpu.memory_space<semaphore_mem>>)
    %dma_wait3A = arith.constant 0 : i32
    %dma_wait3A_37 = arith.constant 0 : i32
    %dma_wait3A_38 = tpu.memref_slice %arg5[%dma_wait3A, %dma_wait3A_37] : memref<3x128xi32, #tpu.memory_space<vmem>> -> memref<1x128xi32, #tpu.memory_space<vmem>>
    %dma_wait3A_39 = tpu.memref_squeeze %dma_wait3A_38 : memref<1x128xi32, #tpu.memory_space<vmem>> -> memref<128xi32, #tpu.memory_space<vmem>>
    %dma_wait3A_40 = tpu.memref_slice %arg2[%add3A_6] : memref<98304xi32, #tpu.memory_space<hbm>> -> memref<128xi32, #tpu.memory_space<hbm>>
    %dma_wait3A_41 = arith.constant 0 : i32
    %dma_wait3A_42 = tpu.memref_slice %arg5[%dma_wait3A, %dma_wait3A_41] : memref<3x128xi32, #tpu.memory_space<vmem>> -> memref<1x128xi32, #tpu.memory_space<vmem>>
    %dma_wait3A_43 = tpu.memref_squeeze %dma_wait3A_42 : memref<1x128xi32, #tpu.memory_space<vmem>> -> memref<128xi32, #tpu.memory_space<vmem>>
    %dma_wait3A_44 = tpu.memref_slice %arg2[%add3A_6] : memref<98304xi32, #tpu.memory_space<hbm>> -> memref<128xi32, #tpu.memory_space<hbm>>
    tpu.wait_dma2 semaphore(%arg8 : memref<!tpu.dma_semaphore, #tpu.memory_space<semaphore_mem>>) src(%dma_wait3A_44 : memref<128xi32, #tpu.memory_space<hbm>>) dst(%dma_wait3A_43 : memref<128xi32, #tpu.memory_space<vmem>>)
    %dma_start3A_45 = arith.constant 0 : i32
    %dma_start3A_46 = arith.constant 0 : i32
    %dma_start3A_47 = arith.constant 0 : i32
    %dma_start3A_48 = arith.constant 0 : i32
    %dma_start3A_49 = tpu.memref_slice %arg6[%dma_start3A_46, %dma_start3A_47, %dma_start3A_48] : memref<3x128x64xf32, #tpu.memory_space<vmem>> -> memref<1x128x64xf32, #tpu.memory_space<vmem>>
    %dma_start3A_50 = tpu.memref_squeeze %dma_start3A_49 : memref<1x128x64xf32, #tpu.memory_space<vmem>> -> memref<128x64xf32, #tpu.memory_space<vmem>>
    %dma_start3A_51 = arith.constant 0 : i32
    %dma_start3A_52 = tpu.memref_slice %arg5[%dma_start3A_45, %dma_start3A_51] : memref<3x128xi32, #tpu.memory_space<vmem>> -> memref<1x128xi32, #tpu.memory_space<vmem>>
    %dma_start3A_53 = tpu.memref_squeeze %dma_start3A_52 : memref<1x128xi32, #tpu.memory_space<vmem>> -> memref<128xi32, #tpu.memory_space<vmem>>
    %dma_start3A_54 = arith.constant 0 : i32
    %dma_start3A_55 = arith.constant 0 : i32
    %dma_start3A_56 = tpu.memref_slice %arg7[%dma_start3A_54, %dma_start3A_55] : memref<8192x64xf32, #tpu.memory_space<vmem_shared>> -> memref<8192x64xf32, #tpu.memory_space<vmem_shared>>
    tpu.enqueue_indirect_dma source(%dma_start3A_56 : memref<8192x64xf32, #tpu.memory_space<vmem_shared>>) target(%dma_start3A_50 : memref<128x64xf32, #tpu.memory_space<vmem>>) offsets(%dma_start3A_53 : memref<128xi32, #tpu.memory_space<vmem>>) semaphore(%arg11 : memref<!tpu.dma_semaphore, #tpu.memory_space<semaphore_mem>>)
    %dma_wait3A_57 = arith.constant 1 : i32
    %dma_wait3A_58 = arith.constant 0 : i32
    %dma_wait3A_59 = tpu.memref_slice %arg5[%dma_wait3A_57, %dma_wait3A_58] : memref<3x128xi32, #tpu.memory_space<vmem>> -> memref<1x128xi32, #tpu.memory_space<vmem>>
    %dma_wait3A_60 = tpu.memref_squeeze %dma_wait3A_59 : memref<1x128xi32, #tpu.memory_space<vmem>> -> memref<128xi32, #tpu.memory_space<vmem>>
    %dma_wait3A_61 = tpu.memref_slice %arg2[%add3A_16] : memref<98304xi32, #tpu.memory_space<hbm>> -> memref<128xi32, #tpu.memory_space<hbm>>
    %dma_wait3A_62 = arith.constant 0 : i32
    %dma_wait3A_63 = tpu.memref_slice %arg5[%dma_wait3A_57, %dma_wait3A_62] : memref<3x128xi32, #tpu.memory_space<vmem>> -> memref<1x128xi32, #tpu.memory_space<vmem>>
    %dma_wait3A_64 = tpu.memref_squeeze %dma_wait3A_63 : memref<1x128xi32, #tpu.memory_space<vmem>> -> memref<128xi32, #tpu.memory_space<vmem>>
    %dma_wait3A_65 = tpu.memref_slice %arg2[%add3A_16] : memref<98304xi32, #tpu.memory_space<hbm>> -> memref<128xi32, #tpu.memory_space<hbm>>
    tpu.wait_dma2 semaphore(%arg9 : memref<!tpu.dma_semaphore, #tpu.memory_space<semaphore_mem>>) src(%dma_wait3A_65 : memref<128xi32, #tpu.memory_space<hbm>>) dst(%dma_wait3A_64 : memref<128xi32, #tpu.memory_space<vmem>>)
    %dma_start3A_66 = arith.constant 1 : i32
    %dma_start3A_67 = arith.constant 1 : i32
    %dma_start3A_68 = arith.constant 0 : i32
    %dma_start3A_69 = arith.constant 0 : i32
    %dma_start3A_70 = tpu.memref_slice %arg6[%dma_start3A_67, %dma_start3A_68, %dma_start3A_69] : memref<3x128x64xf32, #tpu.memory_space<vmem>> -> memref<1x128x64xf32, #tpu.memory_space<vmem>>
    %dma_start3A_71 = tpu.memref_squeeze %dma_start3A_70 : memref<1x128x64xf32, #tpu.memory_space<vmem>> -> memref<128x64xf32, #tpu.memory_space<vmem>>
    %dma_start3A_72 = arith.constant 0 : i32
    %dma_start3A_73 = tpu.memref_slice %arg5[%dma_start3A_66, %dma_start3A_72] : memref<3x128xi32, #tpu.memory_space<vmem>> -> memref<1x128xi32, #tpu.memory_space<vmem>>
    %dma_start3A_74 = tpu.memref_squeeze %dma_start3A_73 : memref<1x128xi32, #tpu.memory_space<vmem>> -> memref<128xi32, #tpu.memory_space<vmem>>
    %dma_start3A_75 = arith.constant 0 : i32
    %dma_start3A_76 = arith.constant 0 : i32
    %dma_start3A_77 = tpu.memref_slice %arg7[%dma_start3A_75, %dma_start3A_76] : memref<8192x64xf32, #tpu.memory_space<vmem_shared>> -> memref<8192x64xf32, #tpu.memory_space<vmem_shared>>
    tpu.enqueue_indirect_dma source(%dma_start3A_77 : memref<8192x64xf32, #tpu.memory_space<vmem_shared>>) target(%dma_start3A_71 : memref<128x64xf32, #tpu.memory_space<vmem>>) offsets(%dma_start3A_74 : memref<128xi32, #tpu.memory_space<vmem>>) semaphore(%arg12 : memref<!tpu.dma_semaphore, #tpu.memory_space<semaphore_mem>>)
    %dma_wait3A_78 = arith.constant 0 : i32
    %dma_wait3A_79 = arith.constant 0 : i32
    %dma_wait3A_80 = arith.constant 0 : i32
    %dma_wait3A_81 = arith.constant 0 : i32
    %dma_wait3A_82 = tpu.memref_slice %arg6[%dma_wait3A_79, %dma_wait3A_80, %dma_wait3A_81] : memref<3x128x64xf32, #tpu.memory_space<vmem>> -> memref<1x128x64xf32, #tpu.memory_space<vmem>>
    %dma_wait3A_83 = tpu.memref_squeeze %dma_wait3A_82 : memref<1x128x64xf32, #tpu.memory_space<vmem>> -> memref<128x64xf32, #tpu.memory_space<vmem>>
    %dma_wait3A_84 = arith.constant 0 : i32
    %dma_wait3A_85 = tpu.memref_slice %arg5[%dma_wait3A_78, %dma_wait3A_84] : memref<3x128xi32, #tpu.memory_space<vmem>> -> memref<1x128xi32, #tpu.memory_space<vmem>>
    %dma_wait3A_86 = tpu.memref_squeeze %dma_wait3A_85 : memref<1x128xi32, #tpu.memory_space<vmem>> -> memref<128xi32, #tpu.memory_space<vmem>>
    %dma_wait3A_87 = arith.constant 0 : i32
    %dma_wait3A_88 = arith.constant 0 : i32
    %dma_wait3A_89 = tpu.memref_slice %arg7[%dma_wait3A_87, %dma_wait3A_88] : memref<8192x64xf32, #tpu.memory_space<vmem_shared>> -> memref<8192x64xf32, #tpu.memory_space<vmem_shared>>
    tpu.wait_indirect_dma semaphore(%arg11 : memref<!tpu.dma_semaphore, #tpu.memory_space<semaphore_mem>>) src(%dma_wait3A_89 : memref<8192x64xf32, #tpu.memory_space<vmem_shared>>) dst(%dma_wait3A_83 : memref<128x64xf32, #tpu.memory_space<vmem>>)
    %add3A_90 = arith.constant 0 : i32
    %add3A_91 = arith.addi %mul3A_2, %add3A_90 : i32
    %dma_start3A_92 = arith.constant 0 : i32
    %dma_start3A_93 = arith.constant 0 : i32
    %dma_start3A_94 = arith.constant 0 : i32
    %dma_start3A_95 = tpu.memref_slice %arg6[%dma_start3A_92, %dma_start3A_93, %dma_start3A_94] : memref<3x128x64xf32, #tpu.memory_space<vmem>> -> memref<1x128x64xf32, #tpu.memory_space<vmem>>
    %dma_start3A_96 = tpu.memref_squeeze %dma_start3A_95 : memref<1x128x64xf32, #tpu.memory_space<vmem>> -> memref<128x64xf32, #tpu.memory_space<vmem>>
    %dma_start3A_97 = arith.constant 0 : i32
    %dma_start3A_98 = tpu.memref_slice %arg4[%add3A_91, %dma_start3A_97] : memref<98304x64xf32, #tpu.memory_space<hbm>> -> memref<128x64xf32, #tpu.memory_space<hbm>>
    %dma_start3A_99 = arith.constant 0 : i32
    %dma_start3A_100 = tpu.memref_slice %arg4[%add3A_91, %dma_start3A_99] : memref<98304x64xf32, #tpu.memory_space<hbm>> -> memref<128x64xf32, #tpu.memory_space<hbm>>
    %dma_start3A_101 = arith.constant 0 : i32
    %dma_start3A_102 = arith.constant 0 : i32
    %dma_start3A_103 = tpu.memref_slice %arg6[%dma_start3A_92, %dma_start3A_101, %dma_start3A_102] : memref<3x128x64xf32, #tpu.memory_space<vmem>> -> memref<1x128x64xf32, #tpu.memory_space<vmem>>
    %dma_start3A_104 = tpu.memref_squeeze %dma_start3A_103 : memref<1x128x64xf32, #tpu.memory_space<vmem>> -> memref<128x64xf32, #tpu.memory_space<vmem>>
    tpu.enqueue_dma source(%dma_start3A_104 : memref<128x64xf32, #tpu.memory_space<vmem>>) target(%dma_start3A_100 : memref<128x64xf32, #tpu.memory_space<hbm>>) target_semaphore(%arg14 : memref<!tpu.dma_semaphore, #tpu.memory_space<semaphore_mem>>)
    %add3A_105 = arith.constant 384 : i32
    %add3A_106 = arith.addi %mul3A_2, %add3A_105 : i32
    %dma_start3A_107 = arith.constant 0 : i32
    %dma_start3A_108 = arith.constant 0 : i32
    %dma_start3A_109 = tpu.memref_slice %arg5[%dma_start3A_107, %dma_start3A_108] : memref<3x128xi32, #tpu.memory_space<vmem>> -> memref<1x128xi32, #tpu.memory_space<vmem>>
    %dma_start3A_110 = tpu.memref_squeeze %dma_start3A_109 : memref<1x128xi32, #tpu.memory_space<vmem>> -> memref<128xi32, #tpu.memory_space<vmem>>
    %dma_start3A_111 = tpu.memref_slice %arg2[%add3A_106] : memref<98304xi32, #tpu.memory_space<hbm>> -> memref<128xi32, #tpu.memory_space<hbm>>
    %dma_start3A_112 = arith.constant 0 : i32
    %dma_start3A_113 = tpu.memref_slice %arg5[%dma_start3A_107, %dma_start3A_112] : memref<3x128xi32, #tpu.memory_space<vmem>> -> memref<1x128xi32, #tpu.memory_space<vmem>>
    %dma_start3A_114 = tpu.memref_squeeze %dma_start3A_113 : memref<1x128xi32, #tpu.memory_space<vmem>> -> memref<128xi32, #tpu.memory_space<vmem>>
    %dma_start3A_115 = tpu.memref_slice %arg2[%add3A_106] : memref<98304xi32, #tpu.memory_space<hbm>> -> memref<128xi32, #tpu.memory_space<hbm>>
    tpu.enqueue_dma source(%dma_start3A_115 : memref<128xi32, #tpu.memory_space<hbm>>) target(%dma_start3A_114 : memref<128xi32, #tpu.memory_space<vmem>>) target_semaphore(%arg8 : memref<!tpu.dma_semaphore, #tpu.memory_space<semaphore_mem>>)
    %dma_wait3A_116 = arith.constant 2 : i32
    %dma_wait3A_117 = arith.constant 0 : i32
    %dma_wait3A_118 = tpu.memref_slice %arg5[%dma_wait3A_116, %dma_wait3A_117] : memref<3x128xi32, #tpu.memory_space<vmem>> -> memref<1x128xi32, #tpu.memory_space<vmem>>
    %dma_wait3A_119 = tpu.memref_squeeze %dma_wait3A_118 : memref<1x128xi32, #tpu.memory_space<vmem>> -> memref<128xi32, #tpu.memory_space<vmem>>
    %dma_wait3A_120 = tpu.memref_slice %arg2[%add3A_27] : memref<98304xi32, #tpu.memory_space<hbm>> -> memref<128xi32, #tpu.memory_space<hbm>>
    %dma_wait3A_121 = arith.constant 0 : i32
    %dma_wait3A_122 = tpu.memref_slice %arg5[%dma_wait3A_116, %dma_wait3A_121] : memref<3x128xi32, #tpu.memory_space<vmem>> -> memref<1x128xi32, #tpu.memory_space<vmem>>
    %dma_wait3A_123 = tpu.memref_squeeze %dma_wait3A_122 : memref<1x128xi32, #tpu.memory_space<vmem>> -> memref<128xi32, #tpu.memory_space<vmem>>
    %dma_wait3A_124 = tpu.memref_slice %arg2[%add3A_27] : memref<98304xi32, #tpu.memory_space<hbm>> -> memref<128xi32, #tpu.memory_space<hbm>>
    tpu.wait_dma2 semaphore(%arg10 : memref<!tpu.dma_semaphore, #tpu.memory_space<semaphore_mem>>) src(%dma_wait3A_124 : memref<128xi32, #tpu.memory_space<hbm>>) dst(%dma_wait3A_123 : memref<128xi32, #tpu.memory_space<vmem>>)
    %dma_start3A_125 = arith.constant 2 : i32
    %dma_start3A_126 = arith.constant 2 : i32
    %dma_start3A_127 = arith.constant 0 : i32
    %dma_start3A_128 = arith.constant 0 : i32
    %dma_start3A_129 = tpu.memref_slice %arg6[%dma_start3A_126, %dma_start3A_127, %dma_start3A_128] : memref<3x128x64xf32, #tpu.memory_space<vmem>> -> memref<1x128x64xf32, #tpu.memory_space<vmem>>
    %dma_start3A_130 = tpu.memref_squeeze %dma_start3A_129 : memref<1x128x64xf32, #tpu.memory_space<vmem>> -> memref<128x64xf32, #tpu.memory_space<vmem>>
    %dma_start3A_131 = arith.constant 0 : i32
    %dma_start3A_132 = tpu.memref_slice %arg5[%dma_start3A_125, %dma_start3A_131] : memref<3x128xi32, #tpu.memory_space<vmem>> -> memref<1x128xi32, #tpu.memory_space<vmem>>
    %dma_start3A_133 = tpu.memref_squeeze %dma_start3A_132 : memref<1x128xi32, #tpu.memory_space<vmem>> -> memref<128xi32, #tpu.memory_space<vmem>>
    %dma_start3A_134 = arith.constant 0 : i32
    %dma_start3A_135 = arith.constant 0 : i32
    %dma_start3A_136 = tpu.memref_slice %arg7[%dma_start3A_134, %dma_start3A_135] : memref<8192x64xf32, #tpu.memory_space<vmem_shared>> -> memref<8192x64xf32, #tpu.memory_space<vmem_shared>>
    tpu.enqueue_indirect_dma source(%dma_start3A_136 : memref<8192x64xf32, #tpu.memory_space<vmem_shared>>) target(%dma_start3A_130 : memref<128x64xf32, #tpu.memory_space<vmem>>) offsets(%dma_start3A_133 : memref<128xi32, #tpu.memory_space<vmem>>) semaphore(%arg13 : memref<!tpu.dma_semaphore, #tpu.memory_space<semaphore_mem>>)
    %dma_wait3A_137 = arith.constant 1 : i32
    %dma_wait3A_138 = arith.constant 1 : i32
    %dma_wait3A_139 = arith.constant 0 : i32
    %dma_wait3A_140 = arith.constant 0 : i32
    %dma_wait3A_141 = tpu.memref_slice %arg6[%dma_wait3A_138, %dma_wait3A_139, %dma_wait3A_140] : memref<3x128x64xf32, #tpu.memory_space<vmem>> -> memref<1x128x64xf32, #tpu.memory_space<vmem>>
    %dma_wait3A_142 = tpu.memref_squeeze %dma_wait3A_141 : memref<1x128x64xf32, #tpu.memory_space<vmem>> -> memref<128x64xf32, #tpu.memory_space<vmem>>
    %dma_wait3A_143 = arith.constant 0 : i32
    %dma_wait3A_144 = tpu.memref_slice %arg5[%dma_wait3A_137, %dma_wait3A_143] : memref<3x128xi32, #tpu.memory_space<vmem>> -> memref<1x128xi32, #tpu.memory_space<vmem>>
    %dma_wait3A_145 = tpu.memref_squeeze %dma_wait3A_144 : memref<1x128xi32, #tpu.memory_space<vmem>> -> memref<128xi32, #tpu.memory_space<vmem>>
    %dma_wait3A_146 = arith.constant 0 : i32
    %dma_wait3A_147 = arith.constant 0 : i32
    %dma_wait3A_148 = tpu.memref_slice %arg7[%dma_wait3A_146, %dma_wait3A_147] : memref<8192x64xf32, #tpu.memory_space<vmem_shared>> -> memref<8192x64xf32, #tpu.memory_space<vmem_shared>>
    tpu.wait_indirect_dma semaphore(%arg12 : memref<!tpu.dma_semaphore, #tpu.memory_space<semaphore_mem>>) src(%dma_wait3A_148 : memref<8192x64xf32, #tpu.memory_space<vmem_shared>>) dst(%dma_wait3A_142 : memref<128x64xf32, #tpu.memory_space<vmem>>)
    %add3A_149 = arith.constant 128 : i32
    %add3A_150 = arith.addi %mul3A_2, %add3A_149 : i32
    %dma_start3A_151 = arith.constant 1 : i32
    %dma_start3A_152 = arith.constant 0 : i32
    %dma_start3A_153 = arith.constant 0 : i32
    %dma_start3A_154 = tpu.memref_slice %arg6[%dma_start3A_151, %dma_start3A_152, %dma_start3A_153] : memref<3x128x64xf32, #tpu.memory_space<vmem>> -> memref<1x128x64xf32, #tpu.memory_space<vmem>>
    %dma_start3A_155 = tpu.memref_squeeze %dma_start3A_154 : memref<1x128x64xf32, #tpu.memory_space<vmem>> -> memref<128x64xf32, #tpu.memory_space<vmem>>
    %dma_start3A_156 = arith.constant 0 : i32
    %dma_start3A_157 = tpu.memref_slice %arg4[%add3A_150, %dma_start3A_156] : memref<98304x64xf32, #tpu.memory_space<hbm>> -> memref<128x64xf32, #tpu.memory_space<hbm>>
    %dma_start3A_158 = arith.constant 0 : i32
    %dma_start3A_159 = tpu.memref_slice %arg4[%add3A_150, %dma_start3A_158] : memref<98304x64xf32, #tpu.memory_space<hbm>> -> memref<128x64xf32, #tpu.memory_space<hbm>>
    %dma_start3A_160 = arith.constant 0 : i32
    %dma_start3A_161 = arith.constant 0 : i32
    %dma_start3A_162 = tpu.memref_slice %arg6[%dma_start3A_151, %dma_start3A_160, %dma_start3A_161] : memref<3x128x64xf32, #tpu.memory_space<vmem>> -> memref<1x128x64xf32, #tpu.memory_space<vmem>>
    %dma_start3A_163 = tpu.memref_squeeze %dma_start3A_162 : memref<1x128x64xf32, #tpu.memory_space<vmem>> -> memref<128x64xf32, #tpu.memory_space<vmem>>
    tpu.enqueue_dma source(%dma_start3A_163 : memref<128x64xf32, #tpu.memory_space<vmem>>) target(%dma_start3A_159 : memref<128x64xf32, #tpu.memory_space<hbm>>) target_semaphore(%arg15 : memref<!tpu.dma_semaphore, #tpu.memory_space<semaphore_mem>>)
    %add3A_164 = arith.constant 512 : i32
    %add3A_165 = arith.addi %mul3A_2, %add3A_164 : i32
    %dma_start3A_166 = arith.constant 1 : i32
    %dma_start3A_167 = arith.constant 0 : i32
    %dma_start3A_168 = tpu.memref_slice %arg5[%dma_start3A_166, %dma_start3A_167] : memref<3x128xi32, #tpu.memory_space<vmem>> -> memref<1x128xi32, #tpu.memory_space<vmem>>
    %dma_start3A_169 = tpu.memref_squeeze %dma_start3A_168 : memref<1x128xi32, #tpu.memory_space<vmem>> -> memref<128xi32, #tpu.memory_space<vmem>>
    %dma_start3A_170 = tpu.memref_slice %arg2[%add3A_165] : memref<98304xi32, #tpu.memory_space<hbm>> -> memref<128xi32, #tpu.memory_space<hbm>>
    %dma_start3A_171 = arith.constant 0 : i32
    %dma_start3A_172 = tpu.memref_slice %arg5[%dma_start3A_166, %dma_start3A_171] : memref<3x128xi32, #tpu.memory_space<vmem>> -> memref<1x128xi32, #tpu.memory_space<vmem>>
    %dma_start3A_173 = tpu.memref_squeeze %dma_start3A_172 : memref<1x128xi32, #tpu.memory_space<vmem>> -> memref<128xi32, #tpu.memory_space<vmem>>
    %dma_start3A_174 = tpu.memref_slice %arg2[%add3A_165] : memref<98304xi32, #tpu.memory_space<hbm>> -> memref<128xi32, #tpu.memory_space<hbm>>
    tpu.enqueue_dma source(%dma_start3A_174 : memref<128xi32, #tpu.memory_space<hbm>>) target(%dma_start3A_173 : memref<128xi32, #tpu.memory_space<vmem>>) target_semaphore(%arg9 : memref<!tpu.dma_semaphore, #tpu.memory_space<semaphore_mem>>)
    %dma_wait3A_175 = arith.constant 0 : i32
    %dma_wait3A_176 = arith.constant 0 : i32
    %dma_wait3A_177 = tpu.memref_slice %arg5[%dma_wait3A_175, %dma_wait3A_176] : memref<3x128xi32, #tpu.memory_space<vmem>> -> memref<1x128xi32, #tpu.memory_space<vmem>>
    %dma_wait3A_178 = tpu.memref_squeeze %dma_wait3A_177 : memref<1x128xi32, #tpu.memory_space<vmem>> -> memref<128xi32, #tpu.memory_space<vmem>>
    %dma_wait3A_179 = tpu.memref_slice %arg2[%add3A_106] : memref<98304xi32, #tpu.memory_space<hbm>> -> memref<128xi32, #tpu.memory_space<hbm>>
    %dma_wait3A_180 = arith.constant 0 : i32
    %dma_wait3A_181 = tpu.memref_slice %arg5[%dma_wait3A_175, %dma_wait3A_180] : memref<3x128xi32, #tpu.memory_space<vmem>> -> memref<1x128xi32, #tpu.memory_space<vmem>>
    %dma_wait3A_182 = tpu.memref_squeeze %dma_wait3A_181 : memref<1x128xi32, #tpu.memory_space<vmem>> -> memref<128xi32, #tpu.memory_space<vmem>>
    %dma_wait3A_183 = tpu.memref_slice %arg2[%add3A_106] : memref<98304xi32, #tpu.memory_space<hbm>> -> memref<128xi32, #tpu.memory_space<hbm>>
    tpu.wait_dma2 semaphore(%arg8 : memref<!tpu.dma_semaphore, #tpu.memory_space<semaphore_mem>>) src(%dma_wait3A_183 : memref<128xi32, #tpu.memory_space<hbm>>) dst(%dma_wait3A_182 : memref<128xi32, #tpu.memory_space<vmem>>)
    %dma_wait3A_184 = arith.constant 0 : i32
    %dma_wait3A_185 = arith.constant 0 : i32
    %dma_wait3A_186 = arith.constant 0 : i32
    %dma_wait3A_187 = tpu.memref_slice %arg6[%dma_wait3A_184, %dma_wait3A_185, %dma_wait3A_186] : memref<3x128x64xf32, #tpu.memory_space<vmem>> -> memref<1x128x64xf32, #tpu.memory_space<vmem>>
    %dma_wait3A_188 = tpu.memref_squeeze %dma_wait3A_187 : memref<1x128x64xf32, #tpu.memory_space<vmem>> -> memref<128x64xf32, #tpu.memory_space<vmem>>
    %dma_wait3A_189 = arith.constant 0 : i32
    %dma_wait3A_190 = tpu.memref_slice %arg4[%add3A_91, %dma_wait3A_189] : memref<98304x64xf32, #tpu.memory_space<hbm>> -> memref<128x64xf32, #tpu.memory_space<hbm>>
    %dma_wait3A_191 = arith.constant 0 : i32
    %dma_wait3A_192 = tpu.memref_slice %arg4[%add3A_91, %dma_wait3A_191] : memref<98304x64xf32, #tpu.memory_space<hbm>> -> memref<128x64xf32, #tpu.memory_space<hbm>>
    %dma_wait3A_193 = arith.constant 0 : i32
    %dma_wait3A_194 = arith.constant 0 : i32
    %dma_wait3A_195 = tpu.memref_slice %arg6[%dma_wait3A_184, %dma_wait3A_193, %dma_wait3A_194] : memref<3x128x64xf32, #tpu.memory_space<vmem>> -> memref<1x128x64xf32, #tpu.memory_space<vmem>>
    %dma_wait3A_196 = tpu.memref_squeeze %dma_wait3A_195 : memref<1x128x64xf32, #tpu.memory_space<vmem>> -> memref<128x64xf32, #tpu.memory_space<vmem>>
    tpu.wait_dma2 semaphore(%arg14 : memref<!tpu.dma_semaphore, #tpu.memory_space<semaphore_mem>>) src(%dma_wait3A_196 : memref<128x64xf32, #tpu.memory_space<vmem>>) dst(%dma_wait3A_192 : memref<128x64xf32, #tpu.memory_space<hbm>>)
    %dma_start3A_197 = arith.constant 0 : i32
    %dma_start3A_198 = arith.constant 0 : i32
    %dma_start3A_199 = arith.constant 0 : i32
    %dma_start3A_200 = arith.constant 0 : i32
    %dma_start3A_201 = tpu.memref_slice %arg6[%dma_start3A_198, %dma_start3A_199, %dma_start3A_200] : memref<3x128x64xf32, #tpu.memory_space<vmem>> -> memref<1x128x64xf32, #tpu.memory_space<vmem>>
    %dma_start3A_202 = tpu.memref_squeeze %dma_start3A_201 : memref<1x128x64xf32, #tpu.memory_space<vmem>> -> memref<128x64xf32, #tpu.memory_space<vmem>>
    %dma_start3A_203 = arith.constant 0 : i32
    %dma_start3A_204 = tpu.memref_slice %arg5[%dma_start3A_197, %dma_start3A_203] : memref<3x128xi32, #tpu.memory_space<vmem>> -> memref<1x128xi32, #tpu.memory_space<vmem>>
    %dma_start3A_205 = tpu.memref_squeeze %dma_start3A_204 : memref<1x128xi32, #tpu.memory_space<vmem>> -> memref<128xi32, #tpu.memory_space<vmem>>
    %dma_start3A_206 = arith.constant 0 : i32
    %dma_start3A_207 = arith.constant 0 : i32
    %dma_start3A_208 = tpu.memref_slice %arg7[%dma_start3A_206, %dma_start3A_207] : memref<8192x64xf32, #tpu.memory_space<vmem_shared>> -> memref<8192x64xf32, #tpu.memory_space<vmem_shared>>
    tpu.enqueue_indirect_dma source(%dma_start3A_208 : memref<8192x64xf32, #tpu.memory_space<vmem_shared>>) target(%dma_start3A_202 : memref<128x64xf32, #tpu.memory_space<vmem>>) offsets(%dma_start3A_205 : memref<128xi32, #tpu.memory_space<vmem>>) semaphore(%arg11 : memref<!tpu.dma_semaphore, #tpu.memory_space<semaphore_mem>>)
    %dma_wait3A_209 = arith.constant 2 : i32
    %dma_wait3A_210 = arith.constant 2 : i32
    %dma_wait3A_211 = arith.constant 0 : i32
    %dma_wait3A_212 = arith.constant 0 : i32
    %dma_wait3A_213 = tpu.memref_slice %arg6[%dma_wait3A_210, %dma_wait3A_211, %dma_wait3A_212] : memref<3x128x64xf32, #tpu.memory_space<vmem>> -> memref<1x128x64xf32, #tpu.memory_space<vmem>>
    %dma_wait3A_214 = tpu.memref_squeeze %dma_wait3A_213 : memref<1x128x64xf32, #tpu.memory_space<vmem>> -> memref<128x64xf32, #tpu.memory_space<vmem>>
    %dma_wait3A_215 = arith.constant 0 : i32
    %dma_wait3A_216 = tpu.memref_slice %arg5[%dma_wait3A_209, %dma_wait3A_215] : memref<3x128xi32, #tpu.memory_space<vmem>> -> memref<1x128xi32, #tpu.memory_space<vmem>>
    %dma_wait3A_217 = tpu.memref_squeeze %dma_wait3A_216 : memref<1x128xi32, #tpu.memory_space<vmem>> -> memref<128xi32, #tpu.memory_space<vmem>>
    %dma_wait3A_218 = arith.constant 0 : i32
    %dma_wait3A_219 = arith.constant 0 : i32
    %dma_wait3A_220 = tpu.memref_slice %arg7[%dma_wait3A_218, %dma_wait3A_219] : memref<8192x64xf32, #tpu.memory_space<vmem_shared>> -> memref<8192x64xf32, #tpu.memory_space<vmem_shared>>
    tpu.wait_indirect_dma semaphore(%arg13 : memref<!tpu.dma_semaphore, #tpu.memory_space<semaphore_mem>>) src(%dma_wait3A_220 : memref<8192x64xf32, #tpu.memory_space<vmem_shared>>) dst(%dma_wait3A_214 : memref<128x64xf32, #tpu.memory_space<vmem>>)
    %add3A_221 = arith.constant 256 : i32
    %add3A_222 = arith.addi %mul3A_2, %add3A_221 : i32
    %dma_start3A_223 = arith.constant 2 : i32
    %dma_start3A_224 = arith.constant 0 : i32
    %dma_start3A_225 = arith.constant 0 : i32
    %dma_start3A_226 = tpu.memref_slice %arg6[%dma_start3A_223, %dma_start3A_224, %dma_start3A_225] : memref<3x128x64xf32, #tpu.memory_space<vmem>> -> memref<1x128x64xf32, #tpu.memory_space<vmem>>
    %dma_start3A_227 = tpu.memref_squeeze %dma_start3A_226 : memref<1x128x64xf32, #tpu.memory_space<vmem>> -> memref<128x64xf32, #tpu.memory_space<vmem>>
    %dma_start3A_228 = arith.constant 0 : i32
    %dma_start3A_229 = tpu.memref_slice %arg4[%add3A_222, %dma_start3A_228] : memref<98304x64xf32, #tpu.memory_space<hbm>> -> memref<128x64xf32, #tpu.memory_space<hbm>>
    %dma_start3A_230 = arith.constant 0 : i32
    %dma_start3A_231 = tpu.memref_slice %arg4[%add3A_222, %dma_start3A_230] : memref<98304x64xf32, #tpu.memory_space<hbm>> -> memref<128x64xf32, #tpu.memory_space<hbm>>
    %dma_start3A_232 = arith.constant 0 : i32
    %dma_start3A_233 = arith.constant 0 : i32
    %dma_start3A_234 = tpu.memref_slice %arg6[%dma_start3A_223, %dma_start3A_232, %dma_start3A_233] : memref<3x128x64xf32, #tpu.memory_space<vmem>> -> memref<1x128x64xf32, #tpu.memory_space<vmem>>
    %dma_start3A_235 = tpu.memref_squeeze %dma_start3A_234 : memref<1x128x64xf32, #tpu.memory_space<vmem>> -> memref<128x64xf32, #tpu.memory_space<vmem>>
    tpu.enqueue_dma source(%dma_start3A_235 : memref<128x64xf32, #tpu.memory_space<vmem>>) target(%dma_start3A_231 : memref<128x64xf32, #tpu.memory_space<hbm>>) target_semaphore(%arg16 : memref<!tpu.dma_semaphore, #tpu.memory_space<semaphore_mem>>)
    %add3A_236 = arith.constant 640 : i32
    %add3A_237 = arith.addi %mul3A_2, %add3A_236 : i32
    %dma_start3A_238 = arith.constant 2 : i32
    %dma_start3A_239 = arith.constant 0 : i32
    %dma_start3A_240 = tpu.memref_slice %arg5[%dma_start3A_238, %dma_start3A_239] : memref<3x128xi32, #tpu.memory_space<vmem>> -> memref<1x128xi32, #tpu.memory_space<vmem>>
    %dma_start3A_241 = tpu.memref_squeeze %dma_start3A_240 : memref<1x128xi32, #tpu.memory_space<vmem>> -> memref<128xi32, #tpu.memory_space<vmem>>
    %dma_start3A_242 = tpu.memref_slice %arg2[%add3A_237] : memref<98304xi32, #tpu.memory_space<hbm>> -> memref<128xi32, #tpu.memory_space<hbm>>
    %dma_start3A_243 = arith.constant 0 : i32
    %dma_start3A_244 = tpu.memref_slice %arg5[%dma_start3A_238, %dma_start3A_243] : memref<3x128xi32, #tpu.memory_space<vmem>> -> memref<1x128xi32, #tpu.memory_space<vmem>>
    %dma_start3A_245 = tpu.memref_squeeze %dma_start3A_244 : memref<1x128xi32, #tpu.memory_space<vmem>> -> memref<128xi32, #tpu.memory_space<vmem>>
    %dma_start3A_246 = tpu.memref_slice %arg2[%add3A_237] : memref<98304xi32, #tpu.memory_space<hbm>> -> memref<128xi32, #tpu.memory_space<hbm>>
    tpu.enqueue_dma source(%dma_start3A_246 : memref<128xi32, #tpu.memory_space<hbm>>) target(%dma_start3A_245 : memref<128xi32, #tpu.memory_space<vmem>>) target_semaphore(%arg10 : memref<!tpu.dma_semaphore, #tpu.memory_space<semaphore_mem>>)
    %dma_wait3A_247 = arith.constant 1 : i32
    %dma_wait3A_248 = arith.constant 0 : i32
    %dma_wait3A_249 = tpu.memref_slice %arg5[%dma_wait3A_247, %dma_wait3A_248] : memref<3x128xi32, #tpu.memory_space<vmem>> -> memref<1x128xi32, #tpu.memory_space<vmem>>
    %dma_wait3A_250 = tpu.memref_squeeze %dma_wait3A_249 : memref<1x128xi32, #tpu.memory_space<vmem>> -> memref<128xi32, #tpu.memory_space<vmem>>
    %dma_wait3A_251 = tpu.memref_slice %arg2[%add3A_165] : memref<98304xi32, #tpu.memory_space<hbm>> -> memref<128xi32, #tpu.memory_space<hbm>>
    %dma_wait3A_252 = arith.constant 0 : i32
    %dma_wait3A_253 = tpu.memref_slice %arg5[%dma_wait3A_247, %dma_wait3A_252] : memref<3x128xi32, #tpu.memory_space<vmem>> -> memref<1x128xi32, #tpu.memory_space<vmem>>
    %dma_wait3A_254 = tpu.memref_squeeze %dma_wait3A_253 : memref<1x128xi32, #tpu.memory_space<vmem>> -> memref<128xi32, #tpu.memory_space<vmem>>
    %dma_wait3A_255 = tpu.memref_slice %arg2[%add3A_165] : memref<98304xi32, #tpu.memory_space<hbm>> -> memref<128xi32, #tpu.memory_space<hbm>>
    tpu.wait_dma2 semaphore(%arg9 : memref<!tpu.dma_semaphore, #tpu.memory_space<semaphore_mem>>) src(%dma_wait3A_255 : memref<128xi32, #tpu.memory_space<hbm>>) dst(%dma_wait3A_254 : memref<128xi32, #tpu.memory_space<vmem>>)
    %dma_wait3A_256 = arith.constant 1 : i32
    %dma_wait3A_257 = arith.constant 0 : i32
    %dma_wait3A_258 = arith.constant 0 : i32
    %dma_wait3A_259 = tpu.memref_slice %arg6[%dma_wait3A_256, %dma_wait3A_257, %dma_wait3A_258] : memref<3x128x64xf32, #tpu.memory_space<vmem>> -> memref<1x128x64xf32, #tpu.memory_space<vmem>>
    %dma_wait3A_260 = tpu.memref_squeeze %dma_wait3A_259 : memref<1x128x64xf32, #tpu.memory_space<vmem>> -> memref<128x64xf32, #tpu.memory_space<vmem>>
    %dma_wait3A_261 = arith.constant 0 : i32
    %dma_wait3A_262 = tpu.memref_slice %arg4[%add3A_150, %dma_wait3A_261] : memref<98304x64xf32, #tpu.memory_space<hbm>> -> memref<128x64xf32, #tpu.memory_space<hbm>>
    %dma_wait3A_263 = arith.constant 0 : i32
    %dma_wait3A_264 = tpu.memref_slice %arg4[%add3A_150, %dma_wait3A_263] : memref<98304x64xf32, #tpu.memory_space<hbm>> -> memref<128x64xf32, #tpu.memory_space<hbm>>
    %dma_wait3A_265 = arith.constant 0 : i32
    %dma_wait3A_266 = arith.constant 0 : i32
    %dma_wait3A_267 = tpu.memref_slice %arg6[%dma_wait3A_256, %dma_wait3A_265, %dma_wait3A_266] : memref<3x128x64xf32, #tpu.memory_space<vmem>> -> memref<1x128x64xf32, #tpu.memory_space<vmem>>
    %dma_wait3A_268 = tpu.memref_squeeze %dma_wait3A_267 : memref<1x128x64xf32, #tpu.memory_space<vmem>> -> memref<128x64xf32, #tpu.memory_space<vmem>>
    tpu.wait_dma2 semaphore(%arg15 : memref<!tpu.dma_semaphore, #tpu.memory_space<semaphore_mem>>) src(%dma_wait3A_268 : memref<128x64xf32, #tpu.memory_space<vmem>>) dst(%dma_wait3A_264 : memref<128x64xf32, #tpu.memory_space<hbm>>)
    %dma_start3A_269 = arith.constant 1 : i32
    %dma_start3A_270 = arith.constant 1 : i32
    %dma_start3A_271 = arith.constant 0 : i32
    %dma_start3A_272 = arith.constant 0 : i32
    %dma_start3A_273 = tpu.memref_slice %arg6[%dma_start3A_270, %dma_start3A_271, %dma_start3A_272] : memref<3x128x64xf32, #tpu.memory_space<vmem>> -> memref<1x128x64xf32, #tpu.memory_space<vmem>>
    %dma_start3A_274 = tpu.memref_squeeze %dma_start3A_273 : memref<1x128x64xf32, #tpu.memory_space<vmem>> -> memref<128x64xf32, #tpu.memory_space<vmem>>
    %dma_start3A_275 = arith.constant 0 : i32
    %dma_start3A_276 = tpu.memref_slice %arg5[%dma_start3A_269, %dma_start3A_275] : memref<3x128xi32, #tpu.memory_space<vmem>> -> memref<1x128xi32, #tpu.memory_space<vmem>>
    %dma_start3A_277 = tpu.memref_squeeze %dma_start3A_276 : memref<1x128xi32, #tpu.memory_space<vmem>> -> memref<128xi32, #tpu.memory_space<vmem>>
    %dma_start3A_278 = arith.constant 0 : i32
    %dma_start3A_279 = arith.constant 0 : i32
    %dma_start3A_280 = tpu.memref_slice %arg7[%dma_start3A_278, %dma_start3A_279] : memref<8192x64xf32, #tpu.memory_space<vmem_shared>> -> memref<8192x64xf32, #tpu.memory_space<vmem_shared>>
    tpu.enqueue_indirect_dma source(%dma_start3A_280 : memref<8192x64xf32, #tpu.memory_space<vmem_shared>>) target(%dma_start3A_274 : memref<128x64xf32, #tpu.memory_space<vmem>>) offsets(%dma_start3A_277 : memref<128xi32, #tpu.memory_space<vmem>>) semaphore(%arg12 : memref<!tpu.dma_semaphore, #tpu.memory_space<semaphore_mem>>)
    %dma_wait3A_281 = arith.constant 0 : i32
    %dma_wait3A_282 = arith.constant 0 : i32
    %dma_wait3A_283 = arith.constant 0 : i32
    %dma_wait3A_284 = arith.constant 0 : i32
    %dma_wait3A_285 = tpu.memref_slice %arg6[%dma_wait3A_282, %dma_wait3A_283, %dma_wait3A_284] : memref<3x128x64xf32, #tpu.memory_space<vmem>> -> memref<1x128x64xf32, #tpu.memory_space<vmem>>
    %dma_wait3A_286 = tpu.memref_squeeze %dma_wait3A_285 : memref<1x128x64xf32, #tpu.memory_space<vmem>> -> memref<128x64xf32, #tpu.memory_space<vmem>>
    %dma_wait3A_287 = arith.constant 0 : i32
    %dma_wait3A_288 = tpu.memref_slice %arg5[%dma_wait3A_281, %dma_wait3A_287] : memref<3x128xi32, #tpu.memory_space<vmem>> -> memref<1x128xi32, #tpu.memory_space<vmem>>
    %dma_wait3A_289 = tpu.memref_squeeze %dma_wait3A_288 : memref<1x128xi32, #tpu.memory_space<vmem>> -> memref<128xi32, #tpu.memory_space<vmem>>
    %dma_wait3A_290 = arith.constant 0 : i32
    %dma_wait3A_291 = arith.constant 0 : i32
    %dma_wait3A_292 = tpu.memref_slice %arg7[%dma_wait3A_290, %dma_wait3A_291] : memref<8192x64xf32, #tpu.memory_space<vmem_shared>> -> memref<8192x64xf32, #tpu.memory_space<vmem_shared>>
    tpu.wait_indirect_dma semaphore(%arg11 : memref<!tpu.dma_semaphore, #tpu.memory_space<semaphore_mem>>) src(%dma_wait3A_292 : memref<8192x64xf32, #tpu.memory_space<vmem_shared>>) dst(%dma_wait3A_286 : memref<128x64xf32, #tpu.memory_space<vmem>>)
    %add3A_293 = arith.constant 384 : i32
    %add3A_294 = arith.addi %mul3A_2, %add3A_293 : i32
    %dma_start3A_295 = arith.constant 0 : i32
    %dma_start3A_296 = arith.constant 0 : i32
    %dma_start3A_297 = arith.constant 0 : i32
    %dma_start3A_298 = tpu.memref_slice %arg6[%dma_start3A_295, %dma_start3A_296, %dma_start3A_297] : memref<3x128x64xf32, #tpu.memory_space<vmem>> -> memref<1x128x64xf32, #tpu.memory_space<vmem>>
    %dma_start3A_299 = tpu.memref_squeeze %dma_start3A_298 : memref<1x128x64xf32, #tpu.memory_space<vmem>> -> memref<128x64xf32, #tpu.memory_space<vmem>>
    %dma_start3A_300 = arith.constant 0 : i32
    %dma_start3A_301 = tpu.memref_slice %arg4[%add3A_294, %dma_start3A_300] : memref<98304x64xf32, #tpu.memory_space<hbm>> -> memref<128x64xf32, #tpu.memory_space<hbm>>
    %dma_start3A_302 = arith.constant 0 : i32
    %dma_start3A_303 = tpu.memref_slice %arg4[%add3A_294, %dma_start3A_302] : memref<98304x64xf32, #tpu.memory_space<hbm>> -> memref<128x64xf32, #tpu.memory_space<hbm>>
    %dma_start3A_304 = arith.constant 0 : i32
    %dma_start3A_305 = arith.constant 0 : i32
    %dma_start3A_306 = tpu.memref_slice %arg6[%dma_start3A_295, %dma_start3A_304, %dma_start3A_305] : memref<3x128x64xf32, #tpu.memory_space<vmem>> -> memref<1x128x64xf32, #tpu.memory_space<vmem>>
    %dma_start3A_307 = tpu.memref_squeeze %dma_start3A_306 : memref<1x128x64xf32, #tpu.memory_space<vmem>> -> memref<128x64xf32, #tpu.memory_space<vmem>>
    tpu.enqueue_dma source(%dma_start3A_307 : memref<128x64xf32, #tpu.memory_space<vmem>>) target(%dma_start3A_303 : memref<128x64xf32, #tpu.memory_space<hbm>>) target_semaphore(%arg14 : memref<!tpu.dma_semaphore, #tpu.memory_space<semaphore_mem>>)
    %add3A_308 = arith.constant 768 : i32
    %add3A_309 = arith.addi %mul3A_2, %add3A_308 : i32
    %dma_start3A_310 = arith.constant 0 : i32
    %dma_start3A_311 = arith.constant 0 : i32
    %dma_start3A_312 = tpu.memref_slice %arg5[%dma_start3A_310, %dma_start3A_311] : memref<3x128xi32, #tpu.memory_space<vmem>> -> memref<1x128xi32, #tpu.memory_space<vmem>>
    %dma_start3A_313 = tpu.memref_squeeze %dma_start3A_312 : memref<1x128xi32, #tpu.memory_space<vmem>> -> memref<128xi32, #tpu.memory_space<vmem>>
    %dma_start3A_314 = tpu.memref_slice %arg2[%add3A_309] : memref<98304xi32, #tpu.memory_space<hbm>> -> memref<128xi32, #tpu.memory_space<hbm>>
    %dma_start3A_315 = arith.constant 0 : i32
    %dma_start3A_316 = tpu.memref_slice %arg5[%dma_start3A_310, %dma_start3A_315] : memref<3x128xi32, #tpu.memory_space<vmem>> -> memref<1x128xi32, #tpu.memory_space<vmem>>
    %dma_start3A_317 = tpu.memref_squeeze %dma_start3A_316 : memref<1x128xi32, #tpu.memory_space<vmem>> -> memref<128xi32, #tpu.memory_space<vmem>>
    %dma_start3A_318 = tpu.memref_slice %arg2[%add3A_309] : memref<98304xi32, #tpu.memory_space<hbm>> -> memref<128xi32, #tpu.memory_space<hbm>>
    tpu.enqueue_dma source(%dma_start3A_318 : memref<128xi32, #tpu.memory_space<hbm>>) target(%dma_start3A_317 : memref<128xi32, #tpu.memory_space<vmem>>) target_semaphore(%arg8 : memref<!tpu.dma_semaphore, #tpu.memory_space<semaphore_mem>>)
    %dma_wait3A_319 = arith.constant 2 : i32
    %dma_wait3A_320 = arith.constant 0 : i32
    %dma_wait3A_321 = tpu.memref_slice %arg5[%dma_wait3A_319, %dma_wait3A_320] : memref<3x128xi32, #tpu.memory_space<vmem>> -> memref<1x128xi32, #tpu.memory_space<vmem>>
    %dma_wait3A_322 = tpu.memref_squeeze %dma_wait3A_321 : memref<1x128xi32, #tpu.memory_space<vmem>> -> memref<128xi32, #tpu.memory_space<vmem>>
    %dma_wait3A_323 = tpu.memref_slice %arg2[%add3A_237] : memref<98304xi32, #tpu.memory_space<hbm>> -> memref<128xi32, #tpu.memory_space<hbm>>
    %dma_wait3A_324 = arith.constant 0 : i32
    %dma_wait3A_325 = tpu.memref_slice %arg5[%dma_wait3A_319, %dma_wait3A_324] : memref<3x128xi32, #tpu.memory_space<vmem>> -> memref<1x128xi32, #tpu.memory_space<vmem>>
    %dma_wait3A_326 = tpu.memref_squeeze %dma_wait3A_325 : memref<1x128xi32, #tpu.memory_space<vmem>> -> memref<128xi32, #tpu.memory_space<vmem>>
    %dma_wait3A_327 = tpu.memref_slice %arg2[%add3A_237] : memref<98304xi32, #tpu.memory_space<hbm>> -> memref<128xi32, #tpu.memory_space<hbm>>
    tpu.wait_dma2 semaphore(%arg10 : memref<!tpu.dma_semaphore, #tpu.memory_space<semaphore_mem>>) src(%dma_wait3A_327 : memref<128xi32, #tpu.memory_space<hbm>>) dst(%dma_wait3A_326 : memref<128xi32, #tpu.memory_space<vmem>>)
    %dma_wait3A_328 = arith.constant 2 : i32
    %dma_wait3A_329 = arith.constant 0 : i32
    %dma_wait3A_330 = arith.constant 0 : i32
    %dma_wait3A_331 = tpu.memref_slice %arg6[%dma_wait3A_328, %dma_wait3A_329, %dma_wait3A_330] : memref<3x128x64xf32, #tpu.memory_space<vmem>> -> memref<1x128x64xf32, #tpu.memory_space<vmem>>
    %dma_wait3A_332 = tpu.memref_squeeze %dma_wait3A_331 : memref<1x128x64xf32, #tpu.memory_space<vmem>> -> memref<128x64xf32, #tpu.memory_space<vmem>>
    %dma_wait3A_333 = arith.constant 0 : i32
    %dma_wait3A_334 = tpu.memref_slice %arg4[%add3A_222, %dma_wait3A_333] : memref<98304x64xf32, #tpu.memory_space<hbm>> -> memref<128x64xf32, #tpu.memory_space<hbm>>
    %dma_wait3A_335 = arith.constant 0 : i32
    %dma_wait3A_336 = tpu.memref_slice %arg4[%add3A_222, %dma_wait3A_335] : memref<98304x64xf32, #tpu.memory_space<hbm>> -> memref<128x64xf32, #tpu.memory_space<hbm>>
    %dma_wait3A_337 = arith.constant 0 : i32
    %dma_wait3A_338 = arith.constant 0 : i32
    %dma_wait3A_339 = tpu.memref_slice %arg6[%dma_wait3A_328, %dma_wait3A_337, %dma_wait3A_338] : memref<3x128x64xf32, #tpu.memory_space<vmem>> -> memref<1x128x64xf32, #tpu.memory_space<vmem>>
    %dma_wait3A_340 = tpu.memref_squeeze %dma_wait3A_339 : memref<1x128x64xf32, #tpu.memory_space<vmem>> -> memref<128x64xf32, #tpu.memory_space<vmem>>
    tpu.wait_dma2 semaphore(%arg16 : memref<!tpu.dma_semaphore, #tpu.memory_space<semaphore_mem>>) src(%dma_wait3A_340 : memref<128x64xf32, #tpu.memory_space<vmem>>) dst(%dma_wait3A_336 : memref<128x64xf32, #tpu.memory_space<hbm>>)
    %dma_start3A_341 = arith.constant 2 : i32
    %dma_start3A_342 = arith.constant 2 : i32
    %dma_start3A_343 = arith.constant 0 : i32
    %dma_start3A_344 = arith.constant 0 : i32
    %dma_start3A_345 = tpu.memref_slice %arg6[%dma_start3A_342, %dma_start3A_343, %dma_start3A_344] : memref<3x128x64xf32, #tpu.memory_space<vmem>> -> memref<1x128x64xf32, #tpu.memory_space<vmem>>
    %dma_start3A_346 = tpu.memref_squeeze %dma_start3A_345 : memref<1x128x64xf32, #tpu.memory_space<vmem>> -> memref<128x64xf32, #tpu.memory_space<vmem>>
    %dma_start3A_347 = arith.constant 0 : i32
    %dma_start3A_348 = tpu.memref_slice %arg5[%dma_start3A_341, %dma_start3A_347] : memref<3x128xi32, #tpu.memory_space<vmem>> -> memref<1x128xi32, #tpu.memory_space<vmem>>
    %dma_start3A_349 = tpu.memref_squeeze %dma_start3A_348 : memref<1x128xi32, #tpu.memory_space<vmem>> -> memref<128xi32, #tpu.memory_space<vmem>>
    %dma_start3A_350 = arith.constant 0 : i32
    %dma_start3A_351 = arith.constant 0 : i32
    %dma_start3A_352 = tpu.memref_slice %arg7[%dma_start3A_350, %dma_start3A_351] : memref<8192x64xf32, #tpu.memory_space<vmem_shared>> -> memref<8192x64xf32, #tpu.memory_space<vmem_shared>>
    tpu.enqueue_indirect_dma source(%dma_start3A_352 : memref<8192x64xf32, #tpu.memory_space<vmem_shared>>) target(%dma_start3A_346 : memref<128x64xf32, #tpu.memory_space<vmem>>) offsets(%dma_start3A_349 : memref<128xi32, #tpu.memory_space<vmem>>) semaphore(%arg13 : memref<!tpu.dma_semaphore, #tpu.memory_space<semaphore_mem>>)
    %dma_wait3A_353 = arith.constant 1 : i32
    %dma_wait3A_354 = arith.constant 1 : i32
    %dma_wait3A_355 = arith.constant 0 : i32
    %dma_wait3A_356 = arith.constant 0 : i32
    %dma_wait3A_357 = tpu.memref_slice %arg6[%dma_wait3A_354, %dma_wait3A_355, %dma_wait3A_356] : memref<3x128x64xf32, #tpu.memory_space<vmem>> -> memref<1x128x64xf32, #tpu.memory_space<vmem>>
    %dma_wait3A_358 = tpu.memref_squeeze %dma_wait3A_357 : memref<1x128x64xf32, #tpu.memory_space<vmem>> -> memref<128x64xf32, #tpu.memory_space<vmem>>
    %dma_wait3A_359 = arith.constant 0 : i32
    %dma_wait3A_360 = tpu.memref_slice %arg5[%dma_wait3A_353, %dma_wait3A_359] : memref<3x128xi32, #tpu.memory_space<vmem>> -> memref<1x128xi32, #tpu.memory_space<vmem>>
    %dma_wait3A_361 = tpu.memref_squeeze %dma_wait3A_360 : memref<1x128xi32, #tpu.memory_space<vmem>> -> memref<128xi32, #tpu.memory_space<vmem>>
    %dma_wait3A_362 = arith.constant 0 : i32
    %dma_wait3A_363 = arith.constant 0 : i32
    %dma_wait3A_364 = tpu.memref_slice %arg7[%dma_wait3A_362, %dma_wait3A_363] : memref<8192x64xf32, #tpu.memory_space<vmem_shared>> -> memref<8192x64xf32, #tpu.memory_space<vmem_shared>>
    tpu.wait_indirect_dma semaphore(%arg12 : memref<!tpu.dma_semaphore, #tpu.memory_space<semaphore_mem>>) src(%dma_wait3A_364 : memref<8192x64xf32, #tpu.memory_space<vmem_shared>>) dst(%dma_wait3A_358 : memref<128x64xf32, #tpu.memory_space<vmem>>)
    %add3A_365 = arith.constant 512 : i32
    %add3A_366 = arith.addi %mul3A_2, %add3A_365 : i32
    %dma_start3A_367 = arith.constant 1 : i32
    %dma_start3A_368 = arith.constant 0 : i32
    %dma_start3A_369 = arith.constant 0 : i32
    %dma_start3A_370 = tpu.memref_slice %arg6[%dma_start3A_367, %dma_start3A_368, %dma_start3A_369] : memref<3x128x64xf32, #tpu.memory_space<vmem>> -> memref<1x128x64xf32, #tpu.memory_space<vmem>>
    %dma_start3A_371 = tpu.memref_squeeze %dma_start3A_370 : memref<1x128x64xf32, #tpu.memory_space<vmem>> -> memref<128x64xf32, #tpu.memory_space<vmem>>
    %dma_start3A_372 = arith.constant 0 : i32
    %dma_start3A_373 = tpu.memref_slice %arg4[%add3A_366, %dma_start3A_372] : memref<98304x64xf32, #tpu.memory_space<hbm>> -> memref<128x64xf32, #tpu.memory_space<hbm>>
    %dma_start3A_374 = arith.constant 0 : i32
    %dma_start3A_375 = tpu.memref_slice %arg4[%add3A_366, %dma_start3A_374] : memref<98304x64xf32, #tpu.memory_space<hbm>> -> memref<128x64xf32, #tpu.memory_space<hbm>>
    %dma_start3A_376 = arith.constant 0 : i32
    %dma_start3A_377 = arith.constant 0 : i32
    %dma_start3A_378 = tpu.memref_slice %arg6[%dma_start3A_367, %dma_start3A_376, %dma_start3A_377] : memref<3x128x64xf32, #tpu.memory_space<vmem>> -> memref<1x128x64xf32, #tpu.memory_space<vmem>>
    %dma_start3A_379 = tpu.memref_squeeze %dma_start3A_378 : memref<1x128x64xf32, #tpu.memory_space<vmem>> -> memref<128x64xf32, #tpu.memory_space<vmem>>
    tpu.enqueue_dma source(%dma_start3A_379 : memref<128x64xf32, #tpu.memory_space<vmem>>) target(%dma_start3A_375 : memref<128x64xf32, #tpu.memory_space<hbm>>) target_semaphore(%arg15 : memref<!tpu.dma_semaphore, #tpu.memory_space<semaphore_mem>>)
    %add3A_380 = arith.constant 896 : i32
    %add3A_381 = arith.addi %mul3A_2, %add3A_380 : i32
    %dma_start3A_382 = arith.constant 1 : i32
    %dma_start3A_383 = arith.constant 0 : i32
    %dma_start3A_384 = tpu.memref_slice %arg5[%dma_start3A_382, %dma_start3A_383] : memref<3x128xi32, #tpu.memory_space<vmem>> -> memref<1x128xi32, #tpu.memory_space<vmem>>
    %dma_start3A_385 = tpu.memref_squeeze %dma_start3A_384 : memref<1x128xi32, #tpu.memory_space<vmem>> -> memref<128xi32, #tpu.memory_space<vmem>>
    %dma_start3A_386 = tpu.memref_slice %arg2[%add3A_381] : memref<98304xi32, #tpu.memory_space<hbm>> -> memref<128xi32, #tpu.memory_space<hbm>>
    %dma_start3A_387 = arith.constant 0 : i32
    %dma_start3A_388 = tpu.memref_slice %arg5[%dma_start3A_382, %dma_start3A_387] : memref<3x128xi32, #tpu.memory_space<vmem>> -> memref<1x128xi32, #tpu.memory_space<vmem>>
    %dma_start3A_389 = tpu.memref_squeeze %dma_start3A_388 : memref<1x128xi32, #tpu.memory_space<vmem>> -> memref<128xi32, #tpu.memory_space<vmem>>
    %dma_start3A_390 = tpu.memref_slice %arg2[%add3A_381] : memref<98304xi32, #tpu.memory_space<hbm>> -> memref<128xi32, #tpu.memory_space<hbm>>
    tpu.enqueue_dma source(%dma_start3A_390 : memref<128xi32, #tpu.memory_space<hbm>>) target(%dma_start3A_389 : memref<128xi32, #tpu.memory_space<vmem>>) target_semaphore(%arg9 : memref<!tpu.dma_semaphore, #tpu.memory_space<semaphore_mem>>)
    %dma_wait3A_391 = arith.constant 0 : i32
    %dma_wait3A_392 = arith.constant 0 : i32
    %dma_wait3A_393 = tpu.memref_slice %arg5[%dma_wait3A_391, %dma_wait3A_392] : memref<3x128xi32, #tpu.memory_space<vmem>> -> memref<1x128xi32, #tpu.memory_space<vmem>>
    %dma_wait3A_394 = tpu.memref_squeeze %dma_wait3A_393 : memref<1x128xi32, #tpu.memory_space<vmem>> -> memref<128xi32, #tpu.memory_space<vmem>>
    %dma_wait3A_395 = tpu.memref_slice %arg2[%add3A_309] : memref<98304xi32, #tpu.memory_space<hbm>> -> memref<128xi32, #tpu.memory_space<hbm>>
    %dma_wait3A_396 = arith.constant 0 : i32
    %dma_wait3A_397 = tpu.memref_slice %arg5[%dma_wait3A_391, %dma_wait3A_396] : memref<3x128xi32, #tpu.memory_space<vmem>> -> memref<1x128xi32, #tpu.memory_space<vmem>>
    %dma_wait3A_398 = tpu.memref_squeeze %dma_wait3A_397 : memref<1x128xi32, #tpu.memory_space<vmem>> -> memref<128xi32, #tpu.memory_space<vmem>>
    %dma_wait3A_399 = tpu.memref_slice %arg2[%add3A_309] : memref<98304xi32, #tpu.memory_space<hbm>> -> memref<128xi32, #tpu.memory_space<hbm>>
    tpu.wait_dma2 semaphore(%arg8 : memref<!tpu.dma_semaphore, #tpu.memory_space<semaphore_mem>>) src(%dma_wait3A_399 : memref<128xi32, #tpu.memory_space<hbm>>) dst(%dma_wait3A_398 : memref<128xi32, #tpu.memory_space<vmem>>)
    %dma_wait3A_400 = arith.constant 0 : i32
    %dma_wait3A_401 = arith.constant 0 : i32
    %dma_wait3A_402 = arith.constant 0 : i32
    %dma_wait3A_403 = tpu.memref_slice %arg6[%dma_wait3A_400, %dma_wait3A_401, %dma_wait3A_402] : memref<3x128x64xf32, #tpu.memory_space<vmem>> -> memref<1x128x64xf32, #tpu.memory_space<vmem>>
    %dma_wait3A_404 = tpu.memref_squeeze %dma_wait3A_403 : memref<1x128x64xf32, #tpu.memory_space<vmem>> -> memref<128x64xf32, #tpu.memory_space<vmem>>
    %dma_wait3A_405 = arith.constant 0 : i32
    %dma_wait3A_406 = tpu.memref_slice %arg4[%add3A_294, %dma_wait3A_405] : memref<98304x64xf32, #tpu.memory_space<hbm>> -> memref<128x64xf32, #tpu.memory_space<hbm>>
    %dma_wait3A_407 = arith.constant 0 : i32
    %dma_wait3A_408 = tpu.memref_slice %arg4[%add3A_294, %dma_wait3A_407] : memref<98304x64xf32, #tpu.memory_space<hbm>> -> memref<128x64xf32, #tpu.memory_space<hbm>>
    %dma_wait3A_409 = arith.constant 0 : i32
    %dma_wait3A_410 = arith.constant 0 : i32
    %dma_wait3A_411 = tpu.memref_slice %arg6[%dma_wait3A_400, %dma_wait3A_409, %dma_wait3A_410] : memref<3x128x64xf32, #tpu.memory_space<vmem>> -> memref<1x128x64xf32, #tpu.memory_space<vmem>>
    %dma_wait3A_412 = tpu.memref_squeeze %dma_wait3A_411 : memref<1x128x64xf32, #tpu.memory_space<vmem>> -> memref<128x64xf32, #tpu.memory_space<vmem>>
    tpu.wait_dma2 semaphore(%arg14 : memref<!tpu.dma_semaphore, #tpu.memory_space<semaphore_mem>>) src(%dma_wait3A_412 : memref<128x64xf32, #tpu.memory_space<vmem>>) dst(%dma_wait3A_408 : memref<128x64xf32, #tpu.memory_space<hbm>>)
    %dma_start3A_413 = arith.constant 0 : i32
    %dma_start3A_414 = arith.constant 0 : i32
    %dma_start3A_415 = arith.constant 0 : i32
    %dma_start3A_416 = arith.constant 0 : i32
    %dma_start3A_417 = tpu.memref_slice %arg6[%dma_start3A_414, %dma_start3A_415, %dma_start3A_416] : memref<3x128x64xf32, #tpu.memory_space<vmem>> -> memref<1x128x64xf32, #tpu.memory_space<vmem>>
    %dma_start3A_418 = tpu.memref_squeeze %dma_start3A_417 : memref<1x128x64xf32, #tpu.memory_space<vmem>> -> memref<128x64xf32, #tpu.memory_space<vmem>>
    %dma_start3A_419 = arith.constant 0 : i32
    %dma_start3A_420 = tpu.memref_slice %arg5[%dma_start3A_413, %dma_start3A_419] : memref<3x128xi32, #tpu.memory_space<vmem>> -> memref<1x128xi32, #tpu.memory_space<vmem>>
    %dma_start3A_421 = tpu.memref_squeeze %dma_start3A_420 : memref<1x128xi32, #tpu.memory_space<vmem>> -> memref<128xi32, #tpu.memory_space<vmem>>
    %dma_start3A_422 = arith.constant 0 : i32
    %dma_start3A_423 = arith.constant 0 : i32
    %dma_start3A_424 = tpu.memref_slice %arg7[%dma_start3A_422, %dma_start3A_423] : memref<8192x64xf32, #tpu.memory_space<vmem_shared>> -> memref<8192x64xf32, #tpu.memory_space<vmem_shared>>
    tpu.enqueue_indirect_dma source(%dma_start3A_424 : memref<8192x64xf32, #tpu.memory_space<vmem_shared>>) target(%dma_start3A_418 : memref<128x64xf32, #tpu.memory_space<vmem>>) offsets(%dma_start3A_421 : memref<128xi32, #tpu.memory_space<vmem>>) semaphore(%arg11 : memref<!tpu.dma_semaphore, #tpu.memory_space<semaphore_mem>>)
    %dma_wait3A_425 = arith.constant 2 : i32
    %dma_wait3A_426 = arith.constant 2 : i32
    %dma_wait3A_427 = arith.constant 0 : i32
    %dma_wait3A_428 = arith.constant 0 : i32
    %dma_wait3A_429 = tpu.memref_slice %arg6[%dma_wait3A_426, %dma_wait3A_427, %dma_wait3A_428] : memref<3x128x64xf32, #tpu.memory_space<vmem>> -> memref<1x128x64xf32, #tpu.memory_space<vmem>>
    %dma_wait3A_430 = tpu.memref_squeeze %dma_wait3A_429 : memref<1x128x64xf32, #tpu.memory_space<vmem>> -> memref<128x64xf32, #tpu.memory_space<vmem>>
    %dma_wait3A_431 = arith.constant 0 : i32
    %dma_wait3A_432 = tpu.memref_slice %arg5[%dma_wait3A_425, %dma_wait3A_431] : memref<3x128xi32, #tpu.memory_space<vmem>> -> memref<1x128xi32, #tpu.memory_space<vmem>>
    %dma_wait3A_433 = tpu.memref_squeeze %dma_wait3A_432 : memref<1x128xi32, #tpu.memory_space<vmem>> -> memref<128xi32, #tpu.memory_space<vmem>>
    %dma_wait3A_434 = arith.constant 0 : i32
    %dma_wait3A_435 = arith.constant 0 : i32
    %dma_wait3A_436 = tpu.memref_slice %arg7[%dma_wait3A_434, %dma_wait3A_435] : memref<8192x64xf32, #tpu.memory_space<vmem_shared>> -> memref<8192x64xf32, #tpu.memory_space<vmem_shared>>
    tpu.wait_indirect_dma semaphore(%arg13 : memref<!tpu.dma_semaphore, #tpu.memory_space<semaphore_mem>>) src(%dma_wait3A_436 : memref<8192x64xf32, #tpu.memory_space<vmem_shared>>) dst(%dma_wait3A_430 : memref<128x64xf32, #tpu.memory_space<vmem>>)
    %add3A_437 = arith.constant 640 : i32
    %add3A_438 = arith.addi %mul3A_2, %add3A_437 : i32
    %dma_start3A_439 = arith.constant 2 : i32
    %dma_start3A_440 = arith.constant 0 : i32
    %dma_start3A_441 = arith.constant 0 : i32
    %dma_start3A_442 = tpu.memref_slice %arg6[%dma_start3A_439, %dma_start3A_440, %dma_start3A_441] : memref<3x128x64xf32, #tpu.memory_space<vmem>> -> memref<1x128x64xf32, #tpu.memory_space<vmem>>
    %dma_start3A_443 = tpu.memref_squeeze %dma_start3A_442 : memref<1x128x64xf32, #tpu.memory_space<vmem>> -> memref<128x64xf32, #tpu.memory_space<vmem>>
    %dma_start3A_444 = arith.constant 0 : i32
    %dma_start3A_445 = tpu.memref_slice %arg4[%add3A_438, %dma_start3A_444] : memref<98304x64xf32, #tpu.memory_space<hbm>> -> memref<128x64xf32, #tpu.memory_space<hbm>>
    %dma_start3A_446 = arith.constant 0 : i32
    %dma_start3A_447 = tpu.memref_slice %arg4[%add3A_438, %dma_start3A_446] : memref<98304x64xf32, #tpu.memory_space<hbm>> -> memref<128x64xf32, #tpu.memory_space<hbm>>
    %dma_start3A_448 = arith.constant 0 : i32
    %dma_start3A_449 = arith.constant 0 : i32
    %dma_start3A_450 = tpu.memref_slice %arg6[%dma_start3A_439, %dma_start3A_448, %dma_start3A_449] : memref<3x128x64xf32, #tpu.memory_space<vmem>> -> memref<1x128x64xf32, #tpu.memory_space<vmem>>
    %dma_start3A_451 = tpu.memref_squeeze %dma_start3A_450 : memref<1x128x64xf32, #tpu.memory_space<vmem>> -> memref<128x64xf32, #tpu.memory_space<vmem>>
    tpu.enqueue_dma source(%dma_start3A_451 : memref<128x64xf32, #tpu.memory_space<vmem>>) target(%dma_start3A_447 : memref<128x64xf32, #tpu.memory_space<hbm>>) target_semaphore(%arg16 : memref<!tpu.dma_semaphore, #tpu.memory_space<semaphore_mem>>)
    %add3A_452 = arith.constant 1024 : i32
    %add3A_453 = arith.addi %mul3A_2, %add3A_452 : i32
    %dma_start3A_454 = arith.constant 2 : i32
    %dma_start3A_455 = arith.constant 0 : i32
    %dma_start3A_456 = tpu.memref_slice %arg5[%dma_start3A_454, %dma_start3A_455] : memref<3x128xi32, #tpu.memory_space<vmem>> -> memref<1x128xi32, #tpu.memory_space<vmem>>
    %dma_start3A_457 = tpu.memref_squeeze %dma_start3A_456 : memref<1x128xi32, #tpu.memory_space<vmem>> -> memref<128xi32, #tpu.memory_space<vmem>>
    %dma_start3A_458 = tpu.memref_slice %arg2[%add3A_453] : memref<98304xi32, #tpu.memory_space<hbm>> -> memref<128xi32, #tpu.memory_space<hbm>>
    %dma_start3A_459 = arith.constant 0 : i32
    %dma_start3A_460 = tpu.memref_slice %arg5[%dma_start3A_454, %dma_start3A_459] : memref<3x128xi32, #tpu.memory_space<vmem>> -> memref<1x128xi32, #tpu.memory_space<vmem>>
    %dma_start3A_461 = tpu.memref_squeeze %dma_start3A_460 : memref<1x128xi32, #tpu.memory_space<vmem>> -> memref<128xi32, #tpu.memory_space<vmem>>
    %dma_start3A_462 = tpu.memref_slice %arg2[%add3A_453] : memref<98304xi32, #tpu.memory_space<hbm>> -> memref<128xi32, #tpu.memory_space<hbm>>
    tpu.enqueue_dma source(%dma_start3A_462 : memref<128xi32, #tpu.memory_space<hbm>>) target(%dma_start3A_461 : memref<128xi32, #tpu.memory_space<vmem>>) target_semaphore(%arg10 : memref<!tpu.dma_semaphore, #tpu.memory_space<semaphore_mem>>)
    %dma_wait3A_463 = arith.constant 1 : i32
    %dma_wait3A_464 = arith.constant 0 : i32
    %dma_wait3A_465 = tpu.memref_slice %arg5[%dma_wait3A_463, %dma_wait3A_464] : memref<3x128xi32, #tpu.memory_space<vmem>> -> memref<1x128xi32, #tpu.memory_space<vmem>>
    %dma_wait3A_466 = tpu.memref_squeeze %dma_wait3A_465 : memref<1x128xi32, #tpu.memory_space<vmem>> -> memref<128xi32, #tpu.memory_space<vmem>>
    %dma_wait3A_467 = tpu.memref_slice %arg2[%add3A_381] : memref<98304xi32, #tpu.memory_space<hbm>> -> memref<128xi32, #tpu.memory_space<hbm>>
    %dma_wait3A_468 = arith.constant 0 : i32
    %dma_wait3A_469 = tpu.memref_slice %arg5[%dma_wait3A_463, %dma_wait3A_468] : memref<3x128xi32, #tpu.memory_space<vmem>> -> memref<1x128xi32, #tpu.memory_space<vmem>>
    %dma_wait3A_470 = tpu.memref_squeeze %dma_wait3A_469 : memref<1x128xi32, #tpu.memory_space<vmem>> -> memref<128xi32, #tpu.memory_space<vmem>>
    %dma_wait3A_471 = tpu.memref_slice %arg2[%add3A_381] : memref<98304xi32, #tpu.memory_space<hbm>> -> memref<128xi32, #tpu.memory_space<hbm>>
    tpu.wait_dma2 semaphore(%arg9 : memref<!tpu.dma_semaphore, #tpu.memory_space<semaphore_mem>>) src(%dma_wait3A_471 : memref<128xi32, #tpu.memory_space<hbm>>) dst(%dma_wait3A_470 : memref<128xi32, #tpu.memory_space<vmem>>)
    %dma_wait3A_472 = arith.constant 1 : i32
    %dma_wait3A_473 = arith.constant 0 : i32
    %dma_wait3A_474 = arith.constant 0 : i32
    %dma_wait3A_475 = tpu.memref_slice %arg6[%dma_wait3A_472, %dma_wait3A_473, %dma_wait3A_474] : memref<3x128x64xf32, #tpu.memory_space<vmem>> -> memref<1x128x64xf32, #tpu.memory_space<vmem>>
    %dma_wait3A_476 = tpu.memref_squeeze %dma_wait3A_475 : memref<1x128x64xf32, #tpu.memory_space<vmem>> -> memref<128x64xf32, #tpu.memory_space<vmem>>
    %dma_wait3A_477 = arith.constant 0 : i32
    %dma_wait3A_478 = tpu.memref_slice %arg4[%add3A_366, %dma_wait3A_477] : memref<98304x64xf32, #tpu.memory_space<hbm>> -> memref<128x64xf32, #tpu.memory_space<hbm>>
    %dma_wait3A_479 = arith.constant 0 : i32
    %dma_wait3A_480 = tpu.memref_slice %arg4[%add3A_366, %dma_wait3A_479] : memref<98304x64xf32, #tpu.memory_space<hbm>> -> memref<128x64xf32, #tpu.memory_space<hbm>>
    %dma_wait3A_481 = arith.constant 0 : i32
    %dma_wait3A_482 = arith.constant 0 : i32
    %dma_wait3A_483 = tpu.memref_slice %arg6[%dma_wait3A_472, %dma_wait3A_481, %dma_wait3A_482] : memref<3x128x64xf32, #tpu.memory_space<vmem>> -> memref<1x128x64xf32, #tpu.memory_space<vmem>>
    %dma_wait3A_484 = tpu.memref_squeeze %dma_wait3A_483 : memref<1x128x64xf32, #tpu.memory_space<vmem>> -> memref<128x64xf32, #tpu.memory_space<vmem>>
    tpu.wait_dma2 semaphore(%arg15 : memref<!tpu.dma_semaphore, #tpu.memory_space<semaphore_mem>>) src(%dma_wait3A_484 : memref<128x64xf32, #tpu.memory_space<vmem>>) dst(%dma_wait3A_480 : memref<128x64xf32, #tpu.memory_space<hbm>>)
    %dma_start3A_485 = arith.constant 1 : i32
    %dma_start3A_486 = arith.constant 1 : i32
    %dma_start3A_487 = arith.constant 0 : i32
    %dma_start3A_488 = arith.constant 0 : i32
    %dma_start3A_489 = tpu.memref_slice %arg6[%dma_start3A_486, %dma_start3A_487, %dma_start3A_488] : memref<3x128x64xf32, #tpu.memory_space<vmem>> -> memref<1x128x64xf32, #tpu.memory_space<vmem>>
    %dma_start3A_490 = tpu.memref_squeeze %dma_start3A_489 : memref<1x128x64xf32, #tpu.memory_space<vmem>> -> memref<128x64xf32, #tpu.memory_space<vmem>>
    %dma_start3A_491 = arith.constant 0 : i32
    %dma_start3A_492 = tpu.memref_slice %arg5[%dma_start3A_485, %dma_start3A_491] : memref<3x128xi32, #tpu.memory_space<vmem>> -> memref<1x128xi32, #tpu.memory_space<vmem>>
    %dma_start3A_493 = tpu.memref_squeeze %dma_start3A_492 : memref<1x128xi32, #tpu.memory_space<vmem>> -> memref<128xi32, #tpu.memory_space<vmem>>
    %dma_start3A_494 = arith.constant 0 : i32
    %dma_start3A_495 = arith.constant 0 : i32
    %dma_start3A_496 = tpu.memref_slice %arg7[%dma_start3A_494, %dma_start3A_495] : memref<8192x64xf32, #tpu.memory_space<vmem_shared>> -> memref<8192x64xf32, #tpu.memory_space<vmem_shared>>
    tpu.enqueue_indirect_dma source(%dma_start3A_496 : memref<8192x64xf32, #tpu.memory_space<vmem_shared>>) target(%dma_start3A_490 : memref<128x64xf32, #tpu.memory_space<vmem>>) offsets(%dma_start3A_493 : memref<128xi32, #tpu.memory_space<vmem>>) semaphore(%arg12 : memref<!tpu.dma_semaphore, #tpu.memory_space<semaphore_mem>>)
    %dma_wait3A_497 = arith.constant 0 : i32
    %dma_wait3A_498 = arith.constant 0 : i32
    %dma_wait3A_499 = arith.constant 0 : i32
    %dma_wait3A_500 = arith.constant 0 : i32
    %dma_wait3A_501 = tpu.memref_slice %arg6[%dma_wait3A_498, %dma_wait3A_499, %dma_wait3A_500] : memref<3x128x64xf32, #tpu.memory_space<vmem>> -> memref<1x128x64xf32, #tpu.memory_space<vmem>>
    %dma_wait3A_502 = tpu.memref_squeeze %dma_wait3A_501 : memref<1x128x64xf32, #tpu.memory_space<vmem>> -> memref<128x64xf32, #tpu.memory_space<vmem>>
    %dma_wait3A_503 = arith.constant 0 : i32
    %dma_wait3A_504 = tpu.memref_slice %arg5[%dma_wait3A_497, %dma_wait3A_503] : memref<3x128xi32, #tpu.memory_space<vmem>> -> memref<1x128xi32, #tpu.memory_space<vmem>>
    %dma_wait3A_505 = tpu.memref_squeeze %dma_wait3A_504 : memref<1x128xi32, #tpu.memory_space<vmem>> -> memref<128xi32, #tpu.memory_space<vmem>>
    %dma_wait3A_506 = arith.constant 0 : i32
    %dma_wait3A_507 = arith.constant 0 : i32
    %dma_wait3A_508 = tpu.memref_slice %arg7[%dma_wait3A_506, %dma_wait3A_507] : memref<8192x64xf32, #tpu.memory_space<vmem_shared>> -> memref<8192x64xf32, #tpu.memory_space<vmem_shared>>
    tpu.wait_indirect_dma semaphore(%arg11 : memref<!tpu.dma_semaphore, #tpu.memory_space<semaphore_mem>>) src(%dma_wait3A_508 : memref<8192x64xf32, #tpu.memory_space<vmem_shared>>) dst(%dma_wait3A_502 : memref<128x64xf32, #tpu.memory_space<vmem>>)
    %add3A_509 = arith.constant 768 : i32
    %add3A_510 = arith.addi %mul3A_2, %add3A_509 : i32
    %dma_start3A_511 = arith.constant 0 : i32
    %dma_start3A_512 = arith.constant 0 : i32
    %dma_start3A_513 = arith.constant 0 : i32
    %dma_start3A_514 = tpu.memref_slice %arg6[%dma_start3A_511, %dma_start3A_512, %dma_start3A_513] : memref<3x128x64xf32, #tpu.memory_space<vmem>> -> memref<1x128x64xf32, #tpu.memory_space<vmem>>
    %dma_start3A_515 = tpu.memref_squeeze %dma_start3A_514 : memref<1x128x64xf32, #tpu.memory_space<vmem>> -> memref<128x64xf32, #tpu.memory_space<vmem>>
    %dma_start3A_516 = arith.constant 0 : i32
    %dma_start3A_517 = tpu.memref_slice %arg4[%add3A_510, %dma_start3A_516] : memref<98304x64xf32, #tpu.memory_space<hbm>> -> memref<128x64xf32, #tpu.memory_space<hbm>>
    %dma_start3A_518 = arith.constant 0 : i32
    %dma_start3A_519 = tpu.memref_slice %arg4[%add3A_510, %dma_start3A_518] : memref<98304x64xf32, #tpu.memory_space<hbm>> -> memref<128x64xf32, #tpu.memory_space<hbm>>
    %dma_start3A_520 = arith.constant 0 : i32
    %dma_start3A_521 = arith.constant 0 : i32
    %dma_start3A_522 = tpu.memref_slice %arg6[%dma_start3A_511, %dma_start3A_520, %dma_start3A_521] : memref<3x128x64xf32, #tpu.memory_space<vmem>> -> memref<1x128x64xf32, #tpu.memory_space<vmem>>
    %dma_start3A_523 = tpu.memref_squeeze %dma_start3A_522 : memref<1x128x64xf32, #tpu.memory_space<vmem>> -> memref<128x64xf32, #tpu.memory_space<vmem>>
    tpu.enqueue_dma source(%dma_start3A_523 : memref<128x64xf32, #tpu.memory_space<vmem>>) target(%dma_start3A_519 : memref<128x64xf32, #tpu.memory_space<hbm>>) target_semaphore(%arg14 : memref<!tpu.dma_semaphore, #tpu.memory_space<semaphore_mem>>)
    %add3A_524 = arith.constant 1152 : i32
    %add3A_525 = arith.addi %mul3A_2, %add3A_524 : i32
    %dma_start3A_526 = arith.constant 0 : i32
    %dma_start3A_527 = arith.constant 0 : i32
    %dma_start3A_528 = tpu.memref_slice %arg5[%dma_start3A_526, %dma_start3A_527] : memref<3x128xi32, #tpu.memory_space<vmem>> -> memref<1x128xi32, #tpu.memory_space<vmem>>
    %dma_start3A_529 = tpu.memref_squeeze %dma_start3A_528 : memref<1x128xi32, #tpu.memory_space<vmem>> -> memref<128xi32, #tpu.memory_space<vmem>>
    %dma_start3A_530 = tpu.memref_slice %arg2[%add3A_525] : memref<98304xi32, #tpu.memory_space<hbm>> -> memref<128xi32, #tpu.memory_space<hbm>>
    %dma_start3A_531 = arith.constant 0 : i32
    %dma_start3A_532 = tpu.memref_slice %arg5[%dma_start3A_526, %dma_start3A_531] : memref<3x128xi32, #tpu.memory_space<vmem>> -> memref<1x128xi32, #tpu.memory_space<vmem>>
    %dma_start3A_533 = tpu.memref_squeeze %dma_start3A_532 : memref<1x128xi32, #tpu.memory_space<vmem>> -> memref<128xi32, #tpu.memory_space<vmem>>
    %dma_start3A_534 = tpu.memref_slice %arg2[%add3A_525] : memref<98304xi32, #tpu.memory_space<hbm>> -> memref<128xi32, #tpu.memory_space<hbm>>
    tpu.enqueue_dma source(%dma_start3A_534 : memref<128xi32, #tpu.memory_space<hbm>>) target(%dma_start3A_533 : memref<128xi32, #tpu.memory_space<vmem>>) target_semaphore(%arg8 : memref<!tpu.dma_semaphore, #tpu.memory_space<semaphore_mem>>)
    %dma_wait3A_535 = arith.constant 2 : i32
    %dma_wait3A_536 = arith.constant 0 : i32
    %dma_wait3A_537 = tpu.memref_slice %arg5[%dma_wait3A_535, %dma_wait3A_536] : memref<3x128xi32, #tpu.memory_space<vmem>> -> memref<1x128xi32, #tpu.memory_space<vmem>>
    %dma_wait3A_538 = tpu.memref_squeeze %dma_wait3A_537 : memref<1x128xi32, #tpu.memory_space<vmem>> -> memref<128xi32, #tpu.memory_space<vmem>>
    %dma_wait3A_539 = tpu.memref_slice %arg2[%add3A_453] : memref<98304xi32, #tpu.memory_space<hbm>> -> memref<128xi32, #tpu.memory_space<hbm>>
    %dma_wait3A_540 = arith.constant 0 : i32
    %dma_wait3A_541 = tpu.memref_slice %arg5[%dma_wait3A_535, %dma_wait3A_540] : memref<3x128xi32, #tpu.memory_space<vmem>> -> memref<1x128xi32, #tpu.memory_space<vmem>>
    %dma_wait3A_542 = tpu.memref_squeeze %dma_wait3A_541 : memref<1x128xi32, #tpu.memory_space<vmem>> -> memref<128xi32, #tpu.memory_space<vmem>>
    %dma_wait3A_543 = tpu.memref_slice %arg2[%add3A_453] : memref<98304xi32, #tpu.memory_space<hbm>> -> memref<128xi32, #tpu.memory_space<hbm>>
    tpu.wait_dma2 semaphore(%arg10 : memref<!tpu.dma_semaphore, #tpu.memory_space<semaphore_mem>>) src(%dma_wait3A_543 : memref<128xi32, #tpu.memory_space<hbm>>) dst(%dma_wait3A_542 : memref<128xi32, #tpu.memory_space<vmem>>)
    %dma_wait3A_544 = arith.constant 2 : i32
    %dma_wait3A_545 = arith.constant 0 : i32
    %dma_wait3A_546 = arith.constant 0 : i32
    %dma_wait3A_547 = tpu.memref_slice %arg6[%dma_wait3A_544, %dma_wait3A_545, %dma_wait3A_546] : memref<3x128x64xf32, #tpu.memory_space<vmem>> -> memref<1x128x64xf32, #tpu.memory_space<vmem>>
    %dma_wait3A_548 = tpu.memref_squeeze %dma_wait3A_547 : memref<1x128x64xf32, #tpu.memory_space<vmem>> -> memref<128x64xf32, #tpu.memory_space<vmem>>
    %dma_wait3A_549 = arith.constant 0 : i32
    %dma_wait3A_550 = tpu.memref_slice %arg4[%add3A_438, %dma_wait3A_549] : memref<98304x64xf32, #tpu.memory_space<hbm>> -> memref<128x64xf32, #tpu.memory_space<hbm>>
    %dma_wait3A_551 = arith.constant 0 : i32
    %dma_wait3A_552 = tpu.memref_slice %arg4[%add3A_438, %dma_wait3A_551] : memref<98304x64xf32, #tpu.memory_space<hbm>> -> memref<128x64xf32, #tpu.memory_space<hbm>>
    %dma_wait3A_553 = arith.constant 0 : i32
    %dma_wait3A_554 = arith.constant 0 : i32
    %dma_wait3A_555 = tpu.memref_slice %arg6[%dma_wait3A_544, %dma_wait3A_553, %dma_wait3A_554] : memref<3x128x64xf32, #tpu.memory_space<vmem>> -> memref<1x128x64xf32, #tpu.memory_space<vmem>>
    %dma_wait3A_556 = tpu.memref_squeeze %dma_wait3A_555 : memref<1x128x64xf32, #tpu.memory_space<vmem>> -> memref<128x64xf32, #tpu.memory_space<vmem>>
    tpu.wait_dma2 semaphore(%arg16 : memref<!tpu.dma_semaphore, #tpu.memory_space<semaphore_mem>>) src(%dma_wait3A_556 : memref<128x64xf32, #tpu.memory_space<vmem>>) dst(%dma_wait3A_552 : memref<128x64xf32, #tpu.memory_space<hbm>>)
    %dma_start3A_557 = arith.constant 2 : i32
    %dma_start3A_558 = arith.constant 2 : i32
    %dma_start3A_559 = arith.constant 0 : i32
    %dma_start3A_560 = arith.constant 0 : i32
    %dma_start3A_561 = tpu.memref_slice %arg6[%dma_start3A_558, %dma_start3A_559, %dma_start3A_560] : memref<3x128x64xf32, #tpu.memory_space<vmem>> -> memref<1x128x64xf32, #tpu.memory_space<vmem>>
    %dma_start3A_562 = tpu.memref_squeeze %dma_start3A_561 : memref<1x128x64xf32, #tpu.memory_space<vmem>> -> memref<128x64xf32, #tpu.memory_space<vmem>>
    %dma_start3A_563 = arith.constant 0 : i32
    %dma_start3A_564 = tpu.memref_slice %arg5[%dma_start3A_557, %dma_start3A_563] : memref<3x128xi32, #tpu.memory_space<vmem>> -> memref<1x128xi32, #tpu.memory_space<vmem>>
    %dma_start3A_565 = tpu.memref_squeeze %dma_start3A_564 : memref<1x128xi32, #tpu.memory_space<vmem>> -> memref<128xi32, #tpu.memory_space<vmem>>
    %dma_start3A_566 = arith.constant 0 : i32
    %dma_start3A_567 = arith.constant 0 : i32
    %dma_start3A_568 = tpu.memref_slice %arg7[%dma_start3A_566, %dma_start3A_567] : memref<8192x64xf32, #tpu.memory_space<vmem_shared>> -> memref<8192x64xf32, #tpu.memory_space<vmem_shared>>
    tpu.enqueue_indirect_dma source(%dma_start3A_568 : memref<8192x64xf32, #tpu.memory_space<vmem_shared>>) target(%dma_start3A_562 : memref<128x64xf32, #tpu.memory_space<vmem>>) offsets(%dma_start3A_565 : memref<128xi32, #tpu.memory_space<vmem>>) semaphore(%arg13 : memref<!tpu.dma_semaphore, #tpu.memory_space<semaphore_mem>>)
    %dma_wait3A_569 = arith.constant 1 : i32
    %dma_wait3A_570 = arith.constant 1 : i32
    %dma_wait3A_571 = arith.constant 0 : i32
    %dma_wait3A_572 = arith.constant 0 : i32
    %dma_wait3A_573 = tpu.memref_slice %arg6[%dma_wait3A_570, %dma_wait3A_571, %dma_wait3A_572] : memref<3x128x64xf32, #tpu.memory_space<vmem>> -> memref<1x128x64xf32, #tpu.memory_space<vmem>>
    %dma_wait3A_574 = tpu.memref_squeeze %dma_wait3A_573 : memref<1x128x64xf32, #tpu.memory_space<vmem>> -> memref<128x64xf32, #tpu.memory_space<vmem>>
    %dma_wait3A_575 = arith.constant 0 : i32
    %dma_wait3A_576 = tpu.memref_slice %arg5[%dma_wait3A_569, %dma_wait3A_575] : memref<3x128xi32, #tpu.memory_space<vmem>> -> memref<1x128xi32, #tpu.memory_space<vmem>>
    %dma_wait3A_577 = tpu.memref_squeeze %dma_wait3A_576 : memref<1x128xi32, #tpu.memory_space<vmem>> -> memref<128xi32, #tpu.memory_space<vmem>>
    %dma_wait3A_578 = arith.constant 0 : i32
    %dma_wait3A_579 = arith.constant 0 : i32
    %dma_wait3A_580 = tpu.memref_slice %arg7[%dma_wait3A_578, %dma_wait3A_579] : memref<8192x64xf32, #tpu.memory_space<vmem_shared>> -> memref<8192x64xf32, #tpu.memory_space<vmem_shared>>
    tpu.wait_indirect_dma semaphore(%arg12 : memref<!tpu.dma_semaphore, #tpu.memory_space<semaphore_mem>>) src(%dma_wait3A_580 : memref<8192x64xf32, #tpu.memory_space<vmem_shared>>) dst(%dma_wait3A_574 : memref<128x64xf32, #tpu.memory_space<vmem>>)
    %add3A_581 = arith.constant 896 : i32
    %add3A_582 = arith.addi %mul3A_2, %add3A_581 : i32
    %dma_start3A_583 = arith.constant 1 : i32
    %dma_start3A_584 = arith.constant 0 : i32
    %dma_start3A_585 = arith.constant 0 : i32
    %dma_start3A_586 = tpu.memref_slice %arg6[%dma_start3A_583, %dma_start3A_584, %dma_start3A_585] : memref<3x128x64xf32, #tpu.memory_space<vmem>> -> memref<1x128x64xf32, #tpu.memory_space<vmem>>
    %dma_start3A_587 = tpu.memref_squeeze %dma_start3A_586 : memref<1x128x64xf32, #tpu.memory_space<vmem>> -> memref<128x64xf32, #tpu.memory_space<vmem>>
    %dma_start3A_588 = arith.constant 0 : i32
    %dma_start3A_589 = tpu.memref_slice %arg4[%add3A_582, %dma_start3A_588] : memref<98304x64xf32, #tpu.memory_space<hbm>> -> memref<128x64xf32, #tpu.memory_space<hbm>>
    %dma_start3A_590 = arith.constant 0 : i32
    %dma_start3A_591 = tpu.memref_slice %arg4[%add3A_582, %dma_start3A_590] : memref<98304x64xf32, #tpu.memory_space<hbm>> -> memref<128x64xf32, #tpu.memory_space<hbm>>
    %dma_start3A_592 = arith.constant 0 : i32
    %dma_start3A_593 = arith.constant 0 : i32
    %dma_start3A_594 = tpu.memref_slice %arg6[%dma_start3A_583, %dma_start3A_592, %dma_start3A_593] : memref<3x128x64xf32, #tpu.memory_space<vmem>> -> memref<1x128x64xf32, #tpu.memory_space<vmem>>
    %dma_start3A_595 = tpu.memref_squeeze %dma_start3A_594 : memref<1x128x64xf32, #tpu.memory_space<vmem>> -> memref<128x64xf32, #tpu.memory_space<vmem>>
    tpu.enqueue_dma source(%dma_start3A_595 : memref<128x64xf32, #tpu.memory_space<vmem>>) target(%dma_start3A_591 : memref<128x64xf32, #tpu.memory_space<hbm>>) target_semaphore(%arg15 : memref<!tpu.dma_semaphore, #tpu.memory_space<semaphore_mem>>)
    %add3A_596 = arith.constant 1280 : i32
    %add3A_597 = arith.addi %mul3A_2, %add3A_596 : i32
    %dma_start3A_598 = arith.constant 1 : i32
    %dma_start3A_599 = arith.constant 0 : i32
    %dma_start3A_600 = tpu.memref_slice %arg5[%dma_start3A_598, %dma_start3A_599] : memref<3x128xi32, #tpu.memory_space<vmem>> -> memref<1x128xi32, #tpu.memory_space<vmem>>
    %dma_start3A_601 = tpu.memref_squeeze %dma_start3A_600 : memref<1x128xi32, #tpu.memory_space<vmem>> -> memref<128xi32, #tpu.memory_space<vmem>>
    %dma_start3A_602 = tpu.memref_slice %arg2[%add3A_597] : memref<98304xi32, #tpu.memory_space<hbm>> -> memref<128xi32, #tpu.memory_space<hbm>>
    %dma_start3A_603 = arith.constant 0 : i32
    %dma_start3A_604 = tpu.memref_slice %arg5[%dma_start3A_598, %dma_start3A_603] : memref<3x128xi32, #tpu.memory_space<vmem>> -> memref<1x128xi32, #tpu.memory_space<vmem>>
    %dma_start3A_605 = tpu.memref_squeeze %dma_start3A_604 : memref<1x128xi32, #tpu.memory_space<vmem>> -> memref<128xi32, #tpu.memory_space<vmem>>
    %dma_start3A_606 = tpu.memref_slice %arg2[%add3A_597] : memref<98304xi32, #tpu.memory_space<hbm>> -> memref<128xi32, #tpu.memory_space<hbm>>
    tpu.enqueue_dma source(%dma_start3A_606 : memref<128xi32, #tpu.memory_space<hbm>>) target(%dma_start3A_605 : memref<128xi32, #tpu.memory_space<vmem>>) target_semaphore(%arg9 : memref<!tpu.dma_semaphore, #tpu.memory_space<semaphore_mem>>)
    %dma_wait3A_607 = arith.constant 0 : i32
    %dma_wait3A_608 = arith.constant 0 : i32
    %dma_wait3A_609 = tpu.memref_slice %arg5[%dma_wait3A_607, %dma_wait3A_608] : memref<3x128xi32, #tpu.memory_space<vmem>> -> memref<1x128xi32, #tpu.memory_space<vmem>>
    %dma_wait3A_610 = tpu.memref_squeeze %dma_wait3A_609 : memref<1x128xi32, #tpu.memory_space<vmem>> -> memref<128xi32, #tpu.memory_space<vmem>>
    %dma_wait3A_611 = tpu.memref_slice %arg2[%add3A_525] : memref<98304xi32, #tpu.memory_space<hbm>> -> memref<128xi32, #tpu.memory_space<hbm>>
    %dma_wait3A_612 = arith.constant 0 : i32
    %dma_wait3A_613 = tpu.memref_slice %arg5[%dma_wait3A_607, %dma_wait3A_612] : memref<3x128xi32, #tpu.memory_space<vmem>> -> memref<1x128xi32, #tpu.memory_space<vmem>>
    %dma_wait3A_614 = tpu.memref_squeeze %dma_wait3A_613 : memref<1x128xi32, #tpu.memory_space<vmem>> -> memref<128xi32, #tpu.memory_space<vmem>>
    %dma_wait3A_615 = tpu.memref_slice %arg2[%add3A_525] : memref<98304xi32, #tpu.memory_space<hbm>> -> memref<128xi32, #tpu.memory_space<hbm>>
    tpu.wait_dma2 semaphore(%arg8 : memref<!tpu.dma_semaphore, #tpu.memory_space<semaphore_mem>>) src(%dma_wait3A_615 : memref<128xi32, #tpu.memory_space<hbm>>) dst(%dma_wait3A_614 : memref<128xi32, #tpu.memory_space<vmem>>)
    %dma_wait3A_616 = arith.constant 0 : i32
    %dma_wait3A_617 = arith.constant 0 : i32
    %dma_wait3A_618 = arith.constant 0 : i32
    %dma_wait3A_619 = tpu.memref_slice %arg6[%dma_wait3A_616, %dma_wait3A_617, %dma_wait3A_618] : memref<3x128x64xf32, #tpu.memory_space<vmem>> -> memref<1x128x64xf32, #tpu.memory_space<vmem>>
    %dma_wait3A_620 = tpu.memref_squeeze %dma_wait3A_619 : memref<1x128x64xf32, #tpu.memory_space<vmem>> -> memref<128x64xf32, #tpu.memory_space<vmem>>
    %dma_wait3A_621 = arith.constant 0 : i32
    %dma_wait3A_622 = tpu.memref_slice %arg4[%add3A_510, %dma_wait3A_621] : memref<98304x64xf32, #tpu.memory_space<hbm>> -> memref<128x64xf32, #tpu.memory_space<hbm>>
    %dma_wait3A_623 = arith.constant 0 : i32
    %dma_wait3A_624 = tpu.memref_slice %arg4[%add3A_510, %dma_wait3A_623] : memref<98304x64xf32, #tpu.memory_space<hbm>> -> memref<128x64xf32, #tpu.memory_space<hbm>>
    %dma_wait3A_625 = arith.constant 0 : i32
    %dma_wait3A_626 = arith.constant 0 : i32
    %dma_wait3A_627 = tpu.memref_slice %arg6[%dma_wait3A_616, %dma_wait3A_625, %dma_wait3A_626] : memref<3x128x64xf32, #tpu.memory_space<vmem>> -> memref<1x128x64xf32, #tpu.memory_space<vmem>>
    %dma_wait3A_628 = tpu.memref_squeeze %dma_wait3A_627 : memref<1x128x64xf32, #tpu.memory_space<vmem>> -> memref<128x64xf32, #tpu.memory_space<vmem>>
    tpu.wait_dma2 semaphore(%arg14 : memref<!tpu.dma_semaphore, #tpu.memory_space<semaphore_mem>>) src(%dma_wait3A_628 : memref<128x64xf32, #tpu.memory_space<vmem>>) dst(%dma_wait3A_624 : memref<128x64xf32, #tpu.memory_space<hbm>>)
    %dma_start3A_629 = arith.constant 0 : i32
    %dma_start3A_630 = arith.constant 0 : i32
    %dma_start3A_631 = arith.constant 0 : i32
    %dma_start3A_632 = arith.constant 0 : i32
    %dma_start3A_633 = tpu.memref_slice %arg6[%dma_start3A_630, %dma_start3A_631, %dma_start3A_632] : memref<3x128x64xf32, #tpu.memory_space<vmem>> -> memref<1x128x64xf32, #tpu.memory_space<vmem>>
    %dma_start3A_634 = tpu.memref_squeeze %dma_start3A_633 : memref<1x128x64xf32, #tpu.memory_space<vmem>> -> memref<128x64xf32, #tpu.memory_space<vmem>>
    %dma_start3A_635 = arith.constant 0 : i32
    %dma_start3A_636 = tpu.memref_slice %arg5[%dma_start3A_629, %dma_start3A_635] : memref<3x128xi32, #tpu.memory_space<vmem>> -> memref<1x128xi32, #tpu.memory_space<vmem>>
    %dma_start3A_637 = tpu.memref_squeeze %dma_start3A_636 : memref<1x128xi32, #tpu.memory_space<vmem>> -> memref<128xi32, #tpu.memory_space<vmem>>
    %dma_start3A_638 = arith.constant 0 : i32
    %dma_start3A_639 = arith.constant 0 : i32
    %dma_start3A_640 = tpu.memref_slice %arg7[%dma_start3A_638, %dma_start3A_639] : memref<8192x64xf32, #tpu.memory_space<vmem_shared>> -> memref<8192x64xf32, #tpu.memory_space<vmem_shared>>
    tpu.enqueue_indirect_dma source(%dma_start3A_640 : memref<8192x64xf32, #tpu.memory_space<vmem_shared>>) target(%dma_start3A_634 : memref<128x64xf32, #tpu.memory_space<vmem>>) offsets(%dma_start3A_637 : memref<128xi32, #tpu.memory_space<vmem>>) semaphore(%arg11 : memref<!tpu.dma_semaphore, #tpu.memory_space<semaphore_mem>>)
    %dma_wait3A_641 = arith.constant 2 : i32
    %dma_wait3A_642 = arith.constant 2 : i32
    %dma_wait3A_643 = arith.constant 0 : i32
    %dma_wait3A_644 = arith.constant 0 : i32
    %dma_wait3A_645 = tpu.memref_slice %arg6[%dma_wait3A_642, %dma_wait3A_643, %dma_wait3A_644] : memref<3x128x64xf32, #tpu.memory_space<vmem>> -> memref<1x128x64xf32, #tpu.memory_space<vmem>>
    %dma_wait3A_646 = tpu.memref_squeeze %dma_wait3A_645 : memref<1x128x64xf32, #tpu.memory_space<vmem>> -> memref<128x64xf32, #tpu.memory_space<vmem>>
    %dma_wait3A_647 = arith.constant 0 : i32
    %dma_wait3A_648 = tpu.memref_slice %arg5[%dma_wait3A_641, %dma_wait3A_647] : memref<3x128xi32, #tpu.memory_space<vmem>> -> memref<1x128xi32, #tpu.memory_space<vmem>>
    %dma_wait3A_649 = tpu.memref_squeeze %dma_wait3A_648 : memref<1x128xi32, #tpu.memory_space<vmem>> -> memref<128xi32, #tpu.memory_space<vmem>>
    %dma_wait3A_650 = arith.constant 0 : i32
    %dma_wait3A_651 = arith.constant 0 : i32
    %dma_wait3A_652 = tpu.memref_slice %arg7[%dma_wait3A_650, %dma_wait3A_651] : memref<8192x64xf32, #tpu.memory_space<vmem_shared>> -> memref<8192x64xf32, #tpu.memory_space<vmem_shared>>
    tpu.wait_indirect_dma semaphore(%arg13 : memref<!tpu.dma_semaphore, #tpu.memory_space<semaphore_mem>>) src(%dma_wait3A_652 : memref<8192x64xf32, #tpu.memory_space<vmem_shared>>) dst(%dma_wait3A_646 : memref<128x64xf32, #tpu.memory_space<vmem>>)
    %add3A_653 = arith.constant 1024 : i32
    %add3A_654 = arith.addi %mul3A_2, %add3A_653 : i32
    %dma_start3A_655 = arith.constant 2 : i32
    %dma_start3A_656 = arith.constant 0 : i32
    %dma_start3A_657 = arith.constant 0 : i32
    %dma_start3A_658 = tpu.memref_slice %arg6[%dma_start3A_655, %dma_start3A_656, %dma_start3A_657] : memref<3x128x64xf32, #tpu.memory_space<vmem>> -> memref<1x128x64xf32, #tpu.memory_space<vmem>>
    %dma_start3A_659 = tpu.memref_squeeze %dma_start3A_658 : memref<1x128x64xf32, #tpu.memory_space<vmem>> -> memref<128x64xf32, #tpu.memory_space<vmem>>
    %dma_start3A_660 = arith.constant 0 : i32
    %dma_start3A_661 = tpu.memref_slice %arg4[%add3A_654, %dma_start3A_660] : memref<98304x64xf32, #tpu.memory_space<hbm>> -> memref<128x64xf32, #tpu.memory_space<hbm>>
    %dma_start3A_662 = arith.constant 0 : i32
    %dma_start3A_663 = tpu.memref_slice %arg4[%add3A_654, %dma_start3A_662] : memref<98304x64xf32, #tpu.memory_space<hbm>> -> memref<128x64xf32, #tpu.memory_space<hbm>>
    %dma_start3A_664 = arith.constant 0 : i32
    %dma_start3A_665 = arith.constant 0 : i32
    %dma_start3A_666 = tpu.memref_slice %arg6[%dma_start3A_655, %dma_start3A_664, %dma_start3A_665] : memref<3x128x64xf32, #tpu.memory_space<vmem>> -> memref<1x128x64xf32, #tpu.memory_space<vmem>>
    %dma_start3A_667 = tpu.memref_squeeze %dma_start3A_666 : memref<1x128x64xf32, #tpu.memory_space<vmem>> -> memref<128x64xf32, #tpu.memory_space<vmem>>
    tpu.enqueue_dma source(%dma_start3A_667 : memref<128x64xf32, #tpu.memory_space<vmem>>) target(%dma_start3A_663 : memref<128x64xf32, #tpu.memory_space<hbm>>) target_semaphore(%arg16 : memref<!tpu.dma_semaphore, #tpu.memory_space<semaphore_mem>>)
    %add3A_668 = arith.constant 1408 : i32
    %add3A_669 = arith.addi %mul3A_2, %add3A_668 : i32
    %dma_start3A_670 = arith.constant 2 : i32
    %dma_start3A_671 = arith.constant 0 : i32
    %dma_start3A_672 = tpu.memref_slice %arg5[%dma_start3A_670, %dma_start3A_671] : memref<3x128xi32, #tpu.memory_space<vmem>> -> memref<1x128xi32, #tpu.memory_space<vmem>>
    %dma_start3A_673 = tpu.memref_squeeze %dma_start3A_672 : memref<1x128xi32, #tpu.memory_space<vmem>> -> memref<128xi32, #tpu.memory_space<vmem>>
    %dma_start3A_674 = tpu.memref_slice %arg2[%add3A_669] : memref<98304xi32, #tpu.memory_space<hbm>> -> memref<128xi32, #tpu.memory_space<hbm>>
    %dma_start3A_675 = arith.constant 0 : i32
    %dma_start3A_676 = tpu.memref_slice %arg5[%dma_start3A_670, %dma_start3A_675] : memref<3x128xi32, #tpu.memory_space<vmem>> -> memref<1x128xi32, #tpu.memory_space<vmem>>
    %dma_start3A_677 = tpu.memref_squeeze %dma_start3A_676 : memref<1x128xi32, #tpu.memory_space<vmem>> -> memref<128xi32, #tpu.memory_space<vmem>>
    %dma_start3A_678 = tpu.memref_slice %arg2[%add3A_669] : memref<98304xi32, #tpu.memory_space<hbm>> -> memref<128xi32, #tpu.memory_space<hbm>>
    tpu.enqueue_dma source(%dma_start3A_678 : memref<128xi32, #tpu.memory_space<hbm>>) target(%dma_start3A_677 : memref<128xi32, #tpu.memory_space<vmem>>) target_semaphore(%arg10 : memref<!tpu.dma_semaphore, #tpu.memory_space<semaphore_mem>>)
    %dma_wait3A_679 = arith.constant 1 : i32
    %dma_wait3A_680 = arith.constant 0 : i32
    %dma_wait3A_681 = tpu.memref_slice %arg5[%dma_wait3A_679, %dma_wait3A_680] : memref<3x128xi32, #tpu.memory_space<vmem>> -> memref<1x128xi32, #tpu.memory_space<vmem>>
    %dma_wait3A_682 = tpu.memref_squeeze %dma_wait3A_681 : memref<1x128xi32, #tpu.memory_space<vmem>> -> memref<128xi32, #tpu.memory_space<vmem>>
    %dma_wait3A_683 = tpu.memref_slice %arg2[%add3A_597] : memref<98304xi32, #tpu.memory_space<hbm>> -> memref<128xi32, #tpu.memory_space<hbm>>
    %dma_wait3A_684 = arith.constant 0 : i32
    %dma_wait3A_685 = tpu.memref_slice %arg5[%dma_wait3A_679, %dma_wait3A_684] : memref<3x128xi32, #tpu.memory_space<vmem>> -> memref<1x128xi32, #tpu.memory_space<vmem>>
    %dma_wait3A_686 = tpu.memref_squeeze %dma_wait3A_685 : memref<1x128xi32, #tpu.memory_space<vmem>> -> memref<128xi32, #tpu.memory_space<vmem>>
    %dma_wait3A_687 = tpu.memref_slice %arg2[%add3A_597] : memref<98304xi32, #tpu.memory_space<hbm>> -> memref<128xi32, #tpu.memory_space<hbm>>
    tpu.wait_dma2 semaphore(%arg9 : memref<!tpu.dma_semaphore, #tpu.memory_space<semaphore_mem>>) src(%dma_wait3A_687 : memref<128xi32, #tpu.memory_space<hbm>>) dst(%dma_wait3A_686 : memref<128xi32, #tpu.memory_space<vmem>>)
    %dma_wait3A_688 = arith.constant 1 : i32
    %dma_wait3A_689 = arith.constant 0 : i32
    %dma_wait3A_690 = arith.constant 0 : i32
    %dma_wait3A_691 = tpu.memref_slice %arg6[%dma_wait3A_688, %dma_wait3A_689, %dma_wait3A_690] : memref<3x128x64xf32, #tpu.memory_space<vmem>> -> memref<1x128x64xf32, #tpu.memory_space<vmem>>
    %dma_wait3A_692 = tpu.memref_squeeze %dma_wait3A_691 : memref<1x128x64xf32, #tpu.memory_space<vmem>> -> memref<128x64xf32, #tpu.memory_space<vmem>>
    %dma_wait3A_693 = arith.constant 0 : i32
    %dma_wait3A_694 = tpu.memref_slice %arg4[%add3A_582, %dma_wait3A_693] : memref<98304x64xf32, #tpu.memory_space<hbm>> -> memref<128x64xf32, #tpu.memory_space<hbm>>
    %dma_wait3A_695 = arith.constant 0 : i32
    %dma_wait3A_696 = tpu.memref_slice %arg4[%add3A_582, %dma_wait3A_695] : memref<98304x64xf32, #tpu.memory_space<hbm>> -> memref<128x64xf32, #tpu.memory_space<hbm>>
    %dma_wait3A_697 = arith.constant 0 : i32
    %dma_wait3A_698 = arith.constant 0 : i32
    %dma_wait3A_699 = tpu.memref_slice %arg6[%dma_wait3A_688, %dma_wait3A_697, %dma_wait3A_698] : memref<3x128x64xf32, #tpu.memory_space<vmem>> -> memref<1x128x64xf32, #tpu.memory_space<vmem>>
    %dma_wait3A_700 = tpu.memref_squeeze %dma_wait3A_699 : memref<1x128x64xf32, #tpu.memory_space<vmem>> -> memref<128x64xf32, #tpu.memory_space<vmem>>
    tpu.wait_dma2 semaphore(%arg15 : memref<!tpu.dma_semaphore, #tpu.memory_space<semaphore_mem>>) src(%dma_wait3A_700 : memref<128x64xf32, #tpu.memory_space<vmem>>) dst(%dma_wait3A_696 : memref<128x64xf32, #tpu.memory_space<hbm>>)
    %dma_start3A_701 = arith.constant 1 : i32
    %dma_start3A_702 = arith.constant 1 : i32
    %dma_start3A_703 = arith.constant 0 : i32
    %dma_start3A_704 = arith.constant 0 : i32
    %dma_start3A_705 = tpu.memref_slice %arg6[%dma_start3A_702, %dma_start3A_703, %dma_start3A_704] : memref<3x128x64xf32, #tpu.memory_space<vmem>> -> memref<1x128x64xf32, #tpu.memory_space<vmem>>
    %dma_start3A_706 = tpu.memref_squeeze %dma_start3A_705 : memref<1x128x64xf32, #tpu.memory_space<vmem>> -> memref<128x64xf32, #tpu.memory_space<vmem>>
    %dma_start3A_707 = arith.constant 0 : i32
    %dma_start3A_708 = tpu.memref_slice %arg5[%dma_start3A_701, %dma_start3A_707] : memref<3x128xi32, #tpu.memory_space<vmem>> -> memref<1x128xi32, #tpu.memory_space<vmem>>
    %dma_start3A_709 = tpu.memref_squeeze %dma_start3A_708 : memref<1x128xi32, #tpu.memory_space<vmem>> -> memref<128xi32, #tpu.memory_space<vmem>>
    %dma_start3A_710 = arith.constant 0 : i32
    %dma_start3A_711 = arith.constant 0 : i32
    %dma_start3A_712 = tpu.memref_slice %arg7[%dma_start3A_710, %dma_start3A_711] : memref<8192x64xf32, #tpu.memory_space<vmem_shared>> -> memref<8192x64xf32, #tpu.memory_space<vmem_shared>>
    tpu.enqueue_indirect_dma source(%dma_start3A_712 : memref<8192x64xf32, #tpu.memory_space<vmem_shared>>) target(%dma_start3A_706 : memref<128x64xf32, #tpu.memory_space<vmem>>) offsets(%dma_start3A_709 : memref<128xi32, #tpu.memory_space<vmem>>) semaphore(%arg12 : memref<!tpu.dma_semaphore, #tpu.memory_space<semaphore_mem>>)
    %dma_wait3A_713 = arith.constant 0 : i32
    %dma_wait3A_714 = arith.constant 0 : i32
    %dma_wait3A_715 = arith.constant 0 : i32
    %dma_wait3A_716 = arith.constant 0 : i32
    %dma_wait3A_717 = tpu.memref_slice %arg6[%dma_wait3A_714, %dma_wait3A_715, %dma_wait3A_716] : memref<3x128x64xf32, #tpu.memory_space<vmem>> -> memref<1x128x64xf32, #tpu.memory_space<vmem>>
    %dma_wait3A_718 = tpu.memref_squeeze %dma_wait3A_717 : memref<1x128x64xf32, #tpu.memory_space<vmem>> -> memref<128x64xf32, #tpu.memory_space<vmem>>
    %dma_wait3A_719 = arith.constant 0 : i32
    %dma_wait3A_720 = tpu.memref_slice %arg5[%dma_wait3A_713, %dma_wait3A_719] : memref<3x128xi32, #tpu.memory_space<vmem>> -> memref<1x128xi32, #tpu.memory_space<vmem>>
    %dma_wait3A_721 = tpu.memref_squeeze %dma_wait3A_720 : memref<1x128xi32, #tpu.memory_space<vmem>> -> memref<128xi32, #tpu.memory_space<vmem>>
    %dma_wait3A_722 = arith.constant 0 : i32
    %dma_wait3A_723 = arith.constant 0 : i32
    %dma_wait3A_724 = tpu.memref_slice %arg7[%dma_wait3A_722, %dma_wait3A_723] : memref<8192x64xf32, #tpu.memory_space<vmem_shared>> -> memref<8192x64xf32, #tpu.memory_space<vmem_shared>>
    tpu.wait_indirect_dma semaphore(%arg11 : memref<!tpu.dma_semaphore, #tpu.memory_space<semaphore_mem>>) src(%dma_wait3A_724 : memref<8192x64xf32, #tpu.memory_space<vmem_shared>>) dst(%dma_wait3A_718 : memref<128x64xf32, #tpu.memory_space<vmem>>)
    %add3A_725 = arith.constant 1152 : i32
    %add3A_726 = arith.addi %mul3A_2, %add3A_725 : i32
    %dma_start3A_727 = arith.constant 0 : i32
    %dma_start3A_728 = arith.constant 0 : i32
    %dma_start3A_729 = arith.constant 0 : i32
    %dma_start3A_730 = tpu.memref_slice %arg6[%dma_start3A_727, %dma_start3A_728, %dma_start3A_729] : memref<3x128x64xf32, #tpu.memory_space<vmem>> -> memref<1x128x64xf32, #tpu.memory_space<vmem>>
    %dma_start3A_731 = tpu.memref_squeeze %dma_start3A_730 : memref<1x128x64xf32, #tpu.memory_space<vmem>> -> memref<128x64xf32, #tpu.memory_space<vmem>>
    %dma_start3A_732 = arith.constant 0 : i32
    %dma_start3A_733 = tpu.memref_slice %arg4[%add3A_726, %dma_start3A_732] : memref<98304x64xf32, #tpu.memory_space<hbm>> -> memref<128x64xf32, #tpu.memory_space<hbm>>
    %dma_start3A_734 = arith.constant 0 : i32
    %dma_start3A_735 = tpu.memref_slice %arg4[%add3A_726, %dma_start3A_734] : memref<98304x64xf32, #tpu.memory_space<hbm>> -> memref<128x64xf32, #tpu.memory_space<hbm>>
    %dma_start3A_736 = arith.constant 0 : i32
    %dma_start3A_737 = arith.constant 0 : i32
    %dma_start3A_738 = tpu.memref_slice %arg6[%dma_start3A_727, %dma_start3A_736, %dma_start3A_737] : memref<3x128x64xf32, #tpu.memory_space<vmem>> -> memref<1x128x64xf32, #tpu.memory_space<vmem>>
    %dma_start3A_739 = tpu.memref_squeeze %dma_start3A_738 : memref<1x128x64xf32, #tpu.memory_space<vmem>> -> memref<128x64xf32, #tpu.memory_space<vmem>>
    tpu.enqueue_dma source(%dma_start3A_739 : memref<128x64xf32, #tpu.memory_space<vmem>>) target(%dma_start3A_735 : memref<128x64xf32, #tpu.memory_space<hbm>>) target_semaphore(%arg14 : memref<!tpu.dma_semaphore, #tpu.memory_space<semaphore_mem>>)
    %add3A_740 = arith.constant 1536 : i32
    %add3A_741 = arith.addi %mul3A_2, %add3A_740 : i32
    %dma_start3A_742 = arith.constant 0 : i32
    %dma_start3A_743 = arith.constant 0 : i32
    %dma_start3A_744 = tpu.memref_slice %arg5[%dma_start3A_742, %dma_start3A_743] : memref<3x128xi32, #tpu.memory_space<vmem>> -> memref<1x128xi32, #tpu.memory_space<vmem>>
    %dma_start3A_745 = tpu.memref_squeeze %dma_start3A_744 : memref<1x128xi32, #tpu.memory_space<vmem>> -> memref<128xi32, #tpu.memory_space<vmem>>
    %dma_start3A_746 = tpu.memref_slice %arg2[%add3A_741] : memref<98304xi32, #tpu.memory_space<hbm>> -> memref<128xi32, #tpu.memory_space<hbm>>
    %dma_start3A_747 = arith.constant 0 : i32
    %dma_start3A_748 = tpu.memref_slice %arg5[%dma_start3A_742, %dma_start3A_747] : memref<3x128xi32, #tpu.memory_space<vmem>> -> memref<1x128xi32, #tpu.memory_space<vmem>>
    %dma_start3A_749 = tpu.memref_squeeze %dma_start3A_748 : memref<1x128xi32, #tpu.memory_space<vmem>> -> memref<128xi32, #tpu.memory_space<vmem>>
    %dma_start3A_750 = tpu.memref_slice %arg2[%add3A_741] : memref<98304xi32, #tpu.memory_space<hbm>> -> memref<128xi32, #tpu.memory_space<hbm>>
    tpu.enqueue_dma source(%dma_start3A_750 : memref<128xi32, #tpu.memory_space<hbm>>) target(%dma_start3A_749 : memref<128xi32, #tpu.memory_space<vmem>>) target_semaphore(%arg8 : memref<!tpu.dma_semaphore, #tpu.memory_space<semaphore_mem>>)
    %dma_wait3A_751 = arith.constant 2 : i32
    %dma_wait3A_752 = arith.constant 0 : i32
    %dma_wait3A_753 = tpu.memref_slice %arg5[%dma_wait3A_751, %dma_wait3A_752] : memref<3x128xi32, #tpu.memory_space<vmem>> -> memref<1x128xi32, #tpu.memory_space<vmem>>
    %dma_wait3A_754 = tpu.memref_squeeze %dma_wait3A_753 : memref<1x128xi32, #tpu.memory_space<vmem>> -> memref<128xi32, #tpu.memory_space<vmem>>
    %dma_wait3A_755 = tpu.memref_slice %arg2[%add3A_669] : memref<98304xi32, #tpu.memory_space<hbm>> -> memref<128xi32, #tpu.memory_space<hbm>>
    %dma_wait3A_756 = arith.constant 0 : i32
    %dma_wait3A_757 = tpu.memref_slice %arg5[%dma_wait3A_751, %dma_wait3A_756] : memref<3x128xi32, #tpu.memory_space<vmem>> -> memref<1x128xi32, #tpu.memory_space<vmem>>
    %dma_wait3A_758 = tpu.memref_squeeze %dma_wait3A_757 : memref<1x128xi32, #tpu.memory_space<vmem>> -> memref<128xi32, #tpu.memory_space<vmem>>
    %dma_wait3A_759 = tpu.memref_slice %arg2[%add3A_669] : memref<98304xi32, #tpu.memory_space<hbm>> -> memref<128xi32, #tpu.memory_space<hbm>>
    tpu.wait_dma2 semaphore(%arg10 : memref<!tpu.dma_semaphore, #tpu.memory_space<semaphore_mem>>) src(%dma_wait3A_759 : memref<128xi32, #tpu.memory_space<hbm>>) dst(%dma_wait3A_758 : memref<128xi32, #tpu.memory_space<vmem>>)
    %dma_wait3A_760 = arith.constant 2 : i32
    %dma_wait3A_761 = arith.constant 0 : i32
    %dma_wait3A_762 = arith.constant 0 : i32
    %dma_wait3A_763 = tpu.memref_slice %arg6[%dma_wait3A_760, %dma_wait3A_761, %dma_wait3A_762] : memref<3x128x64xf32, #tpu.memory_space<vmem>> -> memref<1x128x64xf32, #tpu.memory_space<vmem>>
    %dma_wait3A_764 = tpu.memref_squeeze %dma_wait3A_763 : memref<1x128x64xf32, #tpu.memory_space<vmem>> -> memref<128x64xf32, #tpu.memory_space<vmem>>
    %dma_wait3A_765 = arith.constant 0 : i32
    %dma_wait3A_766 = tpu.memref_slice %arg4[%add3A_654, %dma_wait3A_765] : memref<98304x64xf32, #tpu.memory_space<hbm>> -> memref<128x64xf32, #tpu.memory_space<hbm>>
    %dma_wait3A_767 = arith.constant 0 : i32
    %dma_wait3A_768 = tpu.memref_slice %arg4[%add3A_654, %dma_wait3A_767] : memref<98304x64xf32, #tpu.memory_space<hbm>> -> memref<128x64xf32, #tpu.memory_space<hbm>>
    %dma_wait3A_769 = arith.constant 0 : i32
    %dma_wait3A_770 = arith.constant 0 : i32
    %dma_wait3A_771 = tpu.memref_slice %arg6[%dma_wait3A_760, %dma_wait3A_769, %dma_wait3A_770] : memref<3x128x64xf32, #tpu.memory_space<vmem>> -> memref<1x128x64xf32, #tpu.memory_space<vmem>>
    %dma_wait3A_772 = tpu.memref_squeeze %dma_wait3A_771 : memref<1x128x64xf32, #tpu.memory_space<vmem>> -> memref<128x64xf32, #tpu.memory_space<vmem>>
    tpu.wait_dma2 semaphore(%arg16 : memref<!tpu.dma_semaphore, #tpu.memory_space<semaphore_mem>>) src(%dma_wait3A_772 : memref<128x64xf32, #tpu.memory_space<vmem>>) dst(%dma_wait3A_768 : memref<128x64xf32, #tpu.memory_space<hbm>>)
    %dma_start3A_773 = arith.constant 2 : i32
    %dma_start3A_774 = arith.constant 2 : i32
    %dma_start3A_775 = arith.constant 0 : i32
    %dma_start3A_776 = arith.constant 0 : i32
    %dma_start3A_777 = tpu.memref_slice %arg6[%dma_start3A_774, %dma_start3A_775, %dma_start3A_776] : memref<3x128x64xf32, #tpu.memory_space<vmem>> -> memref<1x128x64xf32, #tpu.memory_space<vmem>>
    %dma_start3A_778 = tpu.memref_squeeze %dma_start3A_777 : memref<1x128x64xf32, #tpu.memory_space<vmem>> -> memref<128x64xf32, #tpu.memory_space<vmem>>
    %dma_start3A_779 = arith.constant 0 : i32
    %dma_start3A_780 = tpu.memref_slice %arg5[%dma_start3A_773, %dma_start3A_779] : memref<3x128xi32, #tpu.memory_space<vmem>> -> memref<1x128xi32, #tpu.memory_space<vmem>>
    %dma_start3A_781 = tpu.memref_squeeze %dma_start3A_780 : memref<1x128xi32, #tpu.memory_space<vmem>> -> memref<128xi32, #tpu.memory_space<vmem>>
    %dma_start3A_782 = arith.constant 0 : i32
    %dma_start3A_783 = arith.constant 0 : i32
    %dma_start3A_784 = tpu.memref_slice %arg7[%dma_start3A_782, %dma_start3A_783] : memref<8192x64xf32, #tpu.memory_space<vmem_shared>> -> memref<8192x64xf32, #tpu.memory_space<vmem_shared>>
    tpu.enqueue_indirect_dma source(%dma_start3A_784 : memref<8192x64xf32, #tpu.memory_space<vmem_shared>>) target(%dma_start3A_778 : memref<128x64xf32, #tpu.memory_space<vmem>>) offsets(%dma_start3A_781 : memref<128xi32, #tpu.memory_space<vmem>>) semaphore(%arg13 : memref<!tpu.dma_semaphore, #tpu.memory_space<semaphore_mem>>)
    %dma_wait3A_785 = arith.constant 1 : i32
    %dma_wait3A_786 = arith.constant 1 : i32
    %dma_wait3A_787 = arith.constant 0 : i32
    %dma_wait3A_788 = arith.constant 0 : i32
    %dma_wait3A_789 = tpu.memref_slice %arg6[%dma_wait3A_786, %dma_wait3A_787, %dma_wait3A_788] : memref<3x128x64xf32, #tpu.memory_space<vmem>> -> memref<1x128x64xf32, #tpu.memory_space<vmem>>
    %dma_wait3A_790 = tpu.memref_squeeze %dma_wait3A_789 : memref<1x128x64xf32, #tpu.memory_space<vmem>> -> memref<128x64xf32, #tpu.memory_space<vmem>>
    %dma_wait3A_791 = arith.constant 0 : i32
    %dma_wait3A_792 = tpu.memref_slice %arg5[%dma_wait3A_785, %dma_wait3A_791] : memref<3x128xi32, #tpu.memory_space<vmem>> -> memref<1x128xi32, #tpu.memory_space<vmem>>
    %dma_wait3A_793 = tpu.memref_squeeze %dma_wait3A_792 : memref<1x128xi32, #tpu.memory_space<vmem>> -> memref<128xi32, #tpu.memory_space<vmem>>
    %dma_wait3A_794 = arith.constant 0 : i32
    %dma_wait3A_795 = arith.constant 0 : i32
    %dma_wait3A_796 = tpu.memref_slice %arg7[%dma_wait3A_794, %dma_wait3A_795] : memref<8192x64xf32, #tpu.memory_space<vmem_shared>> -> memref<8192x64xf32, #tpu.memory_space<vmem_shared>>
    tpu.wait_indirect_dma semaphore(%arg12 : memref<!tpu.dma_semaphore, #tpu.memory_space<semaphore_mem>>) src(%dma_wait3A_796 : memref<8192x64xf32, #tpu.memory_space<vmem_shared>>) dst(%dma_wait3A_790 : memref<128x64xf32, #tpu.memory_space<vmem>>)
    %add3A_797 = arith.constant 1280 : i32
    %add3A_798 = arith.addi %mul3A_2, %add3A_797 : i32
    %dma_start3A_799 = arith.constant 1 : i32
    %dma_start3A_800 = arith.constant 0 : i32
    %dma_start3A_801 = arith.constant 0 : i32
    %dma_start3A_802 = tpu.memref_slice %arg6[%dma_start3A_799, %dma_start3A_800, %dma_start3A_801] : memref<3x128x64xf32, #tpu.memory_space<vmem>> -> memref<1x128x64xf32, #tpu.memory_space<vmem>>
    %dma_start3A_803 = tpu.memref_squeeze %dma_start3A_802 : memref<1x128x64xf32, #tpu.memory_space<vmem>> -> memref<128x64xf32, #tpu.memory_space<vmem>>
    %dma_start3A_804 = arith.constant 0 : i32
    %dma_start3A_805 = tpu.memref_slice %arg4[%add3A_798, %dma_start3A_804] : memref<98304x64xf32, #tpu.memory_space<hbm>> -> memref<128x64xf32, #tpu.memory_space<hbm>>
    %dma_start3A_806 = arith.constant 0 : i32
    %dma_start3A_807 = tpu.memref_slice %arg4[%add3A_798, %dma_start3A_806] : memref<98304x64xf32, #tpu.memory_space<hbm>> -> memref<128x64xf32, #tpu.memory_space<hbm>>
    %dma_start3A_808 = arith.constant 0 : i32
    %dma_start3A_809 = arith.constant 0 : i32
    %dma_start3A_810 = tpu.memref_slice %arg6[%dma_start3A_799, %dma_start3A_808, %dma_start3A_809] : memref<3x128x64xf32, #tpu.memory_space<vmem>> -> memref<1x128x64xf32, #tpu.memory_space<vmem>>
    %dma_start3A_811 = tpu.memref_squeeze %dma_start3A_810 : memref<1x128x64xf32, #tpu.memory_space<vmem>> -> memref<128x64xf32, #tpu.memory_space<vmem>>
    tpu.enqueue_dma source(%dma_start3A_811 : memref<128x64xf32, #tpu.memory_space<vmem>>) target(%dma_start3A_807 : memref<128x64xf32, #tpu.memory_space<hbm>>) target_semaphore(%arg15 : memref<!tpu.dma_semaphore, #tpu.memory_space<semaphore_mem>>)
    %add3A_812 = arith.constant 1664 : i32
    %add3A_813 = arith.addi %mul3A_2, %add3A_812 : i32
    %dma_start3A_814 = arith.constant 1 : i32
    %dma_start3A_815 = arith.constant 0 : i32
    %dma_start3A_816 = tpu.memref_slice %arg5[%dma_start3A_814, %dma_start3A_815] : memref<3x128xi32, #tpu.memory_space<vmem>> -> memref<1x128xi32, #tpu.memory_space<vmem>>
    %dma_start3A_817 = tpu.memref_squeeze %dma_start3A_816 : memref<1x128xi32, #tpu.memory_space<vmem>> -> memref<128xi32, #tpu.memory_space<vmem>>
    %dma_start3A_818 = tpu.memref_slice %arg2[%add3A_813] : memref<98304xi32, #tpu.memory_space<hbm>> -> memref<128xi32, #tpu.memory_space<hbm>>
    %dma_start3A_819 = arith.constant 0 : i32
    %dma_start3A_820 = tpu.memref_slice %arg5[%dma_start3A_814, %dma_start3A_819] : memref<3x128xi32, #tpu.memory_space<vmem>> -> memref<1x128xi32, #tpu.memory_space<vmem>>
    %dma_start3A_821 = tpu.memref_squeeze %dma_start3A_820 : memref<1x128xi32, #tpu.memory_space<vmem>> -> memref<128xi32, #tpu.memory_space<vmem>>
    %dma_start3A_822 = tpu.memref_slice %arg2[%add3A_813] : memref<98304xi32, #tpu.memory_space<hbm>> -> memref<128xi32, #tpu.memory_space<hbm>>
    tpu.enqueue_dma source(%dma_start3A_822 : memref<128xi32, #tpu.memory_space<hbm>>) target(%dma_start3A_821 : memref<128xi32, #tpu.memory_space<vmem>>) target_semaphore(%arg9 : memref<!tpu.dma_semaphore, #tpu.memory_space<semaphore_mem>>)
    %dma_wait3A_823 = arith.constant 0 : i32
    %dma_wait3A_824 = arith.constant 0 : i32
    %dma_wait3A_825 = tpu.memref_slice %arg5[%dma_wait3A_823, %dma_wait3A_824] : memref<3x128xi32, #tpu.memory_space<vmem>> -> memref<1x128xi32, #tpu.memory_space<vmem>>
    %dma_wait3A_826 = tpu.memref_squeeze %dma_wait3A_825 : memref<1x128xi32, #tpu.memory_space<vmem>> -> memref<128xi32, #tpu.memory_space<vmem>>
    %dma_wait3A_827 = tpu.memref_slice %arg2[%add3A_741] : memref<98304xi32, #tpu.memory_space<hbm>> -> memref<128xi32, #tpu.memory_space<hbm>>
    %dma_wait3A_828 = arith.constant 0 : i32
    %dma_wait3A_829 = tpu.memref_slice %arg5[%dma_wait3A_823, %dma_wait3A_828] : memref<3x128xi32, #tpu.memory_space<vmem>> -> memref<1x128xi32, #tpu.memory_space<vmem>>
    %dma_wait3A_830 = tpu.memref_squeeze %dma_wait3A_829 : memref<1x128xi32, #tpu.memory_space<vmem>> -> memref<128xi32, #tpu.memory_space<vmem>>
    %dma_wait3A_831 = tpu.memref_slice %arg2[%add3A_741] : memref<98304xi32, #tpu.memory_space<hbm>> -> memref<128xi32, #tpu.memory_space<hbm>>
    tpu.wait_dma2 semaphore(%arg8 : memref<!tpu.dma_semaphore, #tpu.memory_space<semaphore_mem>>) src(%dma_wait3A_831 : memref<128xi32, #tpu.memory_space<hbm>>) dst(%dma_wait3A_830 : memref<128xi32, #tpu.memory_space<vmem>>)
    %dma_wait3A_832 = arith.constant 0 : i32
    %dma_wait3A_833 = arith.constant 0 : i32
    %dma_wait3A_834 = arith.constant 0 : i32
    %dma_wait3A_835 = tpu.memref_slice %arg6[%dma_wait3A_832, %dma_wait3A_833, %dma_wait3A_834] : memref<3x128x64xf32, #tpu.memory_space<vmem>> -> memref<1x128x64xf32, #tpu.memory_space<vmem>>
    %dma_wait3A_836 = tpu.memref_squeeze %dma_wait3A_835 : memref<1x128x64xf32, #tpu.memory_space<vmem>> -> memref<128x64xf32, #tpu.memory_space<vmem>>
    %dma_wait3A_837 = arith.constant 0 : i32
    %dma_wait3A_838 = tpu.memref_slice %arg4[%add3A_726, %dma_wait3A_837] : memref<98304x64xf32, #tpu.memory_space<hbm>> -> memref<128x64xf32, #tpu.memory_space<hbm>>
    %dma_wait3A_839 = arith.constant 0 : i32
    %dma_wait3A_840 = tpu.memref_slice %arg4[%add3A_726, %dma_wait3A_839] : memref<98304x64xf32, #tpu.memory_space<hbm>> -> memref<128x64xf32, #tpu.memory_space<hbm>>
    %dma_wait3A_841 = arith.constant 0 : i32
    %dma_wait3A_842 = arith.constant 0 : i32
    %dma_wait3A_843 = tpu.memref_slice %arg6[%dma_wait3A_832, %dma_wait3A_841, %dma_wait3A_842] : memref<3x128x64xf32, #tpu.memory_space<vmem>> -> memref<1x128x64xf32, #tpu.memory_space<vmem>>
    %dma_wait3A_844 = tpu.memref_squeeze %dma_wait3A_843 : memref<1x128x64xf32, #tpu.memory_space<vmem>> -> memref<128x64xf32, #tpu.memory_space<vmem>>
    tpu.wait_dma2 semaphore(%arg14 : memref<!tpu.dma_semaphore, #tpu.memory_space<semaphore_mem>>) src(%dma_wait3A_844 : memref<128x64xf32, #tpu.memory_space<vmem>>) dst(%dma_wait3A_840 : memref<128x64xf32, #tpu.memory_space<hbm>>)
    %dma_start3A_845 = arith.constant 0 : i32
    %dma_start3A_846 = arith.constant 0 : i32
    %dma_start3A_847 = arith.constant 0 : i32
    %dma_start3A_848 = arith.constant 0 : i32
    %dma_start3A_849 = tpu.memref_slice %arg6[%dma_start3A_846, %dma_start3A_847, %dma_start3A_848] : memref<3x128x64xf32, #tpu.memory_space<vmem>> -> memref<1x128x64xf32, #tpu.memory_space<vmem>>
    %dma_start3A_850 = tpu.memref_squeeze %dma_start3A_849 : memref<1x128x64xf32, #tpu.memory_space<vmem>> -> memref<128x64xf32, #tpu.memory_space<vmem>>
    %dma_start3A_851 = arith.constant 0 : i32
    %dma_start3A_852 = tpu.memref_slice %arg5[%dma_start3A_845, %dma_start3A_851] : memref<3x128xi32, #tpu.memory_space<vmem>> -> memref<1x128xi32, #tpu.memory_space<vmem>>
    %dma_start3A_853 = tpu.memref_squeeze %dma_start3A_852 : memref<1x128xi32, #tpu.memory_space<vmem>> -> memref<128xi32, #tpu.memory_space<vmem>>
    %dma_start3A_854 = arith.constant 0 : i32
    %dma_start3A_855 = arith.constant 0 : i32
    %dma_start3A_856 = tpu.memref_slice %arg7[%dma_start3A_854, %dma_start3A_855] : memref<8192x64xf32, #tpu.memory_space<vmem_shared>> -> memref<8192x64xf32, #tpu.memory_space<vmem_shared>>
    tpu.enqueue_indirect_dma source(%dma_start3A_856 : memref<8192x64xf32, #tpu.memory_space<vmem_shared>>) target(%dma_start3A_850 : memref<128x64xf32, #tpu.memory_space<vmem>>) offsets(%dma_start3A_853 : memref<128xi32, #tpu.memory_space<vmem>>) semaphore(%arg11 : memref<!tpu.dma_semaphore, #tpu.memory_space<semaphore_mem>>)
    %dma_wait3A_857 = arith.constant 2 : i32
    %dma_wait3A_858 = arith.constant 2 : i32
    %dma_wait3A_859 = arith.constant 0 : i32
    %dma_wait3A_860 = arith.constant 0 : i32
    %dma_wait3A_861 = tpu.memref_slice %arg6[%dma_wait3A_858, %dma_wait3A_859, %dma_wait3A_860] : memref<3x128x64xf32, #tpu.memory_space<vmem>> -> memref<1x128x64xf32, #tpu.memory_space<vmem>>
    %dma_wait3A_862 = tpu.memref_squeeze %dma_wait3A_861 : memref<1x128x64xf32, #tpu.memory_space<vmem>> -> memref<128x64xf32, #tpu.memory_space<vmem>>
    %dma_wait3A_863 = arith.constant 0 : i32
    %dma_wait3A_864 = tpu.memref_slice %arg5[%dma_wait3A_857, %dma_wait3A_863] : memref<3x128xi32, #tpu.memory_space<vmem>> -> memref<1x128xi32, #tpu.memory_space<vmem>>
    %dma_wait3A_865 = tpu.memref_squeeze %dma_wait3A_864 : memref<1x128xi32, #tpu.memory_space<vmem>> -> memref<128xi32, #tpu.memory_space<vmem>>
    %dma_wait3A_866 = arith.constant 0 : i32
    %dma_wait3A_867 = arith.constant 0 : i32
    %dma_wait3A_868 = tpu.memref_slice %arg7[%dma_wait3A_866, %dma_wait3A_867] : memref<8192x64xf32, #tpu.memory_space<vmem_shared>> -> memref<8192x64xf32, #tpu.memory_space<vmem_shared>>
    tpu.wait_indirect_dma semaphore(%arg13 : memref<!tpu.dma_semaphore, #tpu.memory_space<semaphore_mem>>) src(%dma_wait3A_868 : memref<8192x64xf32, #tpu.memory_space<vmem_shared>>) dst(%dma_wait3A_862 : memref<128x64xf32, #tpu.memory_space<vmem>>)
    %add3A_869 = arith.constant 1408 : i32
    %add3A_870 = arith.addi %mul3A_2, %add3A_869 : i32
    %dma_start3A_871 = arith.constant 2 : i32
    %dma_start3A_872 = arith.constant 0 : i32
    %dma_start3A_873 = arith.constant 0 : i32
    %dma_start3A_874 = tpu.memref_slice %arg6[%dma_start3A_871, %dma_start3A_872, %dma_start3A_873] : memref<3x128x64xf32, #tpu.memory_space<vmem>> -> memref<1x128x64xf32, #tpu.memory_space<vmem>>
    %dma_start3A_875 = tpu.memref_squeeze %dma_start3A_874 : memref<1x128x64xf32, #tpu.memory_space<vmem>> -> memref<128x64xf32, #tpu.memory_space<vmem>>
    %dma_start3A_876 = arith.constant 0 : i32
    %dma_start3A_877 = tpu.memref_slice %arg4[%add3A_870, %dma_start3A_876] : memref<98304x64xf32, #tpu.memory_space<hbm>> -> memref<128x64xf32, #tpu.memory_space<hbm>>
    %dma_start3A_878 = arith.constant 0 : i32
    %dma_start3A_879 = tpu.memref_slice %arg4[%add3A_870, %dma_start3A_878] : memref<98304x64xf32, #tpu.memory_space<hbm>> -> memref<128x64xf32, #tpu.memory_space<hbm>>
    %dma_start3A_880 = arith.constant 0 : i32
    %dma_start3A_881 = arith.constant 0 : i32
    %dma_start3A_882 = tpu.memref_slice %arg6[%dma_start3A_871, %dma_start3A_880, %dma_start3A_881] : memref<3x128x64xf32, #tpu.memory_space<vmem>> -> memref<1x128x64xf32, #tpu.memory_space<vmem>>
    %dma_start3A_883 = tpu.memref_squeeze %dma_start3A_882 : memref<1x128x64xf32, #tpu.memory_space<vmem>> -> memref<128x64xf32, #tpu.memory_space<vmem>>
    tpu.enqueue_dma source(%dma_start3A_883 : memref<128x64xf32, #tpu.memory_space<vmem>>) target(%dma_start3A_879 : memref<128x64xf32, #tpu.memory_space<hbm>>) target_semaphore(%arg16 : memref<!tpu.dma_semaphore, #tpu.memory_space<semaphore_mem>>)
    %add3A_884 = arith.constant 1792 : i32
    %add3A_885 = arith.addi %mul3A_2, %add3A_884 : i32
    %dma_start3A_886 = arith.constant 2 : i32
    %dma_start3A_887 = arith.constant 0 : i32
    %dma_start3A_888 = tpu.memref_slice %arg5[%dma_start3A_886, %dma_start3A_887] : memref<3x128xi32, #tpu.memory_space<vmem>> -> memref<1x128xi32, #tpu.memory_space<vmem>>
    %dma_start3A_889 = tpu.memref_squeeze %dma_start3A_888 : memref<1x128xi32, #tpu.memory_space<vmem>> -> memref<128xi32, #tpu.memory_space<vmem>>
    %dma_start3A_890 = tpu.memref_slice %arg2[%add3A_885] : memref<98304xi32, #tpu.memory_space<hbm>> -> memref<128xi32, #tpu.memory_space<hbm>>
    %dma_start3A_891 = arith.constant 0 : i32
    %dma_start3A_892 = tpu.memref_slice %arg5[%dma_start3A_886, %dma_start3A_891] : memref<3x128xi32, #tpu.memory_space<vmem>> -> memref<1x128xi32, #tpu.memory_space<vmem>>
    %dma_start3A_893 = tpu.memref_squeeze %dma_start3A_892 : memref<1x128xi32, #tpu.memory_space<vmem>> -> memref<128xi32, #tpu.memory_space<vmem>>
    %dma_start3A_894 = tpu.memref_slice %arg2[%add3A_885] : memref<98304xi32, #tpu.memory_space<hbm>> -> memref<128xi32, #tpu.memory_space<hbm>>
    tpu.enqueue_dma source(%dma_start3A_894 : memref<128xi32, #tpu.memory_space<hbm>>) target(%dma_start3A_893 : memref<128xi32, #tpu.memory_space<vmem>>) target_semaphore(%arg10 : memref<!tpu.dma_semaphore, #tpu.memory_space<semaphore_mem>>)
    %dma_wait3A_895 = arith.constant 1 : i32
    %dma_wait3A_896 = arith.constant 0 : i32
    %dma_wait3A_897 = tpu.memref_slice %arg5[%dma_wait3A_895, %dma_wait3A_896] : memref<3x128xi32, #tpu.memory_space<vmem>> -> memref<1x128xi32, #tpu.memory_space<vmem>>
    %dma_wait3A_898 = tpu.memref_squeeze %dma_wait3A_897 : memref<1x128xi32, #tpu.memory_space<vmem>> -> memref<128xi32, #tpu.memory_space<vmem>>
    %dma_wait3A_899 = tpu.memref_slice %arg2[%add3A_813] : memref<98304xi32, #tpu.memory_space<hbm>> -> memref<128xi32, #tpu.memory_space<hbm>>
    %dma_wait3A_900 = arith.constant 0 : i32
    %dma_wait3A_901 = tpu.memref_slice %arg5[%dma_wait3A_895, %dma_wait3A_900] : memref<3x128xi32, #tpu.memory_space<vmem>> -> memref<1x128xi32, #tpu.memory_space<vmem>>
    %dma_wait3A_902 = tpu.memref_squeeze %dma_wait3A_901 : memref<1x128xi32, #tpu.memory_space<vmem>> -> memref<128xi32, #tpu.memory_space<vmem>>
    %dma_wait3A_903 = tpu.memref_slice %arg2[%add3A_813] : memref<98304xi32, #tpu.memory_space<hbm>> -> memref<128xi32, #tpu.memory_space<hbm>>
    tpu.wait_dma2 semaphore(%arg9 : memref<!tpu.dma_semaphore, #tpu.memory_space<semaphore_mem>>) src(%dma_wait3A_903 : memref<128xi32, #tpu.memory_space<hbm>>) dst(%dma_wait3A_902 : memref<128xi32, #tpu.memory_space<vmem>>)
    %dma_wait3A_904 = arith.constant 1 : i32
    %dma_wait3A_905 = arith.constant 0 : i32
    %dma_wait3A_906 = arith.constant 0 : i32
    %dma_wait3A_907 = tpu.memref_slice %arg6[%dma_wait3A_904, %dma_wait3A_905, %dma_wait3A_906] : memref<3x128x64xf32, #tpu.memory_space<vmem>> -> memref<1x128x64xf32, #tpu.memory_space<vmem>>
    %dma_wait3A_908 = tpu.memref_squeeze %dma_wait3A_907 : memref<1x128x64xf32, #tpu.memory_space<vmem>> -> memref<128x64xf32, #tpu.memory_space<vmem>>
    %dma_wait3A_909 = arith.constant 0 : i32
    %dma_wait3A_910 = tpu.memref_slice %arg4[%add3A_798, %dma_wait3A_909] : memref<98304x64xf32, #tpu.memory_space<hbm>> -> memref<128x64xf32, #tpu.memory_space<hbm>>
    %dma_wait3A_911 = arith.constant 0 : i32
    %dma_wait3A_912 = tpu.memref_slice %arg4[%add3A_798, %dma_wait3A_911] : memref<98304x64xf32, #tpu.memory_space<hbm>> -> memref<128x64xf32, #tpu.memory_space<hbm>>
    %dma_wait3A_913 = arith.constant 0 : i32
    %dma_wait3A_914 = arith.constant 0 : i32
    %dma_wait3A_915 = tpu.memref_slice %arg6[%dma_wait3A_904, %dma_wait3A_913, %dma_wait3A_914] : memref<3x128x64xf32, #tpu.memory_space<vmem>> -> memref<1x128x64xf32, #tpu.memory_space<vmem>>
    %dma_wait3A_916 = tpu.memref_squeeze %dma_wait3A_915 : memref<1x128x64xf32, #tpu.memory_space<vmem>> -> memref<128x64xf32, #tpu.memory_space<vmem>>
    tpu.wait_dma2 semaphore(%arg15 : memref<!tpu.dma_semaphore, #tpu.memory_space<semaphore_mem>>) src(%dma_wait3A_916 : memref<128x64xf32, #tpu.memory_space<vmem>>) dst(%dma_wait3A_912 : memref<128x64xf32, #tpu.memory_space<hbm>>)
    %dma_start3A_917 = arith.constant 1 : i32
    %dma_start3A_918 = arith.constant 1 : i32
    %dma_start3A_919 = arith.constant 0 : i32
    %dma_start3A_920 = arith.constant 0 : i32
    %dma_start3A_921 = tpu.memref_slice %arg6[%dma_start3A_918, %dma_start3A_919, %dma_start3A_920] : memref<3x128x64xf32, #tpu.memory_space<vmem>> -> memref<1x128x64xf32, #tpu.memory_space<vmem>>
    %dma_start3A_922 = tpu.memref_squeeze %dma_start3A_921 : memref<1x128x64xf32, #tpu.memory_space<vmem>> -> memref<128x64xf32, #tpu.memory_space<vmem>>
    %dma_start3A_923 = arith.constant 0 : i32
    %dma_start3A_924 = tpu.memref_slice %arg5[%dma_start3A_917, %dma_start3A_923] : memref<3x128xi32, #tpu.memory_space<vmem>> -> memref<1x128xi32, #tpu.memory_space<vmem>>
    %dma_start3A_925 = tpu.memref_squeeze %dma_start3A_924 : memref<1x128xi32, #tpu.memory_space<vmem>> -> memref<128xi32, #tpu.memory_space<vmem>>
    %dma_start3A_926 = arith.constant 0 : i32
    %dma_start3A_927 = arith.constant 0 : i32
    %dma_start3A_928 = tpu.memref_slice %arg7[%dma_start3A_926, %dma_start3A_927] : memref<8192x64xf32, #tpu.memory_space<vmem_shared>> -> memref<8192x64xf32, #tpu.memory_space<vmem_shared>>
    tpu.enqueue_indirect_dma source(%dma_start3A_928 : memref<8192x64xf32, #tpu.memory_space<vmem_shared>>) target(%dma_start3A_922 : memref<128x64xf32, #tpu.memory_space<vmem>>) offsets(%dma_start3A_925 : memref<128xi32, #tpu.memory_space<vmem>>) semaphore(%arg12 : memref<!tpu.dma_semaphore, #tpu.memory_space<semaphore_mem>>)
    %dma_wait3A_929 = arith.constant 0 : i32
    %dma_wait3A_930 = arith.constant 0 : i32
    %dma_wait3A_931 = arith.constant 0 : i32
    %dma_wait3A_932 = arith.constant 0 : i32
    %dma_wait3A_933 = tpu.memref_slice %arg6[%dma_wait3A_930, %dma_wait3A_931, %dma_wait3A_932] : memref<3x128x64xf32, #tpu.memory_space<vmem>> -> memref<1x128x64xf32, #tpu.memory_space<vmem>>
    %dma_wait3A_934 = tpu.memref_squeeze %dma_wait3A_933 : memref<1x128x64xf32, #tpu.memory_space<vmem>> -> memref<128x64xf32, #tpu.memory_space<vmem>>
    %dma_wait3A_935 = arith.constant 0 : i32
    %dma_wait3A_936 = tpu.memref_slice %arg5[%dma_wait3A_929, %dma_wait3A_935] : memref<3x128xi32, #tpu.memory_space<vmem>> -> memref<1x128xi32, #tpu.memory_space<vmem>>
    %dma_wait3A_937 = tpu.memref_squeeze %dma_wait3A_936 : memref<1x128xi32, #tpu.memory_space<vmem>> -> memref<128xi32, #tpu.memory_space<vmem>>
    %dma_wait3A_938 = arith.constant 0 : i32
    %dma_wait3A_939 = arith.constant 0 : i32
    %dma_wait3A_940 = tpu.memref_slice %arg7[%dma_wait3A_938, %dma_wait3A_939] : memref<8192x64xf32, #tpu.memory_space<vmem_shared>> -> memref<8192x64xf32, #tpu.memory_space<vmem_shared>>
    tpu.wait_indirect_dma semaphore(%arg11 : memref<!tpu.dma_semaphore, #tpu.memory_space<semaphore_mem>>) src(%dma_wait3A_940 : memref<8192x64xf32, #tpu.memory_space<vmem_shared>>) dst(%dma_wait3A_934 : memref<128x64xf32, #tpu.memory_space<vmem>>)
    %add3A_941 = arith.constant 1536 : i32
    %add3A_942 = arith.addi %mul3A_2, %add3A_941 : i32
    %dma_start3A_943 = arith.constant 0 : i32
    %dma_start3A_944 = arith.constant 0 : i32
    %dma_start3A_945 = arith.constant 0 : i32
    %dma_start3A_946 = tpu.memref_slice %arg6[%dma_start3A_943, %dma_start3A_944, %dma_start3A_945] : memref<3x128x64xf32, #tpu.memory_space<vmem>> -> memref<1x128x64xf32, #tpu.memory_space<vmem>>
    %dma_start3A_947 = tpu.memref_squeeze %dma_start3A_946 : memref<1x128x64xf32, #tpu.memory_space<vmem>> -> memref<128x64xf32, #tpu.memory_space<vmem>>
    %dma_start3A_948 = arith.constant 0 : i32
    %dma_start3A_949 = tpu.memref_slice %arg4[%add3A_942, %dma_start3A_948] : memref<98304x64xf32, #tpu.memory_space<hbm>> -> memref<128x64xf32, #tpu.memory_space<hbm>>
    %dma_start3A_950 = arith.constant 0 : i32
    %dma_start3A_951 = tpu.memref_slice %arg4[%add3A_942, %dma_start3A_950] : memref<98304x64xf32, #tpu.memory_space<hbm>> -> memref<128x64xf32, #tpu.memory_space<hbm>>
    %dma_start3A_952 = arith.constant 0 : i32
    %dma_start3A_953 = arith.constant 0 : i32
    %dma_start3A_954 = tpu.memref_slice %arg6[%dma_start3A_943, %dma_start3A_952, %dma_start3A_953] : memref<3x128x64xf32, #tpu.memory_space<vmem>> -> memref<1x128x64xf32, #tpu.memory_space<vmem>>
    %dma_start3A_955 = tpu.memref_squeeze %dma_start3A_954 : memref<1x128x64xf32, #tpu.memory_space<vmem>> -> memref<128x64xf32, #tpu.memory_space<vmem>>
    tpu.enqueue_dma source(%dma_start3A_955 : memref<128x64xf32, #tpu.memory_space<vmem>>) target(%dma_start3A_951 : memref<128x64xf32, #tpu.memory_space<hbm>>) target_semaphore(%arg14 : memref<!tpu.dma_semaphore, #tpu.memory_space<semaphore_mem>>)
    %add3A_956 = arith.constant 1920 : i32
    %add3A_957 = arith.addi %mul3A_2, %add3A_956 : i32
    %dma_start3A_958 = arith.constant 0 : i32
    %dma_start3A_959 = arith.constant 0 : i32
    %dma_start3A_960 = tpu.memref_slice %arg5[%dma_start3A_958, %dma_start3A_959] : memref<3x128xi32, #tpu.memory_space<vmem>> -> memref<1x128xi32, #tpu.memory_space<vmem>>
    %dma_start3A_961 = tpu.memref_squeeze %dma_start3A_960 : memref<1x128xi32, #tpu.memory_space<vmem>> -> memref<128xi32, #tpu.memory_space<vmem>>
    %dma_start3A_962 = tpu.memref_slice %arg2[%add3A_957] : memref<98304xi32, #tpu.memory_space<hbm>> -> memref<128xi32, #tpu.memory_space<hbm>>
    %dma_start3A_963 = arith.constant 0 : i32
    %dma_start3A_964 = tpu.memref_slice %arg5[%dma_start3A_958, %dma_start3A_963] : memref<3x128xi32, #tpu.memory_space<vmem>> -> memref<1x128xi32, #tpu.memory_space<vmem>>
    %dma_start3A_965 = tpu.memref_squeeze %dma_start3A_964 : memref<1x128xi32, #tpu.memory_space<vmem>> -> memref<128xi32, #tpu.memory_space<vmem>>
    %dma_start3A_966 = tpu.memref_slice %arg2[%add3A_957] : memref<98304xi32, #tpu.memory_space<hbm>> -> memref<128xi32, #tpu.memory_space<hbm>>
    tpu.enqueue_dma source(%dma_start3A_966 : memref<128xi32, #tpu.memory_space<hbm>>) target(%dma_start3A_965 : memref<128xi32, #tpu.memory_space<vmem>>) target_semaphore(%arg8 : memref<!tpu.dma_semaphore, #tpu.memory_space<semaphore_mem>>)
    %dma_wait3A_967 = arith.constant 2 : i32
    %dma_wait3A_968 = arith.constant 0 : i32
    %dma_wait3A_969 = tpu.memref_slice %arg5[%dma_wait3A_967, %dma_wait3A_968] : memref<3x128xi32, #tpu.memory_space<vmem>> -> memref<1x128xi32, #tpu.memory_space<vmem>>
    %dma_wait3A_970 = tpu.memref_squeeze %dma_wait3A_969 : memref<1x128xi32, #tpu.memory_space<vmem>> -> memref<128xi32, #tpu.memory_space<vmem>>
    %dma_wait3A_971 = tpu.memref_slice %arg2[%add3A_885] : memref<98304xi32, #tpu.memory_space<hbm>> -> memref<128xi32, #tpu.memory_space<hbm>>
    %dma_wait3A_972 = arith.constant 0 : i32
    %dma_wait3A_973 = tpu.memref_slice %arg5[%dma_wait3A_967, %dma_wait3A_972] : memref<3x128xi32, #tpu.memory_space<vmem>> -> memref<1x128xi32, #tpu.memory_space<vmem>>
    %dma_wait3A_974 = tpu.memref_squeeze %dma_wait3A_973 : memref<1x128xi32, #tpu.memory_space<vmem>> -> memref<128xi32, #tpu.memory_space<vmem>>
    %dma_wait3A_975 = tpu.memref_slice %arg2[%add3A_885] : memref<98304xi32, #tpu.memory_space<hbm>> -> memref<128xi32, #tpu.memory_space<hbm>>
    tpu.wait_dma2 semaphore(%arg10 : memref<!tpu.dma_semaphore, #tpu.memory_space<semaphore_mem>>) src(%dma_wait3A_975 : memref<128xi32, #tpu.memory_space<hbm>>) dst(%dma_wait3A_974 : memref<128xi32, #tpu.memory_space<vmem>>)
    %dma_wait3A_976 = arith.constant 2 : i32
    %dma_wait3A_977 = arith.constant 0 : i32
    %dma_wait3A_978 = arith.constant 0 : i32
    %dma_wait3A_979 = tpu.memref_slice %arg6[%dma_wait3A_976, %dma_wait3A_977, %dma_wait3A_978] : memref<3x128x64xf32, #tpu.memory_space<vmem>> -> memref<1x128x64xf32, #tpu.memory_space<vmem>>
    %dma_wait3A_980 = tpu.memref_squeeze %dma_wait3A_979 : memref<1x128x64xf32, #tpu.memory_space<vmem>> -> memref<128x64xf32, #tpu.memory_space<vmem>>
    %dma_wait3A_981 = arith.constant 0 : i32
    %dma_wait3A_982 = tpu.memref_slice %arg4[%add3A_870, %dma_wait3A_981] : memref<98304x64xf32, #tpu.memory_space<hbm>> -> memref<128x64xf32, #tpu.memory_space<hbm>>
    %dma_wait3A_983 = arith.constant 0 : i32
    %dma_wait3A_984 = tpu.memref_slice %arg4[%add3A_870, %dma_wait3A_983] : memref<98304x64xf32, #tpu.memory_space<hbm>> -> memref<128x64xf32, #tpu.memory_space<hbm>>
    %dma_wait3A_985 = arith.constant 0 : i32
    %dma_wait3A_986 = arith.constant 0 : i32
    %dma_wait3A_987 = tpu.memref_slice %arg6[%dma_wait3A_976, %dma_wait3A_985, %dma_wait3A_986] : memref<3x128x64xf32, #tpu.memory_space<vmem>> -> memref<1x128x64xf32, #tpu.memory_space<vmem>>
    %dma_wait3A_988 = tpu.memref_squeeze %dma_wait3A_987 : memref<1x128x64xf32, #tpu.memory_space<vmem>> -> memref<128x64xf32, #tpu.memory_space<vmem>>
    tpu.wait_dma2 semaphore(%arg16 : memref<!tpu.dma_semaphore, #tpu.memory_space<semaphore_mem>>) src(%dma_wait3A_988 : memref<128x64xf32, #tpu.memory_space<vmem>>) dst(%dma_wait3A_984 : memref<128x64xf32, #tpu.memory_space<hbm>>)
    %dma_start3A_989 = arith.constant 2 : i32
    %dma_start3A_990 = arith.constant 2 : i32
    %dma_start3A_991 = arith.constant 0 : i32
    %dma_start3A_992 = arith.constant 0 : i32
    %dma_start3A_993 = tpu.memref_slice %arg6[%dma_start3A_990, %dma_start3A_991, %dma_start3A_992] : memref<3x128x64xf32, #tpu.memory_space<vmem>> -> memref<1x128x64xf32, #tpu.memory_space<vmem>>
    %dma_start3A_994 = tpu.memref_squeeze %dma_start3A_993 : memref<1x128x64xf32, #tpu.memory_space<vmem>> -> memref<128x64xf32, #tpu.memory_space<vmem>>
    %dma_start3A_995 = arith.constant 0 : i32
    %dma_start3A_996 = tpu.memref_slice %arg5[%dma_start3A_989, %dma_start3A_995] : memref<3x128xi32, #tpu.memory_space<vmem>> -> memref<1x128xi32, #tpu.memory_space<vmem>>
    %dma_start3A_997 = tpu.memref_squeeze %dma_start3A_996 : memref<1x128xi32, #tpu.memory_space<vmem>> -> memref<128xi32, #tpu.memory_space<vmem>>
    %dma_start3A_998 = arith.constant 0 : i32
    %dma_start3A_999 = arith.constant 0 : i32
    %dma_start3A_1000 = tpu.memref_slice %arg7[%dma_start3A_998, %dma_start3A_999] : memref<8192x64xf32, #tpu.memory_space<vmem_shared>> -> memref<8192x64xf32, #tpu.memory_space<vmem_shared>>
    tpu.enqueue_indirect_dma source(%dma_start3A_1000 : memref<8192x64xf32, #tpu.memory_space<vmem_shared>>) target(%dma_start3A_994 : memref<128x64xf32, #tpu.memory_space<vmem>>) offsets(%dma_start3A_997 : memref<128xi32, #tpu.memory_space<vmem>>) semaphore(%arg13 : memref<!tpu.dma_semaphore, #tpu.memory_space<semaphore_mem>>)
    %dma_wait3A_1001 = arith.constant 1 : i32
    %dma_wait3A_1002 = arith.constant 1 : i32
    %dma_wait3A_1003 = arith.constant 0 : i32
    %dma_wait3A_1004 = arith.constant 0 : i32
    %dma_wait3A_1005 = tpu.memref_slice %arg6[%dma_wait3A_1002, %dma_wait3A_1003, %dma_wait3A_1004] : memref<3x128x64xf32, #tpu.memory_space<vmem>> -> memref<1x128x64xf32, #tpu.memory_space<vmem>>
    %dma_wait3A_1006 = tpu.memref_squeeze %dma_wait3A_1005 : memref<1x128x64xf32, #tpu.memory_space<vmem>> -> memref<128x64xf32, #tpu.memory_space<vmem>>
    %dma_wait3A_1007 = arith.constant 0 : i32
    %dma_wait3A_1008 = tpu.memref_slice %arg5[%dma_wait3A_1001, %dma_wait3A_1007] : memref<3x128xi32, #tpu.memory_space<vmem>> -> memref<1x128xi32, #tpu.memory_space<vmem>>
    %dma_wait3A_1009 = tpu.memref_squeeze %dma_wait3A_1008 : memref<1x128xi32, #tpu.memory_space<vmem>> -> memref<128xi32, #tpu.memory_space<vmem>>
    %dma_wait3A_1010 = arith.constant 0 : i32
    %dma_wait3A_1011 = arith.constant 0 : i32
    %dma_wait3A_1012 = tpu.memref_slice %arg7[%dma_wait3A_1010, %dma_wait3A_1011] : memref<8192x64xf32, #tpu.memory_space<vmem_shared>> -> memref<8192x64xf32, #tpu.memory_space<vmem_shared>>
    tpu.wait_indirect_dma semaphore(%arg12 : memref<!tpu.dma_semaphore, #tpu.memory_space<semaphore_mem>>) src(%dma_wait3A_1012 : memref<8192x64xf32, #tpu.memory_space<vmem_shared>>) dst(%dma_wait3A_1006 : memref<128x64xf32, #tpu.memory_space<vmem>>)
    %add3A_1013 = arith.constant 1664 : i32
    %add3A_1014 = arith.addi %mul3A_2, %add3A_1013 : i32
    %dma_start3A_1015 = arith.constant 1 : i32
    %dma_start3A_1016 = arith.constant 0 : i32
    %dma_start3A_1017 = arith.constant 0 : i32
    %dma_start3A_1018 = tpu.memref_slice %arg6[%dma_start3A_1015, %dma_start3A_1016, %dma_start3A_1017] : memref<3x128x64xf32, #tpu.memory_space<vmem>> -> memref<1x128x64xf32, #tpu.memory_space<vmem>>
    %dma_start3A_1019 = tpu.memref_squeeze %dma_start3A_1018 : memref<1x128x64xf32, #tpu.memory_space<vmem>> -> memref<128x64xf32, #tpu.memory_space<vmem>>
    %dma_start3A_1020 = arith.constant 0 : i32
    %dma_start3A_1021 = tpu.memref_slice %arg4[%add3A_1014, %dma_start3A_1020] : memref<98304x64xf32, #tpu.memory_space<hbm>> -> memref<128x64xf32, #tpu.memory_space<hbm>>
    %dma_start3A_1022 = arith.constant 0 : i32
    %dma_start3A_1023 = tpu.memref_slice %arg4[%add3A_1014, %dma_start3A_1022] : memref<98304x64xf32, #tpu.memory_space<hbm>> -> memref<128x64xf32, #tpu.memory_space<hbm>>
    %dma_start3A_1024 = arith.constant 0 : i32
    %dma_start3A_1025 = arith.constant 0 : i32
    %dma_start3A_1026 = tpu.memref_slice %arg6[%dma_start3A_1015, %dma_start3A_1024, %dma_start3A_1025] : memref<3x128x64xf32, #tpu.memory_space<vmem>> -> memref<1x128x64xf32, #tpu.memory_space<vmem>>
    %dma_start3A_1027 = tpu.memref_squeeze %dma_start3A_1026 : memref<1x128x64xf32, #tpu.memory_space<vmem>> -> memref<128x64xf32, #tpu.memory_space<vmem>>
    tpu.enqueue_dma source(%dma_start3A_1027 : memref<128x64xf32, #tpu.memory_space<vmem>>) target(%dma_start3A_1023 : memref<128x64xf32, #tpu.memory_space<hbm>>) target_semaphore(%arg15 : memref<!tpu.dma_semaphore, #tpu.memory_space<semaphore_mem>>)
    %add3A_1028 = arith.constant 2048 : i32
    %add3A_1029 = arith.addi %mul3A_2, %add3A_1028 : i32
    %dma_start3A_1030 = arith.constant 1 : i32
    %dma_start3A_1031 = arith.constant 0 : i32
    %dma_start3A_1032 = tpu.memref_slice %arg5[%dma_start3A_1030, %dma_start3A_1031] : memref<3x128xi32, #tpu.memory_space<vmem>> -> memref<1x128xi32, #tpu.memory_space<vmem>>
    %dma_start3A_1033 = tpu.memref_squeeze %dma_start3A_1032 : memref<1x128xi32, #tpu.memory_space<vmem>> -> memref<128xi32, #tpu.memory_space<vmem>>
    %dma_start3A_1034 = tpu.memref_slice %arg2[%add3A_1029] : memref<98304xi32, #tpu.memory_space<hbm>> -> memref<128xi32, #tpu.memory_space<hbm>>
    %dma_start3A_1035 = arith.constant 0 : i32
    %dma_start3A_1036 = tpu.memref_slice %arg5[%dma_start3A_1030, %dma_start3A_1035] : memref<3x128xi32, #tpu.memory_space<vmem>> -> memref<1x128xi32, #tpu.memory_space<vmem>>
    %dma_start3A_1037 = tpu.memref_squeeze %dma_start3A_1036 : memref<1x128xi32, #tpu.memory_space<vmem>> -> memref<128xi32, #tpu.memory_space<vmem>>
    %dma_start3A_1038 = tpu.memref_slice %arg2[%add3A_1029] : memref<98304xi32, #tpu.memory_space<hbm>> -> memref<128xi32, #tpu.memory_space<hbm>>
    tpu.enqueue_dma source(%dma_start3A_1038 : memref<128xi32, #tpu.memory_space<hbm>>) target(%dma_start3A_1037 : memref<128xi32, #tpu.memory_space<vmem>>) target_semaphore(%arg9 : memref<!tpu.dma_semaphore, #tpu.memory_space<semaphore_mem>>)
    %dma_wait3A_1039 = arith.constant 0 : i32
    %dma_wait3A_1040 = arith.constant 0 : i32
    %dma_wait3A_1041 = tpu.memref_slice %arg5[%dma_wait3A_1039, %dma_wait3A_1040] : memref<3x128xi32, #tpu.memory_space<vmem>> -> memref<1x128xi32, #tpu.memory_space<vmem>>
    %dma_wait3A_1042 = tpu.memref_squeeze %dma_wait3A_1041 : memref<1x128xi32, #tpu.memory_space<vmem>> -> memref<128xi32, #tpu.memory_space<vmem>>
    %dma_wait3A_1043 = tpu.memref_slice %arg2[%add3A_957] : memref<98304xi32, #tpu.memory_space<hbm>> -> memref<128xi32, #tpu.memory_space<hbm>>
    %dma_wait3A_1044 = arith.constant 0 : i32
    %dma_wait3A_1045 = tpu.memref_slice %arg5[%dma_wait3A_1039, %dma_wait3A_1044] : memref<3x128xi32, #tpu.memory_space<vmem>> -> memref<1x128xi32, #tpu.memory_space<vmem>>
    %dma_wait3A_1046 = tpu.memref_squeeze %dma_wait3A_1045 : memref<1x128xi32, #tpu.memory_space<vmem>> -> memref<128xi32, #tpu.memory_space<vmem>>
    %dma_wait3A_1047 = tpu.memref_slice %arg2[%add3A_957] : memref<98304xi32, #tpu.memory_space<hbm>> -> memref<128xi32, #tpu.memory_space<hbm>>
    tpu.wait_dma2 semaphore(%arg8 : memref<!tpu.dma_semaphore, #tpu.memory_space<semaphore_mem>>) src(%dma_wait3A_1047 : memref<128xi32, #tpu.memory_space<hbm>>) dst(%dma_wait3A_1046 : memref<128xi32, #tpu.memory_space<vmem>>)
    %dma_wait3A_1048 = arith.constant 0 : i32
    %dma_wait3A_1049 = arith.constant 0 : i32
    %dma_wait3A_1050 = arith.constant 0 : i32
    %dma_wait3A_1051 = tpu.memref_slice %arg6[%dma_wait3A_1048, %dma_wait3A_1049, %dma_wait3A_1050] : memref<3x128x64xf32, #tpu.memory_space<vmem>> -> memref<1x128x64xf32, #tpu.memory_space<vmem>>
    %dma_wait3A_1052 = tpu.memref_squeeze %dma_wait3A_1051 : memref<1x128x64xf32, #tpu.memory_space<vmem>> -> memref<128x64xf32, #tpu.memory_space<vmem>>
    %dma_wait3A_1053 = arith.constant 0 : i32
    %dma_wait3A_1054 = tpu.memref_slice %arg4[%add3A_942, %dma_wait3A_1053] : memref<98304x64xf32, #tpu.memory_space<hbm>> -> memref<128x64xf32, #tpu.memory_space<hbm>>
    %dma_wait3A_1055 = arith.constant 0 : i32
    %dma_wait3A_1056 = tpu.memref_slice %arg4[%add3A_942, %dma_wait3A_1055] : memref<98304x64xf32, #tpu.memory_space<hbm>> -> memref<128x64xf32, #tpu.memory_space<hbm>>
    %dma_wait3A_1057 = arith.constant 0 : i32
    %dma_wait3A_1058 = arith.constant 0 : i32
    %dma_wait3A_1059 = tpu.memref_slice %arg6[%dma_wait3A_1048, %dma_wait3A_1057, %dma_wait3A_1058] : memref<3x128x64xf32, #tpu.memory_space<vmem>> -> memref<1x128x64xf32, #tpu.memory_space<vmem>>
    %dma_wait3A_1060 = tpu.memref_squeeze %dma_wait3A_1059 : memref<1x128x64xf32, #tpu.memory_space<vmem>> -> memref<128x64xf32, #tpu.memory_space<vmem>>
    tpu.wait_dma2 semaphore(%arg14 : memref<!tpu.dma_semaphore, #tpu.memory_space<semaphore_mem>>) src(%dma_wait3A_1060 : memref<128x64xf32, #tpu.memory_space<vmem>>) dst(%dma_wait3A_1056 : memref<128x64xf32, #tpu.memory_space<hbm>>)
    %dma_start3A_1061 = arith.constant 0 : i32
    %dma_start3A_1062 = arith.constant 0 : i32
    %dma_start3A_1063 = arith.constant 0 : i32
    %dma_start3A_1064 = arith.constant 0 : i32
    %dma_start3A_1065 = tpu.memref_slice %arg6[%dma_start3A_1062, %dma_start3A_1063, %dma_start3A_1064] : memref<3x128x64xf32, #tpu.memory_space<vmem>> -> memref<1x128x64xf32, #tpu.memory_space<vmem>>
    %dma_start3A_1066 = tpu.memref_squeeze %dma_start3A_1065 : memref<1x128x64xf32, #tpu.memory_space<vmem>> -> memref<128x64xf32, #tpu.memory_space<vmem>>
    %dma_start3A_1067 = arith.constant 0 : i32
    %dma_start3A_1068 = tpu.memref_slice %arg5[%dma_start3A_1061, %dma_start3A_1067] : memref<3x128xi32, #tpu.memory_space<vmem>> -> memref<1x128xi32, #tpu.memory_space<vmem>>
    %dma_start3A_1069 = tpu.memref_squeeze %dma_start3A_1068 : memref<1x128xi32, #tpu.memory_space<vmem>> -> memref<128xi32, #tpu.memory_space<vmem>>
    %dma_start3A_1070 = arith.constant 0 : i32
    %dma_start3A_1071 = arith.constant 0 : i32
    %dma_start3A_1072 = tpu.memref_slice %arg7[%dma_start3A_1070, %dma_start3A_1071] : memref<8192x64xf32, #tpu.memory_space<vmem_shared>> -> memref<8192x64xf32, #tpu.memory_space<vmem_shared>>
    tpu.enqueue_indirect_dma source(%dma_start3A_1072 : memref<8192x64xf32, #tpu.memory_space<vmem_shared>>) target(%dma_start3A_1066 : memref<128x64xf32, #tpu.memory_space<vmem>>) offsets(%dma_start3A_1069 : memref<128xi32, #tpu.memory_space<vmem>>) semaphore(%arg11 : memref<!tpu.dma_semaphore, #tpu.memory_space<semaphore_mem>>)
    %dma_wait3A_1073 = arith.constant 2 : i32
    %dma_wait3A_1074 = arith.constant 2 : i32
    %dma_wait3A_1075 = arith.constant 0 : i32
    %dma_wait3A_1076 = arith.constant 0 : i32
    %dma_wait3A_1077 = tpu.memref_slice %arg6[%dma_wait3A_1074, %dma_wait3A_1075, %dma_wait3A_1076] : memref<3x128x64xf32, #tpu.memory_space<vmem>> -> memref<1x128x64xf32, #tpu.memory_space<vmem>>
    %dma_wait3A_1078 = tpu.memref_squeeze %dma_wait3A_1077 : memref<1x128x64xf32, #tpu.memory_space<vmem>> -> memref<128x64xf32, #tpu.memory_space<vmem>>
    %dma_wait3A_1079 = arith.constant 0 : i32
    %dma_wait3A_1080 = tpu.memref_slice %arg5[%dma_wait3A_1073, %dma_wait3A_1079] : memref<3x128xi32, #tpu.memory_space<vmem>> -> memref<1x128xi32, #tpu.memory_space<vmem>>
    %dma_wait3A_1081 = tpu.memref_squeeze %dma_wait3A_1080 : memref<1x128xi32, #tpu.memory_space<vmem>> -> memref<128xi32, #tpu.memory_space<vmem>>
    %dma_wait3A_1082 = arith.constant 0 : i32
    %dma_wait3A_1083 = arith.constant 0 : i32
    %dma_wait3A_1084 = tpu.memref_slice %arg7[%dma_wait3A_1082, %dma_wait3A_1083] : memref<8192x64xf32, #tpu.memory_space<vmem_shared>> -> memref<8192x64xf32, #tpu.memory_space<vmem_shared>>
    tpu.wait_indirect_dma semaphore(%arg13 : memref<!tpu.dma_semaphore, #tpu.memory_space<semaphore_mem>>) src(%dma_wait3A_1084 : memref<8192x64xf32, #tpu.memory_space<vmem_shared>>) dst(%dma_wait3A_1078 : memref<128x64xf32, #tpu.memory_space<vmem>>)
    %add3A_1085 = arith.constant 1792 : i32
    %add3A_1086 = arith.addi %mul3A_2, %add3A_1085 : i32
    %dma_start3A_1087 = arith.constant 2 : i32
    %dma_start3A_1088 = arith.constant 0 : i32
    %dma_start3A_1089 = arith.constant 0 : i32
    %dma_start3A_1090 = tpu.memref_slice %arg6[%dma_start3A_1087, %dma_start3A_1088, %dma_start3A_1089] : memref<3x128x64xf32, #tpu.memory_space<vmem>> -> memref<1x128x64xf32, #tpu.memory_space<vmem>>
    %dma_start3A_1091 = tpu.memref_squeeze %dma_start3A_1090 : memref<1x128x64xf32, #tpu.memory_space<vmem>> -> memref<128x64xf32, #tpu.memory_space<vmem>>
    %dma_start3A_1092 = arith.constant 0 : i32
    %dma_start3A_1093 = tpu.memref_slice %arg4[%add3A_1086, %dma_start3A_1092] : memref<98304x64xf32, #tpu.memory_space<hbm>> -> memref<128x64xf32, #tpu.memory_space<hbm>>
    %dma_start3A_1094 = arith.constant 0 : i32
    %dma_start3A_1095 = tpu.memref_slice %arg4[%add3A_1086, %dma_start3A_1094] : memref<98304x64xf32, #tpu.memory_space<hbm>> -> memref<128x64xf32, #tpu.memory_space<hbm>>
    %dma_start3A_1096 = arith.constant 0 : i32
    %dma_start3A_1097 = arith.constant 0 : i32
    %dma_start3A_1098 = tpu.memref_slice %arg6[%dma_start3A_1087, %dma_start3A_1096, %dma_start3A_1097] : memref<3x128x64xf32, #tpu.memory_space<vmem>> -> memref<1x128x64xf32, #tpu.memory_space<vmem>>
    %dma_start3A_1099 = tpu.memref_squeeze %dma_start3A_1098 : memref<1x128x64xf32, #tpu.memory_space<vmem>> -> memref<128x64xf32, #tpu.memory_space<vmem>>
    tpu.enqueue_dma source(%dma_start3A_1099 : memref<128x64xf32, #tpu.memory_space<vmem>>) target(%dma_start3A_1095 : memref<128x64xf32, #tpu.memory_space<hbm>>) target_semaphore(%arg16 : memref<!tpu.dma_semaphore, #tpu.memory_space<semaphore_mem>>)
    %add3A_1100 = arith.constant 2176 : i32
    %add3A_1101 = arith.addi %mul3A_2, %add3A_1100 : i32
    %dma_start3A_1102 = arith.constant 2 : i32
    %dma_start3A_1103 = arith.constant 0 : i32
    %dma_start3A_1104 = tpu.memref_slice %arg5[%dma_start3A_1102, %dma_start3A_1103] : memref<3x128xi32, #tpu.memory_space<vmem>> -> memref<1x128xi32, #tpu.memory_space<vmem>>
    %dma_start3A_1105 = tpu.memref_squeeze %dma_start3A_1104 : memref<1x128xi32, #tpu.memory_space<vmem>> -> memref<128xi32, #tpu.memory_space<vmem>>
    %dma_start3A_1106 = tpu.memref_slice %arg2[%add3A_1101] : memref<98304xi32, #tpu.memory_space<hbm>> -> memref<128xi32, #tpu.memory_space<hbm>>
    %dma_start3A_1107 = arith.constant 0 : i32
    %dma_start3A_1108 = tpu.memref_slice %arg5[%dma_start3A_1102, %dma_start3A_1107] : memref<3x128xi32, #tpu.memory_space<vmem>> -> memref<1x128xi32, #tpu.memory_space<vmem>>
    %dma_start3A_1109 = tpu.memref_squeeze %dma_start3A_1108 : memref<1x128xi32, #tpu.memory_space<vmem>> -> memref<128xi32, #tpu.memory_space<vmem>>
    %dma_start3A_1110 = tpu.memref_slice %arg2[%add3A_1101] : memref<98304xi32, #tpu.memory_space<hbm>> -> memref<128xi32, #tpu.memory_space<hbm>>
    tpu.enqueue_dma source(%dma_start3A_1110 : memref<128xi32, #tpu.memory_space<hbm>>) target(%dma_start3A_1109 : memref<128xi32, #tpu.memory_space<vmem>>) target_semaphore(%arg10 : memref<!tpu.dma_semaphore, #tpu.memory_space<semaphore_mem>>)
    %dma_wait3A_1111 = arith.constant 1 : i32
    %dma_wait3A_1112 = arith.constant 0 : i32
    %dma_wait3A_1113 = tpu.memref_slice %arg5[%dma_wait3A_1111, %dma_wait3A_1112] : memref<3x128xi32, #tpu.memory_space<vmem>> -> memref<1x128xi32, #tpu.memory_space<vmem>>
    %dma_wait3A_1114 = tpu.memref_squeeze %dma_wait3A_1113 : memref<1x128xi32, #tpu.memory_space<vmem>> -> memref<128xi32, #tpu.memory_space<vmem>>
    %dma_wait3A_1115 = tpu.memref_slice %arg2[%add3A_1029] : memref<98304xi32, #tpu.memory_space<hbm>> -> memref<128xi32, #tpu.memory_space<hbm>>
    %dma_wait3A_1116 = arith.constant 0 : i32
    %dma_wait3A_1117 = tpu.memref_slice %arg5[%dma_wait3A_1111, %dma_wait3A_1116] : memref<3x128xi32, #tpu.memory_space<vmem>> -> memref<1x128xi32, #tpu.memory_space<vmem>>
    %dma_wait3A_1118 = tpu.memref_squeeze %dma_wait3A_1117 : memref<1x128xi32, #tpu.memory_space<vmem>> -> memref<128xi32, #tpu.memory_space<vmem>>
    %dma_wait3A_1119 = tpu.memref_slice %arg2[%add3A_1029] : memref<98304xi32, #tpu.memory_space<hbm>> -> memref<128xi32, #tpu.memory_space<hbm>>
    tpu.wait_dma2 semaphore(%arg9 : memref<!tpu.dma_semaphore, #tpu.memory_space<semaphore_mem>>) src(%dma_wait3A_1119 : memref<128xi32, #tpu.memory_space<hbm>>) dst(%dma_wait3A_1118 : memref<128xi32, #tpu.memory_space<vmem>>)
    %dma_wait3A_1120 = arith.constant 1 : i32
    %dma_wait3A_1121 = arith.constant 0 : i32
    %dma_wait3A_1122 = arith.constant 0 : i32
    %dma_wait3A_1123 = tpu.memref_slice %arg6[%dma_wait3A_1120, %dma_wait3A_1121, %dma_wait3A_1122] : memref<3x128x64xf32, #tpu.memory_space<vmem>> -> memref<1x128x64xf32, #tpu.memory_space<vmem>>
    %dma_wait3A_1124 = tpu.memref_squeeze %dma_wait3A_1123 : memref<1x128x64xf32, #tpu.memory_space<vmem>> -> memref<128x64xf32, #tpu.memory_space<vmem>>
    %dma_wait3A_1125 = arith.constant 0 : i32
    %dma_wait3A_1126 = tpu.memref_slice %arg4[%add3A_1014, %dma_wait3A_1125] : memref<98304x64xf32, #tpu.memory_space<hbm>> -> memref<128x64xf32, #tpu.memory_space<hbm>>
    %dma_wait3A_1127 = arith.constant 0 : i32
    %dma_wait3A_1128 = tpu.memref_slice %arg4[%add3A_1014, %dma_wait3A_1127] : memref<98304x64xf32, #tpu.memory_space<hbm>> -> memref<128x64xf32, #tpu.memory_space<hbm>>
    %dma_wait3A_1129 = arith.constant 0 : i32
    %dma_wait3A_1130 = arith.constant 0 : i32
    %dma_wait3A_1131 = tpu.memref_slice %arg6[%dma_wait3A_1120, %dma_wait3A_1129, %dma_wait3A_1130] : memref<3x128x64xf32, #tpu.memory_space<vmem>> -> memref<1x128x64xf32, #tpu.memory_space<vmem>>
    %dma_wait3A_1132 = tpu.memref_squeeze %dma_wait3A_1131 : memref<1x128x64xf32, #tpu.memory_space<vmem>> -> memref<128x64xf32, #tpu.memory_space<vmem>>
    tpu.wait_dma2 semaphore(%arg15 : memref<!tpu.dma_semaphore, #tpu.memory_space<semaphore_mem>>) src(%dma_wait3A_1132 : memref<128x64xf32, #tpu.memory_space<vmem>>) dst(%dma_wait3A_1128 : memref<128x64xf32, #tpu.memory_space<hbm>>)
    %dma_start3A_1133 = arith.constant 1 : i32
    %dma_start3A_1134 = arith.constant 1 : i32
    %dma_start3A_1135 = arith.constant 0 : i32
    %dma_start3A_1136 = arith.constant 0 : i32
    %dma_start3A_1137 = tpu.memref_slice %arg6[%dma_start3A_1134, %dma_start3A_1135, %dma_start3A_1136] : memref<3x128x64xf32, #tpu.memory_space<vmem>> -> memref<1x128x64xf32, #tpu.memory_space<vmem>>
    %dma_start3A_1138 = tpu.memref_squeeze %dma_start3A_1137 : memref<1x128x64xf32, #tpu.memory_space<vmem>> -> memref<128x64xf32, #tpu.memory_space<vmem>>
    %dma_start3A_1139 = arith.constant 0 : i32
    %dma_start3A_1140 = tpu.memref_slice %arg5[%dma_start3A_1133, %dma_start3A_1139] : memref<3x128xi32, #tpu.memory_space<vmem>> -> memref<1x128xi32, #tpu.memory_space<vmem>>
    %dma_start3A_1141 = tpu.memref_squeeze %dma_start3A_1140 : memref<1x128xi32, #tpu.memory_space<vmem>> -> memref<128xi32, #tpu.memory_space<vmem>>
    %dma_start3A_1142 = arith.constant 0 : i32
    %dma_start3A_1143 = arith.constant 0 : i32
    %dma_start3A_1144 = tpu.memref_slice %arg7[%dma_start3A_1142, %dma_start3A_1143] : memref<8192x64xf32, #tpu.memory_space<vmem_shared>> -> memref<8192x64xf32, #tpu.memory_space<vmem_shared>>
    tpu.enqueue_indirect_dma source(%dma_start3A_1144 : memref<8192x64xf32, #tpu.memory_space<vmem_shared>>) target(%dma_start3A_1138 : memref<128x64xf32, #tpu.memory_space<vmem>>) offsets(%dma_start3A_1141 : memref<128xi32, #tpu.memory_space<vmem>>) semaphore(%arg12 : memref<!tpu.dma_semaphore, #tpu.memory_space<semaphore_mem>>)
    %dma_wait3A_1145 = arith.constant 0 : i32
    %dma_wait3A_1146 = arith.constant 0 : i32
    %dma_wait3A_1147 = arith.constant 0 : i32
    %dma_wait3A_1148 = arith.constant 0 : i32
    %dma_wait3A_1149 = tpu.memref_slice %arg6[%dma_wait3A_1146, %dma_wait3A_1147, %dma_wait3A_1148] : memref<3x128x64xf32, #tpu.memory_space<vmem>> -> memref<1x128x64xf32, #tpu.memory_space<vmem>>
    %dma_wait3A_1150 = tpu.memref_squeeze %dma_wait3A_1149 : memref<1x128x64xf32, #tpu.memory_space<vmem>> -> memref<128x64xf32, #tpu.memory_space<vmem>>
    %dma_wait3A_1151 = arith.constant 0 : i32
    %dma_wait3A_1152 = tpu.memref_slice %arg5[%dma_wait3A_1145, %dma_wait3A_1151] : memref<3x128xi32, #tpu.memory_space<vmem>> -> memref<1x128xi32, #tpu.memory_space<vmem>>
    %dma_wait3A_1153 = tpu.memref_squeeze %dma_wait3A_1152 : memref<1x128xi32, #tpu.memory_space<vmem>> -> memref<128xi32, #tpu.memory_space<vmem>>
    %dma_wait3A_1154 = arith.constant 0 : i32
    %dma_wait3A_1155 = arith.constant 0 : i32
    %dma_wait3A_1156 = tpu.memref_slice %arg7[%dma_wait3A_1154, %dma_wait3A_1155] : memref<8192x64xf32, #tpu.memory_space<vmem_shared>> -> memref<8192x64xf32, #tpu.memory_space<vmem_shared>>
    tpu.wait_indirect_dma semaphore(%arg11 : memref<!tpu.dma_semaphore, #tpu.memory_space<semaphore_mem>>) src(%dma_wait3A_1156 : memref<8192x64xf32, #tpu.memory_space<vmem_shared>>) dst(%dma_wait3A_1150 : memref<128x64xf32, #tpu.memory_space<vmem>>)
    %add3A_1157 = arith.constant 1920 : i32
    %add3A_1158 = arith.addi %mul3A_2, %add3A_1157 : i32
    %dma_start3A_1159 = arith.constant 0 : i32
    %dma_start3A_1160 = arith.constant 0 : i32
    %dma_start3A_1161 = arith.constant 0 : i32
    %dma_start3A_1162 = tpu.memref_slice %arg6[%dma_start3A_1159, %dma_start3A_1160, %dma_start3A_1161] : memref<3x128x64xf32, #tpu.memory_space<vmem>> -> memref<1x128x64xf32, #tpu.memory_space<vmem>>
    %dma_start3A_1163 = tpu.memref_squeeze %dma_start3A_1162 : memref<1x128x64xf32, #tpu.memory_space<vmem>> -> memref<128x64xf32, #tpu.memory_space<vmem>>
    %dma_start3A_1164 = arith.constant 0 : i32
    %dma_start3A_1165 = tpu.memref_slice %arg4[%add3A_1158, %dma_start3A_1164] : memref<98304x64xf32, #tpu.memory_space<hbm>> -> memref<128x64xf32, #tpu.memory_space<hbm>>
    %dma_start3A_1166 = arith.constant 0 : i32
    %dma_start3A_1167 = tpu.memref_slice %arg4[%add3A_1158, %dma_start3A_1166] : memref<98304x64xf32, #tpu.memory_space<hbm>> -> memref<128x64xf32, #tpu.memory_space<hbm>>
    %dma_start3A_1168 = arith.constant 0 : i32
    %dma_start3A_1169 = arith.constant 0 : i32
    %dma_start3A_1170 = tpu.memref_slice %arg6[%dma_start3A_1159, %dma_start3A_1168, %dma_start3A_1169] : memref<3x128x64xf32, #tpu.memory_space<vmem>> -> memref<1x128x64xf32, #tpu.memory_space<vmem>>
    %dma_start3A_1171 = tpu.memref_squeeze %dma_start3A_1170 : memref<1x128x64xf32, #tpu.memory_space<vmem>> -> memref<128x64xf32, #tpu.memory_space<vmem>>
    tpu.enqueue_dma source(%dma_start3A_1171 : memref<128x64xf32, #tpu.memory_space<vmem>>) target(%dma_start3A_1167 : memref<128x64xf32, #tpu.memory_space<hbm>>) target_semaphore(%arg14 : memref<!tpu.dma_semaphore, #tpu.memory_space<semaphore_mem>>)
    %add3A_1172 = arith.constant 2304 : i32
    %add3A_1173 = arith.addi %mul3A_2, %add3A_1172 : i32
    %dma_start3A_1174 = arith.constant 0 : i32
    %dma_start3A_1175 = arith.constant 0 : i32
    %dma_start3A_1176 = tpu.memref_slice %arg5[%dma_start3A_1174, %dma_start3A_1175] : memref<3x128xi32, #tpu.memory_space<vmem>> -> memref<1x128xi32, #tpu.memory_space<vmem>>
    %dma_start3A_1177 = tpu.memref_squeeze %dma_start3A_1176 : memref<1x128xi32, #tpu.memory_space<vmem>> -> memref<128xi32, #tpu.memory_space<vmem>>
    %dma_start3A_1178 = tpu.memref_slice %arg2[%add3A_1173] : memref<98304xi32, #tpu.memory_space<hbm>> -> memref<128xi32, #tpu.memory_space<hbm>>
    %dma_start3A_1179 = arith.constant 0 : i32
    %dma_start3A_1180 = tpu.memref_slice %arg5[%dma_start3A_1174, %dma_start3A_1179] : memref<3x128xi32, #tpu.memory_space<vmem>> -> memref<1x128xi32, #tpu.memory_space<vmem>>
    %dma_start3A_1181 = tpu.memref_squeeze %dma_start3A_1180 : memref<1x128xi32, #tpu.memory_space<vmem>> -> memref<128xi32, #tpu.memory_space<vmem>>
    %dma_start3A_1182 = tpu.memref_slice %arg2[%add3A_1173] : memref<98304xi32, #tpu.memory_space<hbm>> -> memref<128xi32, #tpu.memory_space<hbm>>
    tpu.enqueue_dma source(%dma_start3A_1182 : memref<128xi32, #tpu.memory_space<hbm>>) target(%dma_start3A_1181 : memref<128xi32, #tpu.memory_space<vmem>>) target_semaphore(%arg8 : memref<!tpu.dma_semaphore, #tpu.memory_space<semaphore_mem>>)
    %dma_wait3A_1183 = arith.constant 2 : i32
    %dma_wait3A_1184 = arith.constant 0 : i32
    %dma_wait3A_1185 = tpu.memref_slice %arg5[%dma_wait3A_1183, %dma_wait3A_1184] : memref<3x128xi32, #tpu.memory_space<vmem>> -> memref<1x128xi32, #tpu.memory_space<vmem>>
    %dma_wait3A_1186 = tpu.memref_squeeze %dma_wait3A_1185 : memref<1x128xi32, #tpu.memory_space<vmem>> -> memref<128xi32, #tpu.memory_space<vmem>>
    %dma_wait3A_1187 = tpu.memref_slice %arg2[%add3A_1101] : memref<98304xi32, #tpu.memory_space<hbm>> -> memref<128xi32, #tpu.memory_space<hbm>>
    %dma_wait3A_1188 = arith.constant 0 : i32
    %dma_wait3A_1189 = tpu.memref_slice %arg5[%dma_wait3A_1183, %dma_wait3A_1188] : memref<3x128xi32, #tpu.memory_space<vmem>> -> memref<1x128xi32, #tpu.memory_space<vmem>>
    %dma_wait3A_1190 = tpu.memref_squeeze %dma_wait3A_1189 : memref<1x128xi32, #tpu.memory_space<vmem>> -> memref<128xi32, #tpu.memory_space<vmem>>
    %dma_wait3A_1191 = tpu.memref_slice %arg2[%add3A_1101] : memref<98304xi32, #tpu.memory_space<hbm>> -> memref<128xi32, #tpu.memory_space<hbm>>
    tpu.wait_dma2 semaphore(%arg10 : memref<!tpu.dma_semaphore, #tpu.memory_space<semaphore_mem>>) src(%dma_wait3A_1191 : memref<128xi32, #tpu.memory_space<hbm>>) dst(%dma_wait3A_1190 : memref<128xi32, #tpu.memory_space<vmem>>)
    %dma_wait3A_1192 = arith.constant 2 : i32
    %dma_wait3A_1193 = arith.constant 0 : i32
    %dma_wait3A_1194 = arith.constant 0 : i32
    %dma_wait3A_1195 = tpu.memref_slice %arg6[%dma_wait3A_1192, %dma_wait3A_1193, %dma_wait3A_1194] : memref<3x128x64xf32, #tpu.memory_space<vmem>> -> memref<1x128x64xf32, #tpu.memory_space<vmem>>
    %dma_wait3A_1196 = tpu.memref_squeeze %dma_wait3A_1195 : memref<1x128x64xf32, #tpu.memory_space<vmem>> -> memref<128x64xf32, #tpu.memory_space<vmem>>
    %dma_wait3A_1197 = arith.constant 0 : i32
    %dma_wait3A_1198 = tpu.memref_slice %arg4[%add3A_1086, %dma_wait3A_1197] : memref<98304x64xf32, #tpu.memory_space<hbm>> -> memref<128x64xf32, #tpu.memory_space<hbm>>
    %dma_wait3A_1199 = arith.constant 0 : i32
    %dma_wait3A_1200 = tpu.memref_slice %arg4[%add3A_1086, %dma_wait3A_1199] : memref<98304x64xf32, #tpu.memory_space<hbm>> -> memref<128x64xf32, #tpu.memory_space<hbm>>
    %dma_wait3A_1201 = arith.constant 0 : i32
    %dma_wait3A_1202 = arith.constant 0 : i32
    %dma_wait3A_1203 = tpu.memref_slice %arg6[%dma_wait3A_1192, %dma_wait3A_1201, %dma_wait3A_1202] : memref<3x128x64xf32, #tpu.memory_space<vmem>> -> memref<1x128x64xf32, #tpu.memory_space<vmem>>
    %dma_wait3A_1204 = tpu.memref_squeeze %dma_wait3A_1203 : memref<1x128x64xf32, #tpu.memory_space<vmem>> -> memref<128x64xf32, #tpu.memory_space<vmem>>
    tpu.wait_dma2 semaphore(%arg16 : memref<!tpu.dma_semaphore, #tpu.memory_space<semaphore_mem>>) src(%dma_wait3A_1204 : memref<128x64xf32, #tpu.memory_space<vmem>>) dst(%dma_wait3A_1200 : memref<128x64xf32, #tpu.memory_space<hbm>>)
    %dma_start3A_1205 = arith.constant 2 : i32
    %dma_start3A_1206 = arith.constant 2 : i32
    %dma_start3A_1207 = arith.constant 0 : i32
    %dma_start3A_1208 = arith.constant 0 : i32
    %dma_start3A_1209 = tpu.memref_slice %arg6[%dma_start3A_1206, %dma_start3A_1207, %dma_start3A_1208] : memref<3x128x64xf32, #tpu.memory_space<vmem>> -> memref<1x128x64xf32, #tpu.memory_space<vmem>>
    %dma_start3A_1210 = tpu.memref_squeeze %dma_start3A_1209 : memref<1x128x64xf32, #tpu.memory_space<vmem>> -> memref<128x64xf32, #tpu.memory_space<vmem>>
    %dma_start3A_1211 = arith.constant 0 : i32
    %dma_start3A_1212 = tpu.memref_slice %arg5[%dma_start3A_1205, %dma_start3A_1211] : memref<3x128xi32, #tpu.memory_space<vmem>> -> memref<1x128xi32, #tpu.memory_space<vmem>>
    %dma_start3A_1213 = tpu.memref_squeeze %dma_start3A_1212 : memref<1x128xi32, #tpu.memory_space<vmem>> -> memref<128xi32, #tpu.memory_space<vmem>>
    %dma_start3A_1214 = arith.constant 0 : i32
    %dma_start3A_1215 = arith.constant 0 : i32
    %dma_start3A_1216 = tpu.memref_slice %arg7[%dma_start3A_1214, %dma_start3A_1215] : memref<8192x64xf32, #tpu.memory_space<vmem_shared>> -> memref<8192x64xf32, #tpu.memory_space<vmem_shared>>
    tpu.enqueue_indirect_dma source(%dma_start3A_1216 : memref<8192x64xf32, #tpu.memory_space<vmem_shared>>) target(%dma_start3A_1210 : memref<128x64xf32, #tpu.memory_space<vmem>>) offsets(%dma_start3A_1213 : memref<128xi32, #tpu.memory_space<vmem>>) semaphore(%arg13 : memref<!tpu.dma_semaphore, #tpu.memory_space<semaphore_mem>>)
    %dma_wait3A_1217 = arith.constant 1 : i32
    %dma_wait3A_1218 = arith.constant 1 : i32
    %dma_wait3A_1219 = arith.constant 0 : i32
    %dma_wait3A_1220 = arith.constant 0 : i32
    %dma_wait3A_1221 = tpu.memref_slice %arg6[%dma_wait3A_1218, %dma_wait3A_1219, %dma_wait3A_1220] : memref<3x128x64xf32, #tpu.memory_space<vmem>> -> memref<1x128x64xf32, #tpu.memory_space<vmem>>
    %dma_wait3A_1222 = tpu.memref_squeeze %dma_wait3A_1221 : memref<1x128x64xf32, #tpu.memory_space<vmem>> -> memref<128x64xf32, #tpu.memory_space<vmem>>
    %dma_wait3A_1223 = arith.constant 0 : i32
    %dma_wait3A_1224 = tpu.memref_slice %arg5[%dma_wait3A_1217, %dma_wait3A_1223] : memref<3x128xi32, #tpu.memory_space<vmem>> -> memref<1x128xi32, #tpu.memory_space<vmem>>
    %dma_wait3A_1225 = tpu.memref_squeeze %dma_wait3A_1224 : memref<1x128xi32, #tpu.memory_space<vmem>> -> memref<128xi32, #tpu.memory_space<vmem>>
    %dma_wait3A_1226 = arith.constant 0 : i32
    %dma_wait3A_1227 = arith.constant 0 : i32
    %dma_wait3A_1228 = tpu.memref_slice %arg7[%dma_wait3A_1226, %dma_wait3A_1227] : memref<8192x64xf32, #tpu.memory_space<vmem_shared>> -> memref<8192x64xf32, #tpu.memory_space<vmem_shared>>
    tpu.wait_indirect_dma semaphore(%arg12 : memref<!tpu.dma_semaphore, #tpu.memory_space<semaphore_mem>>) src(%dma_wait3A_1228 : memref<8192x64xf32, #tpu.memory_space<vmem_shared>>) dst(%dma_wait3A_1222 : memref<128x64xf32, #tpu.memory_space<vmem>>)
    %add3A_1229 = arith.constant 2048 : i32
    %add3A_1230 = arith.addi %mul3A_2, %add3A_1229 : i32
    %dma_start3A_1231 = arith.constant 1 : i32
    %dma_start3A_1232 = arith.constant 0 : i32
    %dma_start3A_1233 = arith.constant 0 : i32
    %dma_start3A_1234 = tpu.memref_slice %arg6[%dma_start3A_1231, %dma_start3A_1232, %dma_start3A_1233] : memref<3x128x64xf32, #tpu.memory_space<vmem>> -> memref<1x128x64xf32, #tpu.memory_space<vmem>>
    %dma_start3A_1235 = tpu.memref_squeeze %dma_start3A_1234 : memref<1x128x64xf32, #tpu.memory_space<vmem>> -> memref<128x64xf32, #tpu.memory_space<vmem>>
    %dma_start3A_1236 = arith.constant 0 : i32
    %dma_start3A_1237 = tpu.memref_slice %arg4[%add3A_1230, %dma_start3A_1236] : memref<98304x64xf32, #tpu.memory_space<hbm>> -> memref<128x64xf32, #tpu.memory_space<hbm>>
    %dma_start3A_1238 = arith.constant 0 : i32
    %dma_start3A_1239 = tpu.memref_slice %arg4[%add3A_1230, %dma_start3A_1238] : memref<98304x64xf32, #tpu.memory_space<hbm>> -> memref<128x64xf32, #tpu.memory_space<hbm>>
    %dma_start3A_1240 = arith.constant 0 : i32
    %dma_start3A_1241 = arith.constant 0 : i32
    %dma_start3A_1242 = tpu.memref_slice %arg6[%dma_start3A_1231, %dma_start3A_1240, %dma_start3A_1241] : memref<3x128x64xf32, #tpu.memory_space<vmem>> -> memref<1x128x64xf32, #tpu.memory_space<vmem>>
    %dma_start3A_1243 = tpu.memref_squeeze %dma_start3A_1242 : memref<1x128x64xf32, #tpu.memory_space<vmem>> -> memref<128x64xf32, #tpu.memory_space<vmem>>
    tpu.enqueue_dma source(%dma_start3A_1243 : memref<128x64xf32, #tpu.memory_space<vmem>>) target(%dma_start3A_1239 : memref<128x64xf32, #tpu.memory_space<hbm>>) target_semaphore(%arg15 : memref<!tpu.dma_semaphore, #tpu.memory_space<semaphore_mem>>)
    %add3A_1244 = arith.constant 2432 : i32
    %add3A_1245 = arith.addi %mul3A_2, %add3A_1244 : i32
    %dma_start3A_1246 = arith.constant 1 : i32
    %dma_start3A_1247 = arith.constant 0 : i32
    %dma_start3A_1248 = tpu.memref_slice %arg5[%dma_start3A_1246, %dma_start3A_1247] : memref<3x128xi32, #tpu.memory_space<vmem>> -> memref<1x128xi32, #tpu.memory_space<vmem>>
    %dma_start3A_1249 = tpu.memref_squeeze %dma_start3A_1248 : memref<1x128xi32, #tpu.memory_space<vmem>> -> memref<128xi32, #tpu.memory_space<vmem>>
    %dma_start3A_1250 = tpu.memref_slice %arg2[%add3A_1245] : memref<98304xi32, #tpu.memory_space<hbm>> -> memref<128xi32, #tpu.memory_space<hbm>>
    %dma_start3A_1251 = arith.constant 0 : i32
    %dma_start3A_1252 = tpu.memref_slice %arg5[%dma_start3A_1246, %dma_start3A_1251] : memref<3x128xi32, #tpu.memory_space<vmem>> -> memref<1x128xi32, #tpu.memory_space<vmem>>
    %dma_start3A_1253 = tpu.memref_squeeze %dma_start3A_1252 : memref<1x128xi32, #tpu.memory_space<vmem>> -> memref<128xi32, #tpu.memory_space<vmem>>
    %dma_start3A_1254 = tpu.memref_slice %arg2[%add3A_1245] : memref<98304xi32, #tpu.memory_space<hbm>> -> memref<128xi32, #tpu.memory_space<hbm>>
    tpu.enqueue_dma source(%dma_start3A_1254 : memref<128xi32, #tpu.memory_space<hbm>>) target(%dma_start3A_1253 : memref<128xi32, #tpu.memory_space<vmem>>) target_semaphore(%arg9 : memref<!tpu.dma_semaphore, #tpu.memory_space<semaphore_mem>>)
    %dma_wait3A_1255 = arith.constant 0 : i32
    %dma_wait3A_1256 = arith.constant 0 : i32
    %dma_wait3A_1257 = tpu.memref_slice %arg5[%dma_wait3A_1255, %dma_wait3A_1256] : memref<3x128xi32, #tpu.memory_space<vmem>> -> memref<1x128xi32, #tpu.memory_space<vmem>>
    %dma_wait3A_1258 = tpu.memref_squeeze %dma_wait3A_1257 : memref<1x128xi32, #tpu.memory_space<vmem>> -> memref<128xi32, #tpu.memory_space<vmem>>
    %dma_wait3A_1259 = tpu.memref_slice %arg2[%add3A_1173] : memref<98304xi32, #tpu.memory_space<hbm>> -> memref<128xi32, #tpu.memory_space<hbm>>
    %dma_wait3A_1260 = arith.constant 0 : i32
    %dma_wait3A_1261 = tpu.memref_slice %arg5[%dma_wait3A_1255, %dma_wait3A_1260] : memref<3x128xi32, #tpu.memory_space<vmem>> -> memref<1x128xi32, #tpu.memory_space<vmem>>
    %dma_wait3A_1262 = tpu.memref_squeeze %dma_wait3A_1261 : memref<1x128xi32, #tpu.memory_space<vmem>> -> memref<128xi32, #tpu.memory_space<vmem>>
    %dma_wait3A_1263 = tpu.memref_slice %arg2[%add3A_1173] : memref<98304xi32, #tpu.memory_space<hbm>> -> memref<128xi32, #tpu.memory_space<hbm>>
    tpu.wait_dma2 semaphore(%arg8 : memref<!tpu.dma_semaphore, #tpu.memory_space<semaphore_mem>>) src(%dma_wait3A_1263 : memref<128xi32, #tpu.memory_space<hbm>>) dst(%dma_wait3A_1262 : memref<128xi32, #tpu.memory_space<vmem>>)
    %dma_wait3A_1264 = arith.constant 0 : i32
    %dma_wait3A_1265 = arith.constant 0 : i32
    %dma_wait3A_1266 = arith.constant 0 : i32
    %dma_wait3A_1267 = tpu.memref_slice %arg6[%dma_wait3A_1264, %dma_wait3A_1265, %dma_wait3A_1266] : memref<3x128x64xf32, #tpu.memory_space<vmem>> -> memref<1x128x64xf32, #tpu.memory_space<vmem>>
    %dma_wait3A_1268 = tpu.memref_squeeze %dma_wait3A_1267 : memref<1x128x64xf32, #tpu.memory_space<vmem>> -> memref<128x64xf32, #tpu.memory_space<vmem>>
    %dma_wait3A_1269 = arith.constant 0 : i32
    %dma_wait3A_1270 = tpu.memref_slice %arg4[%add3A_1158, %dma_wait3A_1269] : memref<98304x64xf32, #tpu.memory_space<hbm>> -> memref<128x64xf32, #tpu.memory_space<hbm>>
    %dma_wait3A_1271 = arith.constant 0 : i32
    %dma_wait3A_1272 = tpu.memref_slice %arg4[%add3A_1158, %dma_wait3A_1271] : memref<98304x64xf32, #tpu.memory_space<hbm>> -> memref<128x64xf32, #tpu.memory_space<hbm>>
    %dma_wait3A_1273 = arith.constant 0 : i32
    %dma_wait3A_1274 = arith.constant 0 : i32
    %dma_wait3A_1275 = tpu.memref_slice %arg6[%dma_wait3A_1264, %dma_wait3A_1273, %dma_wait3A_1274] : memref<3x128x64xf32, #tpu.memory_space<vmem>> -> memref<1x128x64xf32, #tpu.memory_space<vmem>>
    %dma_wait3A_1276 = tpu.memref_squeeze %dma_wait3A_1275 : memref<1x128x64xf32, #tpu.memory_space<vmem>> -> memref<128x64xf32, #tpu.memory_space<vmem>>
    tpu.wait_dma2 semaphore(%arg14 : memref<!tpu.dma_semaphore, #tpu.memory_space<semaphore_mem>>) src(%dma_wait3A_1276 : memref<128x64xf32, #tpu.memory_space<vmem>>) dst(%dma_wait3A_1272 : memref<128x64xf32, #tpu.memory_space<hbm>>)
    %dma_start3A_1277 = arith.constant 0 : i32
    %dma_start3A_1278 = arith.constant 0 : i32
    %dma_start3A_1279 = arith.constant 0 : i32
    %dma_start3A_1280 = arith.constant 0 : i32
    %dma_start3A_1281 = tpu.memref_slice %arg6[%dma_start3A_1278, %dma_start3A_1279, %dma_start3A_1280] : memref<3x128x64xf32, #tpu.memory_space<vmem>> -> memref<1x128x64xf32, #tpu.memory_space<vmem>>
    %dma_start3A_1282 = tpu.memref_squeeze %dma_start3A_1281 : memref<1x128x64xf32, #tpu.memory_space<vmem>> -> memref<128x64xf32, #tpu.memory_space<vmem>>
    %dma_start3A_1283 = arith.constant 0 : i32
    %dma_start3A_1284 = tpu.memref_slice %arg5[%dma_start3A_1277, %dma_start3A_1283] : memref<3x128xi32, #tpu.memory_space<vmem>> -> memref<1x128xi32, #tpu.memory_space<vmem>>
    %dma_start3A_1285 = tpu.memref_squeeze %dma_start3A_1284 : memref<1x128xi32, #tpu.memory_space<vmem>> -> memref<128xi32, #tpu.memory_space<vmem>>
    %dma_start3A_1286 = arith.constant 0 : i32
    %dma_start3A_1287 = arith.constant 0 : i32
    %dma_start3A_1288 = tpu.memref_slice %arg7[%dma_start3A_1286, %dma_start3A_1287] : memref<8192x64xf32, #tpu.memory_space<vmem_shared>> -> memref<8192x64xf32, #tpu.memory_space<vmem_shared>>
    tpu.enqueue_indirect_dma source(%dma_start3A_1288 : memref<8192x64xf32, #tpu.memory_space<vmem_shared>>) target(%dma_start3A_1282 : memref<128x64xf32, #tpu.memory_space<vmem>>) offsets(%dma_start3A_1285 : memref<128xi32, #tpu.memory_space<vmem>>) semaphore(%arg11 : memref<!tpu.dma_semaphore, #tpu.memory_space<semaphore_mem>>)
    %dma_wait3A_1289 = arith.constant 2 : i32
    %dma_wait3A_1290 = arith.constant 2 : i32
    %dma_wait3A_1291 = arith.constant 0 : i32
    %dma_wait3A_1292 = arith.constant 0 : i32
    %dma_wait3A_1293 = tpu.memref_slice %arg6[%dma_wait3A_1290, %dma_wait3A_1291, %dma_wait3A_1292] : memref<3x128x64xf32, #tpu.memory_space<vmem>> -> memref<1x128x64xf32, #tpu.memory_space<vmem>>
    %dma_wait3A_1294 = tpu.memref_squeeze %dma_wait3A_1293 : memref<1x128x64xf32, #tpu.memory_space<vmem>> -> memref<128x64xf32, #tpu.memory_space<vmem>>
    %dma_wait3A_1295 = arith.constant 0 : i32
    %dma_wait3A_1296 = tpu.memref_slice %arg5[%dma_wait3A_1289, %dma_wait3A_1295] : memref<3x128xi32, #tpu.memory_space<vmem>> -> memref<1x128xi32, #tpu.memory_space<vmem>>
    %dma_wait3A_1297 = tpu.memref_squeeze %dma_wait3A_1296 : memref<1x128xi32, #tpu.memory_space<vmem>> -> memref<128xi32, #tpu.memory_space<vmem>>
    %dma_wait3A_1298 = arith.constant 0 : i32
    %dma_wait3A_1299 = arith.constant 0 : i32
    %dma_wait3A_1300 = tpu.memref_slice %arg7[%dma_wait3A_1298, %dma_wait3A_1299] : memref<8192x64xf32, #tpu.memory_space<vmem_shared>> -> memref<8192x64xf32, #tpu.memory_space<vmem_shared>>
    tpu.wait_indirect_dma semaphore(%arg13 : memref<!tpu.dma_semaphore, #tpu.memory_space<semaphore_mem>>) src(%dma_wait3A_1300 : memref<8192x64xf32, #tpu.memory_space<vmem_shared>>) dst(%dma_wait3A_1294 : memref<128x64xf32, #tpu.memory_space<vmem>>)
    %add3A_1301 = arith.constant 2176 : i32
    %add3A_1302 = arith.addi %mul3A_2, %add3A_1301 : i32
    %dma_start3A_1303 = arith.constant 2 : i32
    %dma_start3A_1304 = arith.constant 0 : i32
    %dma_start3A_1305 = arith.constant 0 : i32
    %dma_start3A_1306 = tpu.memref_slice %arg6[%dma_start3A_1303, %dma_start3A_1304, %dma_start3A_1305] : memref<3x128x64xf32, #tpu.memory_space<vmem>> -> memref<1x128x64xf32, #tpu.memory_space<vmem>>
    %dma_start3A_1307 = tpu.memref_squeeze %dma_start3A_1306 : memref<1x128x64xf32, #tpu.memory_space<vmem>> -> memref<128x64xf32, #tpu.memory_space<vmem>>
    %dma_start3A_1308 = arith.constant 0 : i32
    %dma_start3A_1309 = tpu.memref_slice %arg4[%add3A_1302, %dma_start3A_1308] : memref<98304x64xf32, #tpu.memory_space<hbm>> -> memref<128x64xf32, #tpu.memory_space<hbm>>
    %dma_start3A_1310 = arith.constant 0 : i32
    %dma_start3A_1311 = tpu.memref_slice %arg4[%add3A_1302, %dma_start3A_1310] : memref<98304x64xf32, #tpu.memory_space<hbm>> -> memref<128x64xf32, #tpu.memory_space<hbm>>
    %dma_start3A_1312 = arith.constant 0 : i32
    %dma_start3A_1313 = arith.constant 0 : i32
    %dma_start3A_1314 = tpu.memref_slice %arg6[%dma_start3A_1303, %dma_start3A_1312, %dma_start3A_1313] : memref<3x128x64xf32, #tpu.memory_space<vmem>> -> memref<1x128x64xf32, #tpu.memory_space<vmem>>
    %dma_start3A_1315 = tpu.memref_squeeze %dma_start3A_1314 : memref<1x128x64xf32, #tpu.memory_space<vmem>> -> memref<128x64xf32, #tpu.memory_space<vmem>>
    tpu.enqueue_dma source(%dma_start3A_1315 : memref<128x64xf32, #tpu.memory_space<vmem>>) target(%dma_start3A_1311 : memref<128x64xf32, #tpu.memory_space<hbm>>) target_semaphore(%arg16 : memref<!tpu.dma_semaphore, #tpu.memory_space<semaphore_mem>>)
    %add3A_1316 = arith.constant 2560 : i32
    %add3A_1317 = arith.addi %mul3A_2, %add3A_1316 : i32
    %dma_start3A_1318 = arith.constant 2 : i32
    %dma_start3A_1319 = arith.constant 0 : i32
    %dma_start3A_1320 = tpu.memref_slice %arg5[%dma_start3A_1318, %dma_start3A_1319] : memref<3x128xi32, #tpu.memory_space<vmem>> -> memref<1x128xi32, #tpu.memory_space<vmem>>
    %dma_start3A_1321 = tpu.memref_squeeze %dma_start3A_1320 : memref<1x128xi32, #tpu.memory_space<vmem>> -> memref<128xi32, #tpu.memory_space<vmem>>
    %dma_start3A_1322 = tpu.memref_slice %arg2[%add3A_1317] : memref<98304xi32, #tpu.memory_space<hbm>> -> memref<128xi32, #tpu.memory_space<hbm>>
    %dma_start3A_1323 = arith.constant 0 : i32
    %dma_start3A_1324 = tpu.memref_slice %arg5[%dma_start3A_1318, %dma_start3A_1323] : memref<3x128xi32, #tpu.memory_space<vmem>> -> memref<1x128xi32, #tpu.memory_space<vmem>>
    %dma_start3A_1325 = tpu.memref_squeeze %dma_start3A_1324 : memref<1x128xi32, #tpu.memory_space<vmem>> -> memref<128xi32, #tpu.memory_space<vmem>>
    %dma_start3A_1326 = tpu.memref_slice %arg2[%add3A_1317] : memref<98304xi32, #tpu.memory_space<hbm>> -> memref<128xi32, #tpu.memory_space<hbm>>
    tpu.enqueue_dma source(%dma_start3A_1326 : memref<128xi32, #tpu.memory_space<hbm>>) target(%dma_start3A_1325 : memref<128xi32, #tpu.memory_space<vmem>>) target_semaphore(%arg10 : memref<!tpu.dma_semaphore, #tpu.memory_space<semaphore_mem>>)
    %dma_wait3A_1327 = arith.constant 1 : i32
    %dma_wait3A_1328 = arith.constant 0 : i32
    %dma_wait3A_1329 = tpu.memref_slice %arg5[%dma_wait3A_1327, %dma_wait3A_1328] : memref<3x128xi32, #tpu.memory_space<vmem>> -> memref<1x128xi32, #tpu.memory_space<vmem>>
    %dma_wait3A_1330 = tpu.memref_squeeze %dma_wait3A_1329 : memref<1x128xi32, #tpu.memory_space<vmem>> -> memref<128xi32, #tpu.memory_space<vmem>>
    %dma_wait3A_1331 = tpu.memref_slice %arg2[%add3A_1245] : memref<98304xi32, #tpu.memory_space<hbm>> -> memref<128xi32, #tpu.memory_space<hbm>>
    %dma_wait3A_1332 = arith.constant 0 : i32
    %dma_wait3A_1333 = tpu.memref_slice %arg5[%dma_wait3A_1327, %dma_wait3A_1332] : memref<3x128xi32, #tpu.memory_space<vmem>> -> memref<1x128xi32, #tpu.memory_space<vmem>>
    %dma_wait3A_1334 = tpu.memref_squeeze %dma_wait3A_1333 : memref<1x128xi32, #tpu.memory_space<vmem>> -> memref<128xi32, #tpu.memory_space<vmem>>
    %dma_wait3A_1335 = tpu.memref_slice %arg2[%add3A_1245] : memref<98304xi32, #tpu.memory_space<hbm>> -> memref<128xi32, #tpu.memory_space<hbm>>
    tpu.wait_dma2 semaphore(%arg9 : memref<!tpu.dma_semaphore, #tpu.memory_space<semaphore_mem>>) src(%dma_wait3A_1335 : memref<128xi32, #tpu.memory_space<hbm>>) dst(%dma_wait3A_1334 : memref<128xi32, #tpu.memory_space<vmem>>)
    %dma_wait3A_1336 = arith.constant 1 : i32
    %dma_wait3A_1337 = arith.constant 0 : i32
    %dma_wait3A_1338 = arith.constant 0 : i32
    %dma_wait3A_1339 = tpu.memref_slice %arg6[%dma_wait3A_1336, %dma_wait3A_1337, %dma_wait3A_1338] : memref<3x128x64xf32, #tpu.memory_space<vmem>> -> memref<1x128x64xf32, #tpu.memory_space<vmem>>
    %dma_wait3A_1340 = tpu.memref_squeeze %dma_wait3A_1339 : memref<1x128x64xf32, #tpu.memory_space<vmem>> -> memref<128x64xf32, #tpu.memory_space<vmem>>
    %dma_wait3A_1341 = arith.constant 0 : i32
    %dma_wait3A_1342 = tpu.memref_slice %arg4[%add3A_1230, %dma_wait3A_1341] : memref<98304x64xf32, #tpu.memory_space<hbm>> -> memref<128x64xf32, #tpu.memory_space<hbm>>
    %dma_wait3A_1343 = arith.constant 0 : i32
    %dma_wait3A_1344 = tpu.memref_slice %arg4[%add3A_1230, %dma_wait3A_1343] : memref<98304x64xf32, #tpu.memory_space<hbm>> -> memref<128x64xf32, #tpu.memory_space<hbm>>
    %dma_wait3A_1345 = arith.constant 0 : i32
    %dma_wait3A_1346 = arith.constant 0 : i32
    %dma_wait3A_1347 = tpu.memref_slice %arg6[%dma_wait3A_1336, %dma_wait3A_1345, %dma_wait3A_1346] : memref<3x128x64xf32, #tpu.memory_space<vmem>> -> memref<1x128x64xf32, #tpu.memory_space<vmem>>
    %dma_wait3A_1348 = tpu.memref_squeeze %dma_wait3A_1347 : memref<1x128x64xf32, #tpu.memory_space<vmem>> -> memref<128x64xf32, #tpu.memory_space<vmem>>
    tpu.wait_dma2 semaphore(%arg15 : memref<!tpu.dma_semaphore, #tpu.memory_space<semaphore_mem>>) src(%dma_wait3A_1348 : memref<128x64xf32, #tpu.memory_space<vmem>>) dst(%dma_wait3A_1344 : memref<128x64xf32, #tpu.memory_space<hbm>>)
    %dma_start3A_1349 = arith.constant 1 : i32
    %dma_start3A_1350 = arith.constant 1 : i32
    %dma_start3A_1351 = arith.constant 0 : i32
    %dma_start3A_1352 = arith.constant 0 : i32
    %dma_start3A_1353 = tpu.memref_slice %arg6[%dma_start3A_1350, %dma_start3A_1351, %dma_start3A_1352] : memref<3x128x64xf32, #tpu.memory_space<vmem>> -> memref<1x128x64xf32, #tpu.memory_space<vmem>>
    %dma_start3A_1354 = tpu.memref_squeeze %dma_start3A_1353 : memref<1x128x64xf32, #tpu.memory_space<vmem>> -> memref<128x64xf32, #tpu.memory_space<vmem>>
    %dma_start3A_1355 = arith.constant 0 : i32
    %dma_start3A_1356 = tpu.memref_slice %arg5[%dma_start3A_1349, %dma_start3A_1355] : memref<3x128xi32, #tpu.memory_space<vmem>> -> memref<1x128xi32, #tpu.memory_space<vmem>>
    %dma_start3A_1357 = tpu.memref_squeeze %dma_start3A_1356 : memref<1x128xi32, #tpu.memory_space<vmem>> -> memref<128xi32, #tpu.memory_space<vmem>>
    %dma_start3A_1358 = arith.constant 0 : i32
    %dma_start3A_1359 = arith.constant 0 : i32
    %dma_start3A_1360 = tpu.memref_slice %arg7[%dma_start3A_1358, %dma_start3A_1359] : memref<8192x64xf32, #tpu.memory_space<vmem_shared>> -> memref<8192x64xf32, #tpu.memory_space<vmem_shared>>
    tpu.enqueue_indirect_dma source(%dma_start3A_1360 : memref<8192x64xf32, #tpu.memory_space<vmem_shared>>) target(%dma_start3A_1354 : memref<128x64xf32, #tpu.memory_space<vmem>>) offsets(%dma_start3A_1357 : memref<128xi32, #tpu.memory_space<vmem>>) semaphore(%arg12 : memref<!tpu.dma_semaphore, #tpu.memory_space<semaphore_mem>>)
    %dma_wait3A_1361 = arith.constant 0 : i32
    %dma_wait3A_1362 = arith.constant 0 : i32
    %dma_wait3A_1363 = arith.constant 0 : i32
    %dma_wait3A_1364 = arith.constant 0 : i32
    %dma_wait3A_1365 = tpu.memref_slice %arg6[%dma_wait3A_1362, %dma_wait3A_1363, %dma_wait3A_1364] : memref<3x128x64xf32, #tpu.memory_space<vmem>> -> memref<1x128x64xf32, #tpu.memory_space<vmem>>
    %dma_wait3A_1366 = tpu.memref_squeeze %dma_wait3A_1365 : memref<1x128x64xf32, #tpu.memory_space<vmem>> -> memref<128x64xf32, #tpu.memory_space<vmem>>
    %dma_wait3A_1367 = arith.constant 0 : i32
    %dma_wait3A_1368 = tpu.memref_slice %arg5[%dma_wait3A_1361, %dma_wait3A_1367] : memref<3x128xi32, #tpu.memory_space<vmem>> -> memref<1x128xi32, #tpu.memory_space<vmem>>
    %dma_wait3A_1369 = tpu.memref_squeeze %dma_wait3A_1368 : memref<1x128xi32, #tpu.memory_space<vmem>> -> memref<128xi32, #tpu.memory_space<vmem>>
    %dma_wait3A_1370 = arith.constant 0 : i32
    %dma_wait3A_1371 = arith.constant 0 : i32
    %dma_wait3A_1372 = tpu.memref_slice %arg7[%dma_wait3A_1370, %dma_wait3A_1371] : memref<8192x64xf32, #tpu.memory_space<vmem_shared>> -> memref<8192x64xf32, #tpu.memory_space<vmem_shared>>
    tpu.wait_indirect_dma semaphore(%arg11 : memref<!tpu.dma_semaphore, #tpu.memory_space<semaphore_mem>>) src(%dma_wait3A_1372 : memref<8192x64xf32, #tpu.memory_space<vmem_shared>>) dst(%dma_wait3A_1366 : memref<128x64xf32, #tpu.memory_space<vmem>>)
    %add3A_1373 = arith.constant 2304 : i32
    %add3A_1374 = arith.addi %mul3A_2, %add3A_1373 : i32
    %dma_start3A_1375 = arith.constant 0 : i32
    %dma_start3A_1376 = arith.constant 0 : i32
    %dma_start3A_1377 = arith.constant 0 : i32
    %dma_start3A_1378 = tpu.memref_slice %arg6[%dma_start3A_1375, %dma_start3A_1376, %dma_start3A_1377] : memref<3x128x64xf32, #tpu.memory_space<vmem>> -> memref<1x128x64xf32, #tpu.memory_space<vmem>>
    %dma_start3A_1379 = tpu.memref_squeeze %dma_start3A_1378 : memref<1x128x64xf32, #tpu.memory_space<vmem>> -> memref<128x64xf32, #tpu.memory_space<vmem>>
    %dma_start3A_1380 = arith.constant 0 : i32
    %dma_start3A_1381 = tpu.memref_slice %arg4[%add3A_1374, %dma_start3A_1380] : memref<98304x64xf32, #tpu.memory_space<hbm>> -> memref<128x64xf32, #tpu.memory_space<hbm>>
    %dma_start3A_1382 = arith.constant 0 : i32
    %dma_start3A_1383 = tpu.memref_slice %arg4[%add3A_1374, %dma_start3A_1382] : memref<98304x64xf32, #tpu.memory_space<hbm>> -> memref<128x64xf32, #tpu.memory_space<hbm>>
    %dma_start3A_1384 = arith.constant 0 : i32
    %dma_start3A_1385 = arith.constant 0 : i32
    %dma_start3A_1386 = tpu.memref_slice %arg6[%dma_start3A_1375, %dma_start3A_1384, %dma_start3A_1385] : memref<3x128x64xf32, #tpu.memory_space<vmem>> -> memref<1x128x64xf32, #tpu.memory_space<vmem>>
    %dma_start3A_1387 = tpu.memref_squeeze %dma_start3A_1386 : memref<1x128x64xf32, #tpu.memory_space<vmem>> -> memref<128x64xf32, #tpu.memory_space<vmem>>
    tpu.enqueue_dma source(%dma_start3A_1387 : memref<128x64xf32, #tpu.memory_space<vmem>>) target(%dma_start3A_1383 : memref<128x64xf32, #tpu.memory_space<hbm>>) target_semaphore(%arg14 : memref<!tpu.dma_semaphore, #tpu.memory_space<semaphore_mem>>)
    %add3A_1388 = arith.constant 2688 : i32
    %add3A_1389 = arith.addi %mul3A_2, %add3A_1388 : i32
    %dma_start3A_1390 = arith.constant 0 : i32
    %dma_start3A_1391 = arith.constant 0 : i32
    %dma_start3A_1392 = tpu.memref_slice %arg5[%dma_start3A_1390, %dma_start3A_1391] : memref<3x128xi32, #tpu.memory_space<vmem>> -> memref<1x128xi32, #tpu.memory_space<vmem>>
    %dma_start3A_1393 = tpu.memref_squeeze %dma_start3A_1392 : memref<1x128xi32, #tpu.memory_space<vmem>> -> memref<128xi32, #tpu.memory_space<vmem>>
    %dma_start3A_1394 = tpu.memref_slice %arg2[%add3A_1389] : memref<98304xi32, #tpu.memory_space<hbm>> -> memref<128xi32, #tpu.memory_space<hbm>>
    %dma_start3A_1395 = arith.constant 0 : i32
    %dma_start3A_1396 = tpu.memref_slice %arg5[%dma_start3A_1390, %dma_start3A_1395] : memref<3x128xi32, #tpu.memory_space<vmem>> -> memref<1x128xi32, #tpu.memory_space<vmem>>
    %dma_start3A_1397 = tpu.memref_squeeze %dma_start3A_1396 : memref<1x128xi32, #tpu.memory_space<vmem>> -> memref<128xi32, #tpu.memory_space<vmem>>
    %dma_start3A_1398 = tpu.memref_slice %arg2[%add3A_1389] : memref<98304xi32, #tpu.memory_space<hbm>> -> memref<128xi32, #tpu.memory_space<hbm>>
    tpu.enqueue_dma source(%dma_start3A_1398 : memref<128xi32, #tpu.memory_space<hbm>>) target(%dma_start3A_1397 : memref<128xi32, #tpu.memory_space<vmem>>) target_semaphore(%arg8 : memref<!tpu.dma_semaphore, #tpu.memory_space<semaphore_mem>>)
    %dma_wait3A_1399 = arith.constant 2 : i32
    %dma_wait3A_1400 = arith.constant 0 : i32
    %dma_wait3A_1401 = tpu.memref_slice %arg5[%dma_wait3A_1399, %dma_wait3A_1400] : memref<3x128xi32, #tpu.memory_space<vmem>> -> memref<1x128xi32, #tpu.memory_space<vmem>>
    %dma_wait3A_1402 = tpu.memref_squeeze %dma_wait3A_1401 : memref<1x128xi32, #tpu.memory_space<vmem>> -> memref<128xi32, #tpu.memory_space<vmem>>
    %dma_wait3A_1403 = tpu.memref_slice %arg2[%add3A_1317] : memref<98304xi32, #tpu.memory_space<hbm>> -> memref<128xi32, #tpu.memory_space<hbm>>
    %dma_wait3A_1404 = arith.constant 0 : i32
    %dma_wait3A_1405 = tpu.memref_slice %arg5[%dma_wait3A_1399, %dma_wait3A_1404] : memref<3x128xi32, #tpu.memory_space<vmem>> -> memref<1x128xi32, #tpu.memory_space<vmem>>
    %dma_wait3A_1406 = tpu.memref_squeeze %dma_wait3A_1405 : memref<1x128xi32, #tpu.memory_space<vmem>> -> memref<128xi32, #tpu.memory_space<vmem>>
    %dma_wait3A_1407 = tpu.memref_slice %arg2[%add3A_1317] : memref<98304xi32, #tpu.memory_space<hbm>> -> memref<128xi32, #tpu.memory_space<hbm>>
    tpu.wait_dma2 semaphore(%arg10 : memref<!tpu.dma_semaphore, #tpu.memory_space<semaphore_mem>>) src(%dma_wait3A_1407 : memref<128xi32, #tpu.memory_space<hbm>>) dst(%dma_wait3A_1406 : memref<128xi32, #tpu.memory_space<vmem>>)
    %dma_wait3A_1408 = arith.constant 2 : i32
    %dma_wait3A_1409 = arith.constant 0 : i32
    %dma_wait3A_1410 = arith.constant 0 : i32
    %dma_wait3A_1411 = tpu.memref_slice %arg6[%dma_wait3A_1408, %dma_wait3A_1409, %dma_wait3A_1410] : memref<3x128x64xf32, #tpu.memory_space<vmem>> -> memref<1x128x64xf32, #tpu.memory_space<vmem>>
    %dma_wait3A_1412 = tpu.memref_squeeze %dma_wait3A_1411 : memref<1x128x64xf32, #tpu.memory_space<vmem>> -> memref<128x64xf32, #tpu.memory_space<vmem>>
    %dma_wait3A_1413 = arith.constant 0 : i32
    %dma_wait3A_1414 = tpu.memref_slice %arg4[%add3A_1302, %dma_wait3A_1413] : memref<98304x64xf32, #tpu.memory_space<hbm>> -> memref<128x64xf32, #tpu.memory_space<hbm>>
    %dma_wait3A_1415 = arith.constant 0 : i32
    %dma_wait3A_1416 = tpu.memref_slice %arg4[%add3A_1302, %dma_wait3A_1415] : memref<98304x64xf32, #tpu.memory_space<hbm>> -> memref<128x64xf32, #tpu.memory_space<hbm>>
    %dma_wait3A_1417 = arith.constant 0 : i32
    %dma_wait3A_1418 = arith.constant 0 : i32
    %dma_wait3A_1419 = tpu.memref_slice %arg6[%dma_wait3A_1408, %dma_wait3A_1417, %dma_wait3A_1418] : memref<3x128x64xf32, #tpu.memory_space<vmem>> -> memref<1x128x64xf32, #tpu.memory_space<vmem>>
    %dma_wait3A_1420 = tpu.memref_squeeze %dma_wait3A_1419 : memref<1x128x64xf32, #tpu.memory_space<vmem>> -> memref<128x64xf32, #tpu.memory_space<vmem>>
    tpu.wait_dma2 semaphore(%arg16 : memref<!tpu.dma_semaphore, #tpu.memory_space<semaphore_mem>>) src(%dma_wait3A_1420 : memref<128x64xf32, #tpu.memory_space<vmem>>) dst(%dma_wait3A_1416 : memref<128x64xf32, #tpu.memory_space<hbm>>)
    %dma_start3A_1421 = arith.constant 2 : i32
    %dma_start3A_1422 = arith.constant 2 : i32
    %dma_start3A_1423 = arith.constant 0 : i32
    %dma_start3A_1424 = arith.constant 0 : i32
    %dma_start3A_1425 = tpu.memref_slice %arg6[%dma_start3A_1422, %dma_start3A_1423, %dma_start3A_1424] : memref<3x128x64xf32, #tpu.memory_space<vmem>> -> memref<1x128x64xf32, #tpu.memory_space<vmem>>
    %dma_start3A_1426 = tpu.memref_squeeze %dma_start3A_1425 : memref<1x128x64xf32, #tpu.memory_space<vmem>> -> memref<128x64xf32, #tpu.memory_space<vmem>>
    %dma_start3A_1427 = arith.constant 0 : i32
    %dma_start3A_1428 = tpu.memref_slice %arg5[%dma_start3A_1421, %dma_start3A_1427] : memref<3x128xi32, #tpu.memory_space<vmem>> -> memref<1x128xi32, #tpu.memory_space<vmem>>
    %dma_start3A_1429 = tpu.memref_squeeze %dma_start3A_1428 : memref<1x128xi32, #tpu.memory_space<vmem>> -> memref<128xi32, #tpu.memory_space<vmem>>
    %dma_start3A_1430 = arith.constant 0 : i32
    %dma_start3A_1431 = arith.constant 0 : i32
    %dma_start3A_1432 = tpu.memref_slice %arg7[%dma_start3A_1430, %dma_start3A_1431] : memref<8192x64xf32, #tpu.memory_space<vmem_shared>> -> memref<8192x64xf32, #tpu.memory_space<vmem_shared>>
    tpu.enqueue_indirect_dma source(%dma_start3A_1432 : memref<8192x64xf32, #tpu.memory_space<vmem_shared>>) target(%dma_start3A_1426 : memref<128x64xf32, #tpu.memory_space<vmem>>) offsets(%dma_start3A_1429 : memref<128xi32, #tpu.memory_space<vmem>>) semaphore(%arg13 : memref<!tpu.dma_semaphore, #tpu.memory_space<semaphore_mem>>)
    %dma_wait3A_1433 = arith.constant 1 : i32
    %dma_wait3A_1434 = arith.constant 1 : i32
    %dma_wait3A_1435 = arith.constant 0 : i32
    %dma_wait3A_1436 = arith.constant 0 : i32
    %dma_wait3A_1437 = tpu.memref_slice %arg6[%dma_wait3A_1434, %dma_wait3A_1435, %dma_wait3A_1436] : memref<3x128x64xf32, #tpu.memory_space<vmem>> -> memref<1x128x64xf32, #tpu.memory_space<vmem>>
    %dma_wait3A_1438 = tpu.memref_squeeze %dma_wait3A_1437 : memref<1x128x64xf32, #tpu.memory_space<vmem>> -> memref<128x64xf32, #tpu.memory_space<vmem>>
    %dma_wait3A_1439 = arith.constant 0 : i32
    %dma_wait3A_1440 = tpu.memref_slice %arg5[%dma_wait3A_1433, %dma_wait3A_1439] : memref<3x128xi32, #tpu.memory_space<vmem>> -> memref<1x128xi32, #tpu.memory_space<vmem>>
    %dma_wait3A_1441 = tpu.memref_squeeze %dma_wait3A_1440 : memref<1x128xi32, #tpu.memory_space<vmem>> -> memref<128xi32, #tpu.memory_space<vmem>>
    %dma_wait3A_1442 = arith.constant 0 : i32
    %dma_wait3A_1443 = arith.constant 0 : i32
    %dma_wait3A_1444 = tpu.memref_slice %arg7[%dma_wait3A_1442, %dma_wait3A_1443] : memref<8192x64xf32, #tpu.memory_space<vmem_shared>> -> memref<8192x64xf32, #tpu.memory_space<vmem_shared>>
    tpu.wait_indirect_dma semaphore(%arg12 : memref<!tpu.dma_semaphore, #tpu.memory_space<semaphore_mem>>) src(%dma_wait3A_1444 : memref<8192x64xf32, #tpu.memory_space<vmem_shared>>) dst(%dma_wait3A_1438 : memref<128x64xf32, #tpu.memory_space<vmem>>)
    %add3A_1445 = arith.constant 2432 : i32
    %add3A_1446 = arith.addi %mul3A_2, %add3A_1445 : i32
    %dma_start3A_1447 = arith.constant 1 : i32
    %dma_start3A_1448 = arith.constant 0 : i32
    %dma_start3A_1449 = arith.constant 0 : i32
    %dma_start3A_1450 = tpu.memref_slice %arg6[%dma_start3A_1447, %dma_start3A_1448, %dma_start3A_1449] : memref<3x128x64xf32, #tpu.memory_space<vmem>> -> memref<1x128x64xf32, #tpu.memory_space<vmem>>
    %dma_start3A_1451 = tpu.memref_squeeze %dma_start3A_1450 : memref<1x128x64xf32, #tpu.memory_space<vmem>> -> memref<128x64xf32, #tpu.memory_space<vmem>>
    %dma_start3A_1452 = arith.constant 0 : i32
    %dma_start3A_1453 = tpu.memref_slice %arg4[%add3A_1446, %dma_start3A_1452] : memref<98304x64xf32, #tpu.memory_space<hbm>> -> memref<128x64xf32, #tpu.memory_space<hbm>>
    %dma_start3A_1454 = arith.constant 0 : i32
    %dma_start3A_1455 = tpu.memref_slice %arg4[%add3A_1446, %dma_start3A_1454] : memref<98304x64xf32, #tpu.memory_space<hbm>> -> memref<128x64xf32, #tpu.memory_space<hbm>>
    %dma_start3A_1456 = arith.constant 0 : i32
    %dma_start3A_1457 = arith.constant 0 : i32
    %dma_start3A_1458 = tpu.memref_slice %arg6[%dma_start3A_1447, %dma_start3A_1456, %dma_start3A_1457] : memref<3x128x64xf32, #tpu.memory_space<vmem>> -> memref<1x128x64xf32, #tpu.memory_space<vmem>>
    %dma_start3A_1459 = tpu.memref_squeeze %dma_start3A_1458 : memref<1x128x64xf32, #tpu.memory_space<vmem>> -> memref<128x64xf32, #tpu.memory_space<vmem>>
    tpu.enqueue_dma source(%dma_start3A_1459 : memref<128x64xf32, #tpu.memory_space<vmem>>) target(%dma_start3A_1455 : memref<128x64xf32, #tpu.memory_space<hbm>>) target_semaphore(%arg15 : memref<!tpu.dma_semaphore, #tpu.memory_space<semaphore_mem>>)
    %add3A_1460 = arith.constant 2816 : i32
    %add3A_1461 = arith.addi %mul3A_2, %add3A_1460 : i32
    %dma_start3A_1462 = arith.constant 1 : i32
    %dma_start3A_1463 = arith.constant 0 : i32
    %dma_start3A_1464 = tpu.memref_slice %arg5[%dma_start3A_1462, %dma_start3A_1463] : memref<3x128xi32, #tpu.memory_space<vmem>> -> memref<1x128xi32, #tpu.memory_space<vmem>>
    %dma_start3A_1465 = tpu.memref_squeeze %dma_start3A_1464 : memref<1x128xi32, #tpu.memory_space<vmem>> -> memref<128xi32, #tpu.memory_space<vmem>>
    %dma_start3A_1466 = tpu.memref_slice %arg2[%add3A_1461] : memref<98304xi32, #tpu.memory_space<hbm>> -> memref<128xi32, #tpu.memory_space<hbm>>
    %dma_start3A_1467 = arith.constant 0 : i32
    %dma_start3A_1468 = tpu.memref_slice %arg5[%dma_start3A_1462, %dma_start3A_1467] : memref<3x128xi32, #tpu.memory_space<vmem>> -> memref<1x128xi32, #tpu.memory_space<vmem>>
    %dma_start3A_1469 = tpu.memref_squeeze %dma_start3A_1468 : memref<1x128xi32, #tpu.memory_space<vmem>> -> memref<128xi32, #tpu.memory_space<vmem>>
    %dma_start3A_1470 = tpu.memref_slice %arg2[%add3A_1461] : memref<98304xi32, #tpu.memory_space<hbm>> -> memref<128xi32, #tpu.memory_space<hbm>>
    tpu.enqueue_dma source(%dma_start3A_1470 : memref<128xi32, #tpu.memory_space<hbm>>) target(%dma_start3A_1469 : memref<128xi32, #tpu.memory_space<vmem>>) target_semaphore(%arg9 : memref<!tpu.dma_semaphore, #tpu.memory_space<semaphore_mem>>)
    %dma_wait3A_1471 = arith.constant 0 : i32
    %dma_wait3A_1472 = arith.constant 0 : i32
    %dma_wait3A_1473 = tpu.memref_slice %arg5[%dma_wait3A_1471, %dma_wait3A_1472] : memref<3x128xi32, #tpu.memory_space<vmem>> -> memref<1x128xi32, #tpu.memory_space<vmem>>
    %dma_wait3A_1474 = tpu.memref_squeeze %dma_wait3A_1473 : memref<1x128xi32, #tpu.memory_space<vmem>> -> memref<128xi32, #tpu.memory_space<vmem>>
    %dma_wait3A_1475 = tpu.memref_slice %arg2[%add3A_1389] : memref<98304xi32, #tpu.memory_space<hbm>> -> memref<128xi32, #tpu.memory_space<hbm>>
    %dma_wait3A_1476 = arith.constant 0 : i32
    %dma_wait3A_1477 = tpu.memref_slice %arg5[%dma_wait3A_1471, %dma_wait3A_1476] : memref<3x128xi32, #tpu.memory_space<vmem>> -> memref<1x128xi32, #tpu.memory_space<vmem>>
    %dma_wait3A_1478 = tpu.memref_squeeze %dma_wait3A_1477 : memref<1x128xi32, #tpu.memory_space<vmem>> -> memref<128xi32, #tpu.memory_space<vmem>>
    %dma_wait3A_1479 = tpu.memref_slice %arg2[%add3A_1389] : memref<98304xi32, #tpu.memory_space<hbm>> -> memref<128xi32, #tpu.memory_space<hbm>>
    tpu.wait_dma2 semaphore(%arg8 : memref<!tpu.dma_semaphore, #tpu.memory_space<semaphore_mem>>) src(%dma_wait3A_1479 : memref<128xi32, #tpu.memory_space<hbm>>) dst(%dma_wait3A_1478 : memref<128xi32, #tpu.memory_space<vmem>>)
    %dma_wait3A_1480 = arith.constant 0 : i32
    %dma_wait3A_1481 = arith.constant 0 : i32
    %dma_wait3A_1482 = arith.constant 0 : i32
    %dma_wait3A_1483 = tpu.memref_slice %arg6[%dma_wait3A_1480, %dma_wait3A_1481, %dma_wait3A_1482] : memref<3x128x64xf32, #tpu.memory_space<vmem>> -> memref<1x128x64xf32, #tpu.memory_space<vmem>>
    %dma_wait3A_1484 = tpu.memref_squeeze %dma_wait3A_1483 : memref<1x128x64xf32, #tpu.memory_space<vmem>> -> memref<128x64xf32, #tpu.memory_space<vmem>>
    %dma_wait3A_1485 = arith.constant 0 : i32
    %dma_wait3A_1486 = tpu.memref_slice %arg4[%add3A_1374, %dma_wait3A_1485] : memref<98304x64xf32, #tpu.memory_space<hbm>> -> memref<128x64xf32, #tpu.memory_space<hbm>>
    %dma_wait3A_1487 = arith.constant 0 : i32
    %dma_wait3A_1488 = tpu.memref_slice %arg4[%add3A_1374, %dma_wait3A_1487] : memref<98304x64xf32, #tpu.memory_space<hbm>> -> memref<128x64xf32, #tpu.memory_space<hbm>>
    %dma_wait3A_1489 = arith.constant 0 : i32
    %dma_wait3A_1490 = arith.constant 0 : i32
    %dma_wait3A_1491 = tpu.memref_slice %arg6[%dma_wait3A_1480, %dma_wait3A_1489, %dma_wait3A_1490] : memref<3x128x64xf32, #tpu.memory_space<vmem>> -> memref<1x128x64xf32, #tpu.memory_space<vmem>>
    %dma_wait3A_1492 = tpu.memref_squeeze %dma_wait3A_1491 : memref<1x128x64xf32, #tpu.memory_space<vmem>> -> memref<128x64xf32, #tpu.memory_space<vmem>>
    tpu.wait_dma2 semaphore(%arg14 : memref<!tpu.dma_semaphore, #tpu.memory_space<semaphore_mem>>) src(%dma_wait3A_1492 : memref<128x64xf32, #tpu.memory_space<vmem>>) dst(%dma_wait3A_1488 : memref<128x64xf32, #tpu.memory_space<hbm>>)
    %dma_start3A_1493 = arith.constant 0 : i32
    %dma_start3A_1494 = arith.constant 0 : i32
    %dma_start3A_1495 = arith.constant 0 : i32
    %dma_start3A_1496 = arith.constant 0 : i32
    %dma_start3A_1497 = tpu.memref_slice %arg6[%dma_start3A_1494, %dma_start3A_1495, %dma_start3A_1496] : memref<3x128x64xf32, #tpu.memory_space<vmem>> -> memref<1x128x64xf32, #tpu.memory_space<vmem>>
    %dma_start3A_1498 = tpu.memref_squeeze %dma_start3A_1497 : memref<1x128x64xf32, #tpu.memory_space<vmem>> -> memref<128x64xf32, #tpu.memory_space<vmem>>
    %dma_start3A_1499 = arith.constant 0 : i32
    %dma_start3A_1500 = tpu.memref_slice %arg5[%dma_start3A_1493, %dma_start3A_1499] : memref<3x128xi32, #tpu.memory_space<vmem>> -> memref<1x128xi32, #tpu.memory_space<vmem>>
    %dma_start3A_1501 = tpu.memref_squeeze %dma_start3A_1500 : memref<1x128xi32, #tpu.memory_space<vmem>> -> memref<128xi32, #tpu.memory_space<vmem>>
    %dma_start3A_1502 = arith.constant 0 : i32
    %dma_start3A_1503 = arith.constant 0 : i32
    %dma_start3A_1504 = tpu.memref_slice %arg7[%dma_start3A_1502, %dma_start3A_1503] : memref<8192x64xf32, #tpu.memory_space<vmem_shared>> -> memref<8192x64xf32, #tpu.memory_space<vmem_shared>>
    tpu.enqueue_indirect_dma source(%dma_start3A_1504 : memref<8192x64xf32, #tpu.memory_space<vmem_shared>>) target(%dma_start3A_1498 : memref<128x64xf32, #tpu.memory_space<vmem>>) offsets(%dma_start3A_1501 : memref<128xi32, #tpu.memory_space<vmem>>) semaphore(%arg11 : memref<!tpu.dma_semaphore, #tpu.memory_space<semaphore_mem>>)
    %dma_wait3A_1505 = arith.constant 2 : i32
    %dma_wait3A_1506 = arith.constant 2 : i32
    %dma_wait3A_1507 = arith.constant 0 : i32
    %dma_wait3A_1508 = arith.constant 0 : i32
    %dma_wait3A_1509 = tpu.memref_slice %arg6[%dma_wait3A_1506, %dma_wait3A_1507, %dma_wait3A_1508] : memref<3x128x64xf32, #tpu.memory_space<vmem>> -> memref<1x128x64xf32, #tpu.memory_space<vmem>>
    %dma_wait3A_1510 = tpu.memref_squeeze %dma_wait3A_1509 : memref<1x128x64xf32, #tpu.memory_space<vmem>> -> memref<128x64xf32, #tpu.memory_space<vmem>>
    %dma_wait3A_1511 = arith.constant 0 : i32
    %dma_wait3A_1512 = tpu.memref_slice %arg5[%dma_wait3A_1505, %dma_wait3A_1511] : memref<3x128xi32, #tpu.memory_space<vmem>> -> memref<1x128xi32, #tpu.memory_space<vmem>>
    %dma_wait3A_1513 = tpu.memref_squeeze %dma_wait3A_1512 : memref<1x128xi32, #tpu.memory_space<vmem>> -> memref<128xi32, #tpu.memory_space<vmem>>
    %dma_wait3A_1514 = arith.constant 0 : i32
    %dma_wait3A_1515 = arith.constant 0 : i32
    %dma_wait3A_1516 = tpu.memref_slice %arg7[%dma_wait3A_1514, %dma_wait3A_1515] : memref<8192x64xf32, #tpu.memory_space<vmem_shared>> -> memref<8192x64xf32, #tpu.memory_space<vmem_shared>>
    tpu.wait_indirect_dma semaphore(%arg13 : memref<!tpu.dma_semaphore, #tpu.memory_space<semaphore_mem>>) src(%dma_wait3A_1516 : memref<8192x64xf32, #tpu.memory_space<vmem_shared>>) dst(%dma_wait3A_1510 : memref<128x64xf32, #tpu.memory_space<vmem>>)
    %add3A_1517 = arith.constant 2560 : i32
    %add3A_1518 = arith.addi %mul3A_2, %add3A_1517 : i32
    %dma_start3A_1519 = arith.constant 2 : i32
    %dma_start3A_1520 = arith.constant 0 : i32
    %dma_start3A_1521 = arith.constant 0 : i32
    %dma_start3A_1522 = tpu.memref_slice %arg6[%dma_start3A_1519, %dma_start3A_1520, %dma_start3A_1521] : memref<3x128x64xf32, #tpu.memory_space<vmem>> -> memref<1x128x64xf32, #tpu.memory_space<vmem>>
    %dma_start3A_1523 = tpu.memref_squeeze %dma_start3A_1522 : memref<1x128x64xf32, #tpu.memory_space<vmem>> -> memref<128x64xf32, #tpu.memory_space<vmem>>
    %dma_start3A_1524 = arith.constant 0 : i32
    %dma_start3A_1525 = tpu.memref_slice %arg4[%add3A_1518, %dma_start3A_1524] : memref<98304x64xf32, #tpu.memory_space<hbm>> -> memref<128x64xf32, #tpu.memory_space<hbm>>
    %dma_start3A_1526 = arith.constant 0 : i32
    %dma_start3A_1527 = tpu.memref_slice %arg4[%add3A_1518, %dma_start3A_1526] : memref<98304x64xf32, #tpu.memory_space<hbm>> -> memref<128x64xf32, #tpu.memory_space<hbm>>
    %dma_start3A_1528 = arith.constant 0 : i32
    %dma_start3A_1529 = arith.constant 0 : i32
    %dma_start3A_1530 = tpu.memref_slice %arg6[%dma_start3A_1519, %dma_start3A_1528, %dma_start3A_1529] : memref<3x128x64xf32, #tpu.memory_space<vmem>> -> memref<1x128x64xf32, #tpu.memory_space<vmem>>
    %dma_start3A_1531 = tpu.memref_squeeze %dma_start3A_1530 : memref<1x128x64xf32, #tpu.memory_space<vmem>> -> memref<128x64xf32, #tpu.memory_space<vmem>>
    tpu.enqueue_dma source(%dma_start3A_1531 : memref<128x64xf32, #tpu.memory_space<vmem>>) target(%dma_start3A_1527 : memref<128x64xf32, #tpu.memory_space<hbm>>) target_semaphore(%arg16 : memref<!tpu.dma_semaphore, #tpu.memory_space<semaphore_mem>>)
    %add3A_1532 = arith.constant 2944 : i32
    %add3A_1533 = arith.addi %mul3A_2, %add3A_1532 : i32
    %dma_start3A_1534 = arith.constant 2 : i32
    %dma_start3A_1535 = arith.constant 0 : i32
    %dma_start3A_1536 = tpu.memref_slice %arg5[%dma_start3A_1534, %dma_start3A_1535] : memref<3x128xi32, #tpu.memory_space<vmem>> -> memref<1x128xi32, #tpu.memory_space<vmem>>
    %dma_start3A_1537 = tpu.memref_squeeze %dma_start3A_1536 : memref<1x128xi32, #tpu.memory_space<vmem>> -> memref<128xi32, #tpu.memory_space<vmem>>
    %dma_start3A_1538 = tpu.memref_slice %arg2[%add3A_1533] : memref<98304xi32, #tpu.memory_space<hbm>> -> memref<128xi32, #tpu.memory_space<hbm>>
    %dma_start3A_1539 = arith.constant 0 : i32
    %dma_start3A_1540 = tpu.memref_slice %arg5[%dma_start3A_1534, %dma_start3A_1539] : memref<3x128xi32, #tpu.memory_space<vmem>> -> memref<1x128xi32, #tpu.memory_space<vmem>>
    %dma_start3A_1541 = tpu.memref_squeeze %dma_start3A_1540 : memref<1x128xi32, #tpu.memory_space<vmem>> -> memref<128xi32, #tpu.memory_space<vmem>>
    %dma_start3A_1542 = tpu.memref_slice %arg2[%add3A_1533] : memref<98304xi32, #tpu.memory_space<hbm>> -> memref<128xi32, #tpu.memory_space<hbm>>
    tpu.enqueue_dma source(%dma_start3A_1542 : memref<128xi32, #tpu.memory_space<hbm>>) target(%dma_start3A_1541 : memref<128xi32, #tpu.memory_space<vmem>>) target_semaphore(%arg10 : memref<!tpu.dma_semaphore, #tpu.memory_space<semaphore_mem>>)
    %dma_wait3A_1543 = arith.constant 1 : i32
    %dma_wait3A_1544 = arith.constant 0 : i32
    %dma_wait3A_1545 = tpu.memref_slice %arg5[%dma_wait3A_1543, %dma_wait3A_1544] : memref<3x128xi32, #tpu.memory_space<vmem>> -> memref<1x128xi32, #tpu.memory_space<vmem>>
    %dma_wait3A_1546 = tpu.memref_squeeze %dma_wait3A_1545 : memref<1x128xi32, #tpu.memory_space<vmem>> -> memref<128xi32, #tpu.memory_space<vmem>>
    %dma_wait3A_1547 = tpu.memref_slice %arg2[%add3A_1461] : memref<98304xi32, #tpu.memory_space<hbm>> -> memref<128xi32, #tpu.memory_space<hbm>>
    %dma_wait3A_1548 = arith.constant 0 : i32
    %dma_wait3A_1549 = tpu.memref_slice %arg5[%dma_wait3A_1543, %dma_wait3A_1548] : memref<3x128xi32, #tpu.memory_space<vmem>> -> memref<1x128xi32, #tpu.memory_space<vmem>>
    %dma_wait3A_1550 = tpu.memref_squeeze %dma_wait3A_1549 : memref<1x128xi32, #tpu.memory_space<vmem>> -> memref<128xi32, #tpu.memory_space<vmem>>
    %dma_wait3A_1551 = tpu.memref_slice %arg2[%add3A_1461] : memref<98304xi32, #tpu.memory_space<hbm>> -> memref<128xi32, #tpu.memory_space<hbm>>
    tpu.wait_dma2 semaphore(%arg9 : memref<!tpu.dma_semaphore, #tpu.memory_space<semaphore_mem>>) src(%dma_wait3A_1551 : memref<128xi32, #tpu.memory_space<hbm>>) dst(%dma_wait3A_1550 : memref<128xi32, #tpu.memory_space<vmem>>)
    %dma_wait3A_1552 = arith.constant 1 : i32
    %dma_wait3A_1553 = arith.constant 0 : i32
    %dma_wait3A_1554 = arith.constant 0 : i32
    %dma_wait3A_1555 = tpu.memref_slice %arg6[%dma_wait3A_1552, %dma_wait3A_1553, %dma_wait3A_1554] : memref<3x128x64xf32, #tpu.memory_space<vmem>> -> memref<1x128x64xf32, #tpu.memory_space<vmem>>
    %dma_wait3A_1556 = tpu.memref_squeeze %dma_wait3A_1555 : memref<1x128x64xf32, #tpu.memory_space<vmem>> -> memref<128x64xf32, #tpu.memory_space<vmem>>
    %dma_wait3A_1557 = arith.constant 0 : i32
    %dma_wait3A_1558 = tpu.memref_slice %arg4[%add3A_1446, %dma_wait3A_1557] : memref<98304x64xf32, #tpu.memory_space<hbm>> -> memref<128x64xf32, #tpu.memory_space<hbm>>
    %dma_wait3A_1559 = arith.constant 0 : i32
    %dma_wait3A_1560 = tpu.memref_slice %arg4[%add3A_1446, %dma_wait3A_1559] : memref<98304x64xf32, #tpu.memory_space<hbm>> -> memref<128x64xf32, #tpu.memory_space<hbm>>
    %dma_wait3A_1561 = arith.constant 0 : i32
    %dma_wait3A_1562 = arith.constant 0 : i32
    %dma_wait3A_1563 = tpu.memref_slice %arg6[%dma_wait3A_1552, %dma_wait3A_1561, %dma_wait3A_1562] : memref<3x128x64xf32, #tpu.memory_space<vmem>> -> memref<1x128x64xf32, #tpu.memory_space<vmem>>
    %dma_wait3A_1564 = tpu.memref_squeeze %dma_wait3A_1563 : memref<1x128x64xf32, #tpu.memory_space<vmem>> -> memref<128x64xf32, #tpu.memory_space<vmem>>
    tpu.wait_dma2 semaphore(%arg15 : memref<!tpu.dma_semaphore, #tpu.memory_space<semaphore_mem>>) src(%dma_wait3A_1564 : memref<128x64xf32, #tpu.memory_space<vmem>>) dst(%dma_wait3A_1560 : memref<128x64xf32, #tpu.memory_space<hbm>>)
    %dma_start3A_1565 = arith.constant 1 : i32
    %dma_start3A_1566 = arith.constant 1 : i32
    %dma_start3A_1567 = arith.constant 0 : i32
    %dma_start3A_1568 = arith.constant 0 : i32
    %dma_start3A_1569 = tpu.memref_slice %arg6[%dma_start3A_1566, %dma_start3A_1567, %dma_start3A_1568] : memref<3x128x64xf32, #tpu.memory_space<vmem>> -> memref<1x128x64xf32, #tpu.memory_space<vmem>>
    %dma_start3A_1570 = tpu.memref_squeeze %dma_start3A_1569 : memref<1x128x64xf32, #tpu.memory_space<vmem>> -> memref<128x64xf32, #tpu.memory_space<vmem>>
    %dma_start3A_1571 = arith.constant 0 : i32
    %dma_start3A_1572 = tpu.memref_slice %arg5[%dma_start3A_1565, %dma_start3A_1571] : memref<3x128xi32, #tpu.memory_space<vmem>> -> memref<1x128xi32, #tpu.memory_space<vmem>>
    %dma_start3A_1573 = tpu.memref_squeeze %dma_start3A_1572 : memref<1x128xi32, #tpu.memory_space<vmem>> -> memref<128xi32, #tpu.memory_space<vmem>>
    %dma_start3A_1574 = arith.constant 0 : i32
    %dma_start3A_1575 = arith.constant 0 : i32
    %dma_start3A_1576 = tpu.memref_slice %arg7[%dma_start3A_1574, %dma_start3A_1575] : memref<8192x64xf32, #tpu.memory_space<vmem_shared>> -> memref<8192x64xf32, #tpu.memory_space<vmem_shared>>
    tpu.enqueue_indirect_dma source(%dma_start3A_1576 : memref<8192x64xf32, #tpu.memory_space<vmem_shared>>) target(%dma_start3A_1570 : memref<128x64xf32, #tpu.memory_space<vmem>>) offsets(%dma_start3A_1573 : memref<128xi32, #tpu.memory_space<vmem>>) semaphore(%arg12 : memref<!tpu.dma_semaphore, #tpu.memory_space<semaphore_mem>>)
    %dma_wait3A_1577 = arith.constant 0 : i32
    %dma_wait3A_1578 = arith.constant 0 : i32
    %dma_wait3A_1579 = arith.constant 0 : i32
    %dma_wait3A_1580 = arith.constant 0 : i32
    %dma_wait3A_1581 = tpu.memref_slice %arg6[%dma_wait3A_1578, %dma_wait3A_1579, %dma_wait3A_1580] : memref<3x128x64xf32, #tpu.memory_space<vmem>> -> memref<1x128x64xf32, #tpu.memory_space<vmem>>
    %dma_wait3A_1582 = tpu.memref_squeeze %dma_wait3A_1581 : memref<1x128x64xf32, #tpu.memory_space<vmem>> -> memref<128x64xf32, #tpu.memory_space<vmem>>
    %dma_wait3A_1583 = arith.constant 0 : i32
    %dma_wait3A_1584 = tpu.memref_slice %arg5[%dma_wait3A_1577, %dma_wait3A_1583] : memref<3x128xi32, #tpu.memory_space<vmem>> -> memref<1x128xi32, #tpu.memory_space<vmem>>
    %dma_wait3A_1585 = tpu.memref_squeeze %dma_wait3A_1584 : memref<1x128xi32, #tpu.memory_space<vmem>> -> memref<128xi32, #tpu.memory_space<vmem>>
    %dma_wait3A_1586 = arith.constant 0 : i32
    %dma_wait3A_1587 = arith.constant 0 : i32
    %dma_wait3A_1588 = tpu.memref_slice %arg7[%dma_wait3A_1586, %dma_wait3A_1587] : memref<8192x64xf32, #tpu.memory_space<vmem_shared>> -> memref<8192x64xf32, #tpu.memory_space<vmem_shared>>
    tpu.wait_indirect_dma semaphore(%arg11 : memref<!tpu.dma_semaphore, #tpu.memory_space<semaphore_mem>>) src(%dma_wait3A_1588 : memref<8192x64xf32, #tpu.memory_space<vmem_shared>>) dst(%dma_wait3A_1582 : memref<128x64xf32, #tpu.memory_space<vmem>>)
    %add3A_1589 = arith.constant 2688 : i32
    %add3A_1590 = arith.addi %mul3A_2, %add3A_1589 : i32
    %dma_start3A_1591 = arith.constant 0 : i32
    %dma_start3A_1592 = arith.constant 0 : i32
    %dma_start3A_1593 = arith.constant 0 : i32
    %dma_start3A_1594 = tpu.memref_slice %arg6[%dma_start3A_1591, %dma_start3A_1592, %dma_start3A_1593] : memref<3x128x64xf32, #tpu.memory_space<vmem>> -> memref<1x128x64xf32, #tpu.memory_space<vmem>>
    %dma_start3A_1595 = tpu.memref_squeeze %dma_start3A_1594 : memref<1x128x64xf32, #tpu.memory_space<vmem>> -> memref<128x64xf32, #tpu.memory_space<vmem>>
    %dma_start3A_1596 = arith.constant 0 : i32
    %dma_start3A_1597 = tpu.memref_slice %arg4[%add3A_1590, %dma_start3A_1596] : memref<98304x64xf32, #tpu.memory_space<hbm>> -> memref<128x64xf32, #tpu.memory_space<hbm>>
    %dma_start3A_1598 = arith.constant 0 : i32
    %dma_start3A_1599 = tpu.memref_slice %arg4[%add3A_1590, %dma_start3A_1598] : memref<98304x64xf32, #tpu.memory_space<hbm>> -> memref<128x64xf32, #tpu.memory_space<hbm>>
    %dma_start3A_1600 = arith.constant 0 : i32
    %dma_start3A_1601 = arith.constant 0 : i32
    %dma_start3A_1602 = tpu.memref_slice %arg6[%dma_start3A_1591, %dma_start3A_1600, %dma_start3A_1601] : memref<3x128x64xf32, #tpu.memory_space<vmem>> -> memref<1x128x64xf32, #tpu.memory_space<vmem>>
    %dma_start3A_1603 = tpu.memref_squeeze %dma_start3A_1602 : memref<1x128x64xf32, #tpu.memory_space<vmem>> -> memref<128x64xf32, #tpu.memory_space<vmem>>
    tpu.enqueue_dma source(%dma_start3A_1603 : memref<128x64xf32, #tpu.memory_space<vmem>>) target(%dma_start3A_1599 : memref<128x64xf32, #tpu.memory_space<hbm>>) target_semaphore(%arg14 : memref<!tpu.dma_semaphore, #tpu.memory_space<semaphore_mem>>)
    %dma_wait3A_1604 = arith.constant 2 : i32
    %dma_wait3A_1605 = arith.constant 0 : i32
    %dma_wait3A_1606 = tpu.memref_slice %arg5[%dma_wait3A_1604, %dma_wait3A_1605] : memref<3x128xi32, #tpu.memory_space<vmem>> -> memref<1x128xi32, #tpu.memory_space<vmem>>
    %dma_wait3A_1607 = tpu.memref_squeeze %dma_wait3A_1606 : memref<1x128xi32, #tpu.memory_space<vmem>> -> memref<128xi32, #tpu.memory_space<vmem>>
    %dma_wait3A_1608 = tpu.memref_slice %arg2[%add3A_1533] : memref<98304xi32, #tpu.memory_space<hbm>> -> memref<128xi32, #tpu.memory_space<hbm>>
    %dma_wait3A_1609 = arith.constant 0 : i32
    %dma_wait3A_1610 = tpu.memref_slice %arg5[%dma_wait3A_1604, %dma_wait3A_1609] : memref<3x128xi32, #tpu.memory_space<vmem>> -> memref<1x128xi32, #tpu.memory_space<vmem>>
    %dma_wait3A_1611 = tpu.memref_squeeze %dma_wait3A_1610 : memref<1x128xi32, #tpu.memory_space<vmem>> -> memref<128xi32, #tpu.memory_space<vmem>>
    %dma_wait3A_1612 = tpu.memref_slice %arg2[%add3A_1533] : memref<98304xi32, #tpu.memory_space<hbm>> -> memref<128xi32, #tpu.memory_space<hbm>>
    tpu.wait_dma2 semaphore(%arg10 : memref<!tpu.dma_semaphore, #tpu.memory_space<semaphore_mem>>) src(%dma_wait3A_1612 : memref<128xi32, #tpu.memory_space<hbm>>) dst(%dma_wait3A_1611 : memref<128xi32, #tpu.memory_space<vmem>>)
    %dma_wait3A_1613 = arith.constant 2 : i32
    %dma_wait3A_1614 = arith.constant 0 : i32
    %dma_wait3A_1615 = arith.constant 0 : i32
    %dma_wait3A_1616 = tpu.memref_slice %arg6[%dma_wait3A_1613, %dma_wait3A_1614, %dma_wait3A_1615] : memref<3x128x64xf32, #tpu.memory_space<vmem>> -> memref<1x128x64xf32, #tpu.memory_space<vmem>>
    %dma_wait3A_1617 = tpu.memref_squeeze %dma_wait3A_1616 : memref<1x128x64xf32, #tpu.memory_space<vmem>> -> memref<128x64xf32, #tpu.memory_space<vmem>>
    %dma_wait3A_1618 = arith.constant 0 : i32
    %dma_wait3A_1619 = tpu.memref_slice %arg4[%add3A_1518, %dma_wait3A_1618] : memref<98304x64xf32, #tpu.memory_space<hbm>> -> memref<128x64xf32, #tpu.memory_space<hbm>>
    %dma_wait3A_1620 = arith.constant 0 : i32
    %dma_wait3A_1621 = tpu.memref_slice %arg4[%add3A_1518, %dma_wait3A_1620] : memref<98304x64xf32, #tpu.memory_space<hbm>> -> memref<128x64xf32, #tpu.memory_space<hbm>>
    %dma_wait3A_1622 = arith.constant 0 : i32
    %dma_wait3A_1623 = arith.constant 0 : i32
    %dma_wait3A_1624 = tpu.memref_slice %arg6[%dma_wait3A_1613, %dma_wait3A_1622, %dma_wait3A_1623] : memref<3x128x64xf32, #tpu.memory_space<vmem>> -> memref<1x128x64xf32, #tpu.memory_space<vmem>>
    %dma_wait3A_1625 = tpu.memref_squeeze %dma_wait3A_1624 : memref<1x128x64xf32, #tpu.memory_space<vmem>> -> memref<128x64xf32, #tpu.memory_space<vmem>>
    tpu.wait_dma2 semaphore(%arg16 : memref<!tpu.dma_semaphore, #tpu.memory_space<semaphore_mem>>) src(%dma_wait3A_1625 : memref<128x64xf32, #tpu.memory_space<vmem>>) dst(%dma_wait3A_1621 : memref<128x64xf32, #tpu.memory_space<hbm>>)
    %dma_start3A_1626 = arith.constant 2 : i32
    %dma_start3A_1627 = arith.constant 2 : i32
    %dma_start3A_1628 = arith.constant 0 : i32
    %dma_start3A_1629 = arith.constant 0 : i32
    %dma_start3A_1630 = tpu.memref_slice %arg6[%dma_start3A_1627, %dma_start3A_1628, %dma_start3A_1629] : memref<3x128x64xf32, #tpu.memory_space<vmem>> -> memref<1x128x64xf32, #tpu.memory_space<vmem>>
    %dma_start3A_1631 = tpu.memref_squeeze %dma_start3A_1630 : memref<1x128x64xf32, #tpu.memory_space<vmem>> -> memref<128x64xf32, #tpu.memory_space<vmem>>
    %dma_start3A_1632 = arith.constant 0 : i32
    %dma_start3A_1633 = tpu.memref_slice %arg5[%dma_start3A_1626, %dma_start3A_1632] : memref<3x128xi32, #tpu.memory_space<vmem>> -> memref<1x128xi32, #tpu.memory_space<vmem>>
    %dma_start3A_1634 = tpu.memref_squeeze %dma_start3A_1633 : memref<1x128xi32, #tpu.memory_space<vmem>> -> memref<128xi32, #tpu.memory_space<vmem>>
    %dma_start3A_1635 = arith.constant 0 : i32
    %dma_start3A_1636 = arith.constant 0 : i32
    %dma_start3A_1637 = tpu.memref_slice %arg7[%dma_start3A_1635, %dma_start3A_1636] : memref<8192x64xf32, #tpu.memory_space<vmem_shared>> -> memref<8192x64xf32, #tpu.memory_space<vmem_shared>>
    tpu.enqueue_indirect_dma source(%dma_start3A_1637 : memref<8192x64xf32, #tpu.memory_space<vmem_shared>>) target(%dma_start3A_1631 : memref<128x64xf32, #tpu.memory_space<vmem>>) offsets(%dma_start3A_1634 : memref<128xi32, #tpu.memory_space<vmem>>) semaphore(%arg13 : memref<!tpu.dma_semaphore, #tpu.memory_space<semaphore_mem>>)
    %dma_wait3A_1638 = arith.constant 1 : i32
    %dma_wait3A_1639 = arith.constant 1 : i32
    %dma_wait3A_1640 = arith.constant 0 : i32
    %dma_wait3A_1641 = arith.constant 0 : i32
    %dma_wait3A_1642 = tpu.memref_slice %arg6[%dma_wait3A_1639, %dma_wait3A_1640, %dma_wait3A_1641] : memref<3x128x64xf32, #tpu.memory_space<vmem>> -> memref<1x128x64xf32, #tpu.memory_space<vmem>>
    %dma_wait3A_1643 = tpu.memref_squeeze %dma_wait3A_1642 : memref<1x128x64xf32, #tpu.memory_space<vmem>> -> memref<128x64xf32, #tpu.memory_space<vmem>>
    %dma_wait3A_1644 = arith.constant 0 : i32
    %dma_wait3A_1645 = tpu.memref_slice %arg5[%dma_wait3A_1638, %dma_wait3A_1644] : memref<3x128xi32, #tpu.memory_space<vmem>> -> memref<1x128xi32, #tpu.memory_space<vmem>>
    %dma_wait3A_1646 = tpu.memref_squeeze %dma_wait3A_1645 : memref<1x128xi32, #tpu.memory_space<vmem>> -> memref<128xi32, #tpu.memory_space<vmem>>
    %dma_wait3A_1647 = arith.constant 0 : i32
    %dma_wait3A_1648 = arith.constant 0 : i32
    %dma_wait3A_1649 = tpu.memref_slice %arg7[%dma_wait3A_1647, %dma_wait3A_1648] : memref<8192x64xf32, #tpu.memory_space<vmem_shared>> -> memref<8192x64xf32, #tpu.memory_space<vmem_shared>>
    tpu.wait_indirect_dma semaphore(%arg12 : memref<!tpu.dma_semaphore, #tpu.memory_space<semaphore_mem>>) src(%dma_wait3A_1649 : memref<8192x64xf32, #tpu.memory_space<vmem_shared>>) dst(%dma_wait3A_1643 : memref<128x64xf32, #tpu.memory_space<vmem>>)
    %add3A_1650 = arith.constant 2816 : i32
    %add3A_1651 = arith.addi %mul3A_2, %add3A_1650 : i32
    %dma_start3A_1652 = arith.constant 1 : i32
    %dma_start3A_1653 = arith.constant 0 : i32
    %dma_start3A_1654 = arith.constant 0 : i32
    %dma_start3A_1655 = tpu.memref_slice %arg6[%dma_start3A_1652, %dma_start3A_1653, %dma_start3A_1654] : memref<3x128x64xf32, #tpu.memory_space<vmem>> -> memref<1x128x64xf32, #tpu.memory_space<vmem>>
    %dma_start3A_1656 = tpu.memref_squeeze %dma_start3A_1655 : memref<1x128x64xf32, #tpu.memory_space<vmem>> -> memref<128x64xf32, #tpu.memory_space<vmem>>
    %dma_start3A_1657 = arith.constant 0 : i32
    %dma_start3A_1658 = tpu.memref_slice %arg4[%add3A_1651, %dma_start3A_1657] : memref<98304x64xf32, #tpu.memory_space<hbm>> -> memref<128x64xf32, #tpu.memory_space<hbm>>
    %dma_start3A_1659 = arith.constant 0 : i32
    %dma_start3A_1660 = tpu.memref_slice %arg4[%add3A_1651, %dma_start3A_1659] : memref<98304x64xf32, #tpu.memory_space<hbm>> -> memref<128x64xf32, #tpu.memory_space<hbm>>
    %dma_start3A_1661 = arith.constant 0 : i32
    %dma_start3A_1662 = arith.constant 0 : i32
    %dma_start3A_1663 = tpu.memref_slice %arg6[%dma_start3A_1652, %dma_start3A_1661, %dma_start3A_1662] : memref<3x128x64xf32, #tpu.memory_space<vmem>> -> memref<1x128x64xf32, #tpu.memory_space<vmem>>
    %dma_start3A_1664 = tpu.memref_squeeze %dma_start3A_1663 : memref<1x128x64xf32, #tpu.memory_space<vmem>> -> memref<128x64xf32, #tpu.memory_space<vmem>>
    tpu.enqueue_dma source(%dma_start3A_1664 : memref<128x64xf32, #tpu.memory_space<vmem>>) target(%dma_start3A_1660 : memref<128x64xf32, #tpu.memory_space<hbm>>) target_semaphore(%arg15 : memref<!tpu.dma_semaphore, #tpu.memory_space<semaphore_mem>>)
    %dma_wait3A_1665 = arith.constant 2 : i32
    %dma_wait3A_1666 = arith.constant 2 : i32
    %dma_wait3A_1667 = arith.constant 0 : i32
    %dma_wait3A_1668 = arith.constant 0 : i32
    %dma_wait3A_1669 = tpu.memref_slice %arg6[%dma_wait3A_1666, %dma_wait3A_1667, %dma_wait3A_1668] : memref<3x128x64xf32, #tpu.memory_space<vmem>> -> memref<1x128x64xf32, #tpu.memory_space<vmem>>
    %dma_wait3A_1670 = tpu.memref_squeeze %dma_wait3A_1669 : memref<1x128x64xf32, #tpu.memory_space<vmem>> -> memref<128x64xf32, #tpu.memory_space<vmem>>
    %dma_wait3A_1671 = arith.constant 0 : i32
    %dma_wait3A_1672 = tpu.memref_slice %arg5[%dma_wait3A_1665, %dma_wait3A_1671] : memref<3x128xi32, #tpu.memory_space<vmem>> -> memref<1x128xi32, #tpu.memory_space<vmem>>
    %dma_wait3A_1673 = tpu.memref_squeeze %dma_wait3A_1672 : memref<1x128xi32, #tpu.memory_space<vmem>> -> memref<128xi32, #tpu.memory_space<vmem>>
    %dma_wait3A_1674 = arith.constant 0 : i32
    %dma_wait3A_1675 = arith.constant 0 : i32
    %dma_wait3A_1676 = tpu.memref_slice %arg7[%dma_wait3A_1674, %dma_wait3A_1675] : memref<8192x64xf32, #tpu.memory_space<vmem_shared>> -> memref<8192x64xf32, #tpu.memory_space<vmem_shared>>
    tpu.wait_indirect_dma semaphore(%arg13 : memref<!tpu.dma_semaphore, #tpu.memory_space<semaphore_mem>>) src(%dma_wait3A_1676 : memref<8192x64xf32, #tpu.memory_space<vmem_shared>>) dst(%dma_wait3A_1670 : memref<128x64xf32, #tpu.memory_space<vmem>>)
    %add3A_1677 = arith.constant 2944 : i32
    %add3A_1678 = arith.addi %mul3A_2, %add3A_1677 : i32
    %dma_start3A_1679 = arith.constant 2 : i32
    %dma_start3A_1680 = arith.constant 0 : i32
    %dma_start3A_1681 = arith.constant 0 : i32
    %dma_start3A_1682 = tpu.memref_slice %arg6[%dma_start3A_1679, %dma_start3A_1680, %dma_start3A_1681] : memref<3x128x64xf32, #tpu.memory_space<vmem>> -> memref<1x128x64xf32, #tpu.memory_space<vmem>>
    %dma_start3A_1683 = tpu.memref_squeeze %dma_start3A_1682 : memref<1x128x64xf32, #tpu.memory_space<vmem>> -> memref<128x64xf32, #tpu.memory_space<vmem>>
    %dma_start3A_1684 = arith.constant 0 : i32
    %dma_start3A_1685 = tpu.memref_slice %arg4[%add3A_1678, %dma_start3A_1684] : memref<98304x64xf32, #tpu.memory_space<hbm>> -> memref<128x64xf32, #tpu.memory_space<hbm>>
    %dma_start3A_1686 = arith.constant 0 : i32
    %dma_start3A_1687 = tpu.memref_slice %arg4[%add3A_1678, %dma_start3A_1686] : memref<98304x64xf32, #tpu.memory_space<hbm>> -> memref<128x64xf32, #tpu.memory_space<hbm>>
    %dma_start3A_1688 = arith.constant 0 : i32
    %dma_start3A_1689 = arith.constant 0 : i32
    %dma_start3A_1690 = tpu.memref_slice %arg6[%dma_start3A_1679, %dma_start3A_1688, %dma_start3A_1689] : memref<3x128x64xf32, #tpu.memory_space<vmem>> -> memref<1x128x64xf32, #tpu.memory_space<vmem>>
    %dma_start3A_1691 = tpu.memref_squeeze %dma_start3A_1690 : memref<1x128x64xf32, #tpu.memory_space<vmem>> -> memref<128x64xf32, #tpu.memory_space<vmem>>
    tpu.enqueue_dma source(%dma_start3A_1691 : memref<128x64xf32, #tpu.memory_space<vmem>>) target(%dma_start3A_1687 : memref<128x64xf32, #tpu.memory_space<hbm>>) target_semaphore(%arg16 : memref<!tpu.dma_semaphore, #tpu.memory_space<semaphore_mem>>)
    %dma_wait3A_1692 = arith.constant 0 : i32
    %dma_wait3A_1693 = arith.constant 0 : i32
    %dma_wait3A_1694 = arith.constant 0 : i32
    %dma_wait3A_1695 = tpu.memref_slice %arg6[%dma_wait3A_1692, %dma_wait3A_1693, %dma_wait3A_1694] : memref<3x128x64xf32, #tpu.memory_space<vmem>> -> memref<1x128x64xf32, #tpu.memory_space<vmem>>
    %dma_wait3A_1696 = tpu.memref_squeeze %dma_wait3A_1695 : memref<1x128x64xf32, #tpu.memory_space<vmem>> -> memref<128x64xf32, #tpu.memory_space<vmem>>
    %dma_wait3A_1697 = arith.constant 0 : i32
    %dma_wait3A_1698 = tpu.memref_slice %arg4[%add3A_1590, %dma_wait3A_1697] : memref<98304x64xf32, #tpu.memory_space<hbm>> -> memref<128x64xf32, #tpu.memory_space<hbm>>
    %dma_wait3A_1699 = arith.constant 0 : i32
    %dma_wait3A_1700 = tpu.memref_slice %arg4[%add3A_1590, %dma_wait3A_1699] : memref<98304x64xf32, #tpu.memory_space<hbm>> -> memref<128x64xf32, #tpu.memory_space<hbm>>
    %dma_wait3A_1701 = arith.constant 0 : i32
    %dma_wait3A_1702 = arith.constant 0 : i32
    %dma_wait3A_1703 = tpu.memref_slice %arg6[%dma_wait3A_1692, %dma_wait3A_1701, %dma_wait3A_1702] : memref<3x128x64xf32, #tpu.memory_space<vmem>> -> memref<1x128x64xf32, #tpu.memory_space<vmem>>
    %dma_wait3A_1704 = tpu.memref_squeeze %dma_wait3A_1703 : memref<1x128x64xf32, #tpu.memory_space<vmem>> -> memref<128x64xf32, #tpu.memory_space<vmem>>
    tpu.wait_dma2 semaphore(%arg14 : memref<!tpu.dma_semaphore, #tpu.memory_space<semaphore_mem>>) src(%dma_wait3A_1704 : memref<128x64xf32, #tpu.memory_space<vmem>>) dst(%dma_wait3A_1700 : memref<128x64xf32, #tpu.memory_space<hbm>>)
    %dma_wait3A_1705 = arith.constant 1 : i32
    %dma_wait3A_1706 = arith.constant 0 : i32
    %dma_wait3A_1707 = arith.constant 0 : i32
    %dma_wait3A_1708 = tpu.memref_slice %arg6[%dma_wait3A_1705, %dma_wait3A_1706, %dma_wait3A_1707] : memref<3x128x64xf32, #tpu.memory_space<vmem>> -> memref<1x128x64xf32, #tpu.memory_space<vmem>>
    %dma_wait3A_1709 = tpu.memref_squeeze %dma_wait3A_1708 : memref<1x128x64xf32, #tpu.memory_space<vmem>> -> memref<128x64xf32, #tpu.memory_space<vmem>>
    %dma_wait3A_1710 = arith.constant 0 : i32
    %dma_wait3A_1711 = tpu.memref_slice %arg4[%add3A_1651, %dma_wait3A_1710] : memref<98304x64xf32, #tpu.memory_space<hbm>> -> memref<128x64xf32, #tpu.memory_space<hbm>>
    %dma_wait3A_1712 = arith.constant 0 : i32
    %dma_wait3A_1713 = tpu.memref_slice %arg4[%add3A_1651, %dma_wait3A_1712] : memref<98304x64xf32, #tpu.memory_space<hbm>> -> memref<128x64xf32, #tpu.memory_space<hbm>>
    %dma_wait3A_1714 = arith.constant 0 : i32
    %dma_wait3A_1715 = arith.constant 0 : i32
    %dma_wait3A_1716 = tpu.memref_slice %arg6[%dma_wait3A_1705, %dma_wait3A_1714, %dma_wait3A_1715] : memref<3x128x64xf32, #tpu.memory_space<vmem>> -> memref<1x128x64xf32, #tpu.memory_space<vmem>>
    %dma_wait3A_1717 = tpu.memref_squeeze %dma_wait3A_1716 : memref<1x128x64xf32, #tpu.memory_space<vmem>> -> memref<128x64xf32, #tpu.memory_space<vmem>>
    tpu.wait_dma2 semaphore(%arg15 : memref<!tpu.dma_semaphore, #tpu.memory_space<semaphore_mem>>) src(%dma_wait3A_1717 : memref<128x64xf32, #tpu.memory_space<vmem>>) dst(%dma_wait3A_1713 : memref<128x64xf32, #tpu.memory_space<hbm>>)
    %dma_wait3A_1718 = arith.constant 2 : i32
    %dma_wait3A_1719 = arith.constant 0 : i32
    %dma_wait3A_1720 = arith.constant 0 : i32
    %dma_wait3A_1721 = tpu.memref_slice %arg6[%dma_wait3A_1718, %dma_wait3A_1719, %dma_wait3A_1720] : memref<3x128x64xf32, #tpu.memory_space<vmem>> -> memref<1x128x64xf32, #tpu.memory_space<vmem>>
    %dma_wait3A_1722 = tpu.memref_squeeze %dma_wait3A_1721 : memref<1x128x64xf32, #tpu.memory_space<vmem>> -> memref<128x64xf32, #tpu.memory_space<vmem>>
    %dma_wait3A_1723 = arith.constant 0 : i32
    %dma_wait3A_1724 = tpu.memref_slice %arg4[%add3A_1678, %dma_wait3A_1723] : memref<98304x64xf32, #tpu.memory_space<hbm>> -> memref<128x64xf32, #tpu.memory_space<hbm>>
    %dma_wait3A_1725 = arith.constant 0 : i32
    %dma_wait3A_1726 = tpu.memref_slice %arg4[%add3A_1678, %dma_wait3A_1725] : memref<98304x64xf32, #tpu.memory_space<hbm>> -> memref<128x64xf32, #tpu.memory_space<hbm>>
    %dma_wait3A_1727 = arith.constant 0 : i32
    %dma_wait3A_1728 = arith.constant 0 : i32
    %dma_wait3A_1729 = tpu.memref_slice %arg6[%dma_wait3A_1718, %dma_wait3A_1727, %dma_wait3A_1728] : memref<3x128x64xf32, #tpu.memory_space<vmem>> -> memref<1x128x64xf32, #tpu.memory_space<vmem>>
    %dma_wait3A_1730 = tpu.memref_squeeze %dma_wait3A_1729 : memref<1x128x64xf32, #tpu.memory_space<vmem>> -> memref<128x64xf32, #tpu.memory_space<vmem>>
    tpu.wait_dma2 semaphore(%arg16 : memref<!tpu.dma_semaphore, #tpu.memory_space<semaphore_mem>>) src(%dma_wait3A_1730 : memref<128x64xf32, #tpu.memory_space<vmem>>) dst(%dma_wait3A_1726 : memref<128x64xf32, #tpu.memory_space<hbm>>)
    return
  }
}

module attributes {stable_mosaic.version = 14 : i64} {
  func.func @_knn_body(%arg0: i32, %arg1: memref<1024x8xf32, #tpu.memory_space<vmem>>, %arg2: memref<1024x1xf32, #tpu.memory_space<vmem>>, %arg3: memref<8x8192xf32, #tpu.memory_space<vmem>>, %arg4: memref<1x8192xf32, #tpu.memory_space<vmem>>, %arg5: memref<1024x3xi32, #tpu.memory_space<vmem>>, %arg6: memref<1024x3xf32, #tpu.memory_space<vmem>>) attributes {dimension_semantics = [#tpu.dimension_semantics<arbitrary>], iteration_bounds = array<i64: 32>, scalar_prefetch = 0 : i64, scratch_operands = 0 : i64, tpu.core_type = #tpu.core_type<tc>, window_params = [{transform_indices = @transform_0, window_bounds = array<i64: 1024, 8>}, {transform_indices = @transform_1, window_bounds = array<i64: 1024, 1>}, {pipeline_mode = #tpu.pipeline_mode<synchronous>, transform_indices = @transform_2, window_bounds = array<i64: 8, 8192>}, {pipeline_mode = #tpu.pipeline_mode<synchronous>, transform_indices = @transform_3, window_bounds = array<i64: 1, 8192>}, {transform_indices = @transform_4, window_bounds = array<i64: 1024, 3>}, {transform_indices = @transform_5, window_bounds = array<i64: 1024, 3>}]} {
    %get3A = arith.constant 0 : index
    %get3A_0 = arith.constant 0 : index
    %get3A_1 = vector.load %arg1[%get3A, %get3A_0] : memref<1024x8xf32, #tpu.memory_space<vmem>>, vector<1024x8xf32>
    %get3A_2 = arith.constant 0 : index
    %get3A_3 = arith.constant 0 : index
    %get3A_4 = vector.load %arg3[%get3A_2, %get3A_3] : memref<8x8192xf32, #tpu.memory_space<vmem>>, vector<8x8192xf32>
    %dot_general3A = arith.constant dense<0.000000e+00> : vector<1024x8192xf32>
    %dot_general3A_5 = tpu.matmul %get3A_1, %get3A_4, %dot_general3A {dimension_numbers = #tpu.dot_dimension_numbers<[1], [0], [0], [1], [0, 0, 1, 1], [], []>, transpose_lhs_hint = false} : vector<1024x8xf32>, vector<8x8192xf32>, vector<1024x8192xf32> -> vector<1024x8192xf32>
    %get3A_6 = arith.constant 0 : index
    %get3A_7 = arith.constant 0 : index
    %get3A_8 = vector.load %arg2[%get3A_6, %get3A_7] : memref<1024x1xf32, #tpu.memory_space<vmem>>, vector<1024x1xf32>
    %broadcast_in_dim3A = arith.constant 3.000000e+38 : f32
    %broadcast_in_dim3A_9 = vector.broadcast %broadcast_in_dim3A : f32 to vector<1024x128xf32>
    %get3A_10 = arith.constant 0 : index
    %get3A_11 = arith.constant 0 : index
    %get3A_12 = vector.load %arg4[%get3A_10, %get3A_11] : memref<1x8192xf32, #tpu.memory_space<vmem>>, vector<1x128xf32>
    %add3A = vector.broadcast %get3A_8 : vector<1024x1xf32> to vector<1024x128xf32>
    %add3A_13 = vector.broadcast %get3A_12 : vector<1x128xf32> to vector<1024x128xf32>
    %add3A_14 = arith.addf %add3A, %add3A_13 : vector<1024x128xf32>
    %slice3A = vector.extract_strided_slice %dot_general3A_5 {offsets = [0, 0], sizes = [1024, 128], strides = [1, 1]} : vector<1024x8192xf32> to vector<1024x128xf32>
    %add3A_15 = arith.addf %add3A_14, %slice3A : vector<1024x128xf32>
    %max3A = arith.constant 0.000000e+00 : f32
    %max3A_16 = vector.broadcast %max3A : f32 to vector<1024x128xf32>
    %max3A_17 = arith.maximumf %add3A_15, %max3A_16 : vector<1024x128xf32>
    %bitcast_convert_type3A = tpu.bitcast %max3A_17 : vector<1024x128xf32> -> vector<1024x128xi32>
    %and3A = arith.constant -64 : i32
    %and3A_18 = vector.broadcast %and3A : i32 to vector<1024x128xi32>
    %and3A_19 = arith.andi %bitcast_convert_type3A, %and3A_18 : vector<1024x128xi32>
    %add3A_20 = arith.constant 8388608 : i32
    %add3A_21 = vector.broadcast %add3A_20 : i32 to vector<1024x128xi32>
    %add3A_22 = arith.addi %and3A_19, %add3A_21 : vector<1024x128xi32>
    %bitcast_convert_type3A_23 = tpu.bitcast %add3A_22 : vector<1024x128xi32> -> vector<1024x128xf32>
    %max3A_24 = arith.maximumf %broadcast_in_dim3A_9, %bitcast_convert_type3A_23 : vector<1024x128xf32>
    %min3A = arith.minimumf %broadcast_in_dim3A_9, %bitcast_convert_type3A_23 : vector<1024x128xf32>
    %max3A_25 = arith.maximumf %broadcast_in_dim3A_9, %max3A_24 : vector<1024x128xf32>
    %min3A_26 = arith.minimumf %broadcast_in_dim3A_9, %max3A_24 : vector<1024x128xf32>
    %min3A_27 = arith.minimumf %broadcast_in_dim3A_9, %max3A_25 : vector<1024x128xf32>
    %get3A_28 = arith.constant 0 : index
    %get3A_29 = arith.constant 128 : index
    %get3A_30 = vector.load %arg4[%get3A_28, %get3A_29] : memref<1x8192xf32, #tpu.memory_space<vmem>>, vector<1x128xf32>
    %add3A_31 = vector.broadcast %get3A_8 : vector<1024x1xf32> to vector<1024x128xf32>
    %add3A_32 = vector.broadcast %get3A_30 : vector<1x128xf32> to vector<1024x128xf32>
    %add3A_33 = arith.addf %add3A_31, %add3A_32 : vector<1024x128xf32>
    %slice3A_34 = vector.extract_strided_slice %dot_general3A_5 {offsets = [0, 128], sizes = [1024, 128], strides = [1, 1]} : vector<1024x8192xf32> to vector<1024x128xf32>
    %add3A_35 = arith.addf %add3A_33, %slice3A_34 : vector<1024x128xf32>
    %max3A_36 = arith.constant 0.000000e+00 : f32
    %max3A_37 = vector.broadcast %max3A_36 : f32 to vector<1024x128xf32>
    %max3A_38 = arith.maximumf %add3A_35, %max3A_37 : vector<1024x128xf32>
    %bitcast_convert_type3A_39 = tpu.bitcast %max3A_38 : vector<1024x128xf32> -> vector<1024x128xi32>
    %and3A_40 = arith.constant -64 : i32
    %and3A_41 = vector.broadcast %and3A_40 : i32 to vector<1024x128xi32>
    %and3A_42 = arith.andi %bitcast_convert_type3A_39, %and3A_41 : vector<1024x128xi32>
    %add3A_43 = arith.constant 8388609 : i32
    %add3A_44 = vector.broadcast %add3A_43 : i32 to vector<1024x128xi32>
    %add3A_45 = arith.addi %and3A_42, %add3A_44 : vector<1024x128xi32>
    %bitcast_convert_type3A_46 = tpu.bitcast %add3A_45 : vector<1024x128xi32> -> vector<1024x128xf32>
    %max3A_47 = arith.maximumf %min3A, %bitcast_convert_type3A_46 : vector<1024x128xf32>
    %min3A_48 = arith.minimumf %min3A, %bitcast_convert_type3A_46 : vector<1024x128xf32>
    %max3A_49 = arith.maximumf %min3A_26, %max3A_47 : vector<1024x128xf32>
    %min3A_50 = arith.minimumf %min3A_26, %max3A_47 : vector<1024x128xf32>
    %min3A_51 = arith.minimumf %min3A_27, %max3A_49 : vector<1024x128xf32>
    %get3A_52 = arith.constant 0 : index
    %get3A_53 = arith.constant 256 : index
    %get3A_54 = vector.load %arg4[%get3A_52, %get3A_53] : memref<1x8192xf32, #tpu.memory_space<vmem>>, vector<1x128xf32>
    %add3A_55 = vector.broadcast %get3A_8 : vector<1024x1xf32> to vector<1024x128xf32>
    %add3A_56 = vector.broadcast %get3A_54 : vector<1x128xf32> to vector<1024x128xf32>
    %add3A_57 = arith.addf %add3A_55, %add3A_56 : vector<1024x128xf32>
    %slice3A_58 = vector.extract_strided_slice %dot_general3A_5 {offsets = [0, 256], sizes = [1024, 128], strides = [1, 1]} : vector<1024x8192xf32> to vector<1024x128xf32>
    %add3A_59 = arith.addf %add3A_57, %slice3A_58 : vector<1024x128xf32>
    %max3A_60 = arith.constant 0.000000e+00 : f32
    %max3A_61 = vector.broadcast %max3A_60 : f32 to vector<1024x128xf32>
    %max3A_62 = arith.maximumf %add3A_59, %max3A_61 : vector<1024x128xf32>
    %bitcast_convert_type3A_63 = tpu.bitcast %max3A_62 : vector<1024x128xf32> -> vector<1024x128xi32>
    %and3A_64 = arith.constant -64 : i32
    %and3A_65 = vector.broadcast %and3A_64 : i32 to vector<1024x128xi32>
    %and3A_66 = arith.andi %bitcast_convert_type3A_63, %and3A_65 : vector<1024x128xi32>
    %add3A_67 = arith.constant 8388610 : i32
    %add3A_68 = vector.broadcast %add3A_67 : i32 to vector<1024x128xi32>
    %add3A_69 = arith.addi %and3A_66, %add3A_68 : vector<1024x128xi32>
    %bitcast_convert_type3A_70 = tpu.bitcast %add3A_69 : vector<1024x128xi32> -> vector<1024x128xf32>
    %max3A_71 = arith.maximumf %min3A_48, %bitcast_convert_type3A_70 : vector<1024x128xf32>
    %min3A_72 = arith.minimumf %min3A_48, %bitcast_convert_type3A_70 : vector<1024x128xf32>
    %max3A_73 = arith.maximumf %min3A_50, %max3A_71 : vector<1024x128xf32>
    %min3A_74 = arith.minimumf %min3A_50, %max3A_71 : vector<1024x128xf32>
    %min3A_75 = arith.minimumf %min3A_51, %max3A_73 : vector<1024x128xf32>
    %get3A_76 = arith.constant 0 : index
    %get3A_77 = arith.constant 384 : index
    %get3A_78 = vector.load %arg4[%get3A_76, %get3A_77] : memref<1x8192xf32, #tpu.memory_space<vmem>>, vector<1x128xf32>
    %add3A_79 = vector.broadcast %get3A_8 : vector<1024x1xf32> to vector<1024x128xf32>
    %add3A_80 = vector.broadcast %get3A_78 : vector<1x128xf32> to vector<1024x128xf32>
    %add3A_81 = arith.addf %add3A_79, %add3A_80 : vector<1024x128xf32>
    %slice3A_82 = vector.extract_strided_slice %dot_general3A_5 {offsets = [0, 384], sizes = [1024, 128], strides = [1, 1]} : vector<1024x8192xf32> to vector<1024x128xf32>
    %add3A_83 = arith.addf %add3A_81, %slice3A_82 : vector<1024x128xf32>
    %max3A_84 = arith.constant 0.000000e+00 : f32
    %max3A_85 = vector.broadcast %max3A_84 : f32 to vector<1024x128xf32>
    %max3A_86 = arith.maximumf %add3A_83, %max3A_85 : vector<1024x128xf32>
    %bitcast_convert_type3A_87 = tpu.bitcast %max3A_86 : vector<1024x128xf32> -> vector<1024x128xi32>
    %and3A_88 = arith.constant -64 : i32
    %and3A_89 = vector.broadcast %and3A_88 : i32 to vector<1024x128xi32>
    %and3A_90 = arith.andi %bitcast_convert_type3A_87, %and3A_89 : vector<1024x128xi32>
    %add3A_91 = arith.constant 8388611 : i32
    %add3A_92 = vector.broadcast %add3A_91 : i32 to vector<1024x128xi32>
    %add3A_93 = arith.addi %and3A_90, %add3A_92 : vector<1024x128xi32>
    %bitcast_convert_type3A_94 = tpu.bitcast %add3A_93 : vector<1024x128xi32> -> vector<1024x128xf32>
    %max3A_95 = arith.maximumf %min3A_72, %bitcast_convert_type3A_94 : vector<1024x128xf32>
    %min3A_96 = arith.minimumf %min3A_72, %bitcast_convert_type3A_94 : vector<1024x128xf32>
    %max3A_97 = arith.maximumf %min3A_74, %max3A_95 : vector<1024x128xf32>
    %min3A_98 = arith.minimumf %min3A_74, %max3A_95 : vector<1024x128xf32>
    %min3A_99 = arith.minimumf %min3A_75, %max3A_97 : vector<1024x128xf32>
    %get3A_100 = arith.constant 0 : index
    %get3A_101 = arith.constant 512 : index
    %get3A_102 = vector.load %arg4[%get3A_100, %get3A_101] : memref<1x8192xf32, #tpu.memory_space<vmem>>, vector<1x128xf32>
    %add3A_103 = vector.broadcast %get3A_8 : vector<1024x1xf32> to vector<1024x128xf32>
    %add3A_104 = vector.broadcast %get3A_102 : vector<1x128xf32> to vector<1024x128xf32>
    %add3A_105 = arith.addf %add3A_103, %add3A_104 : vector<1024x128xf32>
    %slice3A_106 = vector.extract_strided_slice %dot_general3A_5 {offsets = [0, 512], sizes = [1024, 128], strides = [1, 1]} : vector<1024x8192xf32> to vector<1024x128xf32>
    %add3A_107 = arith.addf %add3A_105, %slice3A_106 : vector<1024x128xf32>
    %max3A_108 = arith.constant 0.000000e+00 : f32
    %max3A_109 = vector.broadcast %max3A_108 : f32 to vector<1024x128xf32>
    %max3A_110 = arith.maximumf %add3A_107, %max3A_109 : vector<1024x128xf32>
    %bitcast_convert_type3A_111 = tpu.bitcast %max3A_110 : vector<1024x128xf32> -> vector<1024x128xi32>
    %and3A_112 = arith.constant -64 : i32
    %and3A_113 = vector.broadcast %and3A_112 : i32 to vector<1024x128xi32>
    %and3A_114 = arith.andi %bitcast_convert_type3A_111, %and3A_113 : vector<1024x128xi32>
    %add3A_115 = arith.constant 8388612 : i32
    %add3A_116 = vector.broadcast %add3A_115 : i32 to vector<1024x128xi32>
    %add3A_117 = arith.addi %and3A_114, %add3A_116 : vector<1024x128xi32>
    %bitcast_convert_type3A_118 = tpu.bitcast %add3A_117 : vector<1024x128xi32> -> vector<1024x128xf32>
    %max3A_119 = arith.maximumf %min3A_96, %bitcast_convert_type3A_118 : vector<1024x128xf32>
    %min3A_120 = arith.minimumf %min3A_96, %bitcast_convert_type3A_118 : vector<1024x128xf32>
    %max3A_121 = arith.maximumf %min3A_98, %max3A_119 : vector<1024x128xf32>
    %min3A_122 = arith.minimumf %min3A_98, %max3A_119 : vector<1024x128xf32>
    %min3A_123 = arith.minimumf %min3A_99, %max3A_121 : vector<1024x128xf32>
    %get3A_124 = arith.constant 0 : index
    %get3A_125 = arith.constant 640 : index
    %get3A_126 = vector.load %arg4[%get3A_124, %get3A_125] : memref<1x8192xf32, #tpu.memory_space<vmem>>, vector<1x128xf32>
    %add3A_127 = vector.broadcast %get3A_8 : vector<1024x1xf32> to vector<1024x128xf32>
    %add3A_128 = vector.broadcast %get3A_126 : vector<1x128xf32> to vector<1024x128xf32>
    %add3A_129 = arith.addf %add3A_127, %add3A_128 : vector<1024x128xf32>
    %slice3A_130 = vector.extract_strided_slice %dot_general3A_5 {offsets = [0, 640], sizes = [1024, 128], strides = [1, 1]} : vector<1024x8192xf32> to vector<1024x128xf32>
    %add3A_131 = arith.addf %add3A_129, %slice3A_130 : vector<1024x128xf32>
    %max3A_132 = arith.constant 0.000000e+00 : f32
    %max3A_133 = vector.broadcast %max3A_132 : f32 to vector<1024x128xf32>
    %max3A_134 = arith.maximumf %add3A_131, %max3A_133 : vector<1024x128xf32>
    %bitcast_convert_type3A_135 = tpu.bitcast %max3A_134 : vector<1024x128xf32> -> vector<1024x128xi32>
    %and3A_136 = arith.constant -64 : i32
    %and3A_137 = vector.broadcast %and3A_136 : i32 to vector<1024x128xi32>
    %and3A_138 = arith.andi %bitcast_convert_type3A_135, %and3A_137 : vector<1024x128xi32>
    %add3A_139 = arith.constant 8388613 : i32
    %add3A_140 = vector.broadcast %add3A_139 : i32 to vector<1024x128xi32>
    %add3A_141 = arith.addi %and3A_138, %add3A_140 : vector<1024x128xi32>
    %bitcast_convert_type3A_142 = tpu.bitcast %add3A_141 : vector<1024x128xi32> -> vector<1024x128xf32>
    %max3A_143 = arith.maximumf %min3A_120, %bitcast_convert_type3A_142 : vector<1024x128xf32>
    %min3A_144 = arith.minimumf %min3A_120, %bitcast_convert_type3A_142 : vector<1024x128xf32>
    %max3A_145 = arith.maximumf %min3A_122, %max3A_143 : vector<1024x128xf32>
    %min3A_146 = arith.minimumf %min3A_122, %max3A_143 : vector<1024x128xf32>
    %min3A_147 = arith.minimumf %min3A_123, %max3A_145 : vector<1024x128xf32>
    %get3A_148 = arith.constant 0 : index
    %get3A_149 = arith.constant 768 : index
    %get3A_150 = vector.load %arg4[%get3A_148, %get3A_149] : memref<1x8192xf32, #tpu.memory_space<vmem>>, vector<1x128xf32>
    %add3A_151 = vector.broadcast %get3A_8 : vector<1024x1xf32> to vector<1024x128xf32>
    %add3A_152 = vector.broadcast %get3A_150 : vector<1x128xf32> to vector<1024x128xf32>
    %add3A_153 = arith.addf %add3A_151, %add3A_152 : vector<1024x128xf32>
    %slice3A_154 = vector.extract_strided_slice %dot_general3A_5 {offsets = [0, 768], sizes = [1024, 128], strides = [1, 1]} : vector<1024x8192xf32> to vector<1024x128xf32>
    %add3A_155 = arith.addf %add3A_153, %slice3A_154 : vector<1024x128xf32>
    %max3A_156 = arith.constant 0.000000e+00 : f32
    %max3A_157 = vector.broadcast %max3A_156 : f32 to vector<1024x128xf32>
    %max3A_158 = arith.maximumf %add3A_155, %max3A_157 : vector<1024x128xf32>
    %bitcast_convert_type3A_159 = tpu.bitcast %max3A_158 : vector<1024x128xf32> -> vector<1024x128xi32>
    %and3A_160 = arith.constant -64 : i32
    %and3A_161 = vector.broadcast %and3A_160 : i32 to vector<1024x128xi32>
    %and3A_162 = arith.andi %bitcast_convert_type3A_159, %and3A_161 : vector<1024x128xi32>
    %add3A_163 = arith.constant 8388614 : i32
    %add3A_164 = vector.broadcast %add3A_163 : i32 to vector<1024x128xi32>
    %add3A_165 = arith.addi %and3A_162, %add3A_164 : vector<1024x128xi32>
    %bitcast_convert_type3A_166 = tpu.bitcast %add3A_165 : vector<1024x128xi32> -> vector<1024x128xf32>
    %max3A_167 = arith.maximumf %min3A_144, %bitcast_convert_type3A_166 : vector<1024x128xf32>
    %min3A_168 = arith.minimumf %min3A_144, %bitcast_convert_type3A_166 : vector<1024x128xf32>
    %max3A_169 = arith.maximumf %min3A_146, %max3A_167 : vector<1024x128xf32>
    %min3A_170 = arith.minimumf %min3A_146, %max3A_167 : vector<1024x128xf32>
    %min3A_171 = arith.minimumf %min3A_147, %max3A_169 : vector<1024x128xf32>
    %get3A_172 = arith.constant 0 : index
    %get3A_173 = arith.constant 896 : index
    %get3A_174 = vector.load %arg4[%get3A_172, %get3A_173] : memref<1x8192xf32, #tpu.memory_space<vmem>>, vector<1x128xf32>
    %add3A_175 = vector.broadcast %get3A_8 : vector<1024x1xf32> to vector<1024x128xf32>
    %add3A_176 = vector.broadcast %get3A_174 : vector<1x128xf32> to vector<1024x128xf32>
    %add3A_177 = arith.addf %add3A_175, %add3A_176 : vector<1024x128xf32>
    %slice3A_178 = vector.extract_strided_slice %dot_general3A_5 {offsets = [0, 896], sizes = [1024, 128], strides = [1, 1]} : vector<1024x8192xf32> to vector<1024x128xf32>
    %add3A_179 = arith.addf %add3A_177, %slice3A_178 : vector<1024x128xf32>
    %max3A_180 = arith.constant 0.000000e+00 : f32
    %max3A_181 = vector.broadcast %max3A_180 : f32 to vector<1024x128xf32>
    %max3A_182 = arith.maximumf %add3A_179, %max3A_181 : vector<1024x128xf32>
    %bitcast_convert_type3A_183 = tpu.bitcast %max3A_182 : vector<1024x128xf32> -> vector<1024x128xi32>
    %and3A_184 = arith.constant -64 : i32
    %and3A_185 = vector.broadcast %and3A_184 : i32 to vector<1024x128xi32>
    %and3A_186 = arith.andi %bitcast_convert_type3A_183, %and3A_185 : vector<1024x128xi32>
    %add3A_187 = arith.constant 8388615 : i32
    %add3A_188 = vector.broadcast %add3A_187 : i32 to vector<1024x128xi32>
    %add3A_189 = arith.addi %and3A_186, %add3A_188 : vector<1024x128xi32>
    %bitcast_convert_type3A_190 = tpu.bitcast %add3A_189 : vector<1024x128xi32> -> vector<1024x128xf32>
    %max3A_191 = arith.maximumf %min3A_168, %bitcast_convert_type3A_190 : vector<1024x128xf32>
    %min3A_192 = arith.minimumf %min3A_168, %bitcast_convert_type3A_190 : vector<1024x128xf32>
    %max3A_193 = arith.maximumf %min3A_170, %max3A_191 : vector<1024x128xf32>
    %min3A_194 = arith.minimumf %min3A_170, %max3A_191 : vector<1024x128xf32>
    %min3A_195 = arith.minimumf %min3A_171, %max3A_193 : vector<1024x128xf32>
    %get3A_196 = arith.constant 0 : index
    %get3A_197 = arith.constant 1024 : index
    %get3A_198 = vector.load %arg4[%get3A_196, %get3A_197] : memref<1x8192xf32, #tpu.memory_space<vmem>>, vector<1x128xf32>
    %add3A_199 = vector.broadcast %get3A_8 : vector<1024x1xf32> to vector<1024x128xf32>
    %add3A_200 = vector.broadcast %get3A_198 : vector<1x128xf32> to vector<1024x128xf32>
    %add3A_201 = arith.addf %add3A_199, %add3A_200 : vector<1024x128xf32>
    %slice3A_202 = vector.extract_strided_slice %dot_general3A_5 {offsets = [0, 1024], sizes = [1024, 128], strides = [1, 1]} : vector<1024x8192xf32> to vector<1024x128xf32>
    %add3A_203 = arith.addf %add3A_201, %slice3A_202 : vector<1024x128xf32>
    %max3A_204 = arith.constant 0.000000e+00 : f32
    %max3A_205 = vector.broadcast %max3A_204 : f32 to vector<1024x128xf32>
    %max3A_206 = arith.maximumf %add3A_203, %max3A_205 : vector<1024x128xf32>
    %bitcast_convert_type3A_207 = tpu.bitcast %max3A_206 : vector<1024x128xf32> -> vector<1024x128xi32>
    %and3A_208 = arith.constant -64 : i32
    %and3A_209 = vector.broadcast %and3A_208 : i32 to vector<1024x128xi32>
    %and3A_210 = arith.andi %bitcast_convert_type3A_207, %and3A_209 : vector<1024x128xi32>
    %add3A_211 = arith.constant 8388616 : i32
    %add3A_212 = vector.broadcast %add3A_211 : i32 to vector<1024x128xi32>
    %add3A_213 = arith.addi %and3A_210, %add3A_212 : vector<1024x128xi32>
    %bitcast_convert_type3A_214 = tpu.bitcast %add3A_213 : vector<1024x128xi32> -> vector<1024x128xf32>
    %max3A_215 = arith.maximumf %min3A_192, %bitcast_convert_type3A_214 : vector<1024x128xf32>
    %min3A_216 = arith.minimumf %min3A_192, %bitcast_convert_type3A_214 : vector<1024x128xf32>
    %max3A_217 = arith.maximumf %min3A_194, %max3A_215 : vector<1024x128xf32>
    %min3A_218 = arith.minimumf %min3A_194, %max3A_215 : vector<1024x128xf32>
    %min3A_219 = arith.minimumf %min3A_195, %max3A_217 : vector<1024x128xf32>
    %get3A_220 = arith.constant 0 : index
    %get3A_221 = arith.constant 1152 : index
    %get3A_222 = vector.load %arg4[%get3A_220, %get3A_221] : memref<1x8192xf32, #tpu.memory_space<vmem>>, vector<1x128xf32>
    %add3A_223 = vector.broadcast %get3A_8 : vector<1024x1xf32> to vector<1024x128xf32>
    %add3A_224 = vector.broadcast %get3A_222 : vector<1x128xf32> to vector<1024x128xf32>
    %add3A_225 = arith.addf %add3A_223, %add3A_224 : vector<1024x128xf32>
    %slice3A_226 = vector.extract_strided_slice %dot_general3A_5 {offsets = [0, 1152], sizes = [1024, 128], strides = [1, 1]} : vector<1024x8192xf32> to vector<1024x128xf32>
    %add3A_227 = arith.addf %add3A_225, %slice3A_226 : vector<1024x128xf32>
    %max3A_228 = arith.constant 0.000000e+00 : f32
    %max3A_229 = vector.broadcast %max3A_228 : f32 to vector<1024x128xf32>
    %max3A_230 = arith.maximumf %add3A_227, %max3A_229 : vector<1024x128xf32>
    %bitcast_convert_type3A_231 = tpu.bitcast %max3A_230 : vector<1024x128xf32> -> vector<1024x128xi32>
    %and3A_232 = arith.constant -64 : i32
    %and3A_233 = vector.broadcast %and3A_232 : i32 to vector<1024x128xi32>
    %and3A_234 = arith.andi %bitcast_convert_type3A_231, %and3A_233 : vector<1024x128xi32>
    %add3A_235 = arith.constant 8388617 : i32
    %add3A_236 = vector.broadcast %add3A_235 : i32 to vector<1024x128xi32>
    %add3A_237 = arith.addi %and3A_234, %add3A_236 : vector<1024x128xi32>
    %bitcast_convert_type3A_238 = tpu.bitcast %add3A_237 : vector<1024x128xi32> -> vector<1024x128xf32>
    %max3A_239 = arith.maximumf %min3A_216, %bitcast_convert_type3A_238 : vector<1024x128xf32>
    %min3A_240 = arith.minimumf %min3A_216, %bitcast_convert_type3A_238 : vector<1024x128xf32>
    %max3A_241 = arith.maximumf %min3A_218, %max3A_239 : vector<1024x128xf32>
    %min3A_242 = arith.minimumf %min3A_218, %max3A_239 : vector<1024x128xf32>
    %min3A_243 = arith.minimumf %min3A_219, %max3A_241 : vector<1024x128xf32>
    %get3A_244 = arith.constant 0 : index
    %get3A_245 = arith.constant 1280 : index
    %get3A_246 = vector.load %arg4[%get3A_244, %get3A_245] : memref<1x8192xf32, #tpu.memory_space<vmem>>, vector<1x128xf32>
    %add3A_247 = vector.broadcast %get3A_8 : vector<1024x1xf32> to vector<1024x128xf32>
    %add3A_248 = vector.broadcast %get3A_246 : vector<1x128xf32> to vector<1024x128xf32>
    %add3A_249 = arith.addf %add3A_247, %add3A_248 : vector<1024x128xf32>
    %slice3A_250 = vector.extract_strided_slice %dot_general3A_5 {offsets = [0, 1280], sizes = [1024, 128], strides = [1, 1]} : vector<1024x8192xf32> to vector<1024x128xf32>
    %add3A_251 = arith.addf %add3A_249, %slice3A_250 : vector<1024x128xf32>
    %max3A_252 = arith.constant 0.000000e+00 : f32
    %max3A_253 = vector.broadcast %max3A_252 : f32 to vector<1024x128xf32>
    %max3A_254 = arith.maximumf %add3A_251, %max3A_253 : vector<1024x128xf32>
    %bitcast_convert_type3A_255 = tpu.bitcast %max3A_254 : vector<1024x128xf32> -> vector<1024x128xi32>
    %and3A_256 = arith.constant -64 : i32
    %and3A_257 = vector.broadcast %and3A_256 : i32 to vector<1024x128xi32>
    %and3A_258 = arith.andi %bitcast_convert_type3A_255, %and3A_257 : vector<1024x128xi32>
    %add3A_259 = arith.constant 8388618 : i32
    %add3A_260 = vector.broadcast %add3A_259 : i32 to vector<1024x128xi32>
    %add3A_261 = arith.addi %and3A_258, %add3A_260 : vector<1024x128xi32>
    %bitcast_convert_type3A_262 = tpu.bitcast %add3A_261 : vector<1024x128xi32> -> vector<1024x128xf32>
    %max3A_263 = arith.maximumf %min3A_240, %bitcast_convert_type3A_262 : vector<1024x128xf32>
    %min3A_264 = arith.minimumf %min3A_240, %bitcast_convert_type3A_262 : vector<1024x128xf32>
    %max3A_265 = arith.maximumf %min3A_242, %max3A_263 : vector<1024x128xf32>
    %min3A_266 = arith.minimumf %min3A_242, %max3A_263 : vector<1024x128xf32>
    %min3A_267 = arith.minimumf %min3A_243, %max3A_265 : vector<1024x128xf32>
    %get3A_268 = arith.constant 0 : index
    %get3A_269 = arith.constant 1408 : index
    %get3A_270 = vector.load %arg4[%get3A_268, %get3A_269] : memref<1x8192xf32, #tpu.memory_space<vmem>>, vector<1x128xf32>
    %add3A_271 = vector.broadcast %get3A_8 : vector<1024x1xf32> to vector<1024x128xf32>
    %add3A_272 = vector.broadcast %get3A_270 : vector<1x128xf32> to vector<1024x128xf32>
    %add3A_273 = arith.addf %add3A_271, %add3A_272 : vector<1024x128xf32>
    %slice3A_274 = vector.extract_strided_slice %dot_general3A_5 {offsets = [0, 1408], sizes = [1024, 128], strides = [1, 1]} : vector<1024x8192xf32> to vector<1024x128xf32>
    %add3A_275 = arith.addf %add3A_273, %slice3A_274 : vector<1024x128xf32>
    %max3A_276 = arith.constant 0.000000e+00 : f32
    %max3A_277 = vector.broadcast %max3A_276 : f32 to vector<1024x128xf32>
    %max3A_278 = arith.maximumf %add3A_275, %max3A_277 : vector<1024x128xf32>
    %bitcast_convert_type3A_279 = tpu.bitcast %max3A_278 : vector<1024x128xf32> -> vector<1024x128xi32>
    %and3A_280 = arith.constant -64 : i32
    %and3A_281 = vector.broadcast %and3A_280 : i32 to vector<1024x128xi32>
    %and3A_282 = arith.andi %bitcast_convert_type3A_279, %and3A_281 : vector<1024x128xi32>
    %add3A_283 = arith.constant 8388619 : i32
    %add3A_284 = vector.broadcast %add3A_283 : i32 to vector<1024x128xi32>
    %add3A_285 = arith.addi %and3A_282, %add3A_284 : vector<1024x128xi32>
    %bitcast_convert_type3A_286 = tpu.bitcast %add3A_285 : vector<1024x128xi32> -> vector<1024x128xf32>
    %max3A_287 = arith.maximumf %min3A_264, %bitcast_convert_type3A_286 : vector<1024x128xf32>
    %min3A_288 = arith.minimumf %min3A_264, %bitcast_convert_type3A_286 : vector<1024x128xf32>
    %max3A_289 = arith.maximumf %min3A_266, %max3A_287 : vector<1024x128xf32>
    %min3A_290 = arith.minimumf %min3A_266, %max3A_287 : vector<1024x128xf32>
    %min3A_291 = arith.minimumf %min3A_267, %max3A_289 : vector<1024x128xf32>
    %get3A_292 = arith.constant 0 : index
    %get3A_293 = arith.constant 1536 : index
    %get3A_294 = vector.load %arg4[%get3A_292, %get3A_293] : memref<1x8192xf32, #tpu.memory_space<vmem>>, vector<1x128xf32>
    %add3A_295 = vector.broadcast %get3A_8 : vector<1024x1xf32> to vector<1024x128xf32>
    %add3A_296 = vector.broadcast %get3A_294 : vector<1x128xf32> to vector<1024x128xf32>
    %add3A_297 = arith.addf %add3A_295, %add3A_296 : vector<1024x128xf32>
    %slice3A_298 = vector.extract_strided_slice %dot_general3A_5 {offsets = [0, 1536], sizes = [1024, 128], strides = [1, 1]} : vector<1024x8192xf32> to vector<1024x128xf32>
    %add3A_299 = arith.addf %add3A_297, %slice3A_298 : vector<1024x128xf32>
    %max3A_300 = arith.constant 0.000000e+00 : f32
    %max3A_301 = vector.broadcast %max3A_300 : f32 to vector<1024x128xf32>
    %max3A_302 = arith.maximumf %add3A_299, %max3A_301 : vector<1024x128xf32>
    %bitcast_convert_type3A_303 = tpu.bitcast %max3A_302 : vector<1024x128xf32> -> vector<1024x128xi32>
    %and3A_304 = arith.constant -64 : i32
    %and3A_305 = vector.broadcast %and3A_304 : i32 to vector<1024x128xi32>
    %and3A_306 = arith.andi %bitcast_convert_type3A_303, %and3A_305 : vector<1024x128xi32>
    %add3A_307 = arith.constant 8388620 : i32
    %add3A_308 = vector.broadcast %add3A_307 : i32 to vector<1024x128xi32>
    %add3A_309 = arith.addi %and3A_306, %add3A_308 : vector<1024x128xi32>
    %bitcast_convert_type3A_310 = tpu.bitcast %add3A_309 : vector<1024x128xi32> -> vector<1024x128xf32>
    %max3A_311 = arith.maximumf %min3A_288, %bitcast_convert_type3A_310 : vector<1024x128xf32>
    %min3A_312 = arith.minimumf %min3A_288, %bitcast_convert_type3A_310 : vector<1024x128xf32>
    %max3A_313 = arith.maximumf %min3A_290, %max3A_311 : vector<1024x128xf32>
    %min3A_314 = arith.minimumf %min3A_290, %max3A_311 : vector<1024x128xf32>
    %min3A_315 = arith.minimumf %min3A_291, %max3A_313 : vector<1024x128xf32>
    %get3A_316 = arith.constant 0 : index
    %get3A_317 = arith.constant 1664 : index
    %get3A_318 = vector.load %arg4[%get3A_316, %get3A_317] : memref<1x8192xf32, #tpu.memory_space<vmem>>, vector<1x128xf32>
    %add3A_319 = vector.broadcast %get3A_8 : vector<1024x1xf32> to vector<1024x128xf32>
    %add3A_320 = vector.broadcast %get3A_318 : vector<1x128xf32> to vector<1024x128xf32>
    %add3A_321 = arith.addf %add3A_319, %add3A_320 : vector<1024x128xf32>
    %slice3A_322 = vector.extract_strided_slice %dot_general3A_5 {offsets = [0, 1664], sizes = [1024, 128], strides = [1, 1]} : vector<1024x8192xf32> to vector<1024x128xf32>
    %add3A_323 = arith.addf %add3A_321, %slice3A_322 : vector<1024x128xf32>
    %max3A_324 = arith.constant 0.000000e+00 : f32
    %max3A_325 = vector.broadcast %max3A_324 : f32 to vector<1024x128xf32>
    %max3A_326 = arith.maximumf %add3A_323, %max3A_325 : vector<1024x128xf32>
    %bitcast_convert_type3A_327 = tpu.bitcast %max3A_326 : vector<1024x128xf32> -> vector<1024x128xi32>
    %and3A_328 = arith.constant -64 : i32
    %and3A_329 = vector.broadcast %and3A_328 : i32 to vector<1024x128xi32>
    %and3A_330 = arith.andi %bitcast_convert_type3A_327, %and3A_329 : vector<1024x128xi32>
    %add3A_331 = arith.constant 8388621 : i32
    %add3A_332 = vector.broadcast %add3A_331 : i32 to vector<1024x128xi32>
    %add3A_333 = arith.addi %and3A_330, %add3A_332 : vector<1024x128xi32>
    %bitcast_convert_type3A_334 = tpu.bitcast %add3A_333 : vector<1024x128xi32> -> vector<1024x128xf32>
    %max3A_335 = arith.maximumf %min3A_312, %bitcast_convert_type3A_334 : vector<1024x128xf32>
    %min3A_336 = arith.minimumf %min3A_312, %bitcast_convert_type3A_334 : vector<1024x128xf32>
    %max3A_337 = arith.maximumf %min3A_314, %max3A_335 : vector<1024x128xf32>
    %min3A_338 = arith.minimumf %min3A_314, %max3A_335 : vector<1024x128xf32>
    %min3A_339 = arith.minimumf %min3A_315, %max3A_337 : vector<1024x128xf32>
    %get3A_340 = arith.constant 0 : index
    %get3A_341 = arith.constant 1792 : index
    %get3A_342 = vector.load %arg4[%get3A_340, %get3A_341] : memref<1x8192xf32, #tpu.memory_space<vmem>>, vector<1x128xf32>
    %add3A_343 = vector.broadcast %get3A_8 : vector<1024x1xf32> to vector<1024x128xf32>
    %add3A_344 = vector.broadcast %get3A_342 : vector<1x128xf32> to vector<1024x128xf32>
    %add3A_345 = arith.addf %add3A_343, %add3A_344 : vector<1024x128xf32>
    %slice3A_346 = vector.extract_strided_slice %dot_general3A_5 {offsets = [0, 1792], sizes = [1024, 128], strides = [1, 1]} : vector<1024x8192xf32> to vector<1024x128xf32>
    %add3A_347 = arith.addf %add3A_345, %slice3A_346 : vector<1024x128xf32>
    %max3A_348 = arith.constant 0.000000e+00 : f32
    %max3A_349 = vector.broadcast %max3A_348 : f32 to vector<1024x128xf32>
    %max3A_350 = arith.maximumf %add3A_347, %max3A_349 : vector<1024x128xf32>
    %bitcast_convert_type3A_351 = tpu.bitcast %max3A_350 : vector<1024x128xf32> -> vector<1024x128xi32>
    %and3A_352 = arith.constant -64 : i32
    %and3A_353 = vector.broadcast %and3A_352 : i32 to vector<1024x128xi32>
    %and3A_354 = arith.andi %bitcast_convert_type3A_351, %and3A_353 : vector<1024x128xi32>
    %add3A_355 = arith.constant 8388622 : i32
    %add3A_356 = vector.broadcast %add3A_355 : i32 to vector<1024x128xi32>
    %add3A_357 = arith.addi %and3A_354, %add3A_356 : vector<1024x128xi32>
    %bitcast_convert_type3A_358 = tpu.bitcast %add3A_357 : vector<1024x128xi32> -> vector<1024x128xf32>
    %max3A_359 = arith.maximumf %min3A_336, %bitcast_convert_type3A_358 : vector<1024x128xf32>
    %min3A_360 = arith.minimumf %min3A_336, %bitcast_convert_type3A_358 : vector<1024x128xf32>
    %max3A_361 = arith.maximumf %min3A_338, %max3A_359 : vector<1024x128xf32>
    %min3A_362 = arith.minimumf %min3A_338, %max3A_359 : vector<1024x128xf32>
    %min3A_363 = arith.minimumf %min3A_339, %max3A_361 : vector<1024x128xf32>
    %get3A_364 = arith.constant 0 : index
    %get3A_365 = arith.constant 1920 : index
    %get3A_366 = vector.load %arg4[%get3A_364, %get3A_365] : memref<1x8192xf32, #tpu.memory_space<vmem>>, vector<1x128xf32>
    %add3A_367 = vector.broadcast %get3A_8 : vector<1024x1xf32> to vector<1024x128xf32>
    %add3A_368 = vector.broadcast %get3A_366 : vector<1x128xf32> to vector<1024x128xf32>
    %add3A_369 = arith.addf %add3A_367, %add3A_368 : vector<1024x128xf32>
    %slice3A_370 = vector.extract_strided_slice %dot_general3A_5 {offsets = [0, 1920], sizes = [1024, 128], strides = [1, 1]} : vector<1024x8192xf32> to vector<1024x128xf32>
    %add3A_371 = arith.addf %add3A_369, %slice3A_370 : vector<1024x128xf32>
    %max3A_372 = arith.constant 0.000000e+00 : f32
    %max3A_373 = vector.broadcast %max3A_372 : f32 to vector<1024x128xf32>
    %max3A_374 = arith.maximumf %add3A_371, %max3A_373 : vector<1024x128xf32>
    %bitcast_convert_type3A_375 = tpu.bitcast %max3A_374 : vector<1024x128xf32> -> vector<1024x128xi32>
    %and3A_376 = arith.constant -64 : i32
    %and3A_377 = vector.broadcast %and3A_376 : i32 to vector<1024x128xi32>
    %and3A_378 = arith.andi %bitcast_convert_type3A_375, %and3A_377 : vector<1024x128xi32>
    %add3A_379 = arith.constant 8388623 : i32
    %add3A_380 = vector.broadcast %add3A_379 : i32 to vector<1024x128xi32>
    %add3A_381 = arith.addi %and3A_378, %add3A_380 : vector<1024x128xi32>
    %bitcast_convert_type3A_382 = tpu.bitcast %add3A_381 : vector<1024x128xi32> -> vector<1024x128xf32>
    %max3A_383 = arith.maximumf %min3A_360, %bitcast_convert_type3A_382 : vector<1024x128xf32>
    %min3A_384 = arith.minimumf %min3A_360, %bitcast_convert_type3A_382 : vector<1024x128xf32>
    %max3A_385 = arith.maximumf %min3A_362, %max3A_383 : vector<1024x128xf32>
    %min3A_386 = arith.minimumf %min3A_362, %max3A_383 : vector<1024x128xf32>
    %min3A_387 = arith.minimumf %min3A_363, %max3A_385 : vector<1024x128xf32>
    %get3A_388 = arith.constant 0 : index
    %get3A_389 = arith.constant 2048 : index
    %get3A_390 = vector.load %arg4[%get3A_388, %get3A_389] : memref<1x8192xf32, #tpu.memory_space<vmem>>, vector<1x128xf32>
    %add3A_391 = vector.broadcast %get3A_8 : vector<1024x1xf32> to vector<1024x128xf32>
    %add3A_392 = vector.broadcast %get3A_390 : vector<1x128xf32> to vector<1024x128xf32>
    %add3A_393 = arith.addf %add3A_391, %add3A_392 : vector<1024x128xf32>
    %slice3A_394 = vector.extract_strided_slice %dot_general3A_5 {offsets = [0, 2048], sizes = [1024, 128], strides = [1, 1]} : vector<1024x8192xf32> to vector<1024x128xf32>
    %add3A_395 = arith.addf %add3A_393, %slice3A_394 : vector<1024x128xf32>
    %max3A_396 = arith.constant 0.000000e+00 : f32
    %max3A_397 = vector.broadcast %max3A_396 : f32 to vector<1024x128xf32>
    %max3A_398 = arith.maximumf %add3A_395, %max3A_397 : vector<1024x128xf32>
    %bitcast_convert_type3A_399 = tpu.bitcast %max3A_398 : vector<1024x128xf32> -> vector<1024x128xi32>
    %and3A_400 = arith.constant -64 : i32
    %and3A_401 = vector.broadcast %and3A_400 : i32 to vector<1024x128xi32>
    %and3A_402 = arith.andi %bitcast_convert_type3A_399, %and3A_401 : vector<1024x128xi32>
    %add3A_403 = arith.constant 8388624 : i32
    %add3A_404 = vector.broadcast %add3A_403 : i32 to vector<1024x128xi32>
    %add3A_405 = arith.addi %and3A_402, %add3A_404 : vector<1024x128xi32>
    %bitcast_convert_type3A_406 = tpu.bitcast %add3A_405 : vector<1024x128xi32> -> vector<1024x128xf32>
    %max3A_407 = arith.maximumf %min3A_384, %bitcast_convert_type3A_406 : vector<1024x128xf32>
    %min3A_408 = arith.minimumf %min3A_384, %bitcast_convert_type3A_406 : vector<1024x128xf32>
    %max3A_409 = arith.maximumf %min3A_386, %max3A_407 : vector<1024x128xf32>
    %min3A_410 = arith.minimumf %min3A_386, %max3A_407 : vector<1024x128xf32>
    %min3A_411 = arith.minimumf %min3A_387, %max3A_409 : vector<1024x128xf32>
    %get3A_412 = arith.constant 0 : index
    %get3A_413 = arith.constant 2176 : index
    %get3A_414 = vector.load %arg4[%get3A_412, %get3A_413] : memref<1x8192xf32, #tpu.memory_space<vmem>>, vector<1x128xf32>
    %add3A_415 = vector.broadcast %get3A_8 : vector<1024x1xf32> to vector<1024x128xf32>
    %add3A_416 = vector.broadcast %get3A_414 : vector<1x128xf32> to vector<1024x128xf32>
    %add3A_417 = arith.addf %add3A_415, %add3A_416 : vector<1024x128xf32>
    %slice3A_418 = vector.extract_strided_slice %dot_general3A_5 {offsets = [0, 2176], sizes = [1024, 128], strides = [1, 1]} : vector<1024x8192xf32> to vector<1024x128xf32>
    %add3A_419 = arith.addf %add3A_417, %slice3A_418 : vector<1024x128xf32>
    %max3A_420 = arith.constant 0.000000e+00 : f32
    %max3A_421 = vector.broadcast %max3A_420 : f32 to vector<1024x128xf32>
    %max3A_422 = arith.maximumf %add3A_419, %max3A_421 : vector<1024x128xf32>
    %bitcast_convert_type3A_423 = tpu.bitcast %max3A_422 : vector<1024x128xf32> -> vector<1024x128xi32>
    %and3A_424 = arith.constant -64 : i32
    %and3A_425 = vector.broadcast %and3A_424 : i32 to vector<1024x128xi32>
    %and3A_426 = arith.andi %bitcast_convert_type3A_423, %and3A_425 : vector<1024x128xi32>
    %add3A_427 = arith.constant 8388625 : i32
    %add3A_428 = vector.broadcast %add3A_427 : i32 to vector<1024x128xi32>
    %add3A_429 = arith.addi %and3A_426, %add3A_428 : vector<1024x128xi32>
    %bitcast_convert_type3A_430 = tpu.bitcast %add3A_429 : vector<1024x128xi32> -> vector<1024x128xf32>
    %max3A_431 = arith.maximumf %min3A_408, %bitcast_convert_type3A_430 : vector<1024x128xf32>
    %min3A_432 = arith.minimumf %min3A_408, %bitcast_convert_type3A_430 : vector<1024x128xf32>
    %max3A_433 = arith.maximumf %min3A_410, %max3A_431 : vector<1024x128xf32>
    %min3A_434 = arith.minimumf %min3A_410, %max3A_431 : vector<1024x128xf32>
    %min3A_435 = arith.minimumf %min3A_411, %max3A_433 : vector<1024x128xf32>
    %get3A_436 = arith.constant 0 : index
    %get3A_437 = arith.constant 2304 : index
    %get3A_438 = vector.load %arg4[%get3A_436, %get3A_437] : memref<1x8192xf32, #tpu.memory_space<vmem>>, vector<1x128xf32>
    %add3A_439 = vector.broadcast %get3A_8 : vector<1024x1xf32> to vector<1024x128xf32>
    %add3A_440 = vector.broadcast %get3A_438 : vector<1x128xf32> to vector<1024x128xf32>
    %add3A_441 = arith.addf %add3A_439, %add3A_440 : vector<1024x128xf32>
    %slice3A_442 = vector.extract_strided_slice %dot_general3A_5 {offsets = [0, 2304], sizes = [1024, 128], strides = [1, 1]} : vector<1024x8192xf32> to vector<1024x128xf32>
    %add3A_443 = arith.addf %add3A_441, %slice3A_442 : vector<1024x128xf32>
    %max3A_444 = arith.constant 0.000000e+00 : f32
    %max3A_445 = vector.broadcast %max3A_444 : f32 to vector<1024x128xf32>
    %max3A_446 = arith.maximumf %add3A_443, %max3A_445 : vector<1024x128xf32>
    %bitcast_convert_type3A_447 = tpu.bitcast %max3A_446 : vector<1024x128xf32> -> vector<1024x128xi32>
    %and3A_448 = arith.constant -64 : i32
    %and3A_449 = vector.broadcast %and3A_448 : i32 to vector<1024x128xi32>
    %and3A_450 = arith.andi %bitcast_convert_type3A_447, %and3A_449 : vector<1024x128xi32>
    %add3A_451 = arith.constant 8388626 : i32
    %add3A_452 = vector.broadcast %add3A_451 : i32 to vector<1024x128xi32>
    %add3A_453 = arith.addi %and3A_450, %add3A_452 : vector<1024x128xi32>
    %bitcast_convert_type3A_454 = tpu.bitcast %add3A_453 : vector<1024x128xi32> -> vector<1024x128xf32>
    %max3A_455 = arith.maximumf %min3A_432, %bitcast_convert_type3A_454 : vector<1024x128xf32>
    %min3A_456 = arith.minimumf %min3A_432, %bitcast_convert_type3A_454 : vector<1024x128xf32>
    %max3A_457 = arith.maximumf %min3A_434, %max3A_455 : vector<1024x128xf32>
    %min3A_458 = arith.minimumf %min3A_434, %max3A_455 : vector<1024x128xf32>
    %min3A_459 = arith.minimumf %min3A_435, %max3A_457 : vector<1024x128xf32>
    %get3A_460 = arith.constant 0 : index
    %get3A_461 = arith.constant 2432 : index
    %get3A_462 = vector.load %arg4[%get3A_460, %get3A_461] : memref<1x8192xf32, #tpu.memory_space<vmem>>, vector<1x128xf32>
    %add3A_463 = vector.broadcast %get3A_8 : vector<1024x1xf32> to vector<1024x128xf32>
    %add3A_464 = vector.broadcast %get3A_462 : vector<1x128xf32> to vector<1024x128xf32>
    %add3A_465 = arith.addf %add3A_463, %add3A_464 : vector<1024x128xf32>
    %slice3A_466 = vector.extract_strided_slice %dot_general3A_5 {offsets = [0, 2432], sizes = [1024, 128], strides = [1, 1]} : vector<1024x8192xf32> to vector<1024x128xf32>
    %add3A_467 = arith.addf %add3A_465, %slice3A_466 : vector<1024x128xf32>
    %max3A_468 = arith.constant 0.000000e+00 : f32
    %max3A_469 = vector.broadcast %max3A_468 : f32 to vector<1024x128xf32>
    %max3A_470 = arith.maximumf %add3A_467, %max3A_469 : vector<1024x128xf32>
    %bitcast_convert_type3A_471 = tpu.bitcast %max3A_470 : vector<1024x128xf32> -> vector<1024x128xi32>
    %and3A_472 = arith.constant -64 : i32
    %and3A_473 = vector.broadcast %and3A_472 : i32 to vector<1024x128xi32>
    %and3A_474 = arith.andi %bitcast_convert_type3A_471, %and3A_473 : vector<1024x128xi32>
    %add3A_475 = arith.constant 8388627 : i32
    %add3A_476 = vector.broadcast %add3A_475 : i32 to vector<1024x128xi32>
    %add3A_477 = arith.addi %and3A_474, %add3A_476 : vector<1024x128xi32>
    %bitcast_convert_type3A_478 = tpu.bitcast %add3A_477 : vector<1024x128xi32> -> vector<1024x128xf32>
    %max3A_479 = arith.maximumf %min3A_456, %bitcast_convert_type3A_478 : vector<1024x128xf32>
    %min3A_480 = arith.minimumf %min3A_456, %bitcast_convert_type3A_478 : vector<1024x128xf32>
    %max3A_481 = arith.maximumf %min3A_458, %max3A_479 : vector<1024x128xf32>
    %min3A_482 = arith.minimumf %min3A_458, %max3A_479 : vector<1024x128xf32>
    %min3A_483 = arith.minimumf %min3A_459, %max3A_481 : vector<1024x128xf32>
    %get3A_484 = arith.constant 0 : index
    %get3A_485 = arith.constant 2560 : index
    %get3A_486 = vector.load %arg4[%get3A_484, %get3A_485] : memref<1x8192xf32, #tpu.memory_space<vmem>>, vector<1x128xf32>
    %add3A_487 = vector.broadcast %get3A_8 : vector<1024x1xf32> to vector<1024x128xf32>
    %add3A_488 = vector.broadcast %get3A_486 : vector<1x128xf32> to vector<1024x128xf32>
    %add3A_489 = arith.addf %add3A_487, %add3A_488 : vector<1024x128xf32>
    %slice3A_490 = vector.extract_strided_slice %dot_general3A_5 {offsets = [0, 2560], sizes = [1024, 128], strides = [1, 1]} : vector<1024x8192xf32> to vector<1024x128xf32>
    %add3A_491 = arith.addf %add3A_489, %slice3A_490 : vector<1024x128xf32>
    %max3A_492 = arith.constant 0.000000e+00 : f32
    %max3A_493 = vector.broadcast %max3A_492 : f32 to vector<1024x128xf32>
    %max3A_494 = arith.maximumf %add3A_491, %max3A_493 : vector<1024x128xf32>
    %bitcast_convert_type3A_495 = tpu.bitcast %max3A_494 : vector<1024x128xf32> -> vector<1024x128xi32>
    %and3A_496 = arith.constant -64 : i32
    %and3A_497 = vector.broadcast %and3A_496 : i32 to vector<1024x128xi32>
    %and3A_498 = arith.andi %bitcast_convert_type3A_495, %and3A_497 : vector<1024x128xi32>
    %add3A_499 = arith.constant 8388628 : i32
    %add3A_500 = vector.broadcast %add3A_499 : i32 to vector<1024x128xi32>
    %add3A_501 = arith.addi %and3A_498, %add3A_500 : vector<1024x128xi32>
    %bitcast_convert_type3A_502 = tpu.bitcast %add3A_501 : vector<1024x128xi32> -> vector<1024x128xf32>
    %max3A_503 = arith.maximumf %min3A_480, %bitcast_convert_type3A_502 : vector<1024x128xf32>
    %min3A_504 = arith.minimumf %min3A_480, %bitcast_convert_type3A_502 : vector<1024x128xf32>
    %max3A_505 = arith.maximumf %min3A_482, %max3A_503 : vector<1024x128xf32>
    %min3A_506 = arith.minimumf %min3A_482, %max3A_503 : vector<1024x128xf32>
    %min3A_507 = arith.minimumf %min3A_483, %max3A_505 : vector<1024x128xf32>
    %get3A_508 = arith.constant 0 : index
    %get3A_509 = arith.constant 2688 : index
    %get3A_510 = vector.load %arg4[%get3A_508, %get3A_509] : memref<1x8192xf32, #tpu.memory_space<vmem>>, vector<1x128xf32>
    %add3A_511 = vector.broadcast %get3A_8 : vector<1024x1xf32> to vector<1024x128xf32>
    %add3A_512 = vector.broadcast %get3A_510 : vector<1x128xf32> to vector<1024x128xf32>
    %add3A_513 = arith.addf %add3A_511, %add3A_512 : vector<1024x128xf32>
    %slice3A_514 = vector.extract_strided_slice %dot_general3A_5 {offsets = [0, 2688], sizes = [1024, 128], strides = [1, 1]} : vector<1024x8192xf32> to vector<1024x128xf32>
    %add3A_515 = arith.addf %add3A_513, %slice3A_514 : vector<1024x128xf32>
    %max3A_516 = arith.constant 0.000000e+00 : f32
    %max3A_517 = vector.broadcast %max3A_516 : f32 to vector<1024x128xf32>
    %max3A_518 = arith.maximumf %add3A_515, %max3A_517 : vector<1024x128xf32>
    %bitcast_convert_type3A_519 = tpu.bitcast %max3A_518 : vector<1024x128xf32> -> vector<1024x128xi32>
    %and3A_520 = arith.constant -64 : i32
    %and3A_521 = vector.broadcast %and3A_520 : i32 to vector<1024x128xi32>
    %and3A_522 = arith.andi %bitcast_convert_type3A_519, %and3A_521 : vector<1024x128xi32>
    %add3A_523 = arith.constant 8388629 : i32
    %add3A_524 = vector.broadcast %add3A_523 : i32 to vector<1024x128xi32>
    %add3A_525 = arith.addi %and3A_522, %add3A_524 : vector<1024x128xi32>
    %bitcast_convert_type3A_526 = tpu.bitcast %add3A_525 : vector<1024x128xi32> -> vector<1024x128xf32>
    %max3A_527 = arith.maximumf %min3A_504, %bitcast_convert_type3A_526 : vector<1024x128xf32>
    %min3A_528 = arith.minimumf %min3A_504, %bitcast_convert_type3A_526 : vector<1024x128xf32>
    %max3A_529 = arith.maximumf %min3A_506, %max3A_527 : vector<1024x128xf32>
    %min3A_530 = arith.minimumf %min3A_506, %max3A_527 : vector<1024x128xf32>
    %min3A_531 = arith.minimumf %min3A_507, %max3A_529 : vector<1024x128xf32>
    %get3A_532 = arith.constant 0 : index
    %get3A_533 = arith.constant 2816 : index
    %get3A_534 = vector.load %arg4[%get3A_532, %get3A_533] : memref<1x8192xf32, #tpu.memory_space<vmem>>, vector<1x128xf32>
    %add3A_535 = vector.broadcast %get3A_8 : vector<1024x1xf32> to vector<1024x128xf32>
    %add3A_536 = vector.broadcast %get3A_534 : vector<1x128xf32> to vector<1024x128xf32>
    %add3A_537 = arith.addf %add3A_535, %add3A_536 : vector<1024x128xf32>
    %slice3A_538 = vector.extract_strided_slice %dot_general3A_5 {offsets = [0, 2816], sizes = [1024, 128], strides = [1, 1]} : vector<1024x8192xf32> to vector<1024x128xf32>
    %add3A_539 = arith.addf %add3A_537, %slice3A_538 : vector<1024x128xf32>
    %max3A_540 = arith.constant 0.000000e+00 : f32
    %max3A_541 = vector.broadcast %max3A_540 : f32 to vector<1024x128xf32>
    %max3A_542 = arith.maximumf %add3A_539, %max3A_541 : vector<1024x128xf32>
    %bitcast_convert_type3A_543 = tpu.bitcast %max3A_542 : vector<1024x128xf32> -> vector<1024x128xi32>
    %and3A_544 = arith.constant -64 : i32
    %and3A_545 = vector.broadcast %and3A_544 : i32 to vector<1024x128xi32>
    %and3A_546 = arith.andi %bitcast_convert_type3A_543, %and3A_545 : vector<1024x128xi32>
    %add3A_547 = arith.constant 8388630 : i32
    %add3A_548 = vector.broadcast %add3A_547 : i32 to vector<1024x128xi32>
    %add3A_549 = arith.addi %and3A_546, %add3A_548 : vector<1024x128xi32>
    %bitcast_convert_type3A_550 = tpu.bitcast %add3A_549 : vector<1024x128xi32> -> vector<1024x128xf32>
    %max3A_551 = arith.maximumf %min3A_528, %bitcast_convert_type3A_550 : vector<1024x128xf32>
    %min3A_552 = arith.minimumf %min3A_528, %bitcast_convert_type3A_550 : vector<1024x128xf32>
    %max3A_553 = arith.maximumf %min3A_530, %max3A_551 : vector<1024x128xf32>
    %min3A_554 = arith.minimumf %min3A_530, %max3A_551 : vector<1024x128xf32>
    %min3A_555 = arith.minimumf %min3A_531, %max3A_553 : vector<1024x128xf32>
    %get3A_556 = arith.constant 0 : index
    %get3A_557 = arith.constant 2944 : index
    %get3A_558 = vector.load %arg4[%get3A_556, %get3A_557] : memref<1x8192xf32, #tpu.memory_space<vmem>>, vector<1x128xf32>
    %add3A_559 = vector.broadcast %get3A_8 : vector<1024x1xf32> to vector<1024x128xf32>
    %add3A_560 = vector.broadcast %get3A_558 : vector<1x128xf32> to vector<1024x128xf32>
    %add3A_561 = arith.addf %add3A_559, %add3A_560 : vector<1024x128xf32>
    %slice3A_562 = vector.extract_strided_slice %dot_general3A_5 {offsets = [0, 2944], sizes = [1024, 128], strides = [1, 1]} : vector<1024x8192xf32> to vector<1024x128xf32>
    %add3A_563 = arith.addf %add3A_561, %slice3A_562 : vector<1024x128xf32>
    %max3A_564 = arith.constant 0.000000e+00 : f32
    %max3A_565 = vector.broadcast %max3A_564 : f32 to vector<1024x128xf32>
    %max3A_566 = arith.maximumf %add3A_563, %max3A_565 : vector<1024x128xf32>
    %bitcast_convert_type3A_567 = tpu.bitcast %max3A_566 : vector<1024x128xf32> -> vector<1024x128xi32>
    %and3A_568 = arith.constant -64 : i32
    %and3A_569 = vector.broadcast %and3A_568 : i32 to vector<1024x128xi32>
    %and3A_570 = arith.andi %bitcast_convert_type3A_567, %and3A_569 : vector<1024x128xi32>
    %add3A_571 = arith.constant 8388631 : i32
    %add3A_572 = vector.broadcast %add3A_571 : i32 to vector<1024x128xi32>
    %add3A_573 = arith.addi %and3A_570, %add3A_572 : vector<1024x128xi32>
    %bitcast_convert_type3A_574 = tpu.bitcast %add3A_573 : vector<1024x128xi32> -> vector<1024x128xf32>
    %max3A_575 = arith.maximumf %min3A_552, %bitcast_convert_type3A_574 : vector<1024x128xf32>
    %min3A_576 = arith.minimumf %min3A_552, %bitcast_convert_type3A_574 : vector<1024x128xf32>
    %max3A_577 = arith.maximumf %min3A_554, %max3A_575 : vector<1024x128xf32>
    %min3A_578 = arith.minimumf %min3A_554, %max3A_575 : vector<1024x128xf32>
    %min3A_579 = arith.minimumf %min3A_555, %max3A_577 : vector<1024x128xf32>
    %get3A_580 = arith.constant 0 : index
    %get3A_581 = arith.constant 3072 : index
    %get3A_582 = vector.load %arg4[%get3A_580, %get3A_581] : memref<1x8192xf32, #tpu.memory_space<vmem>>, vector<1x128xf32>
    %add3A_583 = vector.broadcast %get3A_8 : vector<1024x1xf32> to vector<1024x128xf32>
    %add3A_584 = vector.broadcast %get3A_582 : vector<1x128xf32> to vector<1024x128xf32>
    %add3A_585 = arith.addf %add3A_583, %add3A_584 : vector<1024x128xf32>
    %slice3A_586 = vector.extract_strided_slice %dot_general3A_5 {offsets = [0, 3072], sizes = [1024, 128], strides = [1, 1]} : vector<1024x8192xf32> to vector<1024x128xf32>
    %add3A_587 = arith.addf %add3A_585, %slice3A_586 : vector<1024x128xf32>
    %max3A_588 = arith.constant 0.000000e+00 : f32
    %max3A_589 = vector.broadcast %max3A_588 : f32 to vector<1024x128xf32>
    %max3A_590 = arith.maximumf %add3A_587, %max3A_589 : vector<1024x128xf32>
    %bitcast_convert_type3A_591 = tpu.bitcast %max3A_590 : vector<1024x128xf32> -> vector<1024x128xi32>
    %and3A_592 = arith.constant -64 : i32
    %and3A_593 = vector.broadcast %and3A_592 : i32 to vector<1024x128xi32>
    %and3A_594 = arith.andi %bitcast_convert_type3A_591, %and3A_593 : vector<1024x128xi32>
    %add3A_595 = arith.constant 8388632 : i32
    %add3A_596 = vector.broadcast %add3A_595 : i32 to vector<1024x128xi32>
    %add3A_597 = arith.addi %and3A_594, %add3A_596 : vector<1024x128xi32>
    %bitcast_convert_type3A_598 = tpu.bitcast %add3A_597 : vector<1024x128xi32> -> vector<1024x128xf32>
    %max3A_599 = arith.maximumf %min3A_576, %bitcast_convert_type3A_598 : vector<1024x128xf32>
    %min3A_600 = arith.minimumf %min3A_576, %bitcast_convert_type3A_598 : vector<1024x128xf32>
    %max3A_601 = arith.maximumf %min3A_578, %max3A_599 : vector<1024x128xf32>
    %min3A_602 = arith.minimumf %min3A_578, %max3A_599 : vector<1024x128xf32>
    %min3A_603 = arith.minimumf %min3A_579, %max3A_601 : vector<1024x128xf32>
    %get3A_604 = arith.constant 0 : index
    %get3A_605 = arith.constant 3200 : index
    %get3A_606 = vector.load %arg4[%get3A_604, %get3A_605] : memref<1x8192xf32, #tpu.memory_space<vmem>>, vector<1x128xf32>
    %add3A_607 = vector.broadcast %get3A_8 : vector<1024x1xf32> to vector<1024x128xf32>
    %add3A_608 = vector.broadcast %get3A_606 : vector<1x128xf32> to vector<1024x128xf32>
    %add3A_609 = arith.addf %add3A_607, %add3A_608 : vector<1024x128xf32>
    %slice3A_610 = vector.extract_strided_slice %dot_general3A_5 {offsets = [0, 3200], sizes = [1024, 128], strides = [1, 1]} : vector<1024x8192xf32> to vector<1024x128xf32>
    %add3A_611 = arith.addf %add3A_609, %slice3A_610 : vector<1024x128xf32>
    %max3A_612 = arith.constant 0.000000e+00 : f32
    %max3A_613 = vector.broadcast %max3A_612 : f32 to vector<1024x128xf32>
    %max3A_614 = arith.maximumf %add3A_611, %max3A_613 : vector<1024x128xf32>
    %bitcast_convert_type3A_615 = tpu.bitcast %max3A_614 : vector<1024x128xf32> -> vector<1024x128xi32>
    %and3A_616 = arith.constant -64 : i32
    %and3A_617 = vector.broadcast %and3A_616 : i32 to vector<1024x128xi32>
    %and3A_618 = arith.andi %bitcast_convert_type3A_615, %and3A_617 : vector<1024x128xi32>
    %add3A_619 = arith.constant 8388633 : i32
    %add3A_620 = vector.broadcast %add3A_619 : i32 to vector<1024x128xi32>
    %add3A_621 = arith.addi %and3A_618, %add3A_620 : vector<1024x128xi32>
    %bitcast_convert_type3A_622 = tpu.bitcast %add3A_621 : vector<1024x128xi32> -> vector<1024x128xf32>
    %max3A_623 = arith.maximumf %min3A_600, %bitcast_convert_type3A_622 : vector<1024x128xf32>
    %min3A_624 = arith.minimumf %min3A_600, %bitcast_convert_type3A_622 : vector<1024x128xf32>
    %max3A_625 = arith.maximumf %min3A_602, %max3A_623 : vector<1024x128xf32>
    %min3A_626 = arith.minimumf %min3A_602, %max3A_623 : vector<1024x128xf32>
    %min3A_627 = arith.minimumf %min3A_603, %max3A_625 : vector<1024x128xf32>
    %get3A_628 = arith.constant 0 : index
    %get3A_629 = arith.constant 3328 : index
    %get3A_630 = vector.load %arg4[%get3A_628, %get3A_629] : memref<1x8192xf32, #tpu.memory_space<vmem>>, vector<1x128xf32>
    %add3A_631 = vector.broadcast %get3A_8 : vector<1024x1xf32> to vector<1024x128xf32>
    %add3A_632 = vector.broadcast %get3A_630 : vector<1x128xf32> to vector<1024x128xf32>
    %add3A_633 = arith.addf %add3A_631, %add3A_632 : vector<1024x128xf32>
    %slice3A_634 = vector.extract_strided_slice %dot_general3A_5 {offsets = [0, 3328], sizes = [1024, 128], strides = [1, 1]} : vector<1024x8192xf32> to vector<1024x128xf32>
    %add3A_635 = arith.addf %add3A_633, %slice3A_634 : vector<1024x128xf32>
    %max3A_636 = arith.constant 0.000000e+00 : f32
    %max3A_637 = vector.broadcast %max3A_636 : f32 to vector<1024x128xf32>
    %max3A_638 = arith.maximumf %add3A_635, %max3A_637 : vector<1024x128xf32>
    %bitcast_convert_type3A_639 = tpu.bitcast %max3A_638 : vector<1024x128xf32> -> vector<1024x128xi32>
    %and3A_640 = arith.constant -64 : i32
    %and3A_641 = vector.broadcast %and3A_640 : i32 to vector<1024x128xi32>
    %and3A_642 = arith.andi %bitcast_convert_type3A_639, %and3A_641 : vector<1024x128xi32>
    %add3A_643 = arith.constant 8388634 : i32
    %add3A_644 = vector.broadcast %add3A_643 : i32 to vector<1024x128xi32>
    %add3A_645 = arith.addi %and3A_642, %add3A_644 : vector<1024x128xi32>
    %bitcast_convert_type3A_646 = tpu.bitcast %add3A_645 : vector<1024x128xi32> -> vector<1024x128xf32>
    %max3A_647 = arith.maximumf %min3A_624, %bitcast_convert_type3A_646 : vector<1024x128xf32>
    %min3A_648 = arith.minimumf %min3A_624, %bitcast_convert_type3A_646 : vector<1024x128xf32>
    %max3A_649 = arith.maximumf %min3A_626, %max3A_647 : vector<1024x128xf32>
    %min3A_650 = arith.minimumf %min3A_626, %max3A_647 : vector<1024x128xf32>
    %min3A_651 = arith.minimumf %min3A_627, %max3A_649 : vector<1024x128xf32>
    %get3A_652 = arith.constant 0 : index
    %get3A_653 = arith.constant 3456 : index
    %get3A_654 = vector.load %arg4[%get3A_652, %get3A_653] : memref<1x8192xf32, #tpu.memory_space<vmem>>, vector<1x128xf32>
    %add3A_655 = vector.broadcast %get3A_8 : vector<1024x1xf32> to vector<1024x128xf32>
    %add3A_656 = vector.broadcast %get3A_654 : vector<1x128xf32> to vector<1024x128xf32>
    %add3A_657 = arith.addf %add3A_655, %add3A_656 : vector<1024x128xf32>
    %slice3A_658 = vector.extract_strided_slice %dot_general3A_5 {offsets = [0, 3456], sizes = [1024, 128], strides = [1, 1]} : vector<1024x8192xf32> to vector<1024x128xf32>
    %add3A_659 = arith.addf %add3A_657, %slice3A_658 : vector<1024x128xf32>
    %max3A_660 = arith.constant 0.000000e+00 : f32
    %max3A_661 = vector.broadcast %max3A_660 : f32 to vector<1024x128xf32>
    %max3A_662 = arith.maximumf %add3A_659, %max3A_661 : vector<1024x128xf32>
    %bitcast_convert_type3A_663 = tpu.bitcast %max3A_662 : vector<1024x128xf32> -> vector<1024x128xi32>
    %and3A_664 = arith.constant -64 : i32
    %and3A_665 = vector.broadcast %and3A_664 : i32 to vector<1024x128xi32>
    %and3A_666 = arith.andi %bitcast_convert_type3A_663, %and3A_665 : vector<1024x128xi32>
    %add3A_667 = arith.constant 8388635 : i32
    %add3A_668 = vector.broadcast %add3A_667 : i32 to vector<1024x128xi32>
    %add3A_669 = arith.addi %and3A_666, %add3A_668 : vector<1024x128xi32>
    %bitcast_convert_type3A_670 = tpu.bitcast %add3A_669 : vector<1024x128xi32> -> vector<1024x128xf32>
    %max3A_671 = arith.maximumf %min3A_648, %bitcast_convert_type3A_670 : vector<1024x128xf32>
    %min3A_672 = arith.minimumf %min3A_648, %bitcast_convert_type3A_670 : vector<1024x128xf32>
    %max3A_673 = arith.maximumf %min3A_650, %max3A_671 : vector<1024x128xf32>
    %min3A_674 = arith.minimumf %min3A_650, %max3A_671 : vector<1024x128xf32>
    %min3A_675 = arith.minimumf %min3A_651, %max3A_673 : vector<1024x128xf32>
    %get3A_676 = arith.constant 0 : index
    %get3A_677 = arith.constant 3584 : index
    %get3A_678 = vector.load %arg4[%get3A_676, %get3A_677] : memref<1x8192xf32, #tpu.memory_space<vmem>>, vector<1x128xf32>
    %add3A_679 = vector.broadcast %get3A_8 : vector<1024x1xf32> to vector<1024x128xf32>
    %add3A_680 = vector.broadcast %get3A_678 : vector<1x128xf32> to vector<1024x128xf32>
    %add3A_681 = arith.addf %add3A_679, %add3A_680 : vector<1024x128xf32>
    %slice3A_682 = vector.extract_strided_slice %dot_general3A_5 {offsets = [0, 3584], sizes = [1024, 128], strides = [1, 1]} : vector<1024x8192xf32> to vector<1024x128xf32>
    %add3A_683 = arith.addf %add3A_681, %slice3A_682 : vector<1024x128xf32>
    %max3A_684 = arith.constant 0.000000e+00 : f32
    %max3A_685 = vector.broadcast %max3A_684 : f32 to vector<1024x128xf32>
    %max3A_686 = arith.maximumf %add3A_683, %max3A_685 : vector<1024x128xf32>
    %bitcast_convert_type3A_687 = tpu.bitcast %max3A_686 : vector<1024x128xf32> -> vector<1024x128xi32>
    %and3A_688 = arith.constant -64 : i32
    %and3A_689 = vector.broadcast %and3A_688 : i32 to vector<1024x128xi32>
    %and3A_690 = arith.andi %bitcast_convert_type3A_687, %and3A_689 : vector<1024x128xi32>
    %add3A_691 = arith.constant 8388636 : i32
    %add3A_692 = vector.broadcast %add3A_691 : i32 to vector<1024x128xi32>
    %add3A_693 = arith.addi %and3A_690, %add3A_692 : vector<1024x128xi32>
    %bitcast_convert_type3A_694 = tpu.bitcast %add3A_693 : vector<1024x128xi32> -> vector<1024x128xf32>
    %max3A_695 = arith.maximumf %min3A_672, %bitcast_convert_type3A_694 : vector<1024x128xf32>
    %min3A_696 = arith.minimumf %min3A_672, %bitcast_convert_type3A_694 : vector<1024x128xf32>
    %max3A_697 = arith.maximumf %min3A_674, %max3A_695 : vector<1024x128xf32>
    %min3A_698 = arith.minimumf %min3A_674, %max3A_695 : vector<1024x128xf32>
    %min3A_699 = arith.minimumf %min3A_675, %max3A_697 : vector<1024x128xf32>
    %get3A_700 = arith.constant 0 : index
    %get3A_701 = arith.constant 3712 : index
    %get3A_702 = vector.load %arg4[%get3A_700, %get3A_701] : memref<1x8192xf32, #tpu.memory_space<vmem>>, vector<1x128xf32>
    %add3A_703 = vector.broadcast %get3A_8 : vector<1024x1xf32> to vector<1024x128xf32>
    %add3A_704 = vector.broadcast %get3A_702 : vector<1x128xf32> to vector<1024x128xf32>
    %add3A_705 = arith.addf %add3A_703, %add3A_704 : vector<1024x128xf32>
    %slice3A_706 = vector.extract_strided_slice %dot_general3A_5 {offsets = [0, 3712], sizes = [1024, 128], strides = [1, 1]} : vector<1024x8192xf32> to vector<1024x128xf32>
    %add3A_707 = arith.addf %add3A_705, %slice3A_706 : vector<1024x128xf32>
    %max3A_708 = arith.constant 0.000000e+00 : f32
    %max3A_709 = vector.broadcast %max3A_708 : f32 to vector<1024x128xf32>
    %max3A_710 = arith.maximumf %add3A_707, %max3A_709 : vector<1024x128xf32>
    %bitcast_convert_type3A_711 = tpu.bitcast %max3A_710 : vector<1024x128xf32> -> vector<1024x128xi32>
    %and3A_712 = arith.constant -64 : i32
    %and3A_713 = vector.broadcast %and3A_712 : i32 to vector<1024x128xi32>
    %and3A_714 = arith.andi %bitcast_convert_type3A_711, %and3A_713 : vector<1024x128xi32>
    %add3A_715 = arith.constant 8388637 : i32
    %add3A_716 = vector.broadcast %add3A_715 : i32 to vector<1024x128xi32>
    %add3A_717 = arith.addi %and3A_714, %add3A_716 : vector<1024x128xi32>
    %bitcast_convert_type3A_718 = tpu.bitcast %add3A_717 : vector<1024x128xi32> -> vector<1024x128xf32>
    %max3A_719 = arith.maximumf %min3A_696, %bitcast_convert_type3A_718 : vector<1024x128xf32>
    %min3A_720 = arith.minimumf %min3A_696, %bitcast_convert_type3A_718 : vector<1024x128xf32>
    %max3A_721 = arith.maximumf %min3A_698, %max3A_719 : vector<1024x128xf32>
    %min3A_722 = arith.minimumf %min3A_698, %max3A_719 : vector<1024x128xf32>
    %min3A_723 = arith.minimumf %min3A_699, %max3A_721 : vector<1024x128xf32>
    %get3A_724 = arith.constant 0 : index
    %get3A_725 = arith.constant 3840 : index
    %get3A_726 = vector.load %arg4[%get3A_724, %get3A_725] : memref<1x8192xf32, #tpu.memory_space<vmem>>, vector<1x128xf32>
    %add3A_727 = vector.broadcast %get3A_8 : vector<1024x1xf32> to vector<1024x128xf32>
    %add3A_728 = vector.broadcast %get3A_726 : vector<1x128xf32> to vector<1024x128xf32>
    %add3A_729 = arith.addf %add3A_727, %add3A_728 : vector<1024x128xf32>
    %slice3A_730 = vector.extract_strided_slice %dot_general3A_5 {offsets = [0, 3840], sizes = [1024, 128], strides = [1, 1]} : vector<1024x8192xf32> to vector<1024x128xf32>
    %add3A_731 = arith.addf %add3A_729, %slice3A_730 : vector<1024x128xf32>
    %max3A_732 = arith.constant 0.000000e+00 : f32
    %max3A_733 = vector.broadcast %max3A_732 : f32 to vector<1024x128xf32>
    %max3A_734 = arith.maximumf %add3A_731, %max3A_733 : vector<1024x128xf32>
    %bitcast_convert_type3A_735 = tpu.bitcast %max3A_734 : vector<1024x128xf32> -> vector<1024x128xi32>
    %and3A_736 = arith.constant -64 : i32
    %and3A_737 = vector.broadcast %and3A_736 : i32 to vector<1024x128xi32>
    %and3A_738 = arith.andi %bitcast_convert_type3A_735, %and3A_737 : vector<1024x128xi32>
    %add3A_739 = arith.constant 8388638 : i32
    %add3A_740 = vector.broadcast %add3A_739 : i32 to vector<1024x128xi32>
    %add3A_741 = arith.addi %and3A_738, %add3A_740 : vector<1024x128xi32>
    %bitcast_convert_type3A_742 = tpu.bitcast %add3A_741 : vector<1024x128xi32> -> vector<1024x128xf32>
    %max3A_743 = arith.maximumf %min3A_720, %bitcast_convert_type3A_742 : vector<1024x128xf32>
    %min3A_744 = arith.minimumf %min3A_720, %bitcast_convert_type3A_742 : vector<1024x128xf32>
    %max3A_745 = arith.maximumf %min3A_722, %max3A_743 : vector<1024x128xf32>
    %min3A_746 = arith.minimumf %min3A_722, %max3A_743 : vector<1024x128xf32>
    %min3A_747 = arith.minimumf %min3A_723, %max3A_745 : vector<1024x128xf32>
    %get3A_748 = arith.constant 0 : index
    %get3A_749 = arith.constant 3968 : index
    %get3A_750 = vector.load %arg4[%get3A_748, %get3A_749] : memref<1x8192xf32, #tpu.memory_space<vmem>>, vector<1x128xf32>
    %add3A_751 = vector.broadcast %get3A_8 : vector<1024x1xf32> to vector<1024x128xf32>
    %add3A_752 = vector.broadcast %get3A_750 : vector<1x128xf32> to vector<1024x128xf32>
    %add3A_753 = arith.addf %add3A_751, %add3A_752 : vector<1024x128xf32>
    %slice3A_754 = vector.extract_strided_slice %dot_general3A_5 {offsets = [0, 3968], sizes = [1024, 128], strides = [1, 1]} : vector<1024x8192xf32> to vector<1024x128xf32>
    %add3A_755 = arith.addf %add3A_753, %slice3A_754 : vector<1024x128xf32>
    %max3A_756 = arith.constant 0.000000e+00 : f32
    %max3A_757 = vector.broadcast %max3A_756 : f32 to vector<1024x128xf32>
    %max3A_758 = arith.maximumf %add3A_755, %max3A_757 : vector<1024x128xf32>
    %bitcast_convert_type3A_759 = tpu.bitcast %max3A_758 : vector<1024x128xf32> -> vector<1024x128xi32>
    %and3A_760 = arith.constant -64 : i32
    %and3A_761 = vector.broadcast %and3A_760 : i32 to vector<1024x128xi32>
    %and3A_762 = arith.andi %bitcast_convert_type3A_759, %and3A_761 : vector<1024x128xi32>
    %add3A_763 = arith.constant 8388639 : i32
    %add3A_764 = vector.broadcast %add3A_763 : i32 to vector<1024x128xi32>
    %add3A_765 = arith.addi %and3A_762, %add3A_764 : vector<1024x128xi32>
    %bitcast_convert_type3A_766 = tpu.bitcast %add3A_765 : vector<1024x128xi32> -> vector<1024x128xf32>
    %max3A_767 = arith.maximumf %min3A_744, %bitcast_convert_type3A_766 : vector<1024x128xf32>
    %min3A_768 = arith.minimumf %min3A_744, %bitcast_convert_type3A_766 : vector<1024x128xf32>
    %max3A_769 = arith.maximumf %min3A_746, %max3A_767 : vector<1024x128xf32>
    %min3A_770 = arith.minimumf %min3A_746, %max3A_767 : vector<1024x128xf32>
    %min3A_771 = arith.minimumf %min3A_747, %max3A_769 : vector<1024x128xf32>
    %get3A_772 = arith.constant 0 : index
    %get3A_773 = arith.constant 4096 : index
    %get3A_774 = vector.load %arg4[%get3A_772, %get3A_773] : memref<1x8192xf32, #tpu.memory_space<vmem>>, vector<1x128xf32>
    %add3A_775 = vector.broadcast %get3A_8 : vector<1024x1xf32> to vector<1024x128xf32>
    %add3A_776 = vector.broadcast %get3A_774 : vector<1x128xf32> to vector<1024x128xf32>
    %add3A_777 = arith.addf %add3A_775, %add3A_776 : vector<1024x128xf32>
    %slice3A_778 = vector.extract_strided_slice %dot_general3A_5 {offsets = [0, 4096], sizes = [1024, 128], strides = [1, 1]} : vector<1024x8192xf32> to vector<1024x128xf32>
    %add3A_779 = arith.addf %add3A_777, %slice3A_778 : vector<1024x128xf32>
    %max3A_780 = arith.constant 0.000000e+00 : f32
    %max3A_781 = vector.broadcast %max3A_780 : f32 to vector<1024x128xf32>
    %max3A_782 = arith.maximumf %add3A_779, %max3A_781 : vector<1024x128xf32>
    %bitcast_convert_type3A_783 = tpu.bitcast %max3A_782 : vector<1024x128xf32> -> vector<1024x128xi32>
    %and3A_784 = arith.constant -64 : i32
    %and3A_785 = vector.broadcast %and3A_784 : i32 to vector<1024x128xi32>
    %and3A_786 = arith.andi %bitcast_convert_type3A_783, %and3A_785 : vector<1024x128xi32>
    %add3A_787 = arith.constant 8388640 : i32
    %add3A_788 = vector.broadcast %add3A_787 : i32 to vector<1024x128xi32>
    %add3A_789 = arith.addi %and3A_786, %add3A_788 : vector<1024x128xi32>
    %bitcast_convert_type3A_790 = tpu.bitcast %add3A_789 : vector<1024x128xi32> -> vector<1024x128xf32>
    %max3A_791 = arith.maximumf %min3A_768, %bitcast_convert_type3A_790 : vector<1024x128xf32>
    %min3A_792 = arith.minimumf %min3A_768, %bitcast_convert_type3A_790 : vector<1024x128xf32>
    %max3A_793 = arith.maximumf %min3A_770, %max3A_791 : vector<1024x128xf32>
    %min3A_794 = arith.minimumf %min3A_770, %max3A_791 : vector<1024x128xf32>
    %min3A_795 = arith.minimumf %min3A_771, %max3A_793 : vector<1024x128xf32>
    %get3A_796 = arith.constant 0 : index
    %get3A_797 = arith.constant 4224 : index
    %get3A_798 = vector.load %arg4[%get3A_796, %get3A_797] : memref<1x8192xf32, #tpu.memory_space<vmem>>, vector<1x128xf32>
    %add3A_799 = vector.broadcast %get3A_8 : vector<1024x1xf32> to vector<1024x128xf32>
    %add3A_800 = vector.broadcast %get3A_798 : vector<1x128xf32> to vector<1024x128xf32>
    %add3A_801 = arith.addf %add3A_799, %add3A_800 : vector<1024x128xf32>
    %slice3A_802 = vector.extract_strided_slice %dot_general3A_5 {offsets = [0, 4224], sizes = [1024, 128], strides = [1, 1]} : vector<1024x8192xf32> to vector<1024x128xf32>
    %add3A_803 = arith.addf %add3A_801, %slice3A_802 : vector<1024x128xf32>
    %max3A_804 = arith.constant 0.000000e+00 : f32
    %max3A_805 = vector.broadcast %max3A_804 : f32 to vector<1024x128xf32>
    %max3A_806 = arith.maximumf %add3A_803, %max3A_805 : vector<1024x128xf32>
    %bitcast_convert_type3A_807 = tpu.bitcast %max3A_806 : vector<1024x128xf32> -> vector<1024x128xi32>
    %and3A_808 = arith.constant -64 : i32
    %and3A_809 = vector.broadcast %and3A_808 : i32 to vector<1024x128xi32>
    %and3A_810 = arith.andi %bitcast_convert_type3A_807, %and3A_809 : vector<1024x128xi32>
    %add3A_811 = arith.constant 8388641 : i32
    %add3A_812 = vector.broadcast %add3A_811 : i32 to vector<1024x128xi32>
    %add3A_813 = arith.addi %and3A_810, %add3A_812 : vector<1024x128xi32>
    %bitcast_convert_type3A_814 = tpu.bitcast %add3A_813 : vector<1024x128xi32> -> vector<1024x128xf32>
    %max3A_815 = arith.maximumf %min3A_792, %bitcast_convert_type3A_814 : vector<1024x128xf32>
    %min3A_816 = arith.minimumf %min3A_792, %bitcast_convert_type3A_814 : vector<1024x128xf32>
    %max3A_817 = arith.maximumf %min3A_794, %max3A_815 : vector<1024x128xf32>
    %min3A_818 = arith.minimumf %min3A_794, %max3A_815 : vector<1024x128xf32>
    %min3A_819 = arith.minimumf %min3A_795, %max3A_817 : vector<1024x128xf32>
    %get3A_820 = arith.constant 0 : index
    %get3A_821 = arith.constant 4352 : index
    %get3A_822 = vector.load %arg4[%get3A_820, %get3A_821] : memref<1x8192xf32, #tpu.memory_space<vmem>>, vector<1x128xf32>
    %add3A_823 = vector.broadcast %get3A_8 : vector<1024x1xf32> to vector<1024x128xf32>
    %add3A_824 = vector.broadcast %get3A_822 : vector<1x128xf32> to vector<1024x128xf32>
    %add3A_825 = arith.addf %add3A_823, %add3A_824 : vector<1024x128xf32>
    %slice3A_826 = vector.extract_strided_slice %dot_general3A_5 {offsets = [0, 4352], sizes = [1024, 128], strides = [1, 1]} : vector<1024x8192xf32> to vector<1024x128xf32>
    %add3A_827 = arith.addf %add3A_825, %slice3A_826 : vector<1024x128xf32>
    %max3A_828 = arith.constant 0.000000e+00 : f32
    %max3A_829 = vector.broadcast %max3A_828 : f32 to vector<1024x128xf32>
    %max3A_830 = arith.maximumf %add3A_827, %max3A_829 : vector<1024x128xf32>
    %bitcast_convert_type3A_831 = tpu.bitcast %max3A_830 : vector<1024x128xf32> -> vector<1024x128xi32>
    %and3A_832 = arith.constant -64 : i32
    %and3A_833 = vector.broadcast %and3A_832 : i32 to vector<1024x128xi32>
    %and3A_834 = arith.andi %bitcast_convert_type3A_831, %and3A_833 : vector<1024x128xi32>
    %add3A_835 = arith.constant 8388642 : i32
    %add3A_836 = vector.broadcast %add3A_835 : i32 to vector<1024x128xi32>
    %add3A_837 = arith.addi %and3A_834, %add3A_836 : vector<1024x128xi32>
    %bitcast_convert_type3A_838 = tpu.bitcast %add3A_837 : vector<1024x128xi32> -> vector<1024x128xf32>
    %max3A_839 = arith.maximumf %min3A_816, %bitcast_convert_type3A_838 : vector<1024x128xf32>
    %min3A_840 = arith.minimumf %min3A_816, %bitcast_convert_type3A_838 : vector<1024x128xf32>
    %max3A_841 = arith.maximumf %min3A_818, %max3A_839 : vector<1024x128xf32>
    %min3A_842 = arith.minimumf %min3A_818, %max3A_839 : vector<1024x128xf32>
    %min3A_843 = arith.minimumf %min3A_819, %max3A_841 : vector<1024x128xf32>
    %get3A_844 = arith.constant 0 : index
    %get3A_845 = arith.constant 4480 : index
    %get3A_846 = vector.load %arg4[%get3A_844, %get3A_845] : memref<1x8192xf32, #tpu.memory_space<vmem>>, vector<1x128xf32>
    %add3A_847 = vector.broadcast %get3A_8 : vector<1024x1xf32> to vector<1024x128xf32>
    %add3A_848 = vector.broadcast %get3A_846 : vector<1x128xf32> to vector<1024x128xf32>
    %add3A_849 = arith.addf %add3A_847, %add3A_848 : vector<1024x128xf32>
    %slice3A_850 = vector.extract_strided_slice %dot_general3A_5 {offsets = [0, 4480], sizes = [1024, 128], strides = [1, 1]} : vector<1024x8192xf32> to vector<1024x128xf32>
    %add3A_851 = arith.addf %add3A_849, %slice3A_850 : vector<1024x128xf32>
    %max3A_852 = arith.constant 0.000000e+00 : f32
    %max3A_853 = vector.broadcast %max3A_852 : f32 to vector<1024x128xf32>
    %max3A_854 = arith.maximumf %add3A_851, %max3A_853 : vector<1024x128xf32>
    %bitcast_convert_type3A_855 = tpu.bitcast %max3A_854 : vector<1024x128xf32> -> vector<1024x128xi32>
    %and3A_856 = arith.constant -64 : i32
    %and3A_857 = vector.broadcast %and3A_856 : i32 to vector<1024x128xi32>
    %and3A_858 = arith.andi %bitcast_convert_type3A_855, %and3A_857 : vector<1024x128xi32>
    %add3A_859 = arith.constant 8388643 : i32
    %add3A_860 = vector.broadcast %add3A_859 : i32 to vector<1024x128xi32>
    %add3A_861 = arith.addi %and3A_858, %add3A_860 : vector<1024x128xi32>
    %bitcast_convert_type3A_862 = tpu.bitcast %add3A_861 : vector<1024x128xi32> -> vector<1024x128xf32>
    %max3A_863 = arith.maximumf %min3A_840, %bitcast_convert_type3A_862 : vector<1024x128xf32>
    %min3A_864 = arith.minimumf %min3A_840, %bitcast_convert_type3A_862 : vector<1024x128xf32>
    %max3A_865 = arith.maximumf %min3A_842, %max3A_863 : vector<1024x128xf32>
    %min3A_866 = arith.minimumf %min3A_842, %max3A_863 : vector<1024x128xf32>
    %min3A_867 = arith.minimumf %min3A_843, %max3A_865 : vector<1024x128xf32>
    %get3A_868 = arith.constant 0 : index
    %get3A_869 = arith.constant 4608 : index
    %get3A_870 = vector.load %arg4[%get3A_868, %get3A_869] : memref<1x8192xf32, #tpu.memory_space<vmem>>, vector<1x128xf32>
    %add3A_871 = vector.broadcast %get3A_8 : vector<1024x1xf32> to vector<1024x128xf32>
    %add3A_872 = vector.broadcast %get3A_870 : vector<1x128xf32> to vector<1024x128xf32>
    %add3A_873 = arith.addf %add3A_871, %add3A_872 : vector<1024x128xf32>
    %slice3A_874 = vector.extract_strided_slice %dot_general3A_5 {offsets = [0, 4608], sizes = [1024, 128], strides = [1, 1]} : vector<1024x8192xf32> to vector<1024x128xf32>
    %add3A_875 = arith.addf %add3A_873, %slice3A_874 : vector<1024x128xf32>
    %max3A_876 = arith.constant 0.000000e+00 : f32
    %max3A_877 = vector.broadcast %max3A_876 : f32 to vector<1024x128xf32>
    %max3A_878 = arith.maximumf %add3A_875, %max3A_877 : vector<1024x128xf32>
    %bitcast_convert_type3A_879 = tpu.bitcast %max3A_878 : vector<1024x128xf32> -> vector<1024x128xi32>
    %and3A_880 = arith.constant -64 : i32
    %and3A_881 = vector.broadcast %and3A_880 : i32 to vector<1024x128xi32>
    %and3A_882 = arith.andi %bitcast_convert_type3A_879, %and3A_881 : vector<1024x128xi32>
    %add3A_883 = arith.constant 8388644 : i32
    %add3A_884 = vector.broadcast %add3A_883 : i32 to vector<1024x128xi32>
    %add3A_885 = arith.addi %and3A_882, %add3A_884 : vector<1024x128xi32>
    %bitcast_convert_type3A_886 = tpu.bitcast %add3A_885 : vector<1024x128xi32> -> vector<1024x128xf32>
    %max3A_887 = arith.maximumf %min3A_864, %bitcast_convert_type3A_886 : vector<1024x128xf32>
    %min3A_888 = arith.minimumf %min3A_864, %bitcast_convert_type3A_886 : vector<1024x128xf32>
    %max3A_889 = arith.maximumf %min3A_866, %max3A_887 : vector<1024x128xf32>
    %min3A_890 = arith.minimumf %min3A_866, %max3A_887 : vector<1024x128xf32>
    %min3A_891 = arith.minimumf %min3A_867, %max3A_889 : vector<1024x128xf32>
    %get3A_892 = arith.constant 0 : index
    %get3A_893 = arith.constant 4736 : index
    %get3A_894 = vector.load %arg4[%get3A_892, %get3A_893] : memref<1x8192xf32, #tpu.memory_space<vmem>>, vector<1x128xf32>
    %add3A_895 = vector.broadcast %get3A_8 : vector<1024x1xf32> to vector<1024x128xf32>
    %add3A_896 = vector.broadcast %get3A_894 : vector<1x128xf32> to vector<1024x128xf32>
    %add3A_897 = arith.addf %add3A_895, %add3A_896 : vector<1024x128xf32>
    %slice3A_898 = vector.extract_strided_slice %dot_general3A_5 {offsets = [0, 4736], sizes = [1024, 128], strides = [1, 1]} : vector<1024x8192xf32> to vector<1024x128xf32>
    %add3A_899 = arith.addf %add3A_897, %slice3A_898 : vector<1024x128xf32>
    %max3A_900 = arith.constant 0.000000e+00 : f32
    %max3A_901 = vector.broadcast %max3A_900 : f32 to vector<1024x128xf32>
    %max3A_902 = arith.maximumf %add3A_899, %max3A_901 : vector<1024x128xf32>
    %bitcast_convert_type3A_903 = tpu.bitcast %max3A_902 : vector<1024x128xf32> -> vector<1024x128xi32>
    %and3A_904 = arith.constant -64 : i32
    %and3A_905 = vector.broadcast %and3A_904 : i32 to vector<1024x128xi32>
    %and3A_906 = arith.andi %bitcast_convert_type3A_903, %and3A_905 : vector<1024x128xi32>
    %add3A_907 = arith.constant 8388645 : i32
    %add3A_908 = vector.broadcast %add3A_907 : i32 to vector<1024x128xi32>
    %add3A_909 = arith.addi %and3A_906, %add3A_908 : vector<1024x128xi32>
    %bitcast_convert_type3A_910 = tpu.bitcast %add3A_909 : vector<1024x128xi32> -> vector<1024x128xf32>
    %max3A_911 = arith.maximumf %min3A_888, %bitcast_convert_type3A_910 : vector<1024x128xf32>
    %min3A_912 = arith.minimumf %min3A_888, %bitcast_convert_type3A_910 : vector<1024x128xf32>
    %max3A_913 = arith.maximumf %min3A_890, %max3A_911 : vector<1024x128xf32>
    %min3A_914 = arith.minimumf %min3A_890, %max3A_911 : vector<1024x128xf32>
    %min3A_915 = arith.minimumf %min3A_891, %max3A_913 : vector<1024x128xf32>
    %get3A_916 = arith.constant 0 : index
    %get3A_917 = arith.constant 4864 : index
    %get3A_918 = vector.load %arg4[%get3A_916, %get3A_917] : memref<1x8192xf32, #tpu.memory_space<vmem>>, vector<1x128xf32>
    %add3A_919 = vector.broadcast %get3A_8 : vector<1024x1xf32> to vector<1024x128xf32>
    %add3A_920 = vector.broadcast %get3A_918 : vector<1x128xf32> to vector<1024x128xf32>
    %add3A_921 = arith.addf %add3A_919, %add3A_920 : vector<1024x128xf32>
    %slice3A_922 = vector.extract_strided_slice %dot_general3A_5 {offsets = [0, 4864], sizes = [1024, 128], strides = [1, 1]} : vector<1024x8192xf32> to vector<1024x128xf32>
    %add3A_923 = arith.addf %add3A_921, %slice3A_922 : vector<1024x128xf32>
    %max3A_924 = arith.constant 0.000000e+00 : f32
    %max3A_925 = vector.broadcast %max3A_924 : f32 to vector<1024x128xf32>
    %max3A_926 = arith.maximumf %add3A_923, %max3A_925 : vector<1024x128xf32>
    %bitcast_convert_type3A_927 = tpu.bitcast %max3A_926 : vector<1024x128xf32> -> vector<1024x128xi32>
    %and3A_928 = arith.constant -64 : i32
    %and3A_929 = vector.broadcast %and3A_928 : i32 to vector<1024x128xi32>
    %and3A_930 = arith.andi %bitcast_convert_type3A_927, %and3A_929 : vector<1024x128xi32>
    %add3A_931 = arith.constant 8388646 : i32
    %add3A_932 = vector.broadcast %add3A_931 : i32 to vector<1024x128xi32>
    %add3A_933 = arith.addi %and3A_930, %add3A_932 : vector<1024x128xi32>
    %bitcast_convert_type3A_934 = tpu.bitcast %add3A_933 : vector<1024x128xi32> -> vector<1024x128xf32>
    %max3A_935 = arith.maximumf %min3A_912, %bitcast_convert_type3A_934 : vector<1024x128xf32>
    %min3A_936 = arith.minimumf %min3A_912, %bitcast_convert_type3A_934 : vector<1024x128xf32>
    %max3A_937 = arith.maximumf %min3A_914, %max3A_935 : vector<1024x128xf32>
    %min3A_938 = arith.minimumf %min3A_914, %max3A_935 : vector<1024x128xf32>
    %min3A_939 = arith.minimumf %min3A_915, %max3A_937 : vector<1024x128xf32>
    %get3A_940 = arith.constant 0 : index
    %get3A_941 = arith.constant 4992 : index
    %get3A_942 = vector.load %arg4[%get3A_940, %get3A_941] : memref<1x8192xf32, #tpu.memory_space<vmem>>, vector<1x128xf32>
    %add3A_943 = vector.broadcast %get3A_8 : vector<1024x1xf32> to vector<1024x128xf32>
    %add3A_944 = vector.broadcast %get3A_942 : vector<1x128xf32> to vector<1024x128xf32>
    %add3A_945 = arith.addf %add3A_943, %add3A_944 : vector<1024x128xf32>
    %slice3A_946 = vector.extract_strided_slice %dot_general3A_5 {offsets = [0, 4992], sizes = [1024, 128], strides = [1, 1]} : vector<1024x8192xf32> to vector<1024x128xf32>
    %add3A_947 = arith.addf %add3A_945, %slice3A_946 : vector<1024x128xf32>
    %max3A_948 = arith.constant 0.000000e+00 : f32
    %max3A_949 = vector.broadcast %max3A_948 : f32 to vector<1024x128xf32>
    %max3A_950 = arith.maximumf %add3A_947, %max3A_949 : vector<1024x128xf32>
    %bitcast_convert_type3A_951 = tpu.bitcast %max3A_950 : vector<1024x128xf32> -> vector<1024x128xi32>
    %and3A_952 = arith.constant -64 : i32
    %and3A_953 = vector.broadcast %and3A_952 : i32 to vector<1024x128xi32>
    %and3A_954 = arith.andi %bitcast_convert_type3A_951, %and3A_953 : vector<1024x128xi32>
    %add3A_955 = arith.constant 8388647 : i32
    %add3A_956 = vector.broadcast %add3A_955 : i32 to vector<1024x128xi32>
    %add3A_957 = arith.addi %and3A_954, %add3A_956 : vector<1024x128xi32>
    %bitcast_convert_type3A_958 = tpu.bitcast %add3A_957 : vector<1024x128xi32> -> vector<1024x128xf32>
    %max3A_959 = arith.maximumf %min3A_936, %bitcast_convert_type3A_958 : vector<1024x128xf32>
    %min3A_960 = arith.minimumf %min3A_936, %bitcast_convert_type3A_958 : vector<1024x128xf32>
    %max3A_961 = arith.maximumf %min3A_938, %max3A_959 : vector<1024x128xf32>
    %min3A_962 = arith.minimumf %min3A_938, %max3A_959 : vector<1024x128xf32>
    %min3A_963 = arith.minimumf %min3A_939, %max3A_961 : vector<1024x128xf32>
    %get3A_964 = arith.constant 0 : index
    %get3A_965 = arith.constant 5120 : index
    %get3A_966 = vector.load %arg4[%get3A_964, %get3A_965] : memref<1x8192xf32, #tpu.memory_space<vmem>>, vector<1x128xf32>
    %add3A_967 = vector.broadcast %get3A_8 : vector<1024x1xf32> to vector<1024x128xf32>
    %add3A_968 = vector.broadcast %get3A_966 : vector<1x128xf32> to vector<1024x128xf32>
    %add3A_969 = arith.addf %add3A_967, %add3A_968 : vector<1024x128xf32>
    %slice3A_970 = vector.extract_strided_slice %dot_general3A_5 {offsets = [0, 5120], sizes = [1024, 128], strides = [1, 1]} : vector<1024x8192xf32> to vector<1024x128xf32>
    %add3A_971 = arith.addf %add3A_969, %slice3A_970 : vector<1024x128xf32>
    %max3A_972 = arith.constant 0.000000e+00 : f32
    %max3A_973 = vector.broadcast %max3A_972 : f32 to vector<1024x128xf32>
    %max3A_974 = arith.maximumf %add3A_971, %max3A_973 : vector<1024x128xf32>
    %bitcast_convert_type3A_975 = tpu.bitcast %max3A_974 : vector<1024x128xf32> -> vector<1024x128xi32>
    %and3A_976 = arith.constant -64 : i32
    %and3A_977 = vector.broadcast %and3A_976 : i32 to vector<1024x128xi32>
    %and3A_978 = arith.andi %bitcast_convert_type3A_975, %and3A_977 : vector<1024x128xi32>
    %add3A_979 = arith.constant 8388648 : i32
    %add3A_980 = vector.broadcast %add3A_979 : i32 to vector<1024x128xi32>
    %add3A_981 = arith.addi %and3A_978, %add3A_980 : vector<1024x128xi32>
    %bitcast_convert_type3A_982 = tpu.bitcast %add3A_981 : vector<1024x128xi32> -> vector<1024x128xf32>
    %max3A_983 = arith.maximumf %min3A_960, %bitcast_convert_type3A_982 : vector<1024x128xf32>
    %min3A_984 = arith.minimumf %min3A_960, %bitcast_convert_type3A_982 : vector<1024x128xf32>
    %max3A_985 = arith.maximumf %min3A_962, %max3A_983 : vector<1024x128xf32>
    %min3A_986 = arith.minimumf %min3A_962, %max3A_983 : vector<1024x128xf32>
    %min3A_987 = arith.minimumf %min3A_963, %max3A_985 : vector<1024x128xf32>
    %get3A_988 = arith.constant 0 : index
    %get3A_989 = arith.constant 5248 : index
    %get3A_990 = vector.load %arg4[%get3A_988, %get3A_989] : memref<1x8192xf32, #tpu.memory_space<vmem>>, vector<1x128xf32>
    %add3A_991 = vector.broadcast %get3A_8 : vector<1024x1xf32> to vector<1024x128xf32>
    %add3A_992 = vector.broadcast %get3A_990 : vector<1x128xf32> to vector<1024x128xf32>
    %add3A_993 = arith.addf %add3A_991, %add3A_992 : vector<1024x128xf32>
    %slice3A_994 = vector.extract_strided_slice %dot_general3A_5 {offsets = [0, 5248], sizes = [1024, 128], strides = [1, 1]} : vector<1024x8192xf32> to vector<1024x128xf32>
    %add3A_995 = arith.addf %add3A_993, %slice3A_994 : vector<1024x128xf32>
    %max3A_996 = arith.constant 0.000000e+00 : f32
    %max3A_997 = vector.broadcast %max3A_996 : f32 to vector<1024x128xf32>
    %max3A_998 = arith.maximumf %add3A_995, %max3A_997 : vector<1024x128xf32>
    %bitcast_convert_type3A_999 = tpu.bitcast %max3A_998 : vector<1024x128xf32> -> vector<1024x128xi32>
    %and3A_1000 = arith.constant -64 : i32
    %and3A_1001 = vector.broadcast %and3A_1000 : i32 to vector<1024x128xi32>
    %and3A_1002 = arith.andi %bitcast_convert_type3A_999, %and3A_1001 : vector<1024x128xi32>
    %add3A_1003 = arith.constant 8388649 : i32
    %add3A_1004 = vector.broadcast %add3A_1003 : i32 to vector<1024x128xi32>
    %add3A_1005 = arith.addi %and3A_1002, %add3A_1004 : vector<1024x128xi32>
    %bitcast_convert_type3A_1006 = tpu.bitcast %add3A_1005 : vector<1024x128xi32> -> vector<1024x128xf32>
    %max3A_1007 = arith.maximumf %min3A_984, %bitcast_convert_type3A_1006 : vector<1024x128xf32>
    %min3A_1008 = arith.minimumf %min3A_984, %bitcast_convert_type3A_1006 : vector<1024x128xf32>
    %max3A_1009 = arith.maximumf %min3A_986, %max3A_1007 : vector<1024x128xf32>
    %min3A_1010 = arith.minimumf %min3A_986, %max3A_1007 : vector<1024x128xf32>
    %min3A_1011 = arith.minimumf %min3A_987, %max3A_1009 : vector<1024x128xf32>
    %get3A_1012 = arith.constant 0 : index
    %get3A_1013 = arith.constant 5376 : index
    %get3A_1014 = vector.load %arg4[%get3A_1012, %get3A_1013] : memref<1x8192xf32, #tpu.memory_space<vmem>>, vector<1x128xf32>
    %add3A_1015 = vector.broadcast %get3A_8 : vector<1024x1xf32> to vector<1024x128xf32>
    %add3A_1016 = vector.broadcast %get3A_1014 : vector<1x128xf32> to vector<1024x128xf32>
    %add3A_1017 = arith.addf %add3A_1015, %add3A_1016 : vector<1024x128xf32>
    %slice3A_1018 = vector.extract_strided_slice %dot_general3A_5 {offsets = [0, 5376], sizes = [1024, 128], strides = [1, 1]} : vector<1024x8192xf32> to vector<1024x128xf32>
    %add3A_1019 = arith.addf %add3A_1017, %slice3A_1018 : vector<1024x128xf32>
    %max3A_1020 = arith.constant 0.000000e+00 : f32
    %max3A_1021 = vector.broadcast %max3A_1020 : f32 to vector<1024x128xf32>
    %max3A_1022 = arith.maximumf %add3A_1019, %max3A_1021 : vector<1024x128xf32>
    %bitcast_convert_type3A_1023 = tpu.bitcast %max3A_1022 : vector<1024x128xf32> -> vector<1024x128xi32>
    %and3A_1024 = arith.constant -64 : i32
    %and3A_1025 = vector.broadcast %and3A_1024 : i32 to vector<1024x128xi32>
    %and3A_1026 = arith.andi %bitcast_convert_type3A_1023, %and3A_1025 : vector<1024x128xi32>
    %add3A_1027 = arith.constant 8388650 : i32
    %add3A_1028 = vector.broadcast %add3A_1027 : i32 to vector<1024x128xi32>
    %add3A_1029 = arith.addi %and3A_1026, %add3A_1028 : vector<1024x128xi32>
    %bitcast_convert_type3A_1030 = tpu.bitcast %add3A_1029 : vector<1024x128xi32> -> vector<1024x128xf32>
    %max3A_1031 = arith.maximumf %min3A_1008, %bitcast_convert_type3A_1030 : vector<1024x128xf32>
    %min3A_1032 = arith.minimumf %min3A_1008, %bitcast_convert_type3A_1030 : vector<1024x128xf32>
    %max3A_1033 = arith.maximumf %min3A_1010, %max3A_1031 : vector<1024x128xf32>
    %min3A_1034 = arith.minimumf %min3A_1010, %max3A_1031 : vector<1024x128xf32>
    %min3A_1035 = arith.minimumf %min3A_1011, %max3A_1033 : vector<1024x128xf32>
    %get3A_1036 = arith.constant 0 : index
    %get3A_1037 = arith.constant 5504 : index
    %get3A_1038 = vector.load %arg4[%get3A_1036, %get3A_1037] : memref<1x8192xf32, #tpu.memory_space<vmem>>, vector<1x128xf32>
    %add3A_1039 = vector.broadcast %get3A_8 : vector<1024x1xf32> to vector<1024x128xf32>
    %add3A_1040 = vector.broadcast %get3A_1038 : vector<1x128xf32> to vector<1024x128xf32>
    %add3A_1041 = arith.addf %add3A_1039, %add3A_1040 : vector<1024x128xf32>
    %slice3A_1042 = vector.extract_strided_slice %dot_general3A_5 {offsets = [0, 5504], sizes = [1024, 128], strides = [1, 1]} : vector<1024x8192xf32> to vector<1024x128xf32>
    %add3A_1043 = arith.addf %add3A_1041, %slice3A_1042 : vector<1024x128xf32>
    %max3A_1044 = arith.constant 0.000000e+00 : f32
    %max3A_1045 = vector.broadcast %max3A_1044 : f32 to vector<1024x128xf32>
    %max3A_1046 = arith.maximumf %add3A_1043, %max3A_1045 : vector<1024x128xf32>
    %bitcast_convert_type3A_1047 = tpu.bitcast %max3A_1046 : vector<1024x128xf32> -> vector<1024x128xi32>
    %and3A_1048 = arith.constant -64 : i32
    %and3A_1049 = vector.broadcast %and3A_1048 : i32 to vector<1024x128xi32>
    %and3A_1050 = arith.andi %bitcast_convert_type3A_1047, %and3A_1049 : vector<1024x128xi32>
    %add3A_1051 = arith.constant 8388651 : i32
    %add3A_1052 = vector.broadcast %add3A_1051 : i32 to vector<1024x128xi32>
    %add3A_1053 = arith.addi %and3A_1050, %add3A_1052 : vector<1024x128xi32>
    %bitcast_convert_type3A_1054 = tpu.bitcast %add3A_1053 : vector<1024x128xi32> -> vector<1024x128xf32>
    %max3A_1055 = arith.maximumf %min3A_1032, %bitcast_convert_type3A_1054 : vector<1024x128xf32>
    %min3A_1056 = arith.minimumf %min3A_1032, %bitcast_convert_type3A_1054 : vector<1024x128xf32>
    %max3A_1057 = arith.maximumf %min3A_1034, %max3A_1055 : vector<1024x128xf32>
    %min3A_1058 = arith.minimumf %min3A_1034, %max3A_1055 : vector<1024x128xf32>
    %min3A_1059 = arith.minimumf %min3A_1035, %max3A_1057 : vector<1024x128xf32>
    %get3A_1060 = arith.constant 0 : index
    %get3A_1061 = arith.constant 5632 : index
    %get3A_1062 = vector.load %arg4[%get3A_1060, %get3A_1061] : memref<1x8192xf32, #tpu.memory_space<vmem>>, vector<1x128xf32>
    %add3A_1063 = vector.broadcast %get3A_8 : vector<1024x1xf32> to vector<1024x128xf32>
    %add3A_1064 = vector.broadcast %get3A_1062 : vector<1x128xf32> to vector<1024x128xf32>
    %add3A_1065 = arith.addf %add3A_1063, %add3A_1064 : vector<1024x128xf32>
    %slice3A_1066 = vector.extract_strided_slice %dot_general3A_5 {offsets = [0, 5632], sizes = [1024, 128], strides = [1, 1]} : vector<1024x8192xf32> to vector<1024x128xf32>
    %add3A_1067 = arith.addf %add3A_1065, %slice3A_1066 : vector<1024x128xf32>
    %max3A_1068 = arith.constant 0.000000e+00 : f32
    %max3A_1069 = vector.broadcast %max3A_1068 : f32 to vector<1024x128xf32>
    %max3A_1070 = arith.maximumf %add3A_1067, %max3A_1069 : vector<1024x128xf32>
    %bitcast_convert_type3A_1071 = tpu.bitcast %max3A_1070 : vector<1024x128xf32> -> vector<1024x128xi32>
    %and3A_1072 = arith.constant -64 : i32
    %and3A_1073 = vector.broadcast %and3A_1072 : i32 to vector<1024x128xi32>
    %and3A_1074 = arith.andi %bitcast_convert_type3A_1071, %and3A_1073 : vector<1024x128xi32>
    %add3A_1075 = arith.constant 8388652 : i32
    %add3A_1076 = vector.broadcast %add3A_1075 : i32 to vector<1024x128xi32>
    %add3A_1077 = arith.addi %and3A_1074, %add3A_1076 : vector<1024x128xi32>
    %bitcast_convert_type3A_1078 = tpu.bitcast %add3A_1077 : vector<1024x128xi32> -> vector<1024x128xf32>
    %max3A_1079 = arith.maximumf %min3A_1056, %bitcast_convert_type3A_1078 : vector<1024x128xf32>
    %min3A_1080 = arith.minimumf %min3A_1056, %bitcast_convert_type3A_1078 : vector<1024x128xf32>
    %max3A_1081 = arith.maximumf %min3A_1058, %max3A_1079 : vector<1024x128xf32>
    %min3A_1082 = arith.minimumf %min3A_1058, %max3A_1079 : vector<1024x128xf32>
    %min3A_1083 = arith.minimumf %min3A_1059, %max3A_1081 : vector<1024x128xf32>
    %get3A_1084 = arith.constant 0 : index
    %get3A_1085 = arith.constant 5760 : index
    %get3A_1086 = vector.load %arg4[%get3A_1084, %get3A_1085] : memref<1x8192xf32, #tpu.memory_space<vmem>>, vector<1x128xf32>
    %add3A_1087 = vector.broadcast %get3A_8 : vector<1024x1xf32> to vector<1024x128xf32>
    %add3A_1088 = vector.broadcast %get3A_1086 : vector<1x128xf32> to vector<1024x128xf32>
    %add3A_1089 = arith.addf %add3A_1087, %add3A_1088 : vector<1024x128xf32>
    %slice3A_1090 = vector.extract_strided_slice %dot_general3A_5 {offsets = [0, 5760], sizes = [1024, 128], strides = [1, 1]} : vector<1024x8192xf32> to vector<1024x128xf32>
    %add3A_1091 = arith.addf %add3A_1089, %slice3A_1090 : vector<1024x128xf32>
    %max3A_1092 = arith.constant 0.000000e+00 : f32
    %max3A_1093 = vector.broadcast %max3A_1092 : f32 to vector<1024x128xf32>
    %max3A_1094 = arith.maximumf %add3A_1091, %max3A_1093 : vector<1024x128xf32>
    %bitcast_convert_type3A_1095 = tpu.bitcast %max3A_1094 : vector<1024x128xf32> -> vector<1024x128xi32>
    %and3A_1096 = arith.constant -64 : i32
    %and3A_1097 = vector.broadcast %and3A_1096 : i32 to vector<1024x128xi32>
    %and3A_1098 = arith.andi %bitcast_convert_type3A_1095, %and3A_1097 : vector<1024x128xi32>
    %add3A_1099 = arith.constant 8388653 : i32
    %add3A_1100 = vector.broadcast %add3A_1099 : i32 to vector<1024x128xi32>
    %add3A_1101 = arith.addi %and3A_1098, %add3A_1100 : vector<1024x128xi32>
    %bitcast_convert_type3A_1102 = tpu.bitcast %add3A_1101 : vector<1024x128xi32> -> vector<1024x128xf32>
    %max3A_1103 = arith.maximumf %min3A_1080, %bitcast_convert_type3A_1102 : vector<1024x128xf32>
    %min3A_1104 = arith.minimumf %min3A_1080, %bitcast_convert_type3A_1102 : vector<1024x128xf32>
    %max3A_1105 = arith.maximumf %min3A_1082, %max3A_1103 : vector<1024x128xf32>
    %min3A_1106 = arith.minimumf %min3A_1082, %max3A_1103 : vector<1024x128xf32>
    %min3A_1107 = arith.minimumf %min3A_1083, %max3A_1105 : vector<1024x128xf32>
    %get3A_1108 = arith.constant 0 : index
    %get3A_1109 = arith.constant 5888 : index
    %get3A_1110 = vector.load %arg4[%get3A_1108, %get3A_1109] : memref<1x8192xf32, #tpu.memory_space<vmem>>, vector<1x128xf32>
    %add3A_1111 = vector.broadcast %get3A_8 : vector<1024x1xf32> to vector<1024x128xf32>
    %add3A_1112 = vector.broadcast %get3A_1110 : vector<1x128xf32> to vector<1024x128xf32>
    %add3A_1113 = arith.addf %add3A_1111, %add3A_1112 : vector<1024x128xf32>
    %slice3A_1114 = vector.extract_strided_slice %dot_general3A_5 {offsets = [0, 5888], sizes = [1024, 128], strides = [1, 1]} : vector<1024x8192xf32> to vector<1024x128xf32>
    %add3A_1115 = arith.addf %add3A_1113, %slice3A_1114 : vector<1024x128xf32>
    %max3A_1116 = arith.constant 0.000000e+00 : f32
    %max3A_1117 = vector.broadcast %max3A_1116 : f32 to vector<1024x128xf32>
    %max3A_1118 = arith.maximumf %add3A_1115, %max3A_1117 : vector<1024x128xf32>
    %bitcast_convert_type3A_1119 = tpu.bitcast %max3A_1118 : vector<1024x128xf32> -> vector<1024x128xi32>
    %and3A_1120 = arith.constant -64 : i32
    %and3A_1121 = vector.broadcast %and3A_1120 : i32 to vector<1024x128xi32>
    %and3A_1122 = arith.andi %bitcast_convert_type3A_1119, %and3A_1121 : vector<1024x128xi32>
    %add3A_1123 = arith.constant 8388654 : i32
    %add3A_1124 = vector.broadcast %add3A_1123 : i32 to vector<1024x128xi32>
    %add3A_1125 = arith.addi %and3A_1122, %add3A_1124 : vector<1024x128xi32>
    %bitcast_convert_type3A_1126 = tpu.bitcast %add3A_1125 : vector<1024x128xi32> -> vector<1024x128xf32>
    %max3A_1127 = arith.maximumf %min3A_1104, %bitcast_convert_type3A_1126 : vector<1024x128xf32>
    %min3A_1128 = arith.minimumf %min3A_1104, %bitcast_convert_type3A_1126 : vector<1024x128xf32>
    %max3A_1129 = arith.maximumf %min3A_1106, %max3A_1127 : vector<1024x128xf32>
    %min3A_1130 = arith.minimumf %min3A_1106, %max3A_1127 : vector<1024x128xf32>
    %min3A_1131 = arith.minimumf %min3A_1107, %max3A_1129 : vector<1024x128xf32>
    %get3A_1132 = arith.constant 0 : index
    %get3A_1133 = arith.constant 6016 : index
    %get3A_1134 = vector.load %arg4[%get3A_1132, %get3A_1133] : memref<1x8192xf32, #tpu.memory_space<vmem>>, vector<1x128xf32>
    %add3A_1135 = vector.broadcast %get3A_8 : vector<1024x1xf32> to vector<1024x128xf32>
    %add3A_1136 = vector.broadcast %get3A_1134 : vector<1x128xf32> to vector<1024x128xf32>
    %add3A_1137 = arith.addf %add3A_1135, %add3A_1136 : vector<1024x128xf32>
    %slice3A_1138 = vector.extract_strided_slice %dot_general3A_5 {offsets = [0, 6016], sizes = [1024, 128], strides = [1, 1]} : vector<1024x8192xf32> to vector<1024x128xf32>
    %add3A_1139 = arith.addf %add3A_1137, %slice3A_1138 : vector<1024x128xf32>
    %max3A_1140 = arith.constant 0.000000e+00 : f32
    %max3A_1141 = vector.broadcast %max3A_1140 : f32 to vector<1024x128xf32>
    %max3A_1142 = arith.maximumf %add3A_1139, %max3A_1141 : vector<1024x128xf32>
    %bitcast_convert_type3A_1143 = tpu.bitcast %max3A_1142 : vector<1024x128xf32> -> vector<1024x128xi32>
    %and3A_1144 = arith.constant -64 : i32
    %and3A_1145 = vector.broadcast %and3A_1144 : i32 to vector<1024x128xi32>
    %and3A_1146 = arith.andi %bitcast_convert_type3A_1143, %and3A_1145 : vector<1024x128xi32>
    %add3A_1147 = arith.constant 8388655 : i32
    %add3A_1148 = vector.broadcast %add3A_1147 : i32 to vector<1024x128xi32>
    %add3A_1149 = arith.addi %and3A_1146, %add3A_1148 : vector<1024x128xi32>
    %bitcast_convert_type3A_1150 = tpu.bitcast %add3A_1149 : vector<1024x128xi32> -> vector<1024x128xf32>
    %max3A_1151 = arith.maximumf %min3A_1128, %bitcast_convert_type3A_1150 : vector<1024x128xf32>
    %min3A_1152 = arith.minimumf %min3A_1128, %bitcast_convert_type3A_1150 : vector<1024x128xf32>
    %max3A_1153 = arith.maximumf %min3A_1130, %max3A_1151 : vector<1024x128xf32>
    %min3A_1154 = arith.minimumf %min3A_1130, %max3A_1151 : vector<1024x128xf32>
    %min3A_1155 = arith.minimumf %min3A_1131, %max3A_1153 : vector<1024x128xf32>
    %get3A_1156 = arith.constant 0 : index
    %get3A_1157 = arith.constant 6144 : index
    %get3A_1158 = vector.load %arg4[%get3A_1156, %get3A_1157] : memref<1x8192xf32, #tpu.memory_space<vmem>>, vector<1x128xf32>
    %add3A_1159 = vector.broadcast %get3A_8 : vector<1024x1xf32> to vector<1024x128xf32>
    %add3A_1160 = vector.broadcast %get3A_1158 : vector<1x128xf32> to vector<1024x128xf32>
    %add3A_1161 = arith.addf %add3A_1159, %add3A_1160 : vector<1024x128xf32>
    %slice3A_1162 = vector.extract_strided_slice %dot_general3A_5 {offsets = [0, 6144], sizes = [1024, 128], strides = [1, 1]} : vector<1024x8192xf32> to vector<1024x128xf32>
    %add3A_1163 = arith.addf %add3A_1161, %slice3A_1162 : vector<1024x128xf32>
    %max3A_1164 = arith.constant 0.000000e+00 : f32
    %max3A_1165 = vector.broadcast %max3A_1164 : f32 to vector<1024x128xf32>
    %max3A_1166 = arith.maximumf %add3A_1163, %max3A_1165 : vector<1024x128xf32>
    %bitcast_convert_type3A_1167 = tpu.bitcast %max3A_1166 : vector<1024x128xf32> -> vector<1024x128xi32>
    %and3A_1168 = arith.constant -64 : i32
    %and3A_1169 = vector.broadcast %and3A_1168 : i32 to vector<1024x128xi32>
    %and3A_1170 = arith.andi %bitcast_convert_type3A_1167, %and3A_1169 : vector<1024x128xi32>
    %add3A_1171 = arith.constant 8388656 : i32
    %add3A_1172 = vector.broadcast %add3A_1171 : i32 to vector<1024x128xi32>
    %add3A_1173 = arith.addi %and3A_1170, %add3A_1172 : vector<1024x128xi32>
    %bitcast_convert_type3A_1174 = tpu.bitcast %add3A_1173 : vector<1024x128xi32> -> vector<1024x128xf32>
    %max3A_1175 = arith.maximumf %min3A_1152, %bitcast_convert_type3A_1174 : vector<1024x128xf32>
    %min3A_1176 = arith.minimumf %min3A_1152, %bitcast_convert_type3A_1174 : vector<1024x128xf32>
    %max3A_1177 = arith.maximumf %min3A_1154, %max3A_1175 : vector<1024x128xf32>
    %min3A_1178 = arith.minimumf %min3A_1154, %max3A_1175 : vector<1024x128xf32>
    %min3A_1179 = arith.minimumf %min3A_1155, %max3A_1177 : vector<1024x128xf32>
    %get3A_1180 = arith.constant 0 : index
    %get3A_1181 = arith.constant 6272 : index
    %get3A_1182 = vector.load %arg4[%get3A_1180, %get3A_1181] : memref<1x8192xf32, #tpu.memory_space<vmem>>, vector<1x128xf32>
    %add3A_1183 = vector.broadcast %get3A_8 : vector<1024x1xf32> to vector<1024x128xf32>
    %add3A_1184 = vector.broadcast %get3A_1182 : vector<1x128xf32> to vector<1024x128xf32>
    %add3A_1185 = arith.addf %add3A_1183, %add3A_1184 : vector<1024x128xf32>
    %slice3A_1186 = vector.extract_strided_slice %dot_general3A_5 {offsets = [0, 6272], sizes = [1024, 128], strides = [1, 1]} : vector<1024x8192xf32> to vector<1024x128xf32>
    %add3A_1187 = arith.addf %add3A_1185, %slice3A_1186 : vector<1024x128xf32>
    %max3A_1188 = arith.constant 0.000000e+00 : f32
    %max3A_1189 = vector.broadcast %max3A_1188 : f32 to vector<1024x128xf32>
    %max3A_1190 = arith.maximumf %add3A_1187, %max3A_1189 : vector<1024x128xf32>
    %bitcast_convert_type3A_1191 = tpu.bitcast %max3A_1190 : vector<1024x128xf32> -> vector<1024x128xi32>
    %and3A_1192 = arith.constant -64 : i32
    %and3A_1193 = vector.broadcast %and3A_1192 : i32 to vector<1024x128xi32>
    %and3A_1194 = arith.andi %bitcast_convert_type3A_1191, %and3A_1193 : vector<1024x128xi32>
    %add3A_1195 = arith.constant 8388657 : i32
    %add3A_1196 = vector.broadcast %add3A_1195 : i32 to vector<1024x128xi32>
    %add3A_1197 = arith.addi %and3A_1194, %add3A_1196 : vector<1024x128xi32>
    %bitcast_convert_type3A_1198 = tpu.bitcast %add3A_1197 : vector<1024x128xi32> -> vector<1024x128xf32>
    %max3A_1199 = arith.maximumf %min3A_1176, %bitcast_convert_type3A_1198 : vector<1024x128xf32>
    %min3A_1200 = arith.minimumf %min3A_1176, %bitcast_convert_type3A_1198 : vector<1024x128xf32>
    %max3A_1201 = arith.maximumf %min3A_1178, %max3A_1199 : vector<1024x128xf32>
    %min3A_1202 = arith.minimumf %min3A_1178, %max3A_1199 : vector<1024x128xf32>
    %min3A_1203 = arith.minimumf %min3A_1179, %max3A_1201 : vector<1024x128xf32>
    %get3A_1204 = arith.constant 0 : index
    %get3A_1205 = arith.constant 6400 : index
    %get3A_1206 = vector.load %arg4[%get3A_1204, %get3A_1205] : memref<1x8192xf32, #tpu.memory_space<vmem>>, vector<1x128xf32>
    %add3A_1207 = vector.broadcast %get3A_8 : vector<1024x1xf32> to vector<1024x128xf32>
    %add3A_1208 = vector.broadcast %get3A_1206 : vector<1x128xf32> to vector<1024x128xf32>
    %add3A_1209 = arith.addf %add3A_1207, %add3A_1208 : vector<1024x128xf32>
    %slice3A_1210 = vector.extract_strided_slice %dot_general3A_5 {offsets = [0, 6400], sizes = [1024, 128], strides = [1, 1]} : vector<1024x8192xf32> to vector<1024x128xf32>
    %add3A_1211 = arith.addf %add3A_1209, %slice3A_1210 : vector<1024x128xf32>
    %max3A_1212 = arith.constant 0.000000e+00 : f32
    %max3A_1213 = vector.broadcast %max3A_1212 : f32 to vector<1024x128xf32>
    %max3A_1214 = arith.maximumf %add3A_1211, %max3A_1213 : vector<1024x128xf32>
    %bitcast_convert_type3A_1215 = tpu.bitcast %max3A_1214 : vector<1024x128xf32> -> vector<1024x128xi32>
    %and3A_1216 = arith.constant -64 : i32
    %and3A_1217 = vector.broadcast %and3A_1216 : i32 to vector<1024x128xi32>
    %and3A_1218 = arith.andi %bitcast_convert_type3A_1215, %and3A_1217 : vector<1024x128xi32>
    %add3A_1219 = arith.constant 8388658 : i32
    %add3A_1220 = vector.broadcast %add3A_1219 : i32 to vector<1024x128xi32>
    %add3A_1221 = arith.addi %and3A_1218, %add3A_1220 : vector<1024x128xi32>
    %bitcast_convert_type3A_1222 = tpu.bitcast %add3A_1221 : vector<1024x128xi32> -> vector<1024x128xf32>
    %max3A_1223 = arith.maximumf %min3A_1200, %bitcast_convert_type3A_1222 : vector<1024x128xf32>
    %min3A_1224 = arith.minimumf %min3A_1200, %bitcast_convert_type3A_1222 : vector<1024x128xf32>
    %max3A_1225 = arith.maximumf %min3A_1202, %max3A_1223 : vector<1024x128xf32>
    %min3A_1226 = arith.minimumf %min3A_1202, %max3A_1223 : vector<1024x128xf32>
    %min3A_1227 = arith.minimumf %min3A_1203, %max3A_1225 : vector<1024x128xf32>
    %get3A_1228 = arith.constant 0 : index
    %get3A_1229 = arith.constant 6528 : index
    %get3A_1230 = vector.load %arg4[%get3A_1228, %get3A_1229] : memref<1x8192xf32, #tpu.memory_space<vmem>>, vector<1x128xf32>
    %add3A_1231 = vector.broadcast %get3A_8 : vector<1024x1xf32> to vector<1024x128xf32>
    %add3A_1232 = vector.broadcast %get3A_1230 : vector<1x128xf32> to vector<1024x128xf32>
    %add3A_1233 = arith.addf %add3A_1231, %add3A_1232 : vector<1024x128xf32>
    %slice3A_1234 = vector.extract_strided_slice %dot_general3A_5 {offsets = [0, 6528], sizes = [1024, 128], strides = [1, 1]} : vector<1024x8192xf32> to vector<1024x128xf32>
    %add3A_1235 = arith.addf %add3A_1233, %slice3A_1234 : vector<1024x128xf32>
    %max3A_1236 = arith.constant 0.000000e+00 : f32
    %max3A_1237 = vector.broadcast %max3A_1236 : f32 to vector<1024x128xf32>
    %max3A_1238 = arith.maximumf %add3A_1235, %max3A_1237 : vector<1024x128xf32>
    %bitcast_convert_type3A_1239 = tpu.bitcast %max3A_1238 : vector<1024x128xf32> -> vector<1024x128xi32>
    %and3A_1240 = arith.constant -64 : i32
    %and3A_1241 = vector.broadcast %and3A_1240 : i32 to vector<1024x128xi32>
    %and3A_1242 = arith.andi %bitcast_convert_type3A_1239, %and3A_1241 : vector<1024x128xi32>
    %add3A_1243 = arith.constant 8388659 : i32
    %add3A_1244 = vector.broadcast %add3A_1243 : i32 to vector<1024x128xi32>
    %add3A_1245 = arith.addi %and3A_1242, %add3A_1244 : vector<1024x128xi32>
    %bitcast_convert_type3A_1246 = tpu.bitcast %add3A_1245 : vector<1024x128xi32> -> vector<1024x128xf32>
    %max3A_1247 = arith.maximumf %min3A_1224, %bitcast_convert_type3A_1246 : vector<1024x128xf32>
    %min3A_1248 = arith.minimumf %min3A_1224, %bitcast_convert_type3A_1246 : vector<1024x128xf32>
    %max3A_1249 = arith.maximumf %min3A_1226, %max3A_1247 : vector<1024x128xf32>
    %min3A_1250 = arith.minimumf %min3A_1226, %max3A_1247 : vector<1024x128xf32>
    %min3A_1251 = arith.minimumf %min3A_1227, %max3A_1249 : vector<1024x128xf32>
    %get3A_1252 = arith.constant 0 : index
    %get3A_1253 = arith.constant 6656 : index
    %get3A_1254 = vector.load %arg4[%get3A_1252, %get3A_1253] : memref<1x8192xf32, #tpu.memory_space<vmem>>, vector<1x128xf32>
    %add3A_1255 = vector.broadcast %get3A_8 : vector<1024x1xf32> to vector<1024x128xf32>
    %add3A_1256 = vector.broadcast %get3A_1254 : vector<1x128xf32> to vector<1024x128xf32>
    %add3A_1257 = arith.addf %add3A_1255, %add3A_1256 : vector<1024x128xf32>
    %slice3A_1258 = vector.extract_strided_slice %dot_general3A_5 {offsets = [0, 6656], sizes = [1024, 128], strides = [1, 1]} : vector<1024x8192xf32> to vector<1024x128xf32>
    %add3A_1259 = arith.addf %add3A_1257, %slice3A_1258 : vector<1024x128xf32>
    %max3A_1260 = arith.constant 0.000000e+00 : f32
    %max3A_1261 = vector.broadcast %max3A_1260 : f32 to vector<1024x128xf32>
    %max3A_1262 = arith.maximumf %add3A_1259, %max3A_1261 : vector<1024x128xf32>
    %bitcast_convert_type3A_1263 = tpu.bitcast %max3A_1262 : vector<1024x128xf32> -> vector<1024x128xi32>
    %and3A_1264 = arith.constant -64 : i32
    %and3A_1265 = vector.broadcast %and3A_1264 : i32 to vector<1024x128xi32>
    %and3A_1266 = arith.andi %bitcast_convert_type3A_1263, %and3A_1265 : vector<1024x128xi32>
    %add3A_1267 = arith.constant 8388660 : i32
    %add3A_1268 = vector.broadcast %add3A_1267 : i32 to vector<1024x128xi32>
    %add3A_1269 = arith.addi %and3A_1266, %add3A_1268 : vector<1024x128xi32>
    %bitcast_convert_type3A_1270 = tpu.bitcast %add3A_1269 : vector<1024x128xi32> -> vector<1024x128xf32>
    %max3A_1271 = arith.maximumf %min3A_1248, %bitcast_convert_type3A_1270 : vector<1024x128xf32>
    %min3A_1272 = arith.minimumf %min3A_1248, %bitcast_convert_type3A_1270 : vector<1024x128xf32>
    %max3A_1273 = arith.maximumf %min3A_1250, %max3A_1271 : vector<1024x128xf32>
    %min3A_1274 = arith.minimumf %min3A_1250, %max3A_1271 : vector<1024x128xf32>
    %min3A_1275 = arith.minimumf %min3A_1251, %max3A_1273 : vector<1024x128xf32>
    %get3A_1276 = arith.constant 0 : index
    %get3A_1277 = arith.constant 6784 : index
    %get3A_1278 = vector.load %arg4[%get3A_1276, %get3A_1277] : memref<1x8192xf32, #tpu.memory_space<vmem>>, vector<1x128xf32>
    %add3A_1279 = vector.broadcast %get3A_8 : vector<1024x1xf32> to vector<1024x128xf32>
    %add3A_1280 = vector.broadcast %get3A_1278 : vector<1x128xf32> to vector<1024x128xf32>
    %add3A_1281 = arith.addf %add3A_1279, %add3A_1280 : vector<1024x128xf32>
    %slice3A_1282 = vector.extract_strided_slice %dot_general3A_5 {offsets = [0, 6784], sizes = [1024, 128], strides = [1, 1]} : vector<1024x8192xf32> to vector<1024x128xf32>
    %add3A_1283 = arith.addf %add3A_1281, %slice3A_1282 : vector<1024x128xf32>
    %max3A_1284 = arith.constant 0.000000e+00 : f32
    %max3A_1285 = vector.broadcast %max3A_1284 : f32 to vector<1024x128xf32>
    %max3A_1286 = arith.maximumf %add3A_1283, %max3A_1285 : vector<1024x128xf32>
    %bitcast_convert_type3A_1287 = tpu.bitcast %max3A_1286 : vector<1024x128xf32> -> vector<1024x128xi32>
    %and3A_1288 = arith.constant -64 : i32
    %and3A_1289 = vector.broadcast %and3A_1288 : i32 to vector<1024x128xi32>
    %and3A_1290 = arith.andi %bitcast_convert_type3A_1287, %and3A_1289 : vector<1024x128xi32>
    %add3A_1291 = arith.constant 8388661 : i32
    %add3A_1292 = vector.broadcast %add3A_1291 : i32 to vector<1024x128xi32>
    %add3A_1293 = arith.addi %and3A_1290, %add3A_1292 : vector<1024x128xi32>
    %bitcast_convert_type3A_1294 = tpu.bitcast %add3A_1293 : vector<1024x128xi32> -> vector<1024x128xf32>
    %max3A_1295 = arith.maximumf %min3A_1272, %bitcast_convert_type3A_1294 : vector<1024x128xf32>
    %min3A_1296 = arith.minimumf %min3A_1272, %bitcast_convert_type3A_1294 : vector<1024x128xf32>
    %max3A_1297 = arith.maximumf %min3A_1274, %max3A_1295 : vector<1024x128xf32>
    %min3A_1298 = arith.minimumf %min3A_1274, %max3A_1295 : vector<1024x128xf32>
    %min3A_1299 = arith.minimumf %min3A_1275, %max3A_1297 : vector<1024x128xf32>
    %get3A_1300 = arith.constant 0 : index
    %get3A_1301 = arith.constant 6912 : index
    %get3A_1302 = vector.load %arg4[%get3A_1300, %get3A_1301] : memref<1x8192xf32, #tpu.memory_space<vmem>>, vector<1x128xf32>
    %add3A_1303 = vector.broadcast %get3A_8 : vector<1024x1xf32> to vector<1024x128xf32>
    %add3A_1304 = vector.broadcast %get3A_1302 : vector<1x128xf32> to vector<1024x128xf32>
    %add3A_1305 = arith.addf %add3A_1303, %add3A_1304 : vector<1024x128xf32>
    %slice3A_1306 = vector.extract_strided_slice %dot_general3A_5 {offsets = [0, 6912], sizes = [1024, 128], strides = [1, 1]} : vector<1024x8192xf32> to vector<1024x128xf32>
    %add3A_1307 = arith.addf %add3A_1305, %slice3A_1306 : vector<1024x128xf32>
    %max3A_1308 = arith.constant 0.000000e+00 : f32
    %max3A_1309 = vector.broadcast %max3A_1308 : f32 to vector<1024x128xf32>
    %max3A_1310 = arith.maximumf %add3A_1307, %max3A_1309 : vector<1024x128xf32>
    %bitcast_convert_type3A_1311 = tpu.bitcast %max3A_1310 : vector<1024x128xf32> -> vector<1024x128xi32>
    %and3A_1312 = arith.constant -64 : i32
    %and3A_1313 = vector.broadcast %and3A_1312 : i32 to vector<1024x128xi32>
    %and3A_1314 = arith.andi %bitcast_convert_type3A_1311, %and3A_1313 : vector<1024x128xi32>
    %add3A_1315 = arith.constant 8388662 : i32
    %add3A_1316 = vector.broadcast %add3A_1315 : i32 to vector<1024x128xi32>
    %add3A_1317 = arith.addi %and3A_1314, %add3A_1316 : vector<1024x128xi32>
    %bitcast_convert_type3A_1318 = tpu.bitcast %add3A_1317 : vector<1024x128xi32> -> vector<1024x128xf32>
    %max3A_1319 = arith.maximumf %min3A_1296, %bitcast_convert_type3A_1318 : vector<1024x128xf32>
    %min3A_1320 = arith.minimumf %min3A_1296, %bitcast_convert_type3A_1318 : vector<1024x128xf32>
    %max3A_1321 = arith.maximumf %min3A_1298, %max3A_1319 : vector<1024x128xf32>
    %min3A_1322 = arith.minimumf %min3A_1298, %max3A_1319 : vector<1024x128xf32>
    %min3A_1323 = arith.minimumf %min3A_1299, %max3A_1321 : vector<1024x128xf32>
    %get3A_1324 = arith.constant 0 : index
    %get3A_1325 = arith.constant 7040 : index
    %get3A_1326 = vector.load %arg4[%get3A_1324, %get3A_1325] : memref<1x8192xf32, #tpu.memory_space<vmem>>, vector<1x128xf32>
    %add3A_1327 = vector.broadcast %get3A_8 : vector<1024x1xf32> to vector<1024x128xf32>
    %add3A_1328 = vector.broadcast %get3A_1326 : vector<1x128xf32> to vector<1024x128xf32>
    %add3A_1329 = arith.addf %add3A_1327, %add3A_1328 : vector<1024x128xf32>
    %slice3A_1330 = vector.extract_strided_slice %dot_general3A_5 {offsets = [0, 7040], sizes = [1024, 128], strides = [1, 1]} : vector<1024x8192xf32> to vector<1024x128xf32>
    %add3A_1331 = arith.addf %add3A_1329, %slice3A_1330 : vector<1024x128xf32>
    %max3A_1332 = arith.constant 0.000000e+00 : f32
    %max3A_1333 = vector.broadcast %max3A_1332 : f32 to vector<1024x128xf32>
    %max3A_1334 = arith.maximumf %add3A_1331, %max3A_1333 : vector<1024x128xf32>
    %bitcast_convert_type3A_1335 = tpu.bitcast %max3A_1334 : vector<1024x128xf32> -> vector<1024x128xi32>
    %and3A_1336 = arith.constant -64 : i32
    %and3A_1337 = vector.broadcast %and3A_1336 : i32 to vector<1024x128xi32>
    %and3A_1338 = arith.andi %bitcast_convert_type3A_1335, %and3A_1337 : vector<1024x128xi32>
    %add3A_1339 = arith.constant 8388663 : i32
    %add3A_1340 = vector.broadcast %add3A_1339 : i32 to vector<1024x128xi32>
    %add3A_1341 = arith.addi %and3A_1338, %add3A_1340 : vector<1024x128xi32>
    %bitcast_convert_type3A_1342 = tpu.bitcast %add3A_1341 : vector<1024x128xi32> -> vector<1024x128xf32>
    %max3A_1343 = arith.maximumf %min3A_1320, %bitcast_convert_type3A_1342 : vector<1024x128xf32>
    %min3A_1344 = arith.minimumf %min3A_1320, %bitcast_convert_type3A_1342 : vector<1024x128xf32>
    %max3A_1345 = arith.maximumf %min3A_1322, %max3A_1343 : vector<1024x128xf32>
    %min3A_1346 = arith.minimumf %min3A_1322, %max3A_1343 : vector<1024x128xf32>
    %min3A_1347 = arith.minimumf %min3A_1323, %max3A_1345 : vector<1024x128xf32>
    %get3A_1348 = arith.constant 0 : index
    %get3A_1349 = arith.constant 7168 : index
    %get3A_1350 = vector.load %arg4[%get3A_1348, %get3A_1349] : memref<1x8192xf32, #tpu.memory_space<vmem>>, vector<1x128xf32>
    %add3A_1351 = vector.broadcast %get3A_8 : vector<1024x1xf32> to vector<1024x128xf32>
    %add3A_1352 = vector.broadcast %get3A_1350 : vector<1x128xf32> to vector<1024x128xf32>
    %add3A_1353 = arith.addf %add3A_1351, %add3A_1352 : vector<1024x128xf32>
    %slice3A_1354 = vector.extract_strided_slice %dot_general3A_5 {offsets = [0, 7168], sizes = [1024, 128], strides = [1, 1]} : vector<1024x8192xf32> to vector<1024x128xf32>
    %add3A_1355 = arith.addf %add3A_1353, %slice3A_1354 : vector<1024x128xf32>
    %max3A_1356 = arith.constant 0.000000e+00 : f32
    %max3A_1357 = vector.broadcast %max3A_1356 : f32 to vector<1024x128xf32>
    %max3A_1358 = arith.maximumf %add3A_1355, %max3A_1357 : vector<1024x128xf32>
    %bitcast_convert_type3A_1359 = tpu.bitcast %max3A_1358 : vector<1024x128xf32> -> vector<1024x128xi32>
    %and3A_1360 = arith.constant -64 : i32
    %and3A_1361 = vector.broadcast %and3A_1360 : i32 to vector<1024x128xi32>
    %and3A_1362 = arith.andi %bitcast_convert_type3A_1359, %and3A_1361 : vector<1024x128xi32>
    %add3A_1363 = arith.constant 8388664 : i32
    %add3A_1364 = vector.broadcast %add3A_1363 : i32 to vector<1024x128xi32>
    %add3A_1365 = arith.addi %and3A_1362, %add3A_1364 : vector<1024x128xi32>
    %bitcast_convert_type3A_1366 = tpu.bitcast %add3A_1365 : vector<1024x128xi32> -> vector<1024x128xf32>
    %max3A_1367 = arith.maximumf %min3A_1344, %bitcast_convert_type3A_1366 : vector<1024x128xf32>
    %min3A_1368 = arith.minimumf %min3A_1344, %bitcast_convert_type3A_1366 : vector<1024x128xf32>
    %max3A_1369 = arith.maximumf %min3A_1346, %max3A_1367 : vector<1024x128xf32>
    %min3A_1370 = arith.minimumf %min3A_1346, %max3A_1367 : vector<1024x128xf32>
    %min3A_1371 = arith.minimumf %min3A_1347, %max3A_1369 : vector<1024x128xf32>
    %get3A_1372 = arith.constant 0 : index
    %get3A_1373 = arith.constant 7296 : index
    %get3A_1374 = vector.load %arg4[%get3A_1372, %get3A_1373] : memref<1x8192xf32, #tpu.memory_space<vmem>>, vector<1x128xf32>
    %add3A_1375 = vector.broadcast %get3A_8 : vector<1024x1xf32> to vector<1024x128xf32>
    %add3A_1376 = vector.broadcast %get3A_1374 : vector<1x128xf32> to vector<1024x128xf32>
    %add3A_1377 = arith.addf %add3A_1375, %add3A_1376 : vector<1024x128xf32>
    %slice3A_1378 = vector.extract_strided_slice %dot_general3A_5 {offsets = [0, 7296], sizes = [1024, 128], strides = [1, 1]} : vector<1024x8192xf32> to vector<1024x128xf32>
    %add3A_1379 = arith.addf %add3A_1377, %slice3A_1378 : vector<1024x128xf32>
    %max3A_1380 = arith.constant 0.000000e+00 : f32
    %max3A_1381 = vector.broadcast %max3A_1380 : f32 to vector<1024x128xf32>
    %max3A_1382 = arith.maximumf %add3A_1379, %max3A_1381 : vector<1024x128xf32>
    %bitcast_convert_type3A_1383 = tpu.bitcast %max3A_1382 : vector<1024x128xf32> -> vector<1024x128xi32>
    %and3A_1384 = arith.constant -64 : i32
    %and3A_1385 = vector.broadcast %and3A_1384 : i32 to vector<1024x128xi32>
    %and3A_1386 = arith.andi %bitcast_convert_type3A_1383, %and3A_1385 : vector<1024x128xi32>
    %add3A_1387 = arith.constant 8388665 : i32
    %add3A_1388 = vector.broadcast %add3A_1387 : i32 to vector<1024x128xi32>
    %add3A_1389 = arith.addi %and3A_1386, %add3A_1388 : vector<1024x128xi32>
    %bitcast_convert_type3A_1390 = tpu.bitcast %add3A_1389 : vector<1024x128xi32> -> vector<1024x128xf32>
    %max3A_1391 = arith.maximumf %min3A_1368, %bitcast_convert_type3A_1390 : vector<1024x128xf32>
    %min3A_1392 = arith.minimumf %min3A_1368, %bitcast_convert_type3A_1390 : vector<1024x128xf32>
    %max3A_1393 = arith.maximumf %min3A_1370, %max3A_1391 : vector<1024x128xf32>
    %min3A_1394 = arith.minimumf %min3A_1370, %max3A_1391 : vector<1024x128xf32>
    %min3A_1395 = arith.minimumf %min3A_1371, %max3A_1393 : vector<1024x128xf32>
    %get3A_1396 = arith.constant 0 : index
    %get3A_1397 = arith.constant 7424 : index
    %get3A_1398 = vector.load %arg4[%get3A_1396, %get3A_1397] : memref<1x8192xf32, #tpu.memory_space<vmem>>, vector<1x128xf32>
    %add3A_1399 = vector.broadcast %get3A_8 : vector<1024x1xf32> to vector<1024x128xf32>
    %add3A_1400 = vector.broadcast %get3A_1398 : vector<1x128xf32> to vector<1024x128xf32>
    %add3A_1401 = arith.addf %add3A_1399, %add3A_1400 : vector<1024x128xf32>
    %slice3A_1402 = vector.extract_strided_slice %dot_general3A_5 {offsets = [0, 7424], sizes = [1024, 128], strides = [1, 1]} : vector<1024x8192xf32> to vector<1024x128xf32>
    %add3A_1403 = arith.addf %add3A_1401, %slice3A_1402 : vector<1024x128xf32>
    %max3A_1404 = arith.constant 0.000000e+00 : f32
    %max3A_1405 = vector.broadcast %max3A_1404 : f32 to vector<1024x128xf32>
    %max3A_1406 = arith.maximumf %add3A_1403, %max3A_1405 : vector<1024x128xf32>
    %bitcast_convert_type3A_1407 = tpu.bitcast %max3A_1406 : vector<1024x128xf32> -> vector<1024x128xi32>
    %and3A_1408 = arith.constant -64 : i32
    %and3A_1409 = vector.broadcast %and3A_1408 : i32 to vector<1024x128xi32>
    %and3A_1410 = arith.andi %bitcast_convert_type3A_1407, %and3A_1409 : vector<1024x128xi32>
    %add3A_1411 = arith.constant 8388666 : i32
    %add3A_1412 = vector.broadcast %add3A_1411 : i32 to vector<1024x128xi32>
    %add3A_1413 = arith.addi %and3A_1410, %add3A_1412 : vector<1024x128xi32>
    %bitcast_convert_type3A_1414 = tpu.bitcast %add3A_1413 : vector<1024x128xi32> -> vector<1024x128xf32>
    %max3A_1415 = arith.maximumf %min3A_1392, %bitcast_convert_type3A_1414 : vector<1024x128xf32>
    %min3A_1416 = arith.minimumf %min3A_1392, %bitcast_convert_type3A_1414 : vector<1024x128xf32>
    %max3A_1417 = arith.maximumf %min3A_1394, %max3A_1415 : vector<1024x128xf32>
    %min3A_1418 = arith.minimumf %min3A_1394, %max3A_1415 : vector<1024x128xf32>
    %min3A_1419 = arith.minimumf %min3A_1395, %max3A_1417 : vector<1024x128xf32>
    %get3A_1420 = arith.constant 0 : index
    %get3A_1421 = arith.constant 7552 : index
    %get3A_1422 = vector.load %arg4[%get3A_1420, %get3A_1421] : memref<1x8192xf32, #tpu.memory_space<vmem>>, vector<1x128xf32>
    %add3A_1423 = vector.broadcast %get3A_8 : vector<1024x1xf32> to vector<1024x128xf32>
    %add3A_1424 = vector.broadcast %get3A_1422 : vector<1x128xf32> to vector<1024x128xf32>
    %add3A_1425 = arith.addf %add3A_1423, %add3A_1424 : vector<1024x128xf32>
    %slice3A_1426 = vector.extract_strided_slice %dot_general3A_5 {offsets = [0, 7552], sizes = [1024, 128], strides = [1, 1]} : vector<1024x8192xf32> to vector<1024x128xf32>
    %add3A_1427 = arith.addf %add3A_1425, %slice3A_1426 : vector<1024x128xf32>
    %max3A_1428 = arith.constant 0.000000e+00 : f32
    %max3A_1429 = vector.broadcast %max3A_1428 : f32 to vector<1024x128xf32>
    %max3A_1430 = arith.maximumf %add3A_1427, %max3A_1429 : vector<1024x128xf32>
    %bitcast_convert_type3A_1431 = tpu.bitcast %max3A_1430 : vector<1024x128xf32> -> vector<1024x128xi32>
    %and3A_1432 = arith.constant -64 : i32
    %and3A_1433 = vector.broadcast %and3A_1432 : i32 to vector<1024x128xi32>
    %and3A_1434 = arith.andi %bitcast_convert_type3A_1431, %and3A_1433 : vector<1024x128xi32>
    %add3A_1435 = arith.constant 8388667 : i32
    %add3A_1436 = vector.broadcast %add3A_1435 : i32 to vector<1024x128xi32>
    %add3A_1437 = arith.addi %and3A_1434, %add3A_1436 : vector<1024x128xi32>
    %bitcast_convert_type3A_1438 = tpu.bitcast %add3A_1437 : vector<1024x128xi32> -> vector<1024x128xf32>
    %max3A_1439 = arith.maximumf %min3A_1416, %bitcast_convert_type3A_1438 : vector<1024x128xf32>
    %min3A_1440 = arith.minimumf %min3A_1416, %bitcast_convert_type3A_1438 : vector<1024x128xf32>
    %max3A_1441 = arith.maximumf %min3A_1418, %max3A_1439 : vector<1024x128xf32>
    %min3A_1442 = arith.minimumf %min3A_1418, %max3A_1439 : vector<1024x128xf32>
    %min3A_1443 = arith.minimumf %min3A_1419, %max3A_1441 : vector<1024x128xf32>
    %get3A_1444 = arith.constant 0 : index
    %get3A_1445 = arith.constant 7680 : index
    %get3A_1446 = vector.load %arg4[%get3A_1444, %get3A_1445] : memref<1x8192xf32, #tpu.memory_space<vmem>>, vector<1x128xf32>
    %add3A_1447 = vector.broadcast %get3A_8 : vector<1024x1xf32> to vector<1024x128xf32>
    %add3A_1448 = vector.broadcast %get3A_1446 : vector<1x128xf32> to vector<1024x128xf32>
    %add3A_1449 = arith.addf %add3A_1447, %add3A_1448 : vector<1024x128xf32>
    %slice3A_1450 = vector.extract_strided_slice %dot_general3A_5 {offsets = [0, 7680], sizes = [1024, 128], strides = [1, 1]} : vector<1024x8192xf32> to vector<1024x128xf32>
    %add3A_1451 = arith.addf %add3A_1449, %slice3A_1450 : vector<1024x128xf32>
    %max3A_1452 = arith.constant 0.000000e+00 : f32
    %max3A_1453 = vector.broadcast %max3A_1452 : f32 to vector<1024x128xf32>
    %max3A_1454 = arith.maximumf %add3A_1451, %max3A_1453 : vector<1024x128xf32>
    %bitcast_convert_type3A_1455 = tpu.bitcast %max3A_1454 : vector<1024x128xf32> -> vector<1024x128xi32>
    %and3A_1456 = arith.constant -64 : i32
    %and3A_1457 = vector.broadcast %and3A_1456 : i32 to vector<1024x128xi32>
    %and3A_1458 = arith.andi %bitcast_convert_type3A_1455, %and3A_1457 : vector<1024x128xi32>
    %add3A_1459 = arith.constant 8388668 : i32
    %add3A_1460 = vector.broadcast %add3A_1459 : i32 to vector<1024x128xi32>
    %add3A_1461 = arith.addi %and3A_1458, %add3A_1460 : vector<1024x128xi32>
    %bitcast_convert_type3A_1462 = tpu.bitcast %add3A_1461 : vector<1024x128xi32> -> vector<1024x128xf32>
    %max3A_1463 = arith.maximumf %min3A_1440, %bitcast_convert_type3A_1462 : vector<1024x128xf32>
    %min3A_1464 = arith.minimumf %min3A_1440, %bitcast_convert_type3A_1462 : vector<1024x128xf32>
    %max3A_1465 = arith.maximumf %min3A_1442, %max3A_1463 : vector<1024x128xf32>
    %min3A_1466 = arith.minimumf %min3A_1442, %max3A_1463 : vector<1024x128xf32>
    %min3A_1467 = arith.minimumf %min3A_1443, %max3A_1465 : vector<1024x128xf32>
    %get3A_1468 = arith.constant 0 : index
    %get3A_1469 = arith.constant 7808 : index
    %get3A_1470 = vector.load %arg4[%get3A_1468, %get3A_1469] : memref<1x8192xf32, #tpu.memory_space<vmem>>, vector<1x128xf32>
    %add3A_1471 = vector.broadcast %get3A_8 : vector<1024x1xf32> to vector<1024x128xf32>
    %add3A_1472 = vector.broadcast %get3A_1470 : vector<1x128xf32> to vector<1024x128xf32>
    %add3A_1473 = arith.addf %add3A_1471, %add3A_1472 : vector<1024x128xf32>
    %slice3A_1474 = vector.extract_strided_slice %dot_general3A_5 {offsets = [0, 7808], sizes = [1024, 128], strides = [1, 1]} : vector<1024x8192xf32> to vector<1024x128xf32>
    %add3A_1475 = arith.addf %add3A_1473, %slice3A_1474 : vector<1024x128xf32>
    %max3A_1476 = arith.constant 0.000000e+00 : f32
    %max3A_1477 = vector.broadcast %max3A_1476 : f32 to vector<1024x128xf32>
    %max3A_1478 = arith.maximumf %add3A_1475, %max3A_1477 : vector<1024x128xf32>
    %bitcast_convert_type3A_1479 = tpu.bitcast %max3A_1478 : vector<1024x128xf32> -> vector<1024x128xi32>
    %and3A_1480 = arith.constant -64 : i32
    %and3A_1481 = vector.broadcast %and3A_1480 : i32 to vector<1024x128xi32>
    %and3A_1482 = arith.andi %bitcast_convert_type3A_1479, %and3A_1481 : vector<1024x128xi32>
    %add3A_1483 = arith.constant 8388669 : i32
    %add3A_1484 = vector.broadcast %add3A_1483 : i32 to vector<1024x128xi32>
    %add3A_1485 = arith.addi %and3A_1482, %add3A_1484 : vector<1024x128xi32>
    %bitcast_convert_type3A_1486 = tpu.bitcast %add3A_1485 : vector<1024x128xi32> -> vector<1024x128xf32>
    %max3A_1487 = arith.maximumf %min3A_1464, %bitcast_convert_type3A_1486 : vector<1024x128xf32>
    %min3A_1488 = arith.minimumf %min3A_1464, %bitcast_convert_type3A_1486 : vector<1024x128xf32>
    %max3A_1489 = arith.maximumf %min3A_1466, %max3A_1487 : vector<1024x128xf32>
    %min3A_1490 = arith.minimumf %min3A_1466, %max3A_1487 : vector<1024x128xf32>
    %min3A_1491 = arith.minimumf %min3A_1467, %max3A_1489 : vector<1024x128xf32>
    %get3A_1492 = arith.constant 0 : index
    %get3A_1493 = arith.constant 7936 : index
    %get3A_1494 = vector.load %arg4[%get3A_1492, %get3A_1493] : memref<1x8192xf32, #tpu.memory_space<vmem>>, vector<1x128xf32>
    %add3A_1495 = vector.broadcast %get3A_8 : vector<1024x1xf32> to vector<1024x128xf32>
    %add3A_1496 = vector.broadcast %get3A_1494 : vector<1x128xf32> to vector<1024x128xf32>
    %add3A_1497 = arith.addf %add3A_1495, %add3A_1496 : vector<1024x128xf32>
    %slice3A_1498 = vector.extract_strided_slice %dot_general3A_5 {offsets = [0, 7936], sizes = [1024, 128], strides = [1, 1]} : vector<1024x8192xf32> to vector<1024x128xf32>
    %add3A_1499 = arith.addf %add3A_1497, %slice3A_1498 : vector<1024x128xf32>
    %max3A_1500 = arith.constant 0.000000e+00 : f32
    %max3A_1501 = vector.broadcast %max3A_1500 : f32 to vector<1024x128xf32>
    %max3A_1502 = arith.maximumf %add3A_1499, %max3A_1501 : vector<1024x128xf32>
    %bitcast_convert_type3A_1503 = tpu.bitcast %max3A_1502 : vector<1024x128xf32> -> vector<1024x128xi32>
    %and3A_1504 = arith.constant -64 : i32
    %and3A_1505 = vector.broadcast %and3A_1504 : i32 to vector<1024x128xi32>
    %and3A_1506 = arith.andi %bitcast_convert_type3A_1503, %and3A_1505 : vector<1024x128xi32>
    %add3A_1507 = arith.constant 8388670 : i32
    %add3A_1508 = vector.broadcast %add3A_1507 : i32 to vector<1024x128xi32>
    %add3A_1509 = arith.addi %and3A_1506, %add3A_1508 : vector<1024x128xi32>
    %bitcast_convert_type3A_1510 = tpu.bitcast %add3A_1509 : vector<1024x128xi32> -> vector<1024x128xf32>
    %max3A_1511 = arith.maximumf %min3A_1488, %bitcast_convert_type3A_1510 : vector<1024x128xf32>
    %min3A_1512 = arith.minimumf %min3A_1488, %bitcast_convert_type3A_1510 : vector<1024x128xf32>
    %max3A_1513 = arith.maximumf %min3A_1490, %max3A_1511 : vector<1024x128xf32>
    %min3A_1514 = arith.minimumf %min3A_1490, %max3A_1511 : vector<1024x128xf32>
    %min3A_1515 = arith.minimumf %min3A_1491, %max3A_1513 : vector<1024x128xf32>
    %get3A_1516 = arith.constant 0 : index
    %get3A_1517 = arith.constant 8064 : index
    %get3A_1518 = vector.load %arg4[%get3A_1516, %get3A_1517] : memref<1x8192xf32, #tpu.memory_space<vmem>>, vector<1x128xf32>
    %add3A_1519 = vector.broadcast %get3A_8 : vector<1024x1xf32> to vector<1024x128xf32>
    %add3A_1520 = vector.broadcast %get3A_1518 : vector<1x128xf32> to vector<1024x128xf32>
    %add3A_1521 = arith.addf %add3A_1519, %add3A_1520 : vector<1024x128xf32>
    %slice3A_1522 = vector.extract_strided_slice %dot_general3A_5 {offsets = [0, 8064], sizes = [1024, 128], strides = [1, 1]} : vector<1024x8192xf32> to vector<1024x128xf32>
    %add3A_1523 = arith.addf %add3A_1521, %slice3A_1522 : vector<1024x128xf32>
    %max3A_1524 = arith.constant 0.000000e+00 : f32
    %max3A_1525 = vector.broadcast %max3A_1524 : f32 to vector<1024x128xf32>
    %max3A_1526 = arith.maximumf %add3A_1523, %max3A_1525 : vector<1024x128xf32>
    %bitcast_convert_type3A_1527 = tpu.bitcast %max3A_1526 : vector<1024x128xf32> -> vector<1024x128xi32>
    %and3A_1528 = arith.constant -64 : i32
    %and3A_1529 = vector.broadcast %and3A_1528 : i32 to vector<1024x128xi32>
    %and3A_1530 = arith.andi %bitcast_convert_type3A_1527, %and3A_1529 : vector<1024x128xi32>
    %add3A_1531 = arith.constant 8388671 : i32
    %add3A_1532 = vector.broadcast %add3A_1531 : i32 to vector<1024x128xi32>
    %add3A_1533 = arith.addi %and3A_1530, %add3A_1532 : vector<1024x128xi32>
    %bitcast_convert_type3A_1534 = tpu.bitcast %add3A_1533 : vector<1024x128xi32> -> vector<1024x128xf32>
    %max3A_1535 = arith.maximumf %min3A_1512, %bitcast_convert_type3A_1534 : vector<1024x128xf32>
    %min3A_1536 = arith.minimumf %min3A_1512, %bitcast_convert_type3A_1534 : vector<1024x128xf32>
    %max3A_1537 = arith.maximumf %min3A_1514, %max3A_1535 : vector<1024x128xf32>
    %min3A_1538 = arith.minimumf %min3A_1514, %max3A_1535 : vector<1024x128xf32>
    %min3A_1539 = arith.minimumf %min3A_1515, %max3A_1537 : vector<1024x128xf32>
    %concatenate3A = tpu.concatenate %min3A_1536, %min3A_1538, %min3A_1539 in 1 : vector<1024x128xf32>, vector<1024x128xf32>, vector<1024x128xf32> -> vector<1024x384xf32>
    %iota3A = tpu.iota {dimensions = array<i32: 1>} : vector<1024x384xi32>
    %reduce_min3A = arith.constant dense<0x7F800000> : vector<1024xf32>
    %reduce_min3A_1540 = vector.multi_reduction <minimumf>, %concatenate3A, %reduce_min3A [1] : vector<1024x384xf32> to vector<1024xf32>
    %broadcast_in_dim3A_1541 = vector.shape_cast %reduce_min3A_1540 : vector<1024xf32> to vector<1024x1xf32>
    %eq3A = vector.broadcast %broadcast_in_dim3A_1541 : vector<1024x1xf32> to vector<1024x384xf32>
    %eq3A_1542 = arith.cmpf oeq, %concatenate3A, %eq3A : vector<1024x384xf32>
    %jit3A = arith.constant 1048576 : i32
    %broadcast_in_dim3A_1543 = vector.broadcast %jit3A : i32 to vector<1024x384xi32>
    %select_n3A = arith.select %eq3A_1542, %iota3A, %broadcast_in_dim3A_1543 : vector<1024x384xi1>, vector<1024x384xi32>
    %reduce_min3A_1544 = arith.constant dense<2147483647> : vector<1024xi32>
    %reduce_min3A_1545 = vector.multi_reduction <minsi>, %select_n3A, %reduce_min3A_1544 [1] : vector<1024x384xi32> to vector<1024xi32>
    %broadcast_in_dim3A_1546 = vector.shape_cast %reduce_min3A_1545 : vector<1024xi32> to vector<1024x1xi32>
    %eq3A_1547 = vector.broadcast %broadcast_in_dim3A_1546 : vector<1024x1xi32> to vector<1024x384xi32>
    %eq3A_1548 = arith.cmpi eq, %iota3A, %eq3A_1547 : vector<1024x384xi32>
    %jit3A_1549 = arith.constant 3.000000e+38 : f32
    %broadcast_in_dim3A_1550 = vector.broadcast %jit3A_1549 : f32 to vector<1024x384xf32>
    %select_n3A_1551 = arith.select %eq3A_1548, %broadcast_in_dim3A_1550, %concatenate3A : vector<1024x384xi1>, vector<1024x384xf32>
    %and3A_1552 = arith.constant 127 : i32
    %and3A_1553 = vector.broadcast %and3A_1552 : i32 to vector<1024x1xi32>
    %and3A_1554 = arith.andi %broadcast_in_dim3A_1546, %and3A_1553 : vector<1024x1xi32>
    %reduce_min3A_1555 = arith.constant dense<0x7F800000> : vector<1024xf32>
    %reduce_min3A_1556 = vector.multi_reduction <minimumf>, %select_n3A_1551, %reduce_min3A_1555 [1] : vector<1024x384xf32> to vector<1024xf32>
    %broadcast_in_dim3A_1557 = vector.shape_cast %reduce_min3A_1556 : vector<1024xf32> to vector<1024x1xf32>
    %eq3A_1558 = vector.broadcast %broadcast_in_dim3A_1557 : vector<1024x1xf32> to vector<1024x384xf32>
    %eq3A_1559 = arith.cmpf oeq, %select_n3A_1551, %eq3A_1558 : vector<1024x384xf32>
    %jit3A_1560 = arith.constant 1048576 : i32
    %broadcast_in_dim3A_1561 = vector.broadcast %jit3A_1560 : i32 to vector<1024x384xi32>
    %select_n3A_1562 = arith.select %eq3A_1559, %iota3A, %broadcast_in_dim3A_1561 : vector<1024x384xi1>, vector<1024x384xi32>
    %reduce_min3A_1563 = arith.constant dense<2147483647> : vector<1024xi32>
    %reduce_min3A_1564 = vector.multi_reduction <minsi>, %select_n3A_1562, %reduce_min3A_1563 [1] : vector<1024x384xi32> to vector<1024xi32>
    %broadcast_in_dim3A_1565 = vector.shape_cast %reduce_min3A_1564 : vector<1024xi32> to vector<1024x1xi32>
    %eq3A_1566 = vector.broadcast %broadcast_in_dim3A_1565 : vector<1024x1xi32> to vector<1024x384xi32>
    %eq3A_1567 = arith.cmpi eq, %iota3A, %eq3A_1566 : vector<1024x384xi32>
    %jit3A_1568 = arith.constant 3.000000e+38 : f32
    %broadcast_in_dim3A_1569 = vector.broadcast %jit3A_1568 : f32 to vector<1024x384xf32>
    %select_n3A_1570 = arith.select %eq3A_1567, %broadcast_in_dim3A_1569, %select_n3A_1551 : vector<1024x384xi1>, vector<1024x384xf32>
    %and3A_1571 = arith.constant 127 : i32
    %and3A_1572 = vector.broadcast %and3A_1571 : i32 to vector<1024x1xi32>
    %and3A_1573 = arith.andi %broadcast_in_dim3A_1565, %and3A_1572 : vector<1024x1xi32>
    %reduce_min3A_1574 = arith.constant dense<0x7F800000> : vector<1024xf32>
    %reduce_min3A_1575 = vector.multi_reduction <minimumf>, %select_n3A_1570, %reduce_min3A_1574 [1] : vector<1024x384xf32> to vector<1024xf32>
    %broadcast_in_dim3A_1576 = vector.shape_cast %reduce_min3A_1575 : vector<1024xf32> to vector<1024x1xf32>
    %eq3A_1577 = vector.broadcast %broadcast_in_dim3A_1576 : vector<1024x1xf32> to vector<1024x384xf32>
    %eq3A_1578 = arith.cmpf oeq, %select_n3A_1570, %eq3A_1577 : vector<1024x384xf32>
    %jit3A_1579 = arith.constant 1048576 : i32
    %broadcast_in_dim3A_1580 = vector.broadcast %jit3A_1579 : i32 to vector<1024x384xi32>
    %select_n3A_1581 = arith.select %eq3A_1578, %iota3A, %broadcast_in_dim3A_1580 : vector<1024x384xi1>, vector<1024x384xi32>
    %reduce_min3A_1582 = arith.constant dense<2147483647> : vector<1024xi32>
    %reduce_min3A_1583 = vector.multi_reduction <minsi>, %select_n3A_1581, %reduce_min3A_1582 [1] : vector<1024x384xi32> to vector<1024xi32>
    %broadcast_in_dim3A_1584 = vector.shape_cast %reduce_min3A_1583 : vector<1024xi32> to vector<1024x1xi32>
    %and3A_1585 = arith.constant 127 : i32
    %and3A_1586 = vector.broadcast %and3A_1585 : i32 to vector<1024x1xi32>
    %and3A_1587 = arith.andi %broadcast_in_dim3A_1584, %and3A_1586 : vector<1024x1xi32>
    %concatenate3A_1588 = tpu.concatenate %broadcast_in_dim3A_1541, %broadcast_in_dim3A_1557, %broadcast_in_dim3A_1576 in 1 : vector<1024x1xf32>, vector<1024x1xf32>, vector<1024x1xf32> -> vector<1024x3xf32>
    %bitcast_convert_type3A_1589 = tpu.bitcast %concatenate3A_1588 : vector<1024x3xf32> -> vector<1024x3xi32>
    %sub3A = arith.constant 8388608 : i32
    %sub3A_1590 = vector.broadcast %sub3A : i32 to vector<1024x3xi32>
    %sub3A_1591 = arith.subi %bitcast_convert_type3A_1589, %sub3A_1590 : vector<1024x3xi32>
    %and3A_1592 = arith.constant -64 : i32
    %and3A_1593 = vector.broadcast %and3A_1592 : i32 to vector<1024x3xi32>
    %and3A_1594 = arith.andi %sub3A_1591, %and3A_1593 : vector<1024x3xi32>
    %bitcast_convert_type3A_1595 = tpu.bitcast %and3A_1594 : vector<1024x3xi32> -> vector<1024x3xf32>
    %and3A_1596 = arith.constant 63 : i32
    %and3A_1597 = vector.broadcast %and3A_1596 : i32 to vector<1024x3xi32>
    %and3A_1598 = arith.andi %sub3A_1591, %and3A_1597 : vector<1024x3xi32>
    %mul3A = arith.constant 128 : i32
    %mul3A_1599 = vector.broadcast %mul3A : i32 to vector<1024x3xi32>
    %mul3A_1600 = arith.muli %and3A_1598, %mul3A_1599 : vector<1024x3xi32>
    %concatenate3A_1601 = tpu.concatenate %and3A_1554, %and3A_1573, %and3A_1587 in 1 : vector<1024x1xi32>, vector<1024x1xi32>, vector<1024x1xi32> -> vector<1024x3xi32>
    %add3A_1602 = arith.addi %mul3A_1600, %concatenate3A_1601 : vector<1024x3xi32>
    %swap3A = arith.constant 0 : index
    %swap3A_1603 = arith.constant 0 : index
    %swap3A_1604 = vector.load %arg5[%swap3A, %swap3A_1603] : memref<1024x3xi32, #tpu.memory_space<vmem>>, vector<1024x3xi32>
    tpu.vector_store %arg5[%swap3A, %swap3A_1603], %add3A_1602 {strides = array<i32>} : memref<1024x3xi32, #tpu.memory_space<vmem>>, vector<1024x3xi32>,
    %max3A_1605 = arith.constant 1.000000e-16 : f32
    %max3A_1606 = vector.broadcast %max3A_1605 : f32 to vector<1024x3xf32>
    %max3A_1607 = arith.maximumf %bitcast_convert_type3A_1595, %max3A_1606 : vector<1024x3xf32>
    %div3A = arith.constant 1.000000e+00 : f32
    %div3A_1608 = vector.broadcast %div3A : f32 to vector<1024x3xf32>
    %div3A_1609 = arith.divf %div3A_1608, %max3A_1607 : vector<1024x3xf32>
    %reduce_sum3A = arith.constant dense<0.000000e+00> : vector<1024xf32>
    %reduce_sum3A_1610 = vector.multi_reduction <add>, %div3A_1609, %reduce_sum3A [1] : vector<1024x3xf32> to vector<1024xf32>
    %broadcast_in_dim3A_1611 = vector.shape_cast %reduce_sum3A_1610 : vector<1024xf32> to vector<1024x1xf32>
    %div3A_1612 = vector.broadcast %broadcast_in_dim3A_1611 : vector<1024x1xf32> to vector<1024x3xf32>
    %div3A_1613 = arith.divf %div3A_1609, %div3A_1612 : vector<1024x3xf32>
    %swap3A_1614 = arith.constant 0 : index
    %swap3A_1615 = arith.constant 0 : index
    %swap3A_1616 = vector.load %arg6[%swap3A_1614, %swap3A_1615] : memref<1024x3xf32, #tpu.memory_space<vmem>>, vector<1024x3xf32>
    tpu.vector_store %arg6[%swap3A_1614, %swap3A_1615], %div3A_1613 {strides = array<i32>} : memref<1024x3xf32, #tpu.memory_space<vmem>>, vector<1024x3xf32>,
    return
  }
  func.func @transform_0(%arg0: i32) -> (i32, i32) {
    %c0_i32 = arith.constant 0 : i32
    %c0_i32_0 = arith.constant 0 : i32
    return %arg0, %c0_i32 : i32, i32
  }
  func.func @transform_1(%arg0: i32) -> (i32, i32) {
    %c0_i32 = arith.constant 0 : i32
    %c0_i32_0 = arith.constant 0 : i32
    return %arg0, %c0_i32 : i32, i32
  }
  func.func @transform_2(%arg0: i32) -> (i32, i32) {
    %c0_i32 = arith.constant 0 : i32
    %c0_i32_0 = arith.constant 0 : i32
    %c0_i32_1 = arith.constant 0 : i32
    return %c0_i32, %c0_i32_0 : i32, i32
  }
  func.func @transform_3(%arg0: i32) -> (i32, i32) {
    %c0_i32 = arith.constant 0 : i32
    %c0_i32_0 = arith.constant 0 : i32
    %c0_i32_1 = arith.constant 0 : i32
    return %c0_i32, %c0_i32_0 : i32, i32
  }
  func.func @transform_4(%arg0: i32) -> (i32, i32) {
    %c0_i32 = arith.constant 0 : i32
    %c0_i32_0 = arith.constant 0 : i32
    return %arg0, %c0_i32 : i32, i32
  }
  func.func @transform_5(%arg0: i32) -> (i32, i32) {
    %c0_i32 = arith.constant 0 : i32
    %c0_i32_0 = arith.constant 0 : i32
    return %arg0, %c0_i32 : i32, i32
  }
}

module attributes {stable_mosaic.version = 14 : i64} {
  func.func @_mlp_body(%arg0: i32, %arg1: memref<2048x3xf32, #tpu.memory_space<vmem>>, %arg2: memref<2048x64xf32, #tpu.memory_space<vmem>>, %arg3: memref<2048x64xf32, #tpu.memory_space<vmem>>, %arg4: memref<2048x64xf32, #tpu.memory_space<vmem>>, %arg5: memref<2048x64xf32, #tpu.memory_space<vmem>>, %arg6: memref<64x128xf32, #tpu.memory_space<vmem>>, %arg7: memref<64x128xf32, #tpu.memory_space<vmem>>, %arg8: memref<1x128xf32, #tpu.memory_space<vmem>>, %arg9: memref<2048x128xf32, #tpu.memory_space<vmem>>) attributes {dimension_semantics = [#tpu.dimension_semantics<arbitrary>], iteration_bounds = array<i64: 16>, scalar_prefetch = 0 : i64, scratch_operands = 0 : i64, tpu.core_type = #tpu.core_type<tc>, window_params = [{transform_indices = @transform_0, window_bounds = array<i64: 2048, 3>}, {transform_indices = @transform_1, window_bounds = array<i64: 2048, 64>}, {transform_indices = @transform_2, window_bounds = array<i64: 2048, 64>}, {transform_indices = @transform_3, window_bounds = array<i64: 2048, 64>}, {transform_indices = @transform_4, window_bounds = array<i64: 2048, 64>}, {pipeline_mode = #tpu.pipeline_mode<synchronous>, transform_indices = @transform_5, window_bounds = array<i64: 64, 128>}, {pipeline_mode = #tpu.pipeline_mode<synchronous>, transform_indices = @transform_6, window_bounds = array<i64: 64, 128>}, {pipeline_mode = #tpu.pipeline_mode<synchronous>, transform_indices = @transform_7, window_bounds = array<i64: 1, 128>}, {transform_indices = @transform_8, window_bounds = array<i64: 2048, 128>}]} {
    %get3A = arith.constant 0 : index
    %get3A_0 = arith.constant 0 : index
    %get3A_1 = vector.load %arg1[%get3A, %get3A_0] : memref<2048x3xf32, #tpu.memory_space<vmem>>, vector<2048x3xf32>
    %slice3A = vector.extract_strided_slice %get3A_1 {offsets = [0, 0], sizes = [2048, 1], strides = [1, 1]} : vector<2048x3xf32> to vector<2048x1xf32>
    %get3A_2 = arith.constant 0 : index
    %get3A_3 = arith.constant 0 : index
    %get3A_4 = vector.load %arg2[%get3A_2, %get3A_3] : memref<2048x64xf32, #tpu.memory_space<vmem>>, vector<2048x64xf32>
    %mul3A = vector.broadcast %slice3A : vector<2048x1xf32> to vector<2048x64xf32>
    %mul3A_5 = arith.mulf %mul3A, %get3A_4 : vector<2048x64xf32>
    %slice3A_6 = vector.extract_strided_slice %get3A_1 {offsets = [0, 1], sizes = [2048, 1], strides = [1, 1]} : vector<2048x3xf32> to vector<2048x1xf32>
    %get3A_7 = arith.constant 0 : index
    %get3A_8 = arith.constant 0 : index
    %get3A_9 = vector.load %arg3[%get3A_7, %get3A_8] : memref<2048x64xf32, #tpu.memory_space<vmem>>, vector<2048x64xf32>
    %mul3A_10 = vector.broadcast %slice3A_6 : vector<2048x1xf32> to vector<2048x64xf32>
    %mul3A_11 = arith.mulf %mul3A_10, %get3A_9 : vector<2048x64xf32>
    %add3A = arith.addf %mul3A_5, %mul3A_11 : vector<2048x64xf32>
    %slice3A_12 = vector.extract_strided_slice %get3A_1 {offsets = [0, 2], sizes = [2048, 1], strides = [1, 1]} : vector<2048x3xf32> to vector<2048x1xf32>
    %get3A_13 = arith.constant 0 : index
    %get3A_14 = arith.constant 0 : index
    %get3A_15 = vector.load %arg4[%get3A_13, %get3A_14] : memref<2048x64xf32, #tpu.memory_space<vmem>>, vector<2048x64xf32>
    %mul3A_16 = vector.broadcast %slice3A_12 : vector<2048x1xf32> to vector<2048x64xf32>
    %mul3A_17 = arith.mulf %mul3A_16, %get3A_15 : vector<2048x64xf32>
    %add3A_18 = arith.addf %add3A, %mul3A_17 : vector<2048x64xf32>
    %get3A_19 = arith.constant 0 : index
    %get3A_20 = arith.constant 0 : index
    %get3A_21 = vector.load %arg6[%get3A_19, %get3A_20] : memref<64x128xf32, #tpu.memory_space<vmem>>, vector<64x128xf32>
    %dot_general3A = arith.constant dense<0.000000e+00> : vector<2048x128xf32>
    %dot_general3A_22 = tpu.matmul %add3A_18, %get3A_21, %dot_general3A {dimension_numbers = #tpu.dot_dimension_numbers<[1], [0], [0], [1], [0, 0, 1, 1], [], []>, transpose_lhs_hint = false} : vector<2048x64xf32>, vector<64x128xf32>, vector<2048x128xf32> -> vector<2048x128xf32>
    %get3A_23 = arith.constant 0 : index
    %get3A_24 = arith.constant 0 : index
    %get3A_25 = vector.load %arg5[%get3A_23, %get3A_24] : memref<2048x64xf32, #tpu.memory_space<vmem>>, vector<2048x64xf32>
    %get3A_26 = arith.constant 0 : index
    %get3A_27 = arith.constant 0 : index
    %get3A_28 = vector.load %arg7[%get3A_26, %get3A_27] : memref<64x128xf32, #tpu.memory_space<vmem>>, vector<64x128xf32>
    %dot_general3A_29 = arith.constant dense<0.000000e+00> : vector<2048x128xf32>
    %dot_general3A_30 = tpu.matmul %get3A_25, %get3A_28, %dot_general3A_29 {dimension_numbers = #tpu.dot_dimension_numbers<[1], [0], [0], [1], [0, 0, 1, 1], [], []>, transpose_lhs_hint = false} : vector<2048x64xf32>, vector<64x128xf32>, vector<2048x128xf32> -> vector<2048x128xf32>
    %add3A_31 = arith.addf %dot_general3A_22, %dot_general3A_30 : vector<2048x128xf32>
    %get3A_32 = arith.constant 0 : index
    %get3A_33 = arith.constant 0 : index
    %get3A_34 = vector.load %arg8[%get3A_32, %get3A_33] : memref<1x128xf32, #tpu.memory_space<vmem>>, vector<1x128xf32>
    %add3A_35 = vector.broadcast %get3A_34 : vector<1x128xf32> to vector<2048x128xf32>
    %add3A_36 = arith.addf %add3A_31, %add3A_35 : vector<2048x128xf32>
    %max3A = arith.constant 0.000000e+00 : f32
    %max3A_37 = vector.broadcast %max3A : f32 to vector<2048x128xf32>
    %max3A_38 = arith.maximumf %add3A_36, %max3A_37 : vector<2048x128xf32>
    %swap3A = arith.constant 0 : index
    %swap3A_39 = arith.constant 0 : index
    %swap3A_40 = vector.load %arg9[%swap3A, %swap3A_39] : memref<2048x128xf32, #tpu.memory_space<vmem>>, vector<2048x128xf32>
    tpu.vector_store %arg9[%swap3A, %swap3A_39], %max3A_38 {strides = array<i32>} : memref<2048x128xf32, #tpu.memory_space<vmem>>, vector<2048x128xf32>,
    return
  }
  func.func @transform_0(%arg0: i32) -> (i32, i32) {
    %c0_i32 = arith.constant 0 : i32
    %c0_i32_0 = arith.constant 0 : i32
    return %arg0, %c0_i32 : i32, i32
  }
  func.func @transform_1(%arg0: i32) -> (i32, i32) {
    %c0_i32 = arith.constant 0 : i32
    %c0_i32_0 = arith.constant 0 : i32
    return %arg0, %c0_i32 : i32, i32
  }
  func.func @transform_2(%arg0: i32) -> (i32, i32) {
    %add3A = arith.constant 16 : i32
    %add3A_0 = arith.addi %arg0, %add3A : i32
    %c0_i32 = arith.constant 0 : i32
    %c0_i32_1 = arith.constant 0 : i32
    return %add3A_0, %c0_i32 : i32, i32
  }
  func.func @transform_3(%arg0: i32) -> (i32, i32) {
    %add3A = arith.constant 32 : i32
    %add3A_0 = arith.addi %arg0, %add3A : i32
    %c0_i32 = arith.constant 0 : i32
    %c0_i32_1 = arith.constant 0 : i32
    return %add3A_0, %c0_i32 : i32, i32
  }
  func.func @transform_4(%arg0: i32) -> (i32, i32) {
    %c0_i32 = arith.constant 0 : i32
    %c0_i32_0 = arith.constant 0 : i32
    return %arg0, %c0_i32 : i32, i32
  }
  func.func @transform_5(%arg0: i32) -> (i32, i32) {
    %c0_i32 = arith.constant 0 : i32
    %c0_i32_0 = arith.constant 0 : i32
    %c0_i32_1 = arith.constant 0 : i32
    return %c0_i32, %c0_i32_0 : i32, i32
  }
  func.func @transform_6(%arg0: i32) -> (i32, i32) {
    %c0_i32 = arith.constant 0 : i32
    %c0_i32_0 = arith.constant 0 : i32
    %c0_i32_1 = arith.constant 0 : i32
    return %c0_i32, %c0_i32_0 : i32, i32
  }
  func.func @transform_7(%arg0: i32) -> (i32, i32) {
    %c0_i32 = arith.constant 0 : i32
    %c0_i32_0 = arith.constant 0 : i32
    %c0_i32_1 = arith.constant 0 : i32
    return %c0_i32, %c0_i32_0 : i32, i32
  }
  func.func @transform_8(%arg0: i32) -> (i32, i32) {
    %c0_i32 = arith.constant 0 : i32
    %c0_i32_0 = arith.constant 0 : i32
    return %arg0, %c0_i32 : i32, i32
  }
}

</mosaic_0001>

<sc_bundles>
// kernel: kernel.5.cloned.1.call-start
scs
__scs_entry_jumppad:
0x0: {  	(pc) =	sbr.rel $0x88, $3  }
0x1: {  	(tag) =	ssettag $0x0;
	lr =	simm.s32 $0x1  }
0x2: {  	[smem:$0x3F9A] =	sst lr;
	_ =	strace $0xD0000000  }
0x3: {  	_ = 	snop  }
0x4: {  	_ = 	snop  }
0x5: {  	_ = 	snop  }
0x6: {  	_ = 	snop  }
0x7: {  	_ = 	snop  }
__scs_overlays_trampoline_lowered:
0x8: {  	[smem:$0x3FA9] =	sst s0  }
0x9: {  	[smem:$0x3FAA] =	sst s1  }
0xa: {  	[smem:$0x3FAB] =	sst s2  }
0xb: {  	[smem:$0x3FAC] =	sst s3  }
0xc: {  	[smem:$0x3FAD] =	sst s4  }
0xd: {  	[smem:$0x3FAE] =	sst s5  }
0xe: {  	[smem:$0x3FAF] =	sst s6  }
0xf: {  	[smem:$0x3FB0] =	sst s7  }
0x10: {  	[smem:$0x3FB1] =	sst s8  }
0x11: {  	[smem:$0x3FB2] =	sst s9;
	s0 =	simm.s32 @!p0 $0x0  }
0x12: {  	s1 =	sld [smem:$0x3F98];
	s0 =	simm.s32 @p0 $0x1  }
0x13: {  	[smem:$0x3FB3] =	sst s0;
	s0 =	simm.s32 @!p1 $0x0  }
0x14: {  	s2 =	sld [smem:$0x3F97];
	s0 =	simm.s32 @p1 $0x1  }
0x15: {  	[smem:$0x3FB4] =	sst s0;
	s0 =	simm.s32 @!p2 $0x0  }
0x16: {  	s3 =	sld [smem:$0x3FDB];
	s0 =	simm.s32 @p2 $0x1  }
0x17: {  	s4 =	simm.s32 $0x1BF5;
	[smem:$0x3FB6] =	sst s0  }
0x18: {  	s0 =	sld [smem:$0x3F99];
	_ =	swait.ge [sflag:s4], $0x0  }
0x19: {  	s7 =	sld [smem:$0x3F9A]  }
0x1a: {  	s8 =	sadd.s32 $0xFFFFE003, lr  }
0x1b: {  	s9 =	sadd.s32 $0xFFFFFEF7, lr;
	s5 =	simm.s32 $0xFFFFFFFF;
	p2 =	slt.u32 s8, $0xFFFFF086  }
0x1c: {  	p1 =	slt.u32 s9, $0xF7A;
	s5 =	simm.s32 @!p2 $0x0  }
0x1d: {  	s5 =	simm.s32 @p1 $0x1;
	p0 =	seq.s32 s7, s2  }
0x1e: {  	s7 =	smul.u32 @!p0 $0xF7A, s2;
	p2 =	seq.s32 @!p0 s5, $0x0  }
0x1f: {  	s9 =	smul.u32 $0xF7A, s1;
	s8 =	simm.s32 @!p0 $0x1BF5;
	p2 =	por !p2, p0  }
0x20: {  	[sflag:s8] =	ssyncset.s32 @!p0 $0xFFFFF086;
	s6 =	sadd.s32 @!p0 s3, s7;
	s7 =	simm.s32 @!p0 $0x108  }
0x21: {  	s3 =	sadd.s32 s3, s9;
	s6 =	sadd.s32 @!p0 $0x88, s6;
	s7 =	simm.s32 @p2 $0x1082  }
0x22: {  	[simem:s7], [sflag:s8] =	dma.local @!p0 [hbm:s6], $0xF7A  }
0x23: {  	s9 =	sor.u32 $0xD0000000, s2;
	s6 =	simm.s32 $0x108;
	_ =	swait.ge @!p0 [sflag:s8], $0x0  }
0x24: {  	s3 =	sadd.s32 $0x88, s3;
	s6 =	simm.s32 @!p1 $0x1082;
	[sflag:s4] =	ssyncset.s32 $0xFFFFF086  }
0x25: {  	[simem:s6], [sflag:s4] =	dma.local [hbm:s3], $0xF7A  }
0x26: {  	[smem:$0x3F9A] =	sst s1;
	(tag) =	ssettag s2;
	_ =	strace s9  }
0x27: {  	s1 =	sld [smem:$0x3FAA]  }
0x28: {  	s2 =	sld [smem:$0x3FAB]  }
0x29: {  	s4 =	sld [smem:$0x3FAD]  }
0x2a: {  	p0 =	seq.s32 s5, $0x0;
	s5 =	sld [smem:$0x3FAE]  }
0x2b: {  	s6 =	sld [smem:$0x3FAF]  }
0x2c: {  	s7 =	sld [smem:$0x3FB0]  }
0x2d: {  	s3 =	simm.s32 $0x108;
	s8 =	sld [smem:$0x3FB1]  }
0x2e: {  	s3 =	simm.s32 @!p0 $0x1082;
	s9 =	sld [smem:$0x3FB2]  }
0x2f: {  	lr =	sadd.s32 s0, s3;
	s0 =	sld [smem:$0x3FA9]  }
0x30: {  	s3 =	sld [smem:$0x3FAC]  }
0x31: {  	[smem:$0x3FB5] =	sst s10  }
0x32: {  	s10 =	sld [smem:$0x3FB3];
	_ =	sdelay $0x3  }
0x33: {  	p0 =	seq.s32 s10, $0x1;
	s10 =	sld [smem:$0x3FB5];
	_ =	sdelay $0x3  }
0x34: {  	[smem:$0x3FB5] =	sst s10  }
0x35: {  	s10 =	sld [smem:$0x3FB4];
	_ =	sdelay $0x3  }
0x36: {  	p1 =	seq.s32 s10, $0x1;
	s10 =	sld [smem:$0x3FB5];
	_ =	sdelay $0x3  }
0x37: {  	[smem:$0x3FB5] =	sst s10  }
0x38: {  	s10 =	sld [smem:$0x3FB6]  }
0x39: {  	_ = 	snop;
	(pc) =	sbr.ind lr, $3  }
0x3a: {  	_ = 	snop  }
0x3b: {  	_ = 	snop  }
0x3c: {  	p2 =	seq.s32 s10, $0x1;
	s10 =	sld [smem:$0x3FB5]  }
0x3d: {  	_ =	shalt  }
0x3e: {  	_ =	shalt  }
0x3f: {  	_ =	shalt  }
0x40: {  	_ =	shalt  }
0x41: {  	_ =	shalt  }
0x42: {  	_ =	shalt  }
0x43: {  	_ =	shalt  }
0x44: {  	_ =	shalt  }
0x45: {  	_ =	shalt  }
0x46: {  	_ =	shalt  }
0x47: {  	_ =	shalt  }
0x48: {  	_ =	shalt  }
0x49: {  	_ =	shalt  }
0x4a: {  	_ =	shalt  }
0x4b: {  	_ =	shalt  }
0x4c: {  	_ =	shalt  }
0x4d: {  	_ =	shalt  }
0x4e: {  	_ =	shalt  }
0x4f: {  	_ =	shalt  }
0x50: {  	_ =	shalt  }
0x51: {  	_ =	shalt  }
0x52: {  	_ =	shalt  }
0x53: {  	_ =	shalt  }
0x54: {  	_ =	shalt  }
0x55: {  	_ =	shalt  }
0x56: {  	_ =	shalt  }
0x57: {  	_ =	shalt  }
0x58: {  	_ =	shalt  }
0x59: {  	_ =	shalt  }
0x5a: {  	_ =	shalt  }
0x5b: {  	_ =	shalt  }
0x5c: {  	_ =	shalt  }
0x5d: {  	_ =	shalt  }
0x5e: {  	_ =	shalt  }
0x5f: {  	_ =	shalt  }
0x60: {  	_ =	shalt  }
0x61: {  	_ =	shalt  }
0x62: {  	_ =	shalt  }
0x63: {  	_ =	shalt  }
0x64: {  	_ =	shalt  }
0x65: {  	_ =	shalt  }
0x66: {  	_ =	shalt  }
0x67: {  	_ =	shalt  }
0x68: {  	_ =	shalt  }
0x69: {  	_ =	shalt  }
0x6a: {  	_ =	shalt  }
0x6b: {  	_ =	shalt  }
0x6c: {  	_ =	shalt  }
0x6d: {  	_ =	shalt  }
0x6e: {  	_ =	shalt  }
0x6f: {  	_ =	shalt  }
0x70: {  	_ =	shalt  }
0x71: {  	_ =	shalt  }
0x72: {  	_ =	shalt  }
0x73: {  	_ =	shalt  }
0x74: {  	_ =	shalt  }
0x75: {  	_ =	shalt  }
0x76: {  	_ =	shalt  }
0x77: {  	_ =	shalt  }
0x78: {  	_ =	shalt  }
0x79: {  	_ =	shalt  }
0x7a: {  	_ =	shalt  }
0x7b: {  	_ =	shalt  }
0x7c: {  	_ =	shalt  }
0x7d: {  	_ =	shalt  }
0x7e: {  	_ =	shalt  }
0x7f: {  	_ =	shalt  }
0x80: {  	_ =	shalt  }
0x81: {  	_ =	shalt  }
0x82: {  	_ =	shalt  }
0x83: {  	_ =	shalt  }
0x84: {  	_ =	shalt  }
0x85: {  	_ =	shalt  }
0x86: {  	_ =	shalt  }
0x87: {  	_ =	shalt  }
.Lfunc_end0:
.L_simem_size_0:
called_computation_lowered:
.L_overlay_start_0:
0x88: {  	s2 =	sld [smem:$0x3FD9]  }
0x89: {  	s3 =	sld [smem:$0x3FFE];
	_ =	sdelay $0x1  }
0x8a: {  	s1 =	srdreg.scid  }
0x8b: {  	s0 =	sand.u32 $0x1, s1  }
0x8c: {  	s14 =	sshll.u32 s0, $0xA;
	s2 =	sadd.s32 s3, s2  }
0x8d: {  	s2 =	sadd.s32 s2, s14  }
0x8e: {  	[smem:$0x3FC1] =	sst s2  }
0x8f: {  	_ = 	snop  }
0x90: {  	s2 =	sld [smem:$0x3FD0];
	_ =	sdelay $0x2  }
0x91: {  	s15 =	simm.s32 $0xA;
	s4 =	simm.s32 $0x10  }
0x92: {  	[smem:s4], [sflag:s15] =	dma.local [hbm:s2], $0x1  }
0x93: {  	_ =	swait.eq [sflag:s15], $0x1  }
0x94: {  	[sflag:s15] =	ssyncset.done $0x0  }
0x95: {  	s16 =	sld [smem:$0x10];
	[sflag:s15] =	ssyncadd.s32 $0xFFFFFFFF  }
0x96: {  	s17 =	sld [smem:$0x11];
	(tm) =	ssettm $0x1  }
0x97: {  	s18 =	sld [smem:$0x3FFB];
	_ =	sdelay $0x3  }
0x98: {  	_ =	strace s18  }
0x99: {  	s4 =	sld [smem:$0x3FFC];
	_ =	sdelay $0x3  }
0x9a: {  	_ =	strace s4  }
0x9b: {  	s4 =	sld [smem:$0x3FFD];
	_ =	sdelay $0x3  }
0x9c: {  	_ =	strace s4  }
0x9d: {  	_ =	strace $0x8FFFFFFF  }
0x9e: {  	s19 =	sld [smem:$0x3FDB];
	_ =	sdelay $0x1  }
0x9f: {  	s5 =	simm.s32 $_scs_section_size  }
0xa0: {  	s6 =	simm.s32 $_size__tile_overlayer_lowered;
	s7 =	simm.s32 $_tile_overlayer_lowered  }
0xa1: {  	s22 =	simm.s32 $0x1BFF;
	s21 =	sshll.u32 s7, $0x1;
	s4 =	sadd.s32 s5, s19  }
0xa2: {  	s8 =	simm.s32 $0x0;
	s20 =	sshll.u32 s6, $0x1;
	s6 =	sadd.s32 s21, s4  }
0xa3: {  	[timem:s8], [sflag:s22] =	dma.local [hbm:s6], s20  }
0xa4: {  	_ =	swait.ge [sflag:s22], s20  }
0xa5: {  	s5 =	ssub.s32 $0x0, s20;
	[sflag:s22] =	ssyncset.done $0x0  }
0xa6: {  	[sflag:s22] =	ssyncadd.s32 s5;
	_ =	sdelay $0x1  }
0xa7: {  	s23 =	simm.s32 $0x1B8B  }
0xa8: {  	_ =	swait.ge [sflag:s23], $0x1  }
0xa9: {  	[sflag:s23] =	ssyncset.done $0x0  }
0xaa: {  	s25 =	simm.s32 $0x1B8E;
	s24 =	sld [smem:$0x3FFE];
	[sflag:s23] =	ssyncadd.s32 $0xFFFFFFFF  }
0xab: {  	s26 =	simm.s32 $execute0_lowered;
	[smem:$0x3FD2] =	sst s25  }
0xac: {  	s6 =	sshll.u32 s26, $0x1;
	_ =	strace $0x80000046;
	[dreg:$0x1] =	wrdreg $0xFFFFFFFF  }
0xad: {  	s28 =	simm.s32 $_size_execute0_lowered;
	s4 =	sadd.s32 s4, s6;
	[dreg:$0x0] =	wrdreg $0x0  }
0xae: {  	s6 =	sshll.u32 s28, $0x1;
	[dreg:$0x2] =	wrdreg s4  }
0xaf: {  	[dreg:$0x3] =	wrdreg s6  }
0xb0: {  	[dreg:$0x4] =	wrdreg $0xC0  }
0xb1: {  	_ =	task [dreg:s8], $0x5FFFF  }
0xb2: {  	[dreg:$0x1] =	wrdreg $0xFFFFFFFF  }
0xb3: {  	[dreg:$0x0] =	wrdreg $0x60  }
0xb4: {  	[dreg:$0x2] =	wrdreg s17  }
0xb5: {  	[dreg:$0x3] =	wrdreg s16  }
0xb6: {  	[dreg:$0x4] =	wrdreg s24  }
0xb7: {  	[dreg:$0x5] =	wrdreg $0x61800  }
0xb8: {  	[dreg:$0x6] =	wrdreg $0x9  }
0xb9: {  	_ =	task.clear_ibuf [dreg:s8], $0x7FFFF;
	_ =	strace $0x90000046  }
0xba: {  	s29 =	simm.s32 $0x9;
	_ =	strace $0x80000048  }
0xbb: {  	_ =	swait.ge [sflag:s29], $0x1  }
0xbc: {  	[sflag:s29] =	ssyncadd.s32 $0xFFFFFFFF  }
0xbd: {  	_ =	strace $0x90000048  }
0xbe: {  	_ =	sfence  }
0xbf: {  	s30 =	sld [smem:$0x0];
	_ =	sdelay $0x2  }
0xc0: {  	s31 =	sshll.u32 s1, $0xD;
	s1 =	sshrl.u32 s1, $0x2  }
0xc1: {  	s3 =	sand.u32 $0x4000, s31;
	s1 =	sadd.s32 s1, s30  }
0xc2: {  	s0 =	sor.u32 s3, s0;
	s1 =	sshll.u32 s1, $0x11  }
0xc3: {  	s0 =	sor.u32 s1, s0  }
0xc4: {  	s0 =	sadd.s32 $0x8F2B, s0  }
0xc5: {  	[sflag:s0] =	ssyncadd.remote.s32 $0x1  }
0xc6: {  	_ =	sfence.sel $0xFFFF  }
0xc7: {  	[dreg:$0x0] =	wrdreg $0xFFFFFFFF;
	(pc) =	sbr.abs _section_cstart, $3  }
0xc8: {  	[dreg:$0x1] =	wrdreg $0xFFFFFFFF  }
0xc9: {  	_ =	task.clear_ibuf [dreg:s8], $0x2FFFF;
	_ =	strace $0x9FFFFFFF  }
0xca: {  	(tm) =	ssettm $0x7FFFFFFF  }
0xcb: {  	_ =	shalt  }
tec
execute0_lowered:
.L_overlay_start_1:
0x0: {  	(tag) =	ssettag $0x1  }
0x1: {  	s3 =	rddreg [dreg:$0x0]  }
0x2: {  	s0 =	rddreg [dreg:$0x1]  }
0x3: {  	s22 =	srdreg.scid;
	s6 =	rddreg [dreg:$0x2]  }
0x4: {  	s5 =	stileid.u32;
	s2 =	rddreg [dreg:$0x3]  }
0x5: {  	s30 =	rddreg [dreg:$0x4];
	s1 =	simm.s32 $0x0;
	p1 =	por $0x0, $0x0  }
0x6: {  	[dreg:$0x5] =	wrdreg s0;
	s7 =	sand.u32 $0x1, s22;
	s23 =	sshll.u32 s5, $0x1  }
0x7: {  	[smem:$0x7FF] =	sst s1;
	s6 =	sadd.s32 $0x102400, s6;
	s0 =	sor.u32 s7, s23  }
0x8: {  	p0 =	sne.s32 s5, $0x0;
	s5 =	simm.s32 $0x7;
	s4 =	smul.u32 $0xC00, s0  }
0x9: {  	_ =	strace $0x80000047;
	s7 =	ssub.s32 $0x2, s7;
	s0 =	smul.u32 $0x6000, s0  }
0xa: {  	s28 =	sshrl.u32 @!p0 s2, $0x3;
	s8 =	sshrl.u32 s4, $0x3;
	s9 =	sor.u32 $0x80, s4  }
0xb: {  	s10 =	sor.u32 $0x100, s4;
	s26 =	sor.u32 $0x180, s4;
	s0 =	sadd.s32 s6, s0  }
0xc: {  	s14 =	sor.u32 $0x200, s4;
	s17 =	sor.u32 $0x280, s4;
	s23 =	sor.u32 $0x300, s4  }
0xd: {  	s8 =	sadd.s32 s3, s8;
	s24 =	sshrl.u32 s9, $0x3;
	s11 =	sshrl.u32 s10, $0x3  }
0xe: {  	s31 =	sshrl.u32 s26, $0x3;
	[dreg:$0x9] =	wrdreg s0;
	s12 =	sshll.u32 s9, $0x3  }
0xf: {  	s15 =	sshrl.u32 s14, $0x3;
	s16 =	sshll.u32 s10, $0x3;
	s19 =	sshrl.u32 s17, $0x3  }
0x10: {  	s21 =	sshll.u32 s26, $0x3;
	s10 =	sshll.u32 s17, $0x3;
	s9 =	sshll.u32 s23, $0x3  }
0x11: {  	[dreg:$0x6] =	wrdreg s8;
	s8 =	sadd.s32 s3, s24;
	s25 =	sadd.s32 s3, s11  }
0x12: {  	s13 =	sadd.s32 s6, s12;
	s0 =	sadd.s32 s3, s15;
	[dreg:$0x7] =	wrdreg s8  }
0x13: {  	s18 =	sadd.s32 s6, s16;
	s20 =	sadd.s32 s3, s19;
	[dreg:$0x8] =	wrdreg s25  }
0x14: {  	s22 =	sadd.s32 s6, s21;
	s24 =	sshrl.u32 s23, $0x3;
	[dreg:$0xb] =	wrdreg s13  }
0x15: {  	s12 =	sadd.s32 s6, s10;
	s15 =	sadd.s32 $0x480, s4;
	[dreg:$0xc] =	wrdreg s0  }
0x16: {  	s16 =	sadd.s32 s6, s9;
	s21 =	sadd.s32 $0x500, s4;
	[dreg:$0xd] =	wrdreg s18  }
0x17: {  	s23 =	sadd.s32 $0x580, s4;
	s10 =	sadd.s32 $0x600, s4;
	[dreg:$0xe] =	wrdreg s20  }
0x18: {  	s11 =	sadd.s32 $0xA00, s4;
	s8 =	sadd.s32 s3, s31;
	[dreg:$0xf] =	wrdreg s22  }
0x19: {  	s0 =	sadd.s32 s3, s24;
	s25 =	sor.u32 $0x380, s4;
	[dreg:$0x13] =	wrdreg s12  }
0x1a: {  	s13 =	sadd.s32 $0x400, s4;
	s17 =	sshrl.u32 s15, $0x3;
	[dreg:$0x15] =	wrdreg s16  }
0x1b: {  	s22 =	sshrl.u32 s21, $0x3;
	s12 =	sshrl.u32 s10, $0x3;
	s9 =	sshll.u32 s21, $0x3  }
0x1c: {  	s21 =	sadd.s32 $0x780, s4;
	[dreg:$0xa] =	wrdreg s8;
	s8 =	sshll.u32 s14, $0x3  }
0x1d: {  	[dreg:$0x10] =	wrdreg s0;
	s31 =	sshrl.u32 s25, $0x3;
	s14 =	sshrl.u32 s13, $0x3  }
0x1e: {  	s18 =	sadd.s32 s3, s17;
	s19 =	sshll.u32 s25, $0x3;
	s25 =	sshrl.u32 s23, $0x3  }
0x1f: {  	s17 =	sshll.u32 s23, $0x3;
	s26 =	sadd.s32 s6, s8;
	[dreg:$0x16] =	wrdreg s18  }
0x20: {  	s23 =	sshrl.u32 s21, $0x3;
	s8 =	sadd.s32 s3, s31;
	[dreg:$0x11] =	wrdreg s26  }
0x21: {  	s0 =	sadd.s32 s3, s14;
	s20 =	sadd.s32 s6, s19;
	[dreg:$0x12] =	wrdreg s8  }
0x22: {  	s31 =	sshll.u32 s15, $0x3;
	s14 =	sadd.s32 s6, s9;
	[dreg:$0x14] =	wrdreg s0  }
0x23: {  	s18 =	sadd.s32 s6, s17;
	s19 =	sadd.s32 $0x700, s4;
	[dreg:$0x17] =	wrdreg s20  }
0x24: {  	s0 =	sadd.s32 s3, s22;
	s8 =	sshll.u32 s13, $0x3;
	[dreg:$0x1d] =	wrdreg s14  }
0x25: {  	s26 =	sadd.s32 s3, s25;
	s13 =	sadd.s32 $0x680, s4;
	[dreg:$0x1f] =	wrdreg s18  }
0x26: {  	s20 =	sshrl.u32 s19, $0x3;
	s9 =	sshll.u32 s19, $0x3;
	[dreg:$0x18] =	wrdreg s0  }
0x27: {  	s18 =	sshll.u32 s21, $0x3;
	s24 =	sadd.s32 s6, s8;
	[dreg:$0x1a] =	wrdreg s26  }
0x28: {  	s8 =	sadd.s32 s6, s31;
	s0 =	sadd.s32 s3, s12;
	s15 =	sshrl.u32 s13, $0x3  }
0x29: {  	s25 =	sshll.u32 s13, $0x3;
	s31 =	sadd.s32 $0x800, s4;
	[dreg:$0x19] =	wrdreg s24  }
0x2a: {  	s13 =	sshrl.u32 s7, $0x1;
	s12 =	sadd.s32 $0x880, s4;
	[dreg:$0x1b] =	wrdreg s8  }
0x2b: {  	s19 =	sadd.s32 s6, s18;
	[dreg:$0x1c] =	wrdreg s0;
	s16 =	sadd.s32 s3, s15  }
0x2c: {  	s0 =	sadd.s32 s3, s20;
	s8 =	sshll.u32 s10, $0x3;
	s24 =	sadd.s32 s3, s23  }
0x2d: {  	s26 =	sadd.s32 s6, s25;
	s14 =	sshrl.u32 s31, $0x3;
	[smem:$0x7F9] =	sst s19  }
0x2e: {  	s15 =	sadd.s32 s6, s9;
	s20 =	sadd.s32 $0x900, s4;
	[dreg:$0x1e] =	wrdreg s16  }
0x2f: {  	s7 =	ssub.s32 s7, s13;
	s13 =	sadd.s32 $0xA80, s4;
	[smem:$0x7F2] =	sst s0  }
0x30: {  	s9 =	simm.s32 $0x100;
	s10 =	simm.s32 $0x2180;
	[smem:$0x7F4] =	sst s24  }
0x31: {  	s22 =	sadd.s32 s6, s8;
	[smem:$0x7F5] =	sst s26;
	s0 =	sadd.s32 s3, s14  }
0x32: {  	s16 =	sshrl.u32 s12, $0x3;
	[smem:$0x7F7] =	sst s15;
	s21 =	sshrl.u32 s20, $0x3  }
0x33: {  	s8 =	sshll.u32 s31, $0x3;
	s31 =	sshll.u32 s12, $0x3;
	s12 =	sshrl.u32 s11, $0x3  }
0x34: {  	s14 =	sshll.u32 s20, $0x3;
	s15 =	sshrl.u32 s13, $0x3;
	[smem:$0x7F3] =	sst s22  }
0x35: {  	[smem:$0x7F6] =	sst s0;
	s17 =	sadd.s32 s3, s16;
	s0 =	sadd.s32 s3, s21  }
0x36: {  	s22 =	sadd.s32 $0x980, s4;
	s24 =	sadd.s32 s6, s8;
	[smem:$0x7F8] =	sst s17  }
0x37: {  	s8 =	sadd.s32 s6, s31;
	s23 =	sadd.s32 s6, s14;
	[smem:$0x7FA] =	sst s0  }
0x38: {  	s31 =	smax.u32 s7, $0x1;
	s7 =	simm.s32 $0x80;
	[smem:$0x7FB] =	sst s24  }
0x39: {  	s14 =	simm.s32 $0x5;
	s25 =	sshrl.u32 s22, $0x3;
	[smem:$0x7FD] =	sst s8  }
0x3a: {  	s24 =	sadd.s32 s3, s15;
	s16 =	sshll.u32 s22, $0x3;
	s17 =	sadd.s32 $0xB00, s4  }
0x3b: {  	s4 =	sadd.s32 $0xB80, s4;
	s8 =	sshll.u32 s11, $0x3;
	s22 =	sshll.u32 s13, $0x3  }
0x3c: {  	s13 =	simm.s32 $0x6;
	s29 =	sadd.s32 $0xFFFFFFFF, s31;
	s11 =	simm.s32 $0x8  }
0x3d: {  	s26 =	sadd.s32 s3, s25;
	s19 =	sadd.s32 s6, s16;
	s18 =	sshrl.u32 s17, $0x3  }
0x3e: {  	s20 =	sshrl.u32 s4, $0x3;
	s15 =	sadd.s32 s6, s8;
	s0 =	sshll.u32 s17, $0x3  }
0x3f: {  	s25 =	sshll.u32 s4, $0x3;
	s17 =	simm.s32 $0x180;
	p2 =	sne.s32 s29, $0x0  }
.Ltmp0:
0x40: {  	s8 =	simm.s32 $0x4180;
	[smem:$0x7FC] =	sst s26;
	(pc) =	sbr.rel @!p2 .LBB2_5-.Ltmp0, $4  }
0x41: {  	s26 =	sadd.s32 s3, s12;
	s21 =	sadd.s32 s3, s18;
	s16 =	sadd.s32 s3, s20  }
0x42: {  	s12 =	sadd.s32 s6, s22;
	s4 =	sadd.s32 s6, s0;
	s3 =	sadd.s32 s6, s25  }
0x43: {  	s25 =	simm.s32 $0x1;
	s22 =	simm.s32 $0x2;
	s20 =	simm.s32 $0x4  }
0x44: {  	s18 =	simm.s32 $0x3;
	s6 =	simm.s32 $0x9;
	s0 =	rddreg [dreg:$0x5]  }
0x45: {  	[smem:$0x7F1] =	sst s29;
	s29 =	simm.s32 @!p0 $0x1C0A;
	s30 =	simm.s32 @!p0 $0xA  }
0x46: {  	[spmem:s28], [sflag:s29] =	dma.local @!p0 [hbm:s0], $0x10000  }
0x47: {  	_ =	swait.ge @!p0 [sflag:s30], $0x10000  }
0x48: {  	[sflag:s30] =	ssyncset.done @!p0 $0x0  }
0x49: {  	[sflag:s30] =	ssyncadd.s32 @!p0 $0xFFFF0000  }
0x4a: {  	[bflag:$0x0] =	sbarrier.arrive $0xFFFF  }
0x4b: {  	s29 =	rddreg [dreg:$0x6]  }
0x4c: {  	[tilespmem:s1], [sflag:$0x1] =	stream.linear.gather [hbm4b:s29+s1], $0x80, $0x38;
	[tilespmem:$0xE180] =	vst v63  }
0x4d: {  	s31 =	rddreg [dreg:$0x7]  }
0x4e: {  	[tilespmem:s7], [sflag:$0x2] =	stream.linear.gather [hbm4b:s31+s1], $0x80, $0x38;
	[tilespmem:$0xE180] =	vst v63  }
0x4f: {  	s29 =	rddreg [dreg:$0x8]  }
0x50: {  	[tilespmem:s9], [sflag:$0x3] =	stream.linear.gather [hbm4b:s29+s1], $0x80, $0x38;
	[tilespmem:$0xE180] =	vst v63  }
0x51: {  	_ =	swait.ge [sflag:s25], $0x80  }
0x52: {  	[sflag:s25] =	ssyncset.done $0x0  }
0x53: {  	[sflag:s25] =	ssyncadd.s32 $0xFFFFFF80  }
0x54: {  	[tilespmem:s17], [sflag:$0x4] =	stream.indirect.gather [spmem:s2], $0x40, s1, s7, $0xb8;
	[tilespmem:$0xE180] =	vst v63  }
0x55: {  	_ =	swait.ge [sflag:s22], $0x80  }
0x56: {  	[sflag:s22] =	ssyncset.done $0x0  }
0x57: {  	[sflag:s22] =	ssyncadd.s32 $0xFFFFFF80  }
0x58: {  	[tilespmem:s10], [sflag:$0x5] =	stream.indirect.gather [spmem:s2], $0x40, s7, s7, $0xb8;
	[tilespmem:$0xE180] =	vst v63  }
0x59: {  	_ =	swait.ge [sflag:s20], $0x2000  }
0x5a: {  	[sflag:s20] =	ssyncset.done $0x0  }
0x5b: {  	s29 =	rddreg [dreg:$0x9];
	[sflag:s20] =	ssyncadd.s32 $0xFFFFE000  }
0x5c: {  	[hbm4b:s29+s1] =	stream.linear.scatter [tilespmem:s17], [sflag:$0x7], $0x2000, $0x38;
	[tilespmem:$0xE180] =	vst v63  }
0x5d: {  	s31 =	rddreg [dreg:$0xa]  }
0x5e: {  	[tilespmem:s1], [sflag:$0x1] =	stream.linear.gather [hbm4b:s31+s1], $0x80, $0x38;
	[tilespmem:$0xE180] =	vst v63  }
0x5f: {  	_ =	swait.ge [sflag:s18], $0x80  }
0x60: {  	[sflag:s18] =	ssyncset.done $0x0  }
0x61: {  	[sflag:s18] =	ssyncadd.s32 $0xFFFFFF80  }
0x62: {  	[tilespmem:s8], [sflag:$0x6] =	stream.indirect.gather [spmem:s2], $0x40, s9, s7, $0xb8;
	[tilespmem:$0xE180] =	vst v63  }
0x63: {  	_ =	swait.ge [sflag:s14], $0x2000  }
0x64: {  	[sflag:s14] =	ssyncset.done $0x0  }
0x65: {  	s29 =	rddreg [dreg:$0xb];
	[sflag:s14] =	ssyncadd.s32 $0xFFFFE000  }
0x66: {  	[hbm4b:s29+s1] =	stream.linear.scatter [tilespmem:s10], [sflag:$0x8], $0x2000, $0x38;
	[tilespmem:$0xE180] =	vst v63  }
0x67: {  	s31 =	rddreg [dreg:$0xc]  }
0x68: {  	[tilespmem:s7], [sflag:$0x2] =	stream.linear.gather [hbm4b:s31+s1], $0x80, $0x38;
	[tilespmem:$0xE180] =	vst v63  }
0x69: {  	_ =	swait.ge [sflag:s25], $0x80  }
0x6a: {  	[sflag:s25] =	ssyncset.done $0x0  }
0x6b: {  	[sflag:s25] =	ssyncadd.s32 $0xFFFFFF80  }
0x6c: {  	_ =	swait.ge [sflag:s5], $0x2000  }
0x6d: {  	[sflag:s5] =	ssyncset.done $0x0  }
0x6e: {  	[sflag:s5] =	ssyncadd.s32 $0xFFFFE000  }
0x6f: {  	[tilespmem:s17], [sflag:$0x4] =	stream.indirect.gather [spmem:s2], $0x40, s1, s7, $0xb8;
	[tilespmem:$0xE180] =	vst v63  }
0x70: {  	_ =	swait.ge [sflag:s13], $0x2000  }
0x71: {  	[sflag:s13] =	ssyncset.done $0x0  }
0x72: {  	s29 =	rddreg [dreg:$0xd];
	[sflag:s13] =	ssyncadd.s32 $0xFFFFE000  }
0x73: {  	[hbm4b:s29+s1] =	stream.linear.scatter [tilespmem:s8], [sflag:$0x9], $0x2000, $0x38;
	[tilespmem:$0xE180] =	vst v63  }
0x74: {  	s31 =	rddreg [dreg:$0xe]  }
0x75: {  	[tilespmem:s9], [sflag:$0x3] =	stream.linear.gather [hbm4b:s31+s1], $0x80, $0x38;
	[tilespmem:$0xE180] =	vst v63  }
0x76: {  	_ =	swait.ge [sflag:s22], $0x80  }
0x77: {  	[sflag:s22] =	ssyncset.done $0x0  }
0x78: {  	[sflag:s22] =	ssyncadd.s32 $0xFFFFFF80  }
0x79: {  	_ =	swait.ge [sflag:s11], $0x2000  }
0x7a: {  	[sflag:s11] =	ssyncset.done $0x0  }
0x7b: {  	[sflag:s11] =	ssyncadd.s32 $0xFFFFE000  }
0x7c: {  	[tilespmem:s10], [sflag:$0x5] =	stream.indirect.gather [spmem:s2], $0x40, s7, s7, $0xb8;
	[tilespmem:$0xE180] =	vst v63  }
0x7d: {  	_ =	swait.ge [sflag:s20], $0x2000  }
0x7e: {  	[sflag:s20] =	ssyncset.done $0x0  }
0x7f: {  	s29 =	rddreg [dreg:$0xf];
	[sflag:s20] =	ssyncadd.s32 $0xFFFFE000  }
0x80: {  	[hbm4b:s29+s1] =	stream.linear.scatter [tilespmem:s17], [sflag:$0x7], $0x2000, $0x38;
	[tilespmem:$0xE180] =	vst v63  }
0x81: {  	s31 =	rddreg [dreg:$0x10]  }
0x82: {  	[tilespmem:s1], [sflag:$0x1] =	stream.linear.gather [hbm4b:s31+s1], $0x80, $0x38;
	[tilespmem:$0xE180] =	vst v63  }
0x83: {  	_ =	swait.ge [sflag:s18], $0x80  }
0x84: {  	[sflag:s18] =	ssyncset.done $0x0  }
0x85: {  	[sflag:s18] =	ssyncadd.s32 $0xFFFFFF80  }
0x86: {  	_ =	swait.ge [sflag:s6], $0x2000  }
0x87: {  	[sflag:s6] =	ssyncset.done $0x0  }
0x88: {  	[sflag:s6] =	ssyncadd.s32 $0xFFFFE000  }
0x89: {  	[tilespmem:s8], [sflag:$0x6] =	stream.indirect.gather [spmem:s2], $0x40, s9, s7, $0xb8;
	[tilespmem:$0xE180] =	vst v63  }
0x8a: {  	_ =	swait.ge [sflag:s14], $0x2000  }
0x8b: {  	[sflag:s14] =	ssyncset.done $0x0  }
0x8c: {  	s29 =	rddreg [dreg:$0x11];
	[sflag:s14] =	ssyncadd.s32 $0xFFFFE000  }
0x8d: {  	[hbm4b:s29+s1] =	stream.linear.scatter [tilespmem:s10], [sflag:$0x8], $0x2000, $0x38;
	[tilespmem:$0xE180] =	vst v63  }
0x8e: {  	s31 =	rddreg [dreg:$0x12]  }
0x8f: {  	[tilespmem:s7], [sflag:$0x2] =	stream.linear.gather [hbm4b:s31+s1], $0x80, $0x38;
	[tilespmem:$0xE180] =	vst v63  }
0x90: {  	_ =	swait.ge [sflag:s25], $0x80  }
0x91: {  	[sflag:s25] =	ssyncset.done $0x0  }
0x92: {  	[sflag:s25] =	ssyncadd.s32 $0xFFFFFF80  }
0x93: {  	_ =	swait.ge [sflag:s5], $0x2000  }
0x94: {  	[sflag:s5] =	ssyncset.done $0x0  }
0x95: {  	[sflag:s5] =	ssyncadd.s32 $0xFFFFE000  }
0x96: {  	[tilespmem:s17], [sflag:$0x4] =	stream.indirect.gather [spmem:s2], $0x40, s1, s7, $0xb8;
	[tilespmem:$0xE180] =	vst v63  }
0x97: {  	_ =	swait.ge [sflag:s13], $0x2000  }
0x98: {  	[sflag:s13] =	ssyncset.done $0x0  }
0x99: {  	s29 =	rddreg [dreg:$0x13];
	[sflag:s13] =	ssyncadd.s32 $0xFFFFE000  }
0x9a: {  	[hbm4b:s29+s1] =	stream.linear.scatter [tilespmem:s8], [sflag:$0x9], $0x2000, $0x38;
	[tilespmem:$0xE180] =	vst v63  }
0x9b: {  	s31 =	rddreg [dreg:$0x14]  }
0x9c: {  	[tilespmem:s9], [sflag:$0x3] =	stream.linear.gather [hbm4b:s31+s1], $0x80, $0x38;
	[tilespmem:$0xE180] =	vst v63  }
0x9d: {  	_ =	swait.ge [sflag:s22], $0x80  }
0x9e: {  	[sflag:s22] =	ssyncset.done $0x0  }
0x9f: {  	[sflag:s22] =	ssyncadd.s32 $0xFFFFFF80  }
0xa0: {  	_ =	swait.ge [sflag:s11], $0x2000  }
0xa1: {  	[sflag:s11] =	ssyncset.done $0x0  }
0xa2: {  	[sflag:s11] =	ssyncadd.s32 $0xFFFFE000  }
0xa3: {  	[tilespmem:s10], [sflag:$0x5] =	stream.indirect.gather [spmem:s2], $0x40, s7, s7, $0xb8;
	[tilespmem:$0xE180] =	vst v63  }
0xa4: {  	_ =	swait.ge [sflag:s20], $0x2000  }
0xa5: {  	[sflag:s20] =	ssyncset.done $0x0  }
0xa6: {  	s29 =	rddreg [dreg:$0x15];
	[sflag:s20] =	ssyncadd.s32 $0xFFFFE000  }
0xa7: {  	[hbm4b:s29+s1] =	stream.linear.scatter [tilespmem:s17], [sflag:$0x7], $0x2000, $0x38;
	[tilespmem:$0xE180] =	vst v63  }
0xa8: {  	s31 =	rddreg [dreg:$0x16]  }
0xa9: {  	[tilespmem:s1], [sflag:$0x1] =	stream.linear.gather [hbm4b:s31+s1], $0x80, $0x38;
	[tilespmem:$0xE180] =	vst v63  }
0xaa: {  	_ =	swait.ge [sflag:s18], $0x80  }
0xab: {  	[sflag:s18] =	ssyncset.done $0x0  }
0xac: {  	[sflag:s18] =	ssyncadd.s32 $0xFFFFFF80  }
0xad: {  	_ =	swait.ge [sflag:s6], $0x2000  }
0xae: {  	[sflag:s6] =	ssyncset.done $0x0  }
0xaf: {  	[sflag:s6] =	ssyncadd.s32 $0xFFFFE000  }
0xb0: {  	[tilespmem:s8], [sflag:$0x6] =	stream.indirect.gather [spmem:s2], $0x40, s9, s7, $0xb8;
	[tilespmem:$0xE180] =	vst v63  }
0xb1: {  	_ =	swait.ge [sflag:s14], $0x2000  }
0xb2: {  	[sflag:s14] =	ssyncset.done $0x0  }
0xb3: {  	s29 =	rddreg [dreg:$0x17];
	[sflag:s14] =	ssyncadd.s32 $0xFFFFE000  }
0xb4: {  	[hbm4b:s29+s1] =	stream.linear.scatter [tilespmem:s10], [sflag:$0x8], $0x2000, $0x38;
	[tilespmem:$0xE180] =	vst v63  }
0xb5: {  	s31 =	rddreg [dreg:$0x18]  }
0xb6: {  	[tilespmem:s7], [sflag:$0x2] =	stream.linear.gather [hbm4b:s31+s1], $0x80, $0x38;
	[tilespmem:$0xE180] =	vst v63  }
0xb7: {  	_ =	swait.ge [sflag:s25], $0x80  }
0xb8: {  	[sflag:s25] =	ssyncset.done $0x0  }
0xb9: {  	[sflag:s25] =	ssyncadd.s32 $0xFFFFFF80  }
0xba: {  	_ =	swait.ge [sflag:s5], $0x2000  }
0xbb: {  	[sflag:s5] =	ssyncset.done $0x0  }
0xbc: {  	[sflag:s5] =	ssyncadd.s32 $0xFFFFE000  }
0xbd: {  	[tilespmem:s17], [sflag:$0x4] =	stream.indirect.gather [spmem:s2], $0x40, s1, s7, $0xb8;
	[tilespmem:$0xE180] =	vst v63  }
0xbe: {  	_ =	swait.ge [sflag:s13], $0x2000  }
0xbf: {  	[sflag:s13] =	ssyncset.done $0x0  }
0xc0: {  	s29 =	rddreg [dreg:$0x19];
	[sflag:s13] =	ssyncadd.s32 $0xFFFFE000  }
0xc1: {  	[hbm4b:s29+s1] =	stream.linear.scatter [tilespmem:s8], [sflag:$0x9], $0x2000, $0x38;
	[tilespmem:$0xE180] =	vst v63  }
0xc2: {  	s31 =	rddreg [dreg:$0x1a]  }
0xc3: {  	[tilespmem:s9], [sflag:$0x3] =	stream.linear.gather [hbm4b:s31+s1], $0x80, $0x38;
	[tilespmem:$0xE180] =	vst v63  }
0xc4: {  	_ =	swait.ge [sflag:s22], $0x80  }
0xc5: {  	[sflag:s22] =	ssyncset.done $0x0  }
0xc6: {  	[sflag:s22] =	ssyncadd.s32 $0xFFFFFF80  }
0xc7: {  	_ =	swait.ge [sflag:s11], $0x2000  }
0xc8: {  	[sflag:s11] =	ssyncset.done $0x0  }
0xc9: {  	[sflag:s11] =	ssyncadd.s32 $0xFFFFE000  }
0xca: {  	[tilespmem:s10], [sflag:$0x5] =	stream.indirect.gather [spmem:s2], $0x40, s7, s7, $0xb8;
	[tilespmem:$0xE180] =	vst v63  }
0xcb: {  	_ =	swait.ge [sflag:s20], $0x2000  }
0xcc: {  	[sflag:s20] =	ssyncset.done $0x0  }
0xcd: {  	s29 =	rddreg [dreg:$0x1b];
	[sflag:s20] =	ssyncadd.s32 $0xFFFFE000  }
0xce: {  	[hbm4b:s29+s1] =	stream.linear.scatter [tilespmem:s17], [sflag:$0x7], $0x2000, $0x38;
	[tilespmem:$0xE180] =	vst v63  }
0xcf: {  	s31 =	rddreg [dreg:$0x1c]  }
0xd0: {  	[tilespmem:s1], [sflag:$0x1] =	stream.linear.gather [hbm4b:s31+s1], $0x80, $0x38;
	[tilespmem:$0xE180] =	vst v63  }
0xd1: {  	_ =	swait.ge [sflag:s18], $0x80  }
0xd2: {  	[sflag:s18] =	ssyncset.done $0x0  }
0xd3: {  	[sflag:s18] =	ssyncadd.s32 $0xFFFFFF80  }
0xd4: {  	_ =	swait.ge [sflag:s6], $0x2000  }
0xd5: {  	[sflag:s6] =	ssyncset.done $0x0  }
0xd6: {  	[sflag:s6] =	ssyncadd.s32 $0xFFFFE000  }
0xd7: {  	[tilespmem:s8], [sflag:$0x6] =	stream.indirect.gather [spmem:s2], $0x40, s9, s7, $0xb8;
	[tilespmem:$0xE180] =	vst v63  }
0xd8: {  	_ =	swait.ge [sflag:s14], $0x2000  }
0xd9: {  	[sflag:s14] =	ssyncset.done $0x0  }
0xda: {  	s29 =	rddreg [dreg:$0x1d];
	[sflag:s14] =	ssyncadd.s32 $0xFFFFE000  }
0xdb: {  	[hbm4b:s29+s1] =	stream.linear.scatter [tilespmem:s10], [sflag:$0x8], $0x2000, $0x38;
	[tilespmem:$0xE180] =	vst v63  }
0xdc: {  	s31 =	rddreg [dreg:$0x1e]  }
0xdd: {  	[tilespmem:s7], [sflag:$0x2] =	stream.linear.gather [hbm4b:s31+s1], $0x80, $0x38;
	[tilespmem:$0xE180] =	vst v63  }
0xde: {  	_ =	swait.ge [sflag:s25], $0x80  }
0xdf: {  	[sflag:s25] =	ssyncset.done $0x0  }
0xe0: {  	[sflag:s25] =	ssyncadd.s32 $0xFFFFFF80  }
0xe1: {  	_ =	swait.ge [sflag:s5], $0x2000  }
0xe2: {  	[sflag:s5] =	ssyncset.done $0x0  }
0xe3: {  	[sflag:s5] =	ssyncadd.s32 $0xFFFFE000  }
0xe4: {  	[tilespmem:s17], [sflag:$0x4] =	stream.indirect.gather [spmem:s2], $0x40, s1, s7, $0xb8;
	[tilespmem:$0xE180] =	vst v63  }
0xe5: {  	_ =	swait.ge [sflag:s13], $0x2000  }
0xe6: {  	s29 =	rddreg [dreg:$0x1f];
	[sflag:s13] =	ssyncset.done $0x0  }
0xe7: {  	s31 =	sld [smem:$0x7F2];
	[sflag:s13] =	ssyncadd.s32 $0xFFFFE000  }
0xe8: {  	[hbm4b:s29+s1] =	stream.linear.scatter [tilespmem:s8], [sflag:$0x9], $0x2000, $0x38;
	[tilespmem:$0xE180] =	vst v63  }
0xe9: {  	_ = 	snop  }
0xea: {  	[tilespmem:s9], [sflag:$0x3] =	stream.linear.gather [hbm4b:s31+s1], $0x80, $0x38;
	[tilespmem:$0xE180] =	vst v63  }
0xeb: {  	_ =	swait.ge [sflag:s22], $0x80  }
0xec: {  	[sflag:s22] =	ssyncset.done $0x0  }
0xed: {  	[sflag:s22] =	ssyncadd.s32 $0xFFFFFF80  }
0xee: {  	_ =	swait.ge [sflag:s11], $0x2000  }
0xef: {  	[sflag:s11] =	ssyncset.done $0x0  }
0xf0: {  	[sflag:s11] =	ssyncadd.s32 $0xFFFFE000  }
0xf1: {  	[tilespmem:s10], [sflag:$0x5] =	stream.indirect.gather [spmem:s2], $0x40, s7, s7, $0xb8;
	[tilespmem:$0xE180] =	vst v63  }
0xf2: {  	_ =	swait.ge [sflag:s20], $0x2000  }
0xf3: {  	s29 =	sld [smem:$0x7F3]  }
0xf4: {  	[sflag:s20] =	ssyncset.done $0x0  }
0xf5: {  	s31 =	sld [smem:$0x7F4];
	[sflag:s20] =	ssyncadd.s32 $0xFFFFE000  }
0xf6: {  	[hbm4b:s29+s1] =	stream.linear.scatter [tilespmem:s17], [sflag:$0x7], $0x2000, $0x38;
	[tilespmem:$0xE180] =	vst v63  }
0xf7: {  	_ = 	snop  }
0xf8: {  	[tilespmem:s1], [sflag:$0x1] =	stream.linear.gather [hbm4b:s31+s1], $0x80, $0x38;
	[tilespmem:$0xE180] =	vst v63  }
0xf9: {  	_ =	swait.ge [sflag:s18], $0x80  }
0xfa: {  	[sflag:s18] =	ssyncset.done $0x0  }
0xfb: {  	[sflag:s18] =	ssyncadd.s32 $0xFFFFFF80  }
0xfc: {  	_ =	swait.ge [sflag:s6], $0x2000  }
0xfd: {  	[sflag:s6] =	ssyncset.done $0x0  }
0xfe: {  	[sflag:s6] =	ssyncadd.s32 $0xFFFFE000  }
0xff: {  	[tilespmem:s8], [sflag:$0x6] =	stream.indirect.gather [spmem:s2], $0x40, s9, s7, $0xb8;
	[tilespmem:$0xE180] =	vst v63  }
0x100: {  	_ =	swait.ge [sflag:s14], $0x2000  }
0x101: {  	s29 =	sld [smem:$0x7F5]  }
0x102: {  	[sflag:s14] =	ssyncset.done $0x0  }
0x103: {  	s31 =	sld [smem:$0x7F6];
	[sflag:s14] =	ssyncadd.s32 $0xFFFFE000  }
0x104: {  	[hbm4b:s29+s1] =	stream.linear.scatter [tilespmem:s10], [sflag:$0x8], $0x2000, $0x38;
	[tilespmem:$0xE180] =	vst v63  }
0x105: {  	_ = 	snop  }
0x106: {  	[tilespmem:s7], [sflag:$0x2] =	stream.linear.gather [hbm4b:s31+s1], $0x80, $0x38;
	[tilespmem:$0xE180] =	vst v63  }
0x107: {  	_ =	swait.ge [sflag:s25], $0x80  }
0x108: {  	[sflag:s25] =	ssyncset.done $0x0  }
0x109: {  	[sflag:s25] =	ssyncadd.s32 $0xFFFFFF80  }
0x10a: {  	_ =	swait.ge [sflag:s5], $0x2000  }
0x10b: {  	[sflag:s5] =	ssyncset.done $0x0  }
0x10c: {  	[sflag:s5] =	ssyncadd.s32 $0xFFFFE000  }
0x10d: {  	[tilespmem:s17], [sflag:$0x4] =	stream.indirect.gather [spmem:s2], $0x40, s1, s7, $0xb8;
	[tilespmem:$0xE180] =	vst v63  }
0x10e: {  	_ =	swait.ge [sflag:s13], $0x2000  }
0x10f: {  	s29 =	sld [smem:$0x7F7]  }
0x110: {  	[sflag:s13] =	ssyncset.done $0x0  }
0x111: {  	s31 =	sld [smem:$0x7F8];
	[sflag:s13] =	ssyncadd.s32 $0xFFFFE000  }
0x112: {  	[hbm4b:s29+s1] =	stream.linear.scatter [tilespmem:s8], [sflag:$0x9], $0x2000, $0x38;
	[tilespmem:$0xE180] =	vst v63  }
0x113: {  	_ = 	snop  }
0x114: {  	[tilespmem:s9], [sflag:$0x3] =	stream.linear.gather [hbm4b:s31+s1], $0x80, $0x38;
	[tilespmem:$0xE180] =	vst v63  }
0x115: {  	_ =	swait.ge [sflag:s22], $0x80  }
0x116: {  	[sflag:s22] =	ssyncset.done $0x0  }
0x117: {  	[sflag:s22] =	ssyncadd.s32 $0xFFFFFF80  }
0x118: {  	_ =	swait.ge [sflag:s11], $0x2000  }
0x119: {  	[sflag:s11] =	ssyncset.done $0x0  }
0x11a: {  	[sflag:s11] =	ssyncadd.s32 $0xFFFFE000  }
0x11b: {  	[tilespmem:s10], [sflag:$0x5] =	stream.indirect.gather [spmem:s2], $0x40, s7, s7, $0xb8;
	[tilespmem:$0xE180] =	vst v63  }
0x11c: {  	_ =	swait.ge [sflag:s20], $0x2000  }
0x11d: {  	s29 =	sld [smem:$0x7F9]  }
0x11e: {  	[sflag:s20] =	ssyncset.done $0x0  }
0x11f: {  	s31 =	sld [smem:$0x7FA];
	[sflag:s20] =	ssyncadd.s32 $0xFFFFE000  }
0x120: {  	[hbm4b:s29+s1] =	stream.linear.scatter [tilespmem:s17], [sflag:$0x7], $0x2000, $0x38;
	[tilespmem:$0xE180] =	vst v63  }
0x121: {  	_ = 	snop  }
0x122: {  	[tilespmem:s1], [sflag:$0x1] =	stream.linear.gather [hbm4b:s31+s1], $0x80, $0x38;
	[tilespmem:$0xE180] =	vst v63  }
0x123: {  	_ =	swait.ge [sflag:s18], $0x80  }
0x124: {  	[sflag:s18] =	ssyncset.done $0x0  }
0x125: {  	[sflag:s18] =	ssyncadd.s32 $0xFFFFFF80  }
0x126: {  	_ =	swait.ge [sflag:s6], $0x2000  }
0x127: {  	[sflag:s6] =	ssyncset.done $0x0  }
0x128: {  	[sflag:s6] =	ssyncadd.s32 $0xFFFFE000  }
0x129: {  	[tilespmem:s8], [sflag:$0x6] =	stream.indirect.gather [spmem:s2], $0x40, s9, s7, $0xb8;
	[tilespmem:$0xE180] =	vst v63  }
0x12a: {  	_ =	swait.ge [sflag:s14], $0x2000  }
0x12b: {  	s29 =	sld [smem:$0x7FB]  }
0x12c: {  	[sflag:s14] =	ssyncset.done $0x0  }
0x12d: {  	s31 =	sld [smem:$0x7FC];
	[sflag:s14] =	ssyncadd.s32 $0xFFFFE000  }
0x12e: {  	[hbm4b:s29+s1] =	stream.linear.scatter [tilespmem:s10], [sflag:$0x8], $0x2000, $0x38;
	[tilespmem:$0xE180] =	vst v63  }
0x12f: {  	_ = 	snop  }
0x130: {  	[tilespmem:s7], [sflag:$0x2] =	stream.linear.gather [hbm4b:s31+s1], $0x80, $0x38;
	[tilespmem:$0xE180] =	vst v63  }
0x131: {  	_ =	swait.ge [sflag:s25], $0x80  }
0x132: {  	[sflag:s25] =	ssyncset.done $0x0  }
0x133: {  	[sflag:s25] =	ssyncadd.s32 $0xFFFFFF80  }
0x134: {  	_ =	swait.ge [sflag:s5], $0x2000  }
0x135: {  	[sflag:s5] =	ssyncset.done $0x0  }
0x136: {  	[sflag:s5] =	ssyncadd.s32 $0xFFFFE000  }
0x137: {  	[tilespmem:s17], [sflag:$0x4] =	stream.indirect.gather [spmem:s2], $0x40, s1, s7, $0xb8;
	[tilespmem:$0xE180] =	vst v63  }
0x138: {  	_ =	swait.ge [sflag:s13], $0x2000  }
0x139: {  	s29 =	sld [smem:$0x7FD]  }
0x13a: {  	[sflag:s13] =	ssyncset.done $0x0  }
0x13b: {  	[sflag:s13] =	ssyncadd.s32 $0xFFFFE000  }
0x13c: {  	[hbm4b:s29+s1] =	stream.linear.scatter [tilespmem:s8], [sflag:$0x9], $0x2000, $0x38;
	[tilespmem:$0xE180] =	vst v63  }
0x13d: {  	_ = 	snop  }
0x13e: {  	[tilespmem:s9], [sflag:$0x3] =	stream.linear.gather [hbm4b:s26+s1], $0x80, $0x38;
	[tilespmem:$0xE180] =	vst v63  }
0x13f: {  	_ =	swait.ge [sflag:s22], $0x80  }
0x140: {  	[sflag:s22] =	ssyncset.done $0x0  }
0x141: {  	[sflag:s22] =	ssyncadd.s32 $0xFFFFFF80  }
0x142: {  	_ =	swait.ge [sflag:s11], $0x2000  }
0x143: {  	[sflag:s11] =	ssyncset.done $0x0  }
0x144: {  	[sflag:s11] =	ssyncadd.s32 $0xFFFFE000  }
0x145: {  	[tilespmem:s10], [sflag:$0x5] =	stream.indirect.gather [spmem:s2], $0x40, s7, s7, $0xb8;
	[tilespmem:$0xE180] =	vst v63  }
0x146: {  	_ =	swait.ge [sflag:s20], $0x2000  }
0x147: {  	[sflag:s20] =	ssyncset.done $0x0  }
0x148: {  	[sflag:s20] =	ssyncadd.s32 $0xFFFFE000  }
0x149: {  	[hbm4b:s23+s1] =	stream.linear.scatter [tilespmem:s17], [sflag:$0x7], $0x2000, $0x38;
	[tilespmem:$0xE180] =	vst v63  }
0x14a: {  	_ = 	snop  }
0x14b: {  	[tilespmem:s1], [sflag:$0x1] =	stream.linear.gather [hbm4b:s24+s1], $0x80, $0x38;
	[tilespmem:$0xE180] =	vst v63  }
0x14c: {  	_ =	swait.ge [sflag:s18], $0x80  }
0x14d: {  	[sflag:s18] =	ssyncset.done $0x0  }
0x14e: {  	[sflag:s18] =	ssyncadd.s32 $0xFFFFFF80  }
0x14f: {  	_ =	swait.ge [sflag:s6], $0x2000  }
0x150: {  	[sflag:s6] =	ssyncset.done $0x0  }
0x151: {  	[sflag:s6] =	ssyncadd.s32 $0xFFFFE000  }
0x152: {  	[tilespmem:s8], [sflag:$0x6] =	stream.indirect.gather [spmem:s2], $0x40, s9, s7, $0xb8;
	[tilespmem:$0xE180] =	vst v63  }
0x153: {  	_ =	swait.ge [sflag:s14], $0x2000  }
0x154: {  	[sflag:s14] =	ssyncset.done $0x0  }
0x155: {  	[sflag:s14] =	ssyncadd.s32 $0xFFFFE000  }
0x156: {  	[hbm4b:s19+s1] =	stream.linear.scatter [tilespmem:s10], [sflag:$0x8], $0x2000, $0x38;
	[tilespmem:$0xE180] =	vst v63  }
0x157: {  	_ = 	snop  }
0x158: {  	[tilespmem:s7], [sflag:$0x2] =	stream.linear.gather [hbm4b:s21+s1], $0x80, $0x38;
	[tilespmem:$0xE180] =	vst v63  }
0x159: {  	_ =	swait.ge [sflag:s25], $0x80  }
0x15a: {  	[sflag:s25] =	ssyncset.done $0x0  }
0x15b: {  	[sflag:s25] =	ssyncadd.s32 $0xFFFFFF80  }
0x15c: {  	_ =	swait.ge [sflag:s5], $0x2000  }
0x15d: {  	[sflag:s5] =	ssyncset.done $0x0  }
0x15e: {  	[sflag:s5] =	ssyncadd.s32 $0xFFFFE000  }
0x15f: {  	[tilespmem:s17], [sflag:$0x4] =	stream.indirect.gather [spmem:s2], $0x40, s1, s7, $0xb8;
	[tilespmem:$0xE180] =	vst v63  }
0x160: {  	_ =	swait.ge [sflag:s13], $0x2000  }
0x161: {  	[sflag:s13] =	ssyncset.done $0x0  }
0x162: {  	[sflag:s13] =	ssyncadd.s32 $0xFFFFE000  }
0x163: {  	[hbm4b:s15+s1] =	stream.linear.scatter [tilespmem:s8], [sflag:$0x9], $0x2000, $0x38;
	[tilespmem:$0xE180] =	vst v63  }
0x164: {  	_ = 	snop  }
0x165: {  	[tilespmem:s9], [sflag:$0x3] =	stream.linear.gather [hbm4b:s16+s1], $0x80, $0x38;
	[tilespmem:$0xE180] =	vst v63  }
0x166: {  	_ =	swait.ge [sflag:s22], $0x80  }
0x167: {  	[sflag:s22] =	ssyncset.done $0x0  }
0x168: {  	[sflag:s22] =	ssyncadd.s32 $0xFFFFFF80  }
0x169: {  	_ =	swait.ge [sflag:s11], $0x2000  }
0x16a: {  	[sflag:s11] =	ssyncset.done $0x0  }
0x16b: {  	[sflag:s11] =	ssyncadd.s32 $0xFFFFE000  }
0x16c: {  	[tilespmem:s10], [sflag:$0x5] =	stream.indirect.gather [spmem:s2], $0x40, s7, s7, $0xb8;
	[tilespmem:$0xE180] =	vst v63  }
0x16d: {  	_ =	swait.ge [sflag:s20], $0x2000  }
0x16e: {  	[sflag:s20] =	ssyncset.done $0x0  }
0x16f: {  	[sflag:s20] =	ssyncadd.s32 $0xFFFFE000  }
0x170: {  	[hbm4b:s12+s1] =	stream.linear.scatter [tilespmem:s17], [sflag:$0x7], $0x2000, $0x38;
	[tilespmem:$0xE180] =	vst v63  }
0x171: {  	_ =	swait.ge [sflag:s18], $0x80  }
0x172: {  	[sflag:s18] =	ssyncset.done $0x0  }
0x173: {  	[sflag:s18] =	ssyncadd.s32 $0xFFFFFF80  }
0x174: {  	_ =	swait.ge [sflag:s6], $0x2000  }
0x175: {  	[sflag:s6] =	ssyncset.done $0x0  }
0x176: {  	[sflag:s6] =	ssyncadd.s32 $0xFFFFE000  }
0x177: {  	[tilespmem:s8], [sflag:$0x6] =	stream.indirect.gather [spmem:s2], $0x40, s9, s7, $0xb8;
	[tilespmem:$0xE180] =	vst v63  }
0x178: {  	_ =	swait.ge [sflag:s14], $0x2000  }
0x179: {  	[sflag:s14] =	ssyncset.done $0x0  }
0x17a: {  	[sflag:s14] =	ssyncadd.s32 $0xFFFFE000  }
0x17b: {  	[hbm4b:s4+s1] =	stream.linear.scatter [tilespmem:s10], [sflag:$0x8], $0x2000, $0x38;
	[tilespmem:$0xE180] =	vst v63  }
0x17c: {  	_ =	swait.ge [sflag:s13], $0x2000  }
0x17d: {  	[sflag:s13] =	ssyncset.done $0x0  }
0x17e: {  	[sflag:s13] =	ssyncadd.s32 $0xFFFFE000  }
0x17f: {  	[hbm4b:s3+s1] =	stream.linear.scatter [tilespmem:s8], [sflag:$0x9], $0x2000, $0x38;
	[tilespmem:$0xE180] =	vst v63  }
0x180: {  	_ =	swait.ge [sflag:s5], $0x2000  }
0x181: {  	[sflag:s5] =	ssyncset.done $0x0  }
0x182: {  	[sflag:s5] =	ssyncadd.s32 $0xFFFFE000  }
0x183: {  	_ =	swait.ge [sflag:s11], $0x2000  }
0x184: {  	s29 =	sld [smem:$0x7F1];
	_ =	sdelay $0x2  }
0x185: {  	s31 =	sadd.s32 $0xFFFFFFFF, s29  }
0x186: {  	p2 =	sne.s32 s31, $0x0  }
.Ltmp1:
0x187: {  	_ = 	snop;
	(pc) =	sbr.rel @!p2 .LBB2_2-.Ltmp1, $4  }
0x188: {  	[sflag:s11] =	ssyncset.done $0x0  }
0x189: {  	[sflag:s11] =	ssyncadd.s32 $0xFFFFE000  }
0x18a: {  	_ =	swait.ge [sflag:s6], $0x2000  }
0x18b: {  	p1 =	por $0x1, $0x1;
	s0 =	rddreg [dreg:$0x5];
	[sflag:s6] =	ssyncset.done $0x0  }
.LBB2_3:
0x18c: {  	[sflag:s6] =	ssyncadd.s32 $0xFFFFE000;
	s29 =	simm.s32 @!p0 $0x1C0A  }
0x18d: {  	[spmem:s28], [sflag:s29] =	dma.local @!p0 [hbm:s0], $0x10000  }
0x18e: {  	_ =	swait.ge @!p0 [sflag:s30], $0x10000  }
0x18f: {  	[sflag:s30] =	ssyncset.done @!p0 $0x0  }
0x190: {  	[sflag:s30] =	ssyncadd.s32 @!p0 $0xFFFF0000  }
0x191: {  	[bflag:$0x0] =	sbarrier.arrive $0xFFFF  }
0x192: {  	s0 =	rddreg [dreg:$0x6]  }
0x193: {  	[tilespmem:s1], [sflag:$0x1] =	stream.linear.gather [hbm4b:s0+s1], $0x80, $0x38;
	[tilespmem:$0xE180] =	vst v63  }
0x194: {  	s29 =	rddreg [dreg:$0x7]  }
0x195: {  	[tilespmem:s7], [sflag:$0x2] =	stream.linear.gather [hbm4b:s29+s1], $0x80, $0x38;
	[tilespmem:$0xE180] =	vst v63  }
0x196: {  	s0 =	rddreg [dreg:$0x8]  }
0x197: {  	[tilespmem:s9], [sflag:$0x3] =	stream.linear.gather [hbm4b:s0+s1], $0x80, $0x38;
	[tilespmem:$0xE180] =	vst v63  }
0x198: {  	_ =	swait.ge [sflag:s25], $0x80  }
0x199: {  	[sflag:s25] =	ssyncset.done $0x0  }
0x19a: {  	[sflag:s25] =	ssyncadd.s32 $0xFFFFFF80  }
0x19b: {  	[tilespmem:s17], [sflag:$0x4] =	stream.indirect.gather [spmem:s2], $0x40, s1, s7, $0xb8;
	[tilespmem:$0xE180] =	vst v63  }
0x19c: {  	_ =	swait.ge [sflag:s22], $0x80  }
0x19d: {  	[sflag:s22] =	ssyncset.done $0x0  }
0x19e: {  	[sflag:s22] =	ssyncadd.s32 $0xFFFFFF80  }
0x19f: {  	[tilespmem:s10], [sflag:$0x5] =	stream.indirect.gather [spmem:s2], $0x40, s7, s7, $0xb8;
	[tilespmem:$0xE180] =	vst v63  }
0x1a0: {  	_ =	swait.ge [sflag:s20], $0x2000  }
0x1a1: {  	[sflag:s20] =	ssyncset.done $0x0  }
0x1a2: {  	s0 =	rddreg [dreg:$0x9];
	[sflag:s20] =	ssyncadd.s32 $0xFFFFE000  }
0x1a3: {  	[hbm4b:s0+s1] =	stream.linear.scatter [tilespmem:s17], [sflag:$0x7], $0x2000, $0x38;
	[tilespmem:$0xE180] =	vst v63  }
0x1a4: {  	s29 =	rddreg [dreg:$0xa]  }
0x1a5: {  	[tilespmem:s1], [sflag:$0x1] =	stream.linear.gather [hbm4b:s29+s1], $0x80, $0x38;
	[tilespmem:$0xE180] =	vst v63  }
0x1a6: {  	_ =	swait.ge [sflag:s18], $0x80  }
0x1a7: {  	[sflag:s18] =	ssyncset.done $0x0  }
0x1a8: {  	[sflag:s18] =	ssyncadd.s32 $0xFFFFFF80  }
0x1a9: {  	[tilespmem:s8], [sflag:$0x6] =	stream.indirect.gather [spmem:s2], $0x40, s9, s7, $0xb8;
	[tilespmem:$0xE180] =	vst v63  }
0x1aa: {  	_ =	swait.ge [sflag:s14], $0x2000  }
0x1ab: {  	[sflag:s14] =	ssyncset.done $0x0  }
0x1ac: {  	s0 =	rddreg [dreg:$0xb];
	[sflag:s14] =	ssyncadd.s32 $0xFFFFE000  }
0x1ad: {  	[hbm4b:s0+s1] =	stream.linear.scatter [tilespmem:s10], [sflag:$0x8], $0x2000, $0x38;
	[tilespmem:$0xE180] =	vst v63  }
0x1ae: {  	s29 =	rddreg [dreg:$0xc]  }
0x1af: {  	[tilespmem:s7], [sflag:$0x2] =	stream.linear.gather [hbm4b:s29+s1], $0x80, $0x38;
	[tilespmem:$0xE180] =	vst v63  }
0x1b0: {  	_ =	swait.ge [sflag:s25], $0x80  }
0x1b1: {  	[sflag:s25] =	ssyncset.done $0x0  }
0x1b2: {  	[sflag:s25] =	ssyncadd.s32 $0xFFFFFF80  }
0x1b3: {  	_ =	swait.ge [sflag:s5], $0x2000  }
0x1b4: {  	[sflag:s5] =	ssyncset.done $0x0  }
0x1b5: {  	[sflag:s5] =	ssyncadd.s32 $0xFFFFE000  }
0x1b6: {  	[tilespmem:s17], [sflag:$0x4] =	stream.indirect.gather [spmem:s2], $0x40, s1, s7, $0xb8;
	[tilespmem:$0xE180] =	vst v63  }
0x1b7: {  	_ =	swait.ge [sflag:s13], $0x2000  }
0x1b8: {  	[sflag:s13] =	ssyncset.done $0x0  }
0x1b9: {  	s0 =	rddreg [dreg:$0xd];
	[sflag:s13] =	ssyncadd.s32 $0xFFFFE000  }
0x1ba: {  	[hbm4b:s0+s1] =	stream.linear.scatter [tilespmem:s8], [sflag:$0x9], $0x2000, $0x38;
	[tilespmem:$0xE180] =	vst v63  }
0x1bb: {  	s29 =	rddreg [dreg:$0xe]  }
0x1bc: {  	[tilespmem:s9], [sflag:$0x3] =	stream.linear.gather [hbm4b:s29+s1], $0x80, $0x38;
	[tilespmem:$0xE180] =	vst v63  }
0x1bd: {  	_ =	swait.ge [sflag:s22], $0x80  }
0x1be: {  	[sflag:s22] =	ssyncset.done $0x0  }
0x1bf: {  	[sflag:s22] =	ssyncadd.s32 $0xFFFFFF80  }
0x1c0: {  	_ =	swait.ge [sflag:s11], $0x2000  }
0x1c1: {  	[sflag:s11] =	ssyncset.done $0x0  }
0x1c2: {  	[sflag:s11] =	ssyncadd.s32 $0xFFFFE000  }
0x1c3: {  	[tilespmem:s10], [sflag:$0x5] =	stream.indirect.gather [spmem:s2], $0x40, s7, s7, $0xb8;
	[tilespmem:$0xE180] =	vst v63  }
0x1c4: {  	_ =	swait.ge [sflag:s20], $0x2000  }
0x1c5: {  	[sflag:s20] =	ssyncset.done $0x0  }
0x1c6: {  	s0 =	rddreg [dreg:$0xf];
	[sflag:s20] =	ssyncadd.s32 $0xFFFFE000  }
0x1c7: {  	[hbm4b:s0+s1] =	stream.linear.scatter [tilespmem:s17], [sflag:$0x7], $0x2000, $0x38;
	[tilespmem:$0xE180] =	vst v63  }
0x1c8: {  	s29 =	rddreg [dreg:$0x10]  }
0x1c9: {  	[tilespmem:s1], [sflag:$0x1] =	stream.linear.gather [hbm4b:s29+s1], $0x80, $0x38;
	[tilespmem:$0xE180] =	vst v63  }
0x1ca: {  	_ =	swait.ge [sflag:s18], $0x80  }
0x1cb: {  	[sflag:s18] =	ssyncset.done $0x0  }
0x1cc: {  	[sflag:s18] =	ssyncadd.s32 $0xFFFFFF80  }
0x1cd: {  	_ =	swait.ge [sflag:s6], $0x2000  }
0x1ce: {  	[sflag:s6] =	ssyncset.done $0x0  }
0x1cf: {  	[sflag:s6] =	ssyncadd.s32 $0xFFFFE000  }
0x1d0: {  	[tilespmem:s8], [sflag:$0x6] =	stream.indirect.gather [spmem:s2], $0x40, s9, s7, $0xb8;
	[tilespmem:$0xE180] =	vst v63  }
0x1d1: {  	_ =	swait.ge [sflag:s14], $0x2000  }
0x1d2: {  	[sflag:s14] =	ssyncset.done $0x0  }
0x1d3: {  	s0 =	rddreg [dreg:$0x11];
	[sflag:s14] =	ssyncadd.s32 $0xFFFFE000  }
0x1d4: {  	[hbm4b:s0+s1] =	stream.linear.scatter [tilespmem:s10], [sflag:$0x8], $0x2000, $0x38;
	[tilespmem:$0xE180] =	vst v63  }
0x1d5: {  	s29 =	rddreg [dreg:$0x12]  }
0x1d6: {  	[tilespmem:s7], [sflag:$0x2] =	stream.linear.gather [hbm4b:s29+s1], $0x80, $0x38;
	[tilespmem:$0xE180] =	vst v63  }
0x1d7: {  	_ =	swait.ge [sflag:s25], $0x80  }
0x1d8: {  	[sflag:s25] =	ssyncset.done $0x0  }
0x1d9: {  	[sflag:s25] =	ssyncadd.s32 $0xFFFFFF80  }
0x1da: {  	_ =	swait.ge [sflag:s5], $0x2000  }
0x1db: {  	[sflag:s5] =	ssyncset.done $0x0  }
0x1dc: {  	[sflag:s5] =	ssyncadd.s32 $0xFFFFE000  }
0x1dd: {  	[tilespmem:s17], [sflag:$0x4] =	stream.indirect.gather [spmem:s2], $0x40, s1, s7, $0xb8;
	[tilespmem:$0xE180] =	vst v63  }
0x1de: {  	_ =	swait.ge [sflag:s13], $0x2000  }
0x1df: {  	[sflag:s13] =	ssyncset.done $0x0  }
0x1e0: {  	s0 =	rddreg [dreg:$0x13];
	[sflag:s13] =	ssyncadd.s32 $0xFFFFE000  }
0x1e1: {  	[hbm4b:s0+s1] =	stream.linear.scatter [tilespmem:s8], [sflag:$0x9], $0x2000, $0x38;
	[tilespmem:$0xE180] =	vst v63  }
0x1e2: {  	s29 =	rddreg [dreg:$0x14]  }
0x1e3: {  	[tilespmem:s9], [sflag:$0x3] =	stream.linear.gather [hbm4b:s29+s1], $0x80, $0x38;
	[tilespmem:$0xE180] =	vst v63  }
0x1e4: {  	_ =	swait.ge [sflag:s22], $0x80  }
0x1e5: {  	[sflag:s22] =	ssyncset.done $0x0  }
0x1e6: {  	[sflag:s22] =	ssyncadd.s32 $0xFFFFFF80  }
0x1e7: {  	_ =	swait.ge [sflag:s11], $0x2000  }
0x1e8: {  	[sflag:s11] =	ssyncset.done $0x0  }
0x1e9: {  	[sflag:s11] =	ssyncadd.s32 $0xFFFFE000  }
0x1ea: {  	[tilespmem:s10], [sflag:$0x5] =	stream.indirect.gather [spmem:s2], $0x40, s7, s7, $0xb8;
	[tilespmem:$0xE180] =	vst v63  }
0x1eb: {  	_ =	swait.ge [sflag:s20], $0x2000  }
0x1ec: {  	[sflag:s20] =	ssyncset.done $0x0  }
0x1ed: {  	s0 =	rddreg [dreg:$0x15];
	[sflag:s20] =	ssyncadd.s32 $0xFFFFE000  }
0x1ee: {  	[hbm4b:s0+s1] =	stream.linear.scatter [tilespmem:s17], [sflag:$0x7], $0x2000, $0x38;
	[tilespmem:$0xE180] =	vst v63  }
0x1ef: {  	s29 =	rddreg [dreg:$0x16]  }
0x1f0: {  	[tilespmem:s1], [sflag:$0x1] =	stream.linear.gather [hbm4b:s29+s1], $0x80, $0x38;
	[tilespmem:$0xE180] =	vst v63  }
0x1f1: {  	_ =	swait.ge [sflag:s18], $0x80  }
0x1f2: {  	[sflag:s18] =	ssyncset.done $0x0  }
0x1f3: {  	[sflag:s18] =	ssyncadd.s32 $0xFFFFFF80  }
0x1f4: {  	_ =	swait.ge [sflag:s6], $0x2000  }
0x1f5: {  	[sflag:s6] =	ssyncset.done $0x0  }
0x1f6: {  	[sflag:s6] =	ssyncadd.s32 $0xFFFFE000  }
0x1f7: {  	[tilespmem:s8], [sflag:$0x6] =	stream.indirect.gather [spmem:s2], $0x40, s9, s7, $0xb8;
	[tilespmem:$0xE180] =	vst v63  }
0x1f8: {  	_ =	swait.ge [sflag:s14], $0x2000  }
0x1f9: {  	[sflag:s14] =	ssyncset.done $0x0  }
0x1fa: {  	s0 =	rddreg [dreg:$0x17];
	[sflag:s14] =	ssyncadd.s32 $0xFFFFE000  }
0x1fb: {  	[hbm4b:s0+s1] =	stream.linear.scatter [tilespmem:s10], [sflag:$0x8], $0x2000, $0x38;
	[tilespmem:$0xE180] =	vst v63  }
0x1fc: {  	s29 =	rddreg [dreg:$0x18]  }
0x1fd: {  	[tilespmem:s7], [sflag:$0x2] =	stream.linear.gather [hbm4b:s29+s1], $0x80, $0x38;
	[tilespmem:$0xE180] =	vst v63  }
0x1fe: {  	_ =	swait.ge [sflag:s25], $0x80  }
0x1ff: {  	[sflag:s25] =	ssyncset.done $0x0  }
0x200: {  	[sflag:s25] =	ssyncadd.s32 $0xFFFFFF80  }
0x201: {  	_ =	swait.ge [sflag:s5], $0x2000  }
0x202: {  	[sflag:s5] =	ssyncset.done $0x0  }
0x203: {  	[sflag:s5] =	ssyncadd.s32 $0xFFFFE000  }
0x204: {  	[tilespmem:s17], [sflag:$0x4] =	stream.indirect.gather [spmem:s2], $0x40, s1, s7, $0xb8;
	[tilespmem:$0xE180] =	vst v63  }
0x205: {  	_ =	swait.ge [sflag:s13], $0x2000  }
0x206: {  	[sflag:s13] =	ssyncset.done $0x0  }
0x207: {  	s0 =	rddreg [dreg:$0x19];
	[sflag:s13] =	ssyncadd.s32 $0xFFFFE000  }
0x208: {  	[hbm4b:s0+s1] =	stream.linear.scatter [tilespmem:s8], [sflag:$0x9], $0x2000, $0x38;
	[tilespmem:$0xE180] =	vst v63  }
0x209: {  	s29 =	rddreg [dreg:$0x1a]  }
0x20a: {  	[tilespmem:s9], [sflag:$0x3] =	stream.linear.gather [hbm4b:s29+s1], $0x80, $0x38;
	[tilespmem:$0xE180] =	vst v63  }
0x20b: {  	_ =	swait.ge [sflag:s22], $0x80  }
0x20c: {  	[sflag:s22] =	ssyncset.done $0x0  }
0x20d: {  	[sflag:s22] =	ssyncadd.s32 $0xFFFFFF80  }
0x20e: {  	_ =	swait.ge [sflag:s11], $0x2000  }
0x20f: {  	[sflag:s11] =	ssyncset.done $0x0  }
0x210: {  	[sflag:s11] =	ssyncadd.s32 $0xFFFFE000  }
0x211: {  	[tilespmem:s10], [sflag:$0x5] =	stream.indirect.gather [spmem:s2], $0x40, s7, s7, $0xb8;
	[tilespmem:$0xE180] =	vst v63  }
0x212: {  	_ =	swait.ge [sflag:s20], $0x2000  }
0x213: {  	[sflag:s20] =	ssyncset.done $0x0  }
0x214: {  	s0 =	rddreg [dreg:$0x1b];
	[sflag:s20] =	ssyncadd.s32 $0xFFFFE000  }
0x215: {  	[hbm4b:s0+s1] =	stream.linear.scatter [tilespmem:s17], [sflag:$0x7], $0x2000, $0x38;
	[tilespmem:$0xE180] =	vst v63  }
0x216: {  	s29 =	rddreg [dreg:$0x1c]  }
0x217: {  	[tilespmem:s1], [sflag:$0x1] =	stream.linear.gather [hbm4b:s29+s1], $0x80, $0x38;
	[tilespmem:$0xE180] =	vst v63  }
0x218: {  	_ =	swait.ge [sflag:s18], $0x80  }
0x219: {  	[sflag:s18] =	ssyncset.done $0x0  }
0x21a: {  	[sflag:s18] =	ssyncadd.s32 $0xFFFFFF80  }
0x21b: {  	_ =	swait.ge [sflag:s6], $0x2000  }
0x21c: {  	[sflag:s6] =	ssyncset.done $0x0  }
0x21d: {  	[sflag:s6] =	ssyncadd.s32 $0xFFFFE000  }
0x21e: {  	[tilespmem:s8], [sflag:$0x6] =	stream.indirect.gather [spmem:s2], $0x40, s9, s7, $0xb8;
	[tilespmem:$0xE180] =	vst v63  }
0x21f: {  	_ =	swait.ge [sflag:s14], $0x2000  }
0x220: {  	[sflag:s14] =	ssyncset.done $0x0  }
0x221: {  	s0 =	rddreg [dreg:$0x1d];
	[sflag:s14] =	ssyncadd.s32 $0xFFFFE000  }
0x222: {  	[hbm4b:s0+s1] =	stream.linear.scatter [tilespmem:s10], [sflag:$0x8], $0x2000, $0x38;
	[tilespmem:$0xE180] =	vst v63  }
0x223: {  	s29 =	rddreg [dreg:$0x1e]  }
0x224: {  	[tilespmem:s7], [sflag:$0x2] =	stream.linear.gather [hbm4b:s29+s1], $0x80, $0x38;
	[tilespmem:$0xE180] =	vst v63  }
0x225: {  	_ =	swait.ge [sflag:s25], $0x80  }
0x226: {  	[sflag:s25] =	ssyncset.done $0x0  }
0x227: {  	[sflag:s25] =	ssyncadd.s32 $0xFFFFFF80  }
0x228: {  	_ =	swait.ge [sflag:s5], $0x2000  }
0x229: {  	[sflag:s5] =	ssyncset.done $0x0  }
0x22a: {  	[sflag:s5] =	ssyncadd.s32 $0xFFFFE000  }
0x22b: {  	[tilespmem:s17], [sflag:$0x4] =	stream.indirect.gather [spmem:s2], $0x40, s1, s7, $0xb8;
	[tilespmem:$0xE180] =	vst v63  }
0x22c: {  	_ =	swait.ge [sflag:s13], $0x2000  }
0x22d: {  	s0 =	rddreg [dreg:$0x1f];
	[sflag:s13] =	ssyncset.done $0x0  }
0x22e: {  	s29 =	sld [smem:$0x7F2];
	[sflag:s13] =	ssyncadd.s32 $0xFFFFE000  }
0x22f: {  	[hbm4b:s0+s1] =	stream.linear.scatter [tilespmem:s8], [sflag:$0x9], $0x2000, $0x38;
	[tilespmem:$0xE180] =	vst v63  }
0x230: {  	_ = 	snop  }
0x231: {  	[tilespmem:s9], [sflag:$0x3] =	stream.linear.gather [hbm4b:s29+s1], $0x80, $0x38;
	[tilespmem:$0xE180] =	vst v63  }
0x232: {  	_ =	swait.ge [sflag:s22], $0x80  }
0x233: {  	[sflag:s22] =	ssyncset.done $0x0  }
0x234: {  	[sflag:s22] =	ssyncadd.s32 $0xFFFFFF80  }
0x235: {  	_ =	swait.ge [sflag:s11], $0x2000  }
0x236: {  	[sflag:s11] =	ssyncset.done $0x0  }
0x237: {  	[sflag:s11] =	ssyncadd.s32 $0xFFFFE000  }
0x238: {  	[tilespmem:s10], [sflag:$0x5] =	stream.indirect.gather [spmem:s2], $0x40, s7, s7, $0xb8;
	[tilespmem:$0xE180] =	vst v63  }
0x239: {  	_ =	swait.ge [sflag:s20], $0x2000  }
0x23a: {  	s0 =	sld [smem:$0x7F3]  }
0x23b: {  	[sflag:s20] =	ssyncset.done $0x0  }
0x23c: {  	s29 =	sld [smem:$0x7F4];
	[sflag:s20] =	ssyncadd.s32 $0xFFFFE000  }
0x23d: {  	[hbm4b:s0+s1] =	stream.linear.scatter [tilespmem:s17], [sflag:$0x7], $0x2000, $0x38;
	[tilespmem:$0xE180] =	vst v63  }
0x23e: {  	_ = 	snop  }
0x23f: {  	[tilespmem:s1], [sflag:$0x1] =	stream.linear.gather [hbm4b:s29+s1], $0x80, $0x38;
	[tilespmem:$0xE180] =	vst v63  }
0x240: {  	_ =	swait.ge [sflag:s18], $0x80  }
0x241: {  	[sflag:s18] =	ssyncset.done $0x0  }
0x242: {  	[sflag:s18] =	ssyncadd.s32 $0xFFFFFF80  }
0x243: {  	_ =	swait.ge [sflag:s6], $0x2000  }
0x244: {  	[sflag:s6] =	ssyncset.done $0x0  }
0x245: {  	[sflag:s6] =	ssyncadd.s32 $0xFFFFE000  }
0x246: {  	[tilespmem:s8], [sflag:$0x6] =	stream.indirect.gather [spmem:s2], $0x40, s9, s7, $0xb8;
	[tilespmem:$0xE180] =	vst v63  }
0x247: {  	_ =	swait.ge [sflag:s14], $0x2000  }
0x248: {  	s0 =	sld [smem:$0x7F5]  }
0x249: {  	[sflag:s14] =	ssyncset.done $0x0  }
0x24a: {  	s29 =	sld [smem:$0x7F6];
	[sflag:s14] =	ssyncadd.s32 $0xFFFFE000  }
0x24b: {  	[hbm4b:s0+s1] =	stream.linear.scatter [tilespmem:s10], [sflag:$0x8], $0x2000, $0x38;
	[tilespmem:$0xE180] =	vst v63  }
0x24c: {  	_ = 	snop  }
0x24d: {  	[tilespmem:s7], [sflag:$0x2] =	stream.linear.gather [hbm4b:s29+s1], $0x80, $0x38;
	[tilespmem:$0xE180] =	vst v63  }
0x24e: {  	_ =	swait.ge [sflag:s25], $0x80  }
0x24f: {  	[sflag:s25] =	ssyncset.done $0x0  }
0x250: {  	[sflag:s25] =	ssyncadd.s32 $0xFFFFFF80  }
0x251: {  	_ =	swait.ge [sflag:s5], $0x2000  }
0x252: {  	[sflag:s5] =	ssyncset.done $0x0  }
0x253: {  	[sflag:s5] =	ssyncadd.s32 $0xFFFFE000  }
0x254: {  	[tilespmem:s17], [sflag:$0x4] =	stream.indirect.gather [spmem:s2], $0x40, s1, s7, $0xb8;
	[tilespmem:$0xE180] =	vst v63  }
0x255: {  	_ =	swait.ge [sflag:s13], $0x2000  }
0x256: {  	s0 =	sld [smem:$0x7F7]  }
0x257: {  	[sflag:s13] =	ssyncset.done $0x0  }
0x258: {  	s29 =	sld [smem:$0x7F8];
	[sflag:s13] =	ssyncadd.s32 $0xFFFFE000  }
0x259: {  	[hbm4b:s0+s1] =	stream.linear.scatter [tilespmem:s8], [sflag:$0x9], $0x2000, $0x38;
	[tilespmem:$0xE180] =	vst v63  }
0x25a: {  	_ = 	snop  }
0x25b: {  	[tilespmem:s9], [sflag:$0x3] =	stream.linear.gather [hbm4b:s29+s1], $0x80, $0x38;
	[tilespmem:$0xE180] =	vst v63  }
0x25c: {  	_ =	swait.ge [sflag:s22], $0x80  }
0x25d: {  	[sflag:s22] =	ssyncset.done $0x0  }
0x25e: {  	[sflag:s22] =	ssyncadd.s32 $0xFFFFFF80  }
0x25f: {  	_ =	swait.ge [sflag:s11], $0x2000  }
0x260: {  	[sflag:s11] =	ssyncset.done $0x0  }
0x261: {  	[sflag:s11] =	ssyncadd.s32 $0xFFFFE000  }
0x262: {  	[tilespmem:s10], [sflag:$0x5] =	stream.indirect.gather [spmem:s2], $0x40, s7, s7, $0xb8;
	[tilespmem:$0xE180] =	vst v63  }
0x263: {  	_ =	swait.ge [sflag:s20], $0x2000  }
0x264: {  	s0 =	sld [smem:$0x7F9]  }
0x265: {  	[sflag:s20] =	ssyncset.done $0x0  }
0x266: {  	s29 =	sld [smem:$0x7FA];
	[sflag:s20] =	ssyncadd.s32 $0xFFFFE000  }
0x267: {  	[hbm4b:s0+s1] =	stream.linear.scatter [tilespmem:s17], [sflag:$0x7], $0x2000, $0x38;
	[tilespmem:$0xE180] =	vst v63  }
0x268: {  	_ = 	snop  }
0x269: {  	[tilespmem:s1], [sflag:$0x1] =	stream.linear.gather [hbm4b:s29+s1], $0x80, $0x38;
	[tilespmem:$0xE180] =	vst v63  }
0x26a: {  	_ =	swait.ge [sflag:s18], $0x80  }
0x26b: {  	[sflag:s18] =	ssyncset.done $0x0  }
0x26c: {  	[sflag:s18] =	ssyncadd.s32 $0xFFFFFF80  }
0x26d: {  	_ =	swait.ge [sflag:s6], $0x2000  }
0x26e: {  	[sflag:s6] =	ssyncset.done $0x0  }
0x26f: {  	[sflag:s6] =	ssyncadd.s32 $0xFFFFE000  }
0x270: {  	[tilespmem:s8], [sflag:$0x6] =	stream.indirect.gather [spmem:s2], $0x40, s9, s7, $0xb8;
	[tilespmem:$0xE180] =	vst v63  }
0x271: {  	_ =	swait.ge [sflag:s14], $0x2000  }
0x272: {  	s0 =	sld [smem:$0x7FB]  }
0x273: {  	[sflag:s14] =	ssyncset.done $0x0  }
0x274: {  	s29 =	sld [smem:$0x7FC];
	[sflag:s14] =	ssyncadd.s32 $0xFFFFE000  }
0x275: {  	[hbm4b:s0+s1] =	stream.linear.scatter [tilespmem:s10], [sflag:$0x8], $0x2000, $0x38;
	[tilespmem:$0xE180] =	vst v63  }
0x276: {  	_ = 	snop  }
0x277: {  	[tilespmem:s7], [sflag:$0x2] =	stream.linear.gather [hbm4b:s29+s1], $0x80, $0x38;
	[tilespmem:$0xE180] =	vst v63  }
0x278: {  	_ =	swait.ge [sflag:s25], $0x80  }
0x279: {  	[sflag:s25] =	ssyncset.done $0x0  }
0x27a: {  	[sflag:s25] =	ssyncadd.s32 $0xFFFFFF80  }
0x27b: {  	_ =	swait.ge [sflag:s5], $0x2000  }
0x27c: {  	[sflag:s5] =	ssyncset.done $0x0  }
0x27d: {  	[sflag:s5] =	ssyncadd.s32 $0xFFFFE000  }
0x27e: {  	[tilespmem:s17], [sflag:$0x4] =	stream.indirect.gather [spmem:s2], $0x40, s1, s7, $0xb8;
	[tilespmem:$0xE180] =	vst v63  }
0x27f: {  	_ =	swait.ge [sflag:s13], $0x2000  }
0x280: {  	s29 =	sld [smem:$0x7FD]  }
0x281: {  	[sflag:s13] =	ssyncset.done $0x0  }
0x282: {  	[sflag:s13] =	ssyncadd.s32 $0xFFFFE000  }
0x283: {  	[hbm4b:s29+s1] =	stream.linear.scatter [tilespmem:s8], [sflag:$0x9], $0x2000, $0x38;
	[tilespmem:$0xE180] =	vst v63  }
0x284: {  	_ = 	snop  }
0x285: {  	[tilespmem:s9], [sflag:$0x3] =	stream.linear.gather [hbm4b:s26+s1], $0x80, $0x38;
	[tilespmem:$0xE180] =	vst v63  }
0x286: {  	_ =	swait.ge [sflag:s22], $0x80  }
0x287: {  	[sflag:s22] =	ssyncset.done $0x0  }
0x288: {  	[sflag:s22] =	ssyncadd.s32 $0xFFFFFF80  }
0x289: {  	_ =	swait.ge [sflag:s11], $0x2000  }
0x28a: {  	[sflag:s11] =	ssyncset.done $0x0  }
0x28b: {  	[sflag:s11] =	ssyncadd.s32 $0xFFFFE000  }
0x28c: {  	[tilespmem:s10], [sflag:$0x5] =	stream.indirect.gather [spmem:s2], $0x40, s7, s7, $0xb8;
	[tilespmem:$0xE180] =	vst v63  }
0x28d: {  	_ =	swait.ge [sflag:s20], $0x2000  }
0x28e: {  	[sflag:s20] =	ssyncset.done $0x0  }
0x28f: {  	[sflag:s20] =	ssyncadd.s32 $0xFFFFE000  }
0x290: {  	[hbm4b:s23+s1] =	stream.linear.scatter [tilespmem:s17], [sflag:$0x7], $0x2000, $0x38;
	[tilespmem:$0xE180] =	vst v63  }
0x291: {  	_ = 	snop  }
0x292: {  	[tilespmem:s1], [sflag:$0x1] =	stream.linear.gather [hbm4b:s24+s1], $0x80, $0x38;
	[tilespmem:$0xE180] =	vst v63  }
0x293: {  	_ =	swait.ge [sflag:s18], $0x80  }
0x294: {  	[sflag:s18] =	ssyncset.done $0x0  }
0x295: {  	[sflag:s18] =	ssyncadd.s32 $0xFFFFFF80  }
0x296: {  	_ =	swait.ge [sflag:s6], $0x2000  }
0x297: {  	[sflag:s6] =	ssyncset.done $0x0  }
0x298: {  	[sflag:s6] =	ssyncadd.s32 $0xFFFFE000  }
0x299: {  	[tilespmem:s8], [sflag:$0x6] =	stream.indirect.gather [spmem:s2], $0x40, s9, s7, $0xb8;
	[tilespmem:$0xE180] =	vst v63  }
0x29a: {  	_ =	swait.ge [sflag:s14], $0x2000  }
0x29b: {  	[sflag:s14] =	ssyncset.done $0x0  }
0x29c: {  	[sflag:s14] =	ssyncadd.s32 $0xFFFFE000  }
0x29d: {  	[hbm4b:s19+s1] =	stream.linear.scatter [tilespmem:s10], [sflag:$0x8], $0x2000, $0x38;
	[tilespmem:$0xE180] =	vst v63  }
0x29e: {  	_ = 	snop  }
0x29f: {  	[tilespmem:s7], [sflag:$0x2] =	stream.linear.gather [hbm4b:s21+s1], $0x80, $0x38;
	[tilespmem:$0xE180] =	vst v63  }
0x2a0: {  	_ =	swait.ge [sflag:s25], $0x80  }
0x2a1: {  	[sflag:s25] =	ssyncset.done $0x0  }
0x2a2: {  	[sflag:s25] =	ssyncadd.s32 $0xFFFFFF80  }
0x2a3: {  	_ =	swait.ge [sflag:s5], $0x2000  }
0x2a4: {  	[sflag:s5] =	ssyncset.done $0x0  }
0x2a5: {  	[sflag:s5] =	ssyncadd.s32 $0xFFFFE000  }
0x2a6: {  	[tilespmem:s17], [sflag:$0x4] =	stream.indirect.gather [spmem:s2], $0x40, s1, s7, $0xb8;
	[tilespmem:$0xE180] =	vst v63  }
0x2a7: {  	_ =	swait.ge [sflag:s13], $0x2000  }
0x2a8: {  	[sflag:s13] =	ssyncset.done $0x0  }
0x2a9: {  	[sflag:s13] =	ssyncadd.s32 $0xFFFFE000  }
0x2aa: {  	[hbm4b:s15+s1] =	stream.linear.scatter [tilespmem:s8], [sflag:$0x9], $0x2000, $0x38;
	[tilespmem:$0xE180] =	vst v63  }
0x2ab: {  	_ = 	snop  }
0x2ac: {  	[tilespmem:s9], [sflag:$0x3] =	stream.linear.gather [hbm4b:s16+s1], $0x80, $0x38;
	[tilespmem:$0xE180] =	vst v63  }
0x2ad: {  	_ =	swait.ge [sflag:s22], $0x80  }
0x2ae: {  	[sflag:s22] =	ssyncset.done $0x0  }
0x2af: {  	[sflag:s22] =	ssyncadd.s32 $0xFFFFFF80  }
0x2b0: {  	_ =	swait.ge [sflag:s11], $0x2000  }
0x2b1: {  	[sflag:s11] =	ssyncset.done $0x0  }
0x2b2: {  	[sflag:s11] =	ssyncadd.s32 $0xFFFFE000  }
0x2b3: {  	[tilespmem:s10], [sflag:$0x5] =	stream.indirect.gather [spmem:s2], $0x40, s7, s7, $0xb8;
	[tilespmem:$0xE180] =	vst v63  }
0x2b4: {  	_ =	swait.ge [sflag:s20], $0x2000  }
0x2b5: {  	[sflag:s20] =	ssyncset.done $0x0  }
0x2b6: {  	[sflag:s20] =	ssyncadd.s32 $0xFFFFE000  }
0x2b7: {  	[hbm4b:s12+s1] =	stream.linear.scatter [tilespmem:s17], [sflag:$0x7], $0x2000, $0x38;
	[tilespmem:$0xE180] =	vst v63  }
0x2b8: {  	_ =	swait.ge [sflag:s18], $0x80  }
0x2b9: {  	[sflag:s18] =	ssyncset.done $0x0  }
0x2ba: {  	[sflag:s18] =	ssyncadd.s32 $0xFFFFFF80  }
0x2bb: {  	_ =	swait.ge [sflag:s6], $0x2000  }
0x2bc: {  	[sflag:s6] =	ssyncset.done $0x0  }
0x2bd: {  	[sflag:s6] =	ssyncadd.s32 $0xFFFFE000  }
0x2be: {  	[tilespmem:s8], [sflag:$0x6] =	stream.indirect.gather [spmem:s2], $0x40, s9, s7, $0xb8;
	[tilespmem:$0xE180] =	vst v63  }
0x2bf: {  	_ =	swait.ge [sflag:s14], $0x2000  }
0x2c0: {  	[sflag:s14] =	ssyncset.done $0x0  }
0x2c1: {  	[sflag:s14] =	ssyncadd.s32 $0xFFFFE000  }
0x2c2: {  	[hbm4b:s4+s1] =	stream.linear.scatter [tilespmem:s10], [sflag:$0x8], $0x2000, $0x38;
	[tilespmem:$0xE180] =	vst v63  }
0x2c3: {  	_ =	swait.ge [sflag:s13], $0x2000  }
0x2c4: {  	[sflag:s13] =	ssyncset.done $0x0  }
0x2c5: {  	[sflag:s13] =	ssyncadd.s32 $0xFFFFE000  }
0x2c6: {  	[hbm4b:s3+s1] =	stream.linear.scatter [tilespmem:s8], [sflag:$0x9], $0x2000, $0x38;
	[tilespmem:$0xE180] =	vst v63  }
0x2c7: {  	_ =	swait.ge [sflag:s5], $0x2000  }
0x2c8: {  	s31 =	sadd.s32 $0xFFFFFFFF, s31;
	[sflag:s5] =	ssyncset.done $0x0  }
0x2c9: {  	p2 =	sne.s32 s31, $0x0;
	[sflag:s5] =	ssyncadd.s32 $0xFFFFE000  }
.Ltmp2:
0x2ca: {  	_ =	swait.ge [sflag:s11], $0x2000;
	(pc) =	sbr.rel @p2 .LBB2_3-.Ltmp2, $4  }
0x2cb: {  	[sflag:s11] =	ssyncset.done $0x0  }
0x2cc: {  	[sflag:s11] =	ssyncadd.s32 $0xFFFFE000  }
0x2cd: {  	_ =	swait.ge [sflag:s6], $0x2000  }
0x2ce: {  	s0 =	rddreg [dreg:$0x5];
	[sflag:s6] =	ssyncset.done $0x0  }
0x2cf: {  	s30 =	rddreg [dreg:$0x4]  }
.LBB2_5:
0x2d0: {  	[sflag:s6] =	ssyncadd.s32 @p1 $0xFFFFE000;
	s29 =	simm.s32 @!p0 $0x1C0A  }
0x2d1: {  	[spmem:s28], [sflag:s29] =	dma.local @!p0 [hbm:s0], $0x10000  }
0x2d2: {  	s0 =	simm.s32 @!p0 $0xA  }
0x2d3: {  	_ =	swait.ge @!p0 [sflag:s0], $0x10000  }
0x2d4: {  	[sflag:s0] =	ssyncset.done @!p0 $0x0  }
0x2d5: {  	[sflag:s0] =	ssyncadd.s32 @!p0 $0xFFFF0000  }
0x2d6: {  	[bflag:$0x0] =	sbarrier.arrive $0xFFFF  }
0x2d7: {  	s29 =	rddreg [dreg:$0x6]  }
0x2d8: {  	[tilespmem:s1], [sflag:$0x1] =	stream.linear.gather [hbm4b:s29+s1], $0x80, $0x38;
	[tilespmem:$0xE180] =	vst v63  }
0x2d9: {  	s31 =	rddreg [dreg:$0x7]  }
0x2da: {  	[tilespmem:s7], [sflag:$0x2] =	stream.linear.gather [hbm4b:s31+s1], $0x80, $0x38;
	[tilespmem:$0xE180] =	vst v63  }
0x2db: {  	s29 =	rddreg [dreg:$0x8]  }
0x2dc: {  	[tilespmem:s9], [sflag:$0x3] =	stream.linear.gather [hbm4b:s29+s1], $0x80, $0x38;
	[tilespmem:$0xE180] =	vst v63  }
0x2dd: {  	_ =	swait.ge [sflag:s25], $0x80  }
0x2de: {  	[sflag:s25] =	ssyncset.done $0x0  }
0x2df: {  	[sflag:s25] =	ssyncadd.s32 $0xFFFFFF80  }
0x2e0: {  	[tilespmem:s17], [sflag:$0x4] =	stream.indirect.gather [spmem:s2], $0x40, s1, s7, $0xb8;
	[tilespmem:$0xE180] =	vst v63  }
0x2e1: {  	_ =	swait.ge [sflag:s22], $0x80  }
0x2e2: {  	[sflag:s22] =	ssyncset.done $0x0  }
0x2e3: {  	[sflag:s22] =	ssyncadd.s32 $0xFFFFFF80  }
0x2e4: {  	[tilespmem:s10], [sflag:$0x5] =	stream.indirect.gather [spmem:s2], $0x40, s7, s7, $0xb8;
	[tilespmem:$0xE180] =	vst v63  }
0x2e5: {  	_ =	swait.ge [sflag:s20], $0x2000  }
0x2e6: {  	[sflag:s20] =	ssyncset.done $0x0  }
0x2e7: {  	s31 =	rddreg [dreg:$0x9];
	[sflag:s20] =	ssyncadd.s32 $0xFFFFE000  }
0x2e8: {  	[hbm4b:s31+s1] =	stream.linear.scatter [tilespmem:s17], [sflag:$0x7], $0x2000, $0x38;
	[tilespmem:$0xE180] =	vst v63  }
0x2e9: {  	s29 =	rddreg [dreg:$0xa]  }
0x2ea: {  	[tilespmem:s1], [sflag:$0x1] =	stream.linear.gather [hbm4b:s29+s1], $0x80, $0x38;
	[tilespmem:$0xE180] =	vst v63  }
0x2eb: {  	_ =	swait.ge [sflag:s18], $0x80  }
0x2ec: {  	[sflag:s18] =	ssyncset.done $0x0  }
0x2ed: {  	[sflag:s18] =	ssyncadd.s32 $0xFFFFFF80  }
0x2ee: {  	[tilespmem:s8], [sflag:$0x6] =	stream.indirect.gather [spmem:s2], $0x40, s9, s7, $0xb8;
	[tilespmem:$0xE180] =	vst v63  }
0x2ef: {  	_ =	swait.ge [sflag:s14], $0x2000  }
0x2f0: {  	[sflag:s14] =	ssyncset.done $0x0  }
0x2f1: {  	s31 =	rddreg [dreg:$0xb];
	[sflag:s14] =	ssyncadd.s32 $0xFFFFE000  }
0x2f2: {  	[hbm4b:s31+s1] =	stream.linear.scatter [tilespmem:s10], [sflag:$0x8], $0x2000, $0x38;
	[tilespmem:$0xE180] =	vst v63  }
0x2f3: {  	s29 =	rddreg [dreg:$0xc]  }
0x2f4: {  	[tilespmem:s7], [sflag:$0x2] =	stream.linear.gather [hbm4b:s29+s1], $0x80, $0x38;
	[tilespmem:$0xE180] =	vst v63  }
0x2f5: {  	_ =	swait.ge [sflag:s25], $0x80  }
0x2f6: {  	[sflag:s25] =	ssyncset.done $0x0  }
0x2f7: {  	[sflag:s25] =	ssyncadd.s32 $0xFFFFFF80  }
0x2f8: {  	_ =	swait.ge [sflag:s5], $0x2000  }
0x2f9: {  	[sflag:s5] =	ssyncset.done $0x0  }
0x2fa: {  	[sflag:s5] =	ssyncadd.s32 $0xFFFFE000  }
0x2fb: {  	[tilespmem:s17], [sflag:$0x4] =	stream.indirect.gather [spmem:s2], $0x40, s1, s7, $0xb8;
	[tilespmem:$0xE180] =	vst v63  }
0x2fc: {  	_ =	swait.ge [sflag:s13], $0x2000  }
0x2fd: {  	[sflag:s13] =	ssyncset.done $0x0  }
0x2fe: {  	s31 =	rddreg [dreg:$0xd];
	[sflag:s13] =	ssyncadd.s32 $0xFFFFE000  }
0x2ff: {  	[hbm4b:s31+s1] =	stream.linear.scatter [tilespmem:s8], [sflag:$0x9], $0x2000, $0x38;
	[tilespmem:$0xE180] =	vst v63  }
0x300: {  	s29 =	rddreg [dreg:$0xe]  }
0x301: {  	[tilespmem:s9], [sflag:$0x3] =	stream.linear.gather [hbm4b:s29+s1], $0x80, $0x38;
	[tilespmem:$0xE180] =	vst v63  }
0x302: {  	_ =	swait.ge [sflag:s22], $0x80  }
0x303: {  	[sflag:s22] =	ssyncset.done $0x0  }
0x304: {  	[sflag:s22] =	ssyncadd.s32 $0xFFFFFF80  }
0x305: {  	_ =	swait.ge [sflag:s11], $0x2000  }
0x306: {  	[sflag:s11] =	ssyncset.done $0x0  }
0x307: {  	[sflag:s11] =	ssyncadd.s32 $0xFFFFE000  }
0x308: {  	[tilespmem:s10], [sflag:$0x5] =	stream.indirect.gather [spmem:s2], $0x40, s7, s7, $0xb8;
	[tilespmem:$0xE180] =	vst v63  }
0x309: {  	_ =	swait.ge [sflag:s20], $0x2000  }
0x30a: {  	[sflag:s20] =	ssyncset.done $0x0  }
0x30b: {  	s31 =	rddreg [dreg:$0xf];
	[sflag:s20] =	ssyncadd.s32 $0xFFFFE000  }
0x30c: {  	[hbm4b:s31+s1] =	stream.linear.scatter [tilespmem:s17], [sflag:$0x7], $0x2000, $0x38;
	[tilespmem:$0xE180] =	vst v63  }
0x30d: {  	s29 =	rddreg [dreg:$0x10]  }
0x30e: {  	[tilespmem:s1], [sflag:$0x1] =	stream.linear.gather [hbm4b:s29+s1], $0x80, $0x38;
	[tilespmem:$0xE180] =	vst v63  }
0x30f: {  	_ =	swait.ge [sflag:s18], $0x80  }
0x310: {  	[sflag:s18] =	ssyncset.done $0x0  }
0x311: {  	[sflag:s18] =	ssyncadd.s32 $0xFFFFFF80  }
0x312: {  	_ =	swait.ge [sflag:s6], $0x2000  }
0x313: {  	[sflag:s6] =	ssyncset.done $0x0  }
0x314: {  	[sflag:s6] =	ssyncadd.s32 $0xFFFFE000  }
0x315: {  	[tilespmem:s8], [sflag:$0x6] =	stream.indirect.gather [spmem:s2], $0x40, s9, s7, $0xb8;
	[tilespmem:$0xE180] =	vst v63  }
0x316: {  	_ =	swait.ge [sflag:s14], $0x2000  }
0x317: {  	[sflag:s14] =	ssyncset.done $0x0  }
0x318: {  	s31 =	rddreg [dreg:$0x11];
	[sflag:s14] =	ssyncadd.s32 $0xFFFFE000  }
0x319: {  	[hbm4b:s31+s1] =	stream.linear.scatter [tilespmem:s10], [sflag:$0x8], $0x2000, $0x38;
	[tilespmem:$0xE180] =	vst v63  }
0x31a: {  	s29 =	rddreg [dreg:$0x12]  }
0x31b: {  	[tilespmem:s7], [sflag:$0x2] =	stream.linear.gather [hbm4b:s29+s1], $0x80, $0x38;
	[tilespmem:$0xE180] =	vst v63  }
0x31c: {  	_ =	swait.ge [sflag:s25], $0x80  }
0x31d: {  	[sflag:s25] =	ssyncset.done $0x0  }
0x31e: {  	[sflag:s25] =	ssyncadd.s32 $0xFFFFFF80  }
0x31f: {  	_ =	swait.ge [sflag:s5], $0x2000  }
0x320: {  	[sflag:s5] =	ssyncset.done $0x0  }
0x321: {  	[sflag:s5] =	ssyncadd.s32 $0xFFFFE000  }
0x322: {  	[tilespmem:s17], [sflag:$0x4] =	stream.indirect.gather [spmem:s2], $0x40, s1, s7, $0xb8;
	[tilespmem:$0xE180] =	vst v63  }
0x323: {  	_ =	swait.ge [sflag:s13], $0x2000  }
0x324: {  	[sflag:s13] =	ssyncset.done $0x0  }
0x325: {  	s31 =	rddreg [dreg:$0x13];
	[sflag:s13] =	ssyncadd.s32 $0xFFFFE000  }
0x326: {  	[hbm4b:s31+s1] =	stream.linear.scatter [tilespmem:s8], [sflag:$0x9], $0x2000, $0x38;
	[tilespmem:$0xE180] =	vst v63  }
0x327: {  	s29 =	rddreg [dreg:$0x14]  }
0x328: {  	[tilespmem:s9], [sflag:$0x3] =	stream.linear.gather [hbm4b:s29+s1], $0x80, $0x38;
	[tilespmem:$0xE180] =	vst v63  }
0x329: {  	_ =	swait.ge [sflag:s22], $0x80  }
0x32a: {  	[sflag:s22] =	ssyncset.done $0x0  }
0x32b: {  	[sflag:s22] =	ssyncadd.s32 $0xFFFFFF80  }
0x32c: {  	_ =	swait.ge [sflag:s11], $0x2000  }
0x32d: {  	[sflag:s11] =	ssyncset.done $0x0  }
0x32e: {  	[sflag:s11] =	ssyncadd.s32 $0xFFFFE000  }
0x32f: {  	[tilespmem:s10], [sflag:$0x5] =	stream.indirect.gather [spmem:s2], $0x40, s7, s7, $0xb8;
	[tilespmem:$0xE180] =	vst v63  }
0x330: {  	_ =	swait.ge [sflag:s20], $0x2000  }
0x331: {  	[sflag:s20] =	ssyncset.done $0x0  }
0x332: {  	s31 =	rddreg [dreg:$0x15];
	[sflag:s20] =	ssyncadd.s32 $0xFFFFE000  }
0x333: {  	[hbm4b:s31+s1] =	stream.linear.scatter [tilespmem:s17], [sflag:$0x7], $0x2000, $0x38;
	[tilespmem:$0xE180] =	vst v63  }
0x334: {  	s29 =	rddreg [dreg:$0x16]  }
0x335: {  	[tilespmem:s1], [sflag:$0x1] =	stream.linear.gather [hbm4b:s29+s1], $0x80, $0x38;
	[tilespmem:$0xE180] =	vst v63  }
0x336: {  	_ =	swait.ge [sflag:s18], $0x80  }
0x337: {  	[sflag:s18] =	ssyncset.done $0x0  }
0x338: {  	[sflag:s18] =	ssyncadd.s32 $0xFFFFFF80  }
0x339: {  	_ =	swait.ge [sflag:s6], $0x2000  }
0x33a: {  	[sflag:s6] =	ssyncset.done $0x0  }
0x33b: {  	[sflag:s6] =	ssyncadd.s32 $0xFFFFE000  }
0x33c: {  	[tilespmem:s8], [sflag:$0x6] =	stream.indirect.gather [spmem:s2], $0x40, s9, s7, $0xb8;
	[tilespmem:$0xE180] =	vst v63  }
0x33d: {  	_ =	swait.ge [sflag:s14], $0x2000  }
0x33e: {  	[sflag:s14] =	ssyncset.done $0x0  }
0x33f: {  	s31 =	rddreg [dreg:$0x17];
	[sflag:s14] =	ssyncadd.s32 $0xFFFFE000  }
0x340: {  	[hbm4b:s31+s1] =	stream.linear.scatter [tilespmem:s10], [sflag:$0x8], $0x2000, $0x38;
	[tilespmem:$0xE180] =	vst v63  }
0x341: {  	s29 =	rddreg [dreg:$0x18]  }
0x342: {  	[tilespmem:s7], [sflag:$0x2] =	stream.linear.gather [hbm4b:s29+s1], $0x80, $0x38;
	[tilespmem:$0xE180] =	vst v63  }
0x343: {  	_ =	swait.ge [sflag:s25], $0x80  }
0x344: {  	[sflag:s25] =	ssyncset.done $0x0  }
0x345: {  	[sflag:s25] =	ssyncadd.s32 $0xFFFFFF80  }
0x346: {  	_ =	swait.ge [sflag:s5], $0x2000  }
0x347: {  	[sflag:s5] =	ssyncset.done $0x0  }
0x348: {  	[sflag:s5] =	ssyncadd.s32 $0xFFFFE000  }
0x349: {  	[tilespmem:s17], [sflag:$0x4] =	stream.indirect.gather [spmem:s2], $0x40, s1, s7, $0xb8;
	[tilespmem:$0xE180] =	vst v63  }
0x34a: {  	_ =	swait.ge [sflag:s13], $0x2000  }
0x34b: {  	[sflag:s13] =	ssyncset.done $0x0  }
0x34c: {  	s31 =	rddreg [dreg:$0x19];
	[sflag:s13] =	ssyncadd.s32 $0xFFFFE000  }
0x34d: {  	[hbm4b:s31+s1] =	stream.linear.scatter [tilespmem:s8], [sflag:$0x9], $0x2000, $0x38;
	[tilespmem:$0xE180] =	vst v63  }
0x34e: {  	s29 =	rddreg [dreg:$0x1a]  }
0x34f: {  	[tilespmem:s9], [sflag:$0x3] =	stream.linear.gather [hbm4b:s29+s1], $0x80, $0x38;
	[tilespmem:$0xE180] =	vst v63  }
0x350: {  	_ =	swait.ge [sflag:s22], $0x80  }
0x351: {  	[sflag:s22] =	ssyncset.done $0x0  }
0x352: {  	[sflag:s22] =	ssyncadd.s32 $0xFFFFFF80  }
0x353: {  	_ =	swait.ge [sflag:s11], $0x2000  }
0x354: {  	[sflag:s11] =	ssyncset.done $0x0  }
0x355: {  	[sflag:s11] =	ssyncadd.s32 $0xFFFFE000  }
0x356: {  	[tilespmem:s10], [sflag:$0x5] =	stream.indirect.gather [spmem:s2], $0x40, s7, s7, $0xb8;
	[tilespmem:$0xE180] =	vst v63  }
0x357: {  	_ =	swait.ge [sflag:s20], $0x2000  }
0x358: {  	[sflag:s20] =	ssyncset.done $0x0  }
0x359: {  	s31 =	rddreg [dreg:$0x1b];
	[sflag:s20] =	ssyncadd.s32 $0xFFFFE000  }
0x35a: {  	[hbm4b:s31+s1] =	stream.linear.scatter [tilespmem:s17], [sflag:$0x7], $0x2000, $0x38;
	[tilespmem:$0xE180] =	vst v63  }
0x35b: {  	s29 =	rddreg [dreg:$0x1c]  }
0x35c: {  	[tilespmem:s1], [sflag:$0x1] =	stream.linear.gather [hbm4b:s29+s1], $0x80, $0x38;
	[tilespmem:$0xE180] =	vst v63  }
0x35d: {  	_ =	swait.ge [sflag:s18], $0x80  }
0x35e: {  	[sflag:s18] =	ssyncset.done $0x0  }
0x35f: {  	[sflag:s18] =	ssyncadd.s32 $0xFFFFFF80  }
0x360: {  	_ =	swait.ge [sflag:s6], $0x2000  }
0x361: {  	[sflag:s6] =	ssyncset.done $0x0  }
0x362: {  	[sflag:s6] =	ssyncadd.s32 $0xFFFFE000  }
0x363: {  	[tilespmem:s8], [sflag:$0x6] =	stream.indirect.gather [spmem:s2], $0x40, s9, s7, $0xb8;
	[tilespmem:$0xE180] =	vst v63  }
0x364: {  	_ =	swait.ge [sflag:s14], $0x2000  }
0x365: {  	[sflag:s14] =	ssyncset.done $0x0  }
0x366: {  	s31 =	rddreg [dreg:$0x1d];
	[sflag:s14] =	ssyncadd.s32 $0xFFFFE000  }
0x367: {  	[hbm4b:s31+s1] =	stream.linear.scatter [tilespmem:s10], [sflag:$0x8], $0x2000, $0x38;
	[tilespmem:$0xE180] =	vst v63  }
0x368: {  	s29 =	rddreg [dreg:$0x1e]  }
0x369: {  	[tilespmem:s7], [sflag:$0x2] =	stream.linear.gather [hbm4b:s29+s1], $0x80, $0x38;
	[tilespmem:$0xE180] =	vst v63  }
0x36a: {  	_ =	swait.ge [sflag:s25], $0x80  }
0x36b: {  	[sflag:s25] =	ssyncset.done $0x0  }
0x36c: {  	[sflag:s25] =	ssyncadd.s32 $0xFFFFFF80  }
0x36d: {  	_ =	swait.ge [sflag:s5], $0x2000  }
0x36e: {  	[sflag:s5] =	ssyncset.done $0x0  }
0x36f: {  	[sflag:s5] =	ssyncadd.s32 $0xFFFFE000  }
0x370: {  	[tilespmem:s17], [sflag:$0x4] =	stream.indirect.gather [spmem:s2], $0x40, s1, s7, $0xb8;
	[tilespmem:$0xE180] =	vst v63  }
0x371: {  	_ =	swait.ge [sflag:s13], $0x2000  }
0x372: {  	s31 =	rddreg [dreg:$0x1f];
	[sflag:s13] =	ssyncset.done $0x0  }
0x373: {  	s29 =	sld [smem:$0x7F2];
	[sflag:s13] =	ssyncadd.s32 $0xFFFFE000  }
0x374: {  	[hbm4b:s31+s1] =	stream.linear.scatter [tilespmem:s8], [sflag:$0x9], $0x2000, $0x38;
	[tilespmem:$0xE180] =	vst v63  }
0x375: {  	_ = 	snop  }
0x376: {  	[tilespmem:s9], [sflag:$0x3] =	stream.linear.gather [hbm4b:s29+s1], $0x80, $0x38;
	[tilespmem:$0xE180] =	vst v63  }
0x377: {  	_ =	swait.ge [sflag:s22], $0x80  }
0x378: {  	[sflag:s22] =	ssyncset.done $0x0  }
0x379: {  	[sflag:s22] =	ssyncadd.s32 $0xFFFFFF80  }
0x37a: {  	_ =	swait.ge [sflag:s11], $0x2000  }
0x37b: {  	[sflag:s11] =	ssyncset.done $0x0  }
0x37c: {  	[sflag:s11] =	ssyncadd.s32 $0xFFFFE000  }
0x37d: {  	[tilespmem:s10], [sflag:$0x5] =	stream.indirect.gather [spmem:s2], $0x40, s7, s7, $0xb8;
	[tilespmem:$0xE180] =	vst v63  }
0x37e: {  	_ =	swait.ge [sflag:s20], $0x2000  }
0x37f: {  	s31 =	sld [smem:$0x7F3]  }
0x380: {  	[sflag:s20] =	ssyncset.done $0x0  }
0x381: {  	s29 =	sld [smem:$0x7F4];
	[sflag:s20] =	ssyncadd.s32 $0xFFFFE000  }
0x382: {  	[hbm4b:s31+s1] =	stream.linear.scatter [tilespmem:s17], [sflag:$0x7], $0x2000, $0x38;
	[tilespmem:$0xE180] =	vst v63  }
0x383: {  	_ = 	snop  }
0x384: {  	[tilespmem:s1], [sflag:$0x1] =	stream.linear.gather [hbm4b:s29+s1], $0x80, $0x38;
	[tilespmem:$0xE180] =	vst v63  }
0x385: {  	_ =	swait.ge [sflag:s18], $0x80  }
0x386: {  	[sflag:s18] =	ssyncset.done $0x0  }
0x387: {  	[sflag:s18] =	ssyncadd.s32 $0xFFFFFF80  }
0x388: {  	_ =	swait.ge [sflag:s6], $0x2000  }
0x389: {  	[sflag:s6] =	ssyncset.done $0x0  }
0x38a: {  	[sflag:s6] =	ssyncadd.s32 $0xFFFFE000  }
0x38b: {  	[tilespmem:s8], [sflag:$0x6] =	stream.indirect.gather [spmem:s2], $0x40, s9, s7, $0xb8;
	[tilespmem:$0xE180] =	vst v63  }
0x38c: {  	_ =	swait.ge [sflag:s14], $0x2000  }
0x38d: {  	s31 =	sld [smem:$0x7F5]  }
0x38e: {  	[sflag:s14] =	ssyncset.done $0x0  }
0x38f: {  	s29 =	sld [smem:$0x7F6];
	[sflag:s14] =	ssyncadd.s32 $0xFFFFE000  }
0x390: {  	[hbm4b:s31+s1] =	stream.linear.scatter [tilespmem:s10], [sflag:$0x8], $0x2000, $0x38;
	[tilespmem:$0xE180] =	vst v63  }
0x391: {  	_ = 	snop  }
0x392: {  	[tilespmem:s7], [sflag:$0x2] =	stream.linear.gather [hbm4b:s29+s1], $0x80, $0x38;
	[tilespmem:$0xE180] =	vst v63  }
0x393: {  	_ =	swait.ge [sflag:s25], $0x80  }
0x394: {  	[sflag:s25] =	ssyncset.done $0x0  }
0x395: {  	[sflag:s25] =	ssyncadd.s32 $0xFFFFFF80  }
0x396: {  	_ =	swait.ge [sflag:s5], $0x2000  }
0x397: {  	[sflag:s5] =	ssyncset.done $0x0  }
0x398: {  	[sflag:s5] =	ssyncadd.s32 $0xFFFFE000  }
0x399: {  	[tilespmem:s17], [sflag:$0x4] =	stream.indirect.gather [spmem:s2], $0x40, s1, s7, $0xb8;
	[tilespmem:$0xE180] =	vst v63  }
0x39a: {  	_ =	swait.ge [sflag:s13], $0x2000  }
0x39b: {  	s31 =	sld [smem:$0x7F7]  }
0x39c: {  	[sflag:s13] =	ssyncset.done $0x0  }
0x39d: {  	s29 =	sld [smem:$0x7F8];
	[sflag:s13] =	ssyncadd.s32 $0xFFFFE000  }
0x39e: {  	[hbm4b:s31+s1] =	stream.linear.scatter [tilespmem:s8], [sflag:$0x9], $0x2000, $0x38;
	[tilespmem:$0xE180] =	vst v63  }
0x39f: {  	_ = 	snop  }
0x3a0: {  	[tilespmem:s9], [sflag:$0x3] =	stream.linear.gather [hbm4b:s29+s1], $0x80, $0x38;
	[tilespmem:$0xE180] =	vst v63  }
0x3a1: {  	_ =	swait.ge [sflag:s22], $0x80  }
0x3a2: {  	[sflag:s22] =	ssyncset.done $0x0  }
0x3a3: {  	[sflag:s22] =	ssyncadd.s32 $0xFFFFFF80  }
0x3a4: {  	_ =	swait.ge [sflag:s11], $0x2000  }
0x3a5: {  	[sflag:s11] =	ssyncset.done $0x0  }
0x3a6: {  	[sflag:s11] =	ssyncadd.s32 $0xFFFFE000  }
0x3a7: {  	[tilespmem:s10], [sflag:$0x5] =	stream.indirect.gather [spmem:s2], $0x40, s7, s7, $0xb8;
	[tilespmem:$0xE180] =	vst v63  }
0x3a8: {  	_ =	swait.ge [sflag:s20], $0x2000  }
0x3a9: {  	s31 =	sld [smem:$0x7F9]  }
0x3aa: {  	[sflag:s20] =	ssyncset.done $0x0  }
0x3ab: {  	s29 =	sld [smem:$0x7FA];
	[sflag:s20] =	ssyncadd.s32 $0xFFFFE000  }
0x3ac: {  	[hbm4b:s31+s1] =	stream.linear.scatter [tilespmem:s17], [sflag:$0x7], $0x2000, $0x38;
	[tilespmem:$0xE180] =	vst v63  }
0x3ad: {  	_ = 	snop  }
0x3ae: {  	[tilespmem:s1], [sflag:$0x1] =	stream.linear.gather [hbm4b:s29+s1], $0x80, $0x38;
	[tilespmem:$0xE180] =	vst v63  }
0x3af: {  	_ =	swait.ge [sflag:s18], $0x80  }
0x3b0: {  	[sflag:s18] =	ssyncset.done $0x0  }
0x3b1: {  	[sflag:s18] =	ssyncadd.s32 $0xFFFFFF80  }
0x3b2: {  	_ =	swait.ge [sflag:s6], $0x2000  }
0x3b3: {  	[sflag:s6] =	ssyncset.done $0x0  }
0x3b4: {  	[sflag:s6] =	ssyncadd.s32 $0xFFFFE000  }
0x3b5: {  	[tilespmem:s8], [sflag:$0x6] =	stream.indirect.gather [spmem:s2], $0x40, s9, s7, $0xb8;
	[tilespmem:$0xE180] =	vst v63  }
0x3b6: {  	_ =	swait.ge [sflag:s14], $0x2000  }
0x3b7: {  	s31 =	sld [smem:$0x7FB]  }
0x3b8: {  	[sflag:s14] =	ssyncset.done $0x0  }
0x3b9: {  	s29 =	sld [smem:$0x7FC];
	[sflag:s14] =	ssyncadd.s32 $0xFFFFE000  }
0x3ba: {  	[hbm4b:s31+s1] =	stream.linear.scatter [tilespmem:s10], [sflag:$0x8], $0x2000, $0x38;
	[tilespmem:$0xE180] =	vst v63  }
0x3bb: {  	_ = 	snop  }
0x3bc: {  	[tilespmem:s7], [sflag:$0x2] =	stream.linear.gather [hbm4b:s29+s1], $0x80, $0x38;
	[tilespmem:$0xE180] =	vst v63  }
0x3bd: {  	_ =	swait.ge [sflag:s25], $0x80  }
0x3be: {  	[sflag:s25] =	ssyncset.done $0x0  }
0x3bf: {  	[sflag:s25] =	ssyncadd.s32 $0xFFFFFF80  }
0x3c0: {  	_ =	swait.ge [sflag:s5], $0x2000  }
0x3c1: {  	[sflag:s5] =	ssyncset.done $0x0  }
0x3c2: {  	[sflag:s5] =	ssyncadd.s32 $0xFFFFE000  }
0x3c3: {  	[tilespmem:s17], [sflag:$0x4] =	stream.indirect.gather [spmem:s2], $0x40, s1, s7, $0xb8;
	[tilespmem:$0xE180] =	vst v63  }
0x3c4: {  	_ =	swait.ge [sflag:s13], $0x2000  }
0x3c5: {  	s31 =	sld [smem:$0x7FD]  }
0x3c6: {  	[sflag:s13] =	ssyncset.done $0x0  }
0x3c7: {  	[sflag:s13] =	ssyncadd.s32 $0xFFFFE000  }
0x3c8: {  	[hbm4b:s31+s1] =	stream.linear.scatter [tilespmem:s8], [sflag:$0x9], $0x2000, $0x38;
	[tilespmem:$0xE180] =	vst v63  }
0x3c9: {  	_ = 	snop  }
0x3ca: {  	[tilespmem:s9], [sflag:$0x3] =	stream.linear.gather [hbm4b:s26+s1], $0x80, $0x38;
	[tilespmem:$0xE180] =	vst v63  }
0x3cb: {  	_ =	swait.ge [sflag:s22], $0x80  }
0x3cc: {  	[sflag:s22] =	ssyncset.done $0x0  }
0x3cd: {  	[sflag:s22] =	ssyncadd.s32 $0xFFFFFF80  }
0x3ce: {  	_ =	swait.ge [sflag:s11], $0x2000  }
0x3cf: {  	[sflag:s11] =	ssyncset.done $0x0  }
0x3d0: {  	[sflag:s11] =	ssyncadd.s32 $0xFFFFE000  }
0x3d1: {  	[tilespmem:s10], [sflag:$0x5] =	stream.indirect.gather [spmem:s2], $0x40, s7, s7, $0xb8;
	[tilespmem:$0xE180] =	vst v63  }
0x3d2: {  	_ =	swait.ge [sflag:s20], $0x2000  }
0x3d3: {  	[sflag:s20] =	ssyncset.done $0x0  }
0x3d4: {  	[sflag:s20] =	ssyncadd.s32 $0xFFFFE000  }
0x3d5: {  	[hbm4b:s23+s1] =	stream.linear.scatter [tilespmem:s17], [sflag:$0x7], $0x2000, $0x38;
	[tilespmem:$0xE180] =	vst v63  }
0x3d6: {  	_ = 	snop  }
0x3d7: {  	[tilespmem:s1], [sflag:$0x1] =	stream.linear.gather [hbm4b:s24+s1], $0x80, $0x38;
	[tilespmem:$0xE180] =	vst v63  }
0x3d8: {  	_ =	swait.ge [sflag:s18], $0x80  }
0x3d9: {  	[sflag:s18] =	ssyncset.done $0x0  }
0x3da: {  	[sflag:s18] =	ssyncadd.s32 $0xFFFFFF80  }
0x3db: {  	_ =	swait.ge [sflag:s6], $0x2000  }
0x3dc: {  	[sflag:s6] =	ssyncset.done $0x0  }
0x3dd: {  	[sflag:s6] =	ssyncadd.s32 $0xFFFFE000  }
0x3de: {  	[tilespmem:s8], [sflag:$0x6] =	stream.indirect.gather [spmem:s2], $0x40, s9, s7, $0xb8;
	[tilespmem:$0xE180] =	vst v63  }
0x3df: {  	_ =	swait.ge [sflag:s14], $0x2000  }
0x3e0: {  	[sflag:s14] =	ssyncset.done $0x0  }
0x3e1: {  	[sflag:s14] =	ssyncadd.s32 $0xFFFFE000  }
0x3e2: {  	[hbm4b:s19+s1] =	stream.linear.scatter [tilespmem:s10], [sflag:$0x8], $0x2000, $0x38;
	[tilespmem:$0xE180] =	vst v63  }
0x3e3: {  	_ = 	snop  }
0x3e4: {  	[tilespmem:s7], [sflag:$0x2] =	stream.linear.gather [hbm4b:s21+s1], $0x80, $0x38;
	[tilespmem:$0xE180] =	vst v63  }
0x3e5: {  	_ =	swait.ge [sflag:s25], $0x80  }
0x3e6: {  	[sflag:s25] =	ssyncset.done $0x0  }
0x3e7: {  	[sflag:s25] =	ssyncadd.s32 $0xFFFFFF80  }
0x3e8: {  	_ =	swait.ge [sflag:s5], $0x2000  }
0x3e9: {  	[sflag:s5] =	ssyncset.done $0x0  }
0x3ea: {  	[sflag:s5] =	ssyncadd.s32 $0xFFFFE000  }
0x3eb: {  	[tilespmem:s17], [sflag:$0x4] =	stream.indirect.gather [spmem:s2], $0x40, s1, s7, $0xb8;
	[tilespmem:$0xE180] =	vst v63  }
0x3ec: {  	_ =	swait.ge [sflag:s13], $0x2000  }
0x3ed: {  	[sflag:s13] =	ssyncset.done $0x0  }
0x3ee: {  	[sflag:s13] =	ssyncadd.s32 $0xFFFFE000  }
0x3ef: {  	[hbm4b:s15+s1] =	stream.linear.scatter [tilespmem:s8], [sflag:$0x9], $0x2000, $0x38;
	[tilespmem:$0xE180] =	vst v63  }
0x3f0: {  	_ = 	snop  }
0x3f1: {  	[tilespmem:s9], [sflag:$0x3] =	stream.linear.gather [hbm4b:s16+s1], $0x80, $0x38;
	[tilespmem:$0xE180] =	vst v63  }
0x3f2: {  	_ =	swait.ge [sflag:s22], $0x80  }
0x3f3: {  	[sflag:s22] =	ssyncset.done $0x0  }
0x3f4: {  	[sflag:s22] =	ssyncadd.s32 $0xFFFFFF80  }
0x3f5: {  	_ =	swait.ge [sflag:s11], $0x2000  }
0x3f6: {  	[sflag:s11] =	ssyncset.done $0x0  }
0x3f7: {  	[sflag:s11] =	ssyncadd.s32 $0xFFFFE000  }
0x3f8: {  	[tilespmem:s10], [sflag:$0x5] =	stream.indirect.gather [spmem:s2], $0x40, s7, s7, $0xb8;
	[tilespmem:$0xE180] =	vst v63  }
0x3f9: {  	_ =	swait.ge [sflag:s20], $0x2000  }
0x3fa: {  	[sflag:s20] =	ssyncset.done $0x0  }
0x3fb: {  	[sflag:s20] =	ssyncadd.s32 $0xFFFFE000  }
0x3fc: {  	[hbm4b:s12+s1] =	stream.linear.scatter [tilespmem:s17], [sflag:$0x7], $0x2000, $0x38;
	[tilespmem:$0xE180] =	vst v63  }
0x3fd: {  	_ =	swait.ge [sflag:s18], $0x80  }
0x3fe: {  	[sflag:s18] =	ssyncset.done $0x0  }
0x3ff: {  	[sflag:s18] =	ssyncadd.s32 $0xFFFFFF80  }
0x400: {  	_ =	swait.ge [sflag:s6], $0x2000  }
0x401: {  	[sflag:s6] =	ssyncset.done $0x0  }
0x402: {  	[sflag:s6] =	ssyncadd.s32 $0xFFFFE000  }
0x403: {  	[tilespmem:s8], [sflag:$0x6] =	stream.indirect.gather [spmem:s2], $0x40, s9, s7, $0xb8;
	[tilespmem:$0xE180] =	vst v63  }
0x404: {  	_ =	swait.ge [sflag:s14], $0x2000  }
0x405: {  	[sflag:s14] =	ssyncset.done $0x0  }
0x406: {  	[sflag:s14] =	ssyncadd.s32 $0xFFFFE000  }
0x407: {  	[hbm4b:s4+s1] =	stream.linear.scatter [tilespmem:s10], [sflag:$0x8], $0x2000, $0x38;
	[tilespmem:$0xE180] =	vst v63  }
0x408: {  	_ =	swait.ge [sflag:s13], $0x2000  }
0x409: {  	[sflag:s13] =	ssyncset.done $0x0  }
0x40a: {  	[sflag:s13] =	ssyncadd.s32 $0xFFFFE000  }
0x40b: {  	[hbm4b:s3+s1] =	stream.linear.scatter [tilespmem:s8], [sflag:$0x9], $0x2000, $0x38;
	[tilespmem:$0xE180] =	vst v63  }
0x40c: {  	_ =	swait.ge [sflag:s5], $0x2000  }
0x40d: {  	[sflag:s5] =	ssyncset.done $0x0  }
0x40e: {  	[sflag:s5] =	ssyncadd.s32 $0xFFFFE000  }
0x40f: {  	_ =	swait.ge [sflag:s11], $0x2000  }
0x410: {  	[sflag:s11] =	ssyncset.done $0x0  }
0x411: {  	[sflag:s11] =	ssyncadd.s32 $0xFFFFE000  }
0x412: {  	_ =	swait.ge [sflag:s6], $0x2000  }
0x413: {  	[sflag:s6] =	ssyncset.done $0x0  }
0x414: {  	[sflag:s6] =	ssyncadd.s32 $0xFFFFE000  }
0x415: {  	_ =	sfence.sel $0x180000  }
0x416: {  	[bflag:$0x0] =	sbarrier.arrive $0xFFFF  }
0x417: {  	_ =	strace $0x90000047  }
0x418: {  	s0 =	sadd.s32 @!p0 $0x100000, s30;
	[bflag:$0x2] =	sbarrier.arrive $0xFFFF  }
0x419: {  	[sflag:s0] =	ssyncadd.tile.s32 @!p0 $0x1;
	_ =	shalt  }
.LBB2_2:
.Ltmp3:
0x41a: {  	(pc) =	sbr.rel .LBB2_5-.Ltmp3, $2  }
0x41b: {  	_ =	sdelay $0x2  }
0x41c: {  	s30 =	rddreg [dreg:$0x4]  }
.Lfunc_end2:
_tile_overlayer_lowered:
.L_overlay_start_2:
0x41d: {  	(tag) =	ssettag $0x2  }
0x41e: {  	s0 =	rddreg [dreg:$0x0];
	s2 =	stileid.u32  }
0x41f: {  	s1 =	rddreg [dreg:$0x1];
	p0 =	sne.s32 s2, $0x0  }
0x420: {  	s3 =	rddreg [dreg:$0x2];
	[bflag:$0x3] =	sbarrier.arrive $0xFFFF;
	s2 =	simm.s32 @!p0 $0x1C0A  }
0x421: {  	[timem:s3], [sflag:s2] =	dma.local @!p0 [hbm:s0], s1  }
0x422: {  	s0 =	simm.s32 @!p0 $0xA  }
0x423: {  	_ =	swait.ge @!p0 [sflag:s0], s1  }
0x424: {  	s1 =	ssub.s32 @!p0 $0x0, s1;
	[sflag:s0] =	ssyncset.done @!p0 $0x0  }
0x425: {  	[sflag:s0] =	ssyncadd.s32 @!p0 s1  }
0x426: {  	[bflag:$0x3] =	sbarrier.arrive $0xFFFF  }
0x427: {  	_ =	shalt  }

</sc_bundles>
